<compile_context>
chip_gen: v7x
topology: tpu7x:2x2x1
jax: 0.10.2.dev20260603
libtpu: 0.0.44.dev20260713+nightly
codegen_flags: <defaults>
</compile_context>

<pallas_src>
import functools

import numpy as np

import jax
import jax.numpy as jnp
from jax import lax
from jax.experimental import pallas as pl
from jax.experimental.pallas import tpu as pltpu
from jax.experimental.pallas import tpu_sc as plsc

N = 10000
NPAD = 10240
D_FEAT = 128
HID = 16
NCLS = 16
E = 320000
K = 128
EB = E // K
NC, NS = 2, 16
NW = NC * NS
TPB = 82
IB = NW * TPB - EB
R = NPAD // NS

f32 = jnp.float32
i32 = jnp.int32


def _tc1_body(x_ref, w_ref, asrc_ref, adst_ref, h_ref, as_ref, ad_ref):
    h = x_ref[...] @ w_ref[...]
    h_ref[...] = h
    as_ref[pl.ds(0, N)] = jnp.sum(h * asrc_ref[...], axis=1)
    ad_ref[pl.ds(0, N)] = jnp.sum(h * adst_ref[...], axis=1)


_tc1 = pl.pallas_call(
    _tc1_body,
    out_shape=[
        jax.ShapeDtypeStruct((N, HID), f32),
        jax.ShapeDtypeStruct((NPAD,), f32),
        jax.ShapeDtypeStruct((NPAD,), f32),
    ],
)


def _tc2_body(num_ref, den_ref, b_ref, w_ref, asrc_ref, adst_ref,
              h_ref, as_ref, ad_ref):
    num = num_ref[pl.ds(0, N), :] + num_ref[pl.ds(NPAD, N), :]
    den = den_ref[pl.ds(0, N)]
    for k in range(1, NW):
        den = den + den_ref[pl.ds(k * NPAD, N)]
    xo = num / (den[:, None] + 1e-16) + b_ref[...]
    xo = jnp.maximum(xo, 0.0)
    h = xo @ w_ref[...]
    h_ref[...] = h
    as_ref[pl.ds(0, N)] = jnp.sum(h * asrc_ref[...], axis=1)
    ad_ref[pl.ds(0, N)] = jnp.sum(h * adst_ref[...], axis=1)


_tc2 = pl.pallas_call(
    _tc2_body,
    out_shape=[
        jax.ShapeDtypeStruct((N, HID), f32),
        jax.ShapeDtypeStruct((NPAD,), f32),
        jax.ShapeDtypeStruct((NPAD,), f32),
    ],
)


def _tc3_body(num_ref, den_ref, b_ref, w_ref, bo_ref, out_ref):
    num = num_ref[pl.ds(0, N), :] + num_ref[pl.ds(NPAD, N), :]
    den = den_ref[pl.ds(0, N)]
    for k in range(1, NW):
        den = den + den_ref[pl.ds(k * NPAD, N)]
    xo = num / (den[:, None] + 1e-16) + b_ref[...]
    xo = jnp.maximum(xo, 0.0)
    logits = xo @ w_ref[...] + bo_ref[...]
    m = jnp.max(logits, axis=1, keepdims=True)
    p = jnp.exp(logits - m)
    out_ref[...] = p / jnp.sum(p, axis=1, keepdims=True)


_tc3 = pl.pallas_call(
    _tc3_body,
    out_shape=jax.ShapeDtypeStruct((N, NCLS), f32),
)


_mesh = plsc.VectorSubcoreMesh(core_axis_name="c", subcore_axis_name="s")


@functools.partial(
    pl.kernel,
    out_type=(
        jax.ShapeDtypeStruct((NC * NPAD, HID), f32),
        jax.ShapeDtypeStruct((NW * NPAD,), f32),
    ),
    mesh=_mesh,
    compiler_params=pltpu.CompilerParams(needs_layout_passes=False,
                                         use_tc_tiling_on_sc=False),
    scratch_types=[
        pltpu.VMEM((NPAD,), f32),
        pltpu.VMEM((NPAD,), f32),
        pltpu.VMEM((NPAD,), f32),
        pltpu.VMEM((TPB, K), i32),
        pltpu.VMEM((TPB, K), i32),
        pltpu.VMEM((K,), f32),
        pltpu.VMEM((K, HID), f32),
        pltpu.VMEM((K, HID), f32),
        pltpu.VMEM_SHARED((NPAD, HID), f32),
        pltpu.SemaphoreType.DMA,
        pltpu.SemaphoreType.DMA,
        pltpu.SemaphoreType.DMA,
        pltpu.SemaphoreType.DMA,
    ],
)
def _sc_edge(h_hbm, as_hbm, ad_hbm, se_hbm, de_hbm, iss_hbm, ids_hbm,
             ist_hbm, idt_hbm, num_out, den_out,
             as_l, ad_l, den_l, src_l, dst_l, exb, rows0, rows1,
             num_sh, sem_g0, sem_g1, sem_s0, sem_s1):
    c = lax.axis_index("c")
    s = lax.axis_index("s")
    wid = c * NS + s

    pltpu.sync_copy(as_hbm, as_l)
    pltpu.sync_copy(ad_hbm, ad_l)

    @pl.when(wid < NW - 1)
    def _():
        for j in range(4):
            pltpu.sync_copy(se_hbm.at[4 * wid + j],
                            src_l.at[pl.ds(20 * j, 20)])
            pltpu.sync_copy(de_hbm.at[4 * wid + j],
                            dst_l.at[pl.ds(20 * j, 20)])
        pltpu.sync_copy(iss_hbm.at[wid], src_l.at[pl.ds(80, 2)])
        pltpu.sync_copy(ids_hbm.at[wid], dst_l.at[pl.ds(80, 2)])

    @pl.when(wid == NW - 1)
    def _():
        pltpu.sync_copy(se_hbm.at[124], src_l.at[pl.ds(0, 20)])
        pltpu.sync_copy(de_hbm.at[124], dst_l.at[pl.ds(0, 20)])
        pltpu.sync_copy(ist_hbm, src_l.at[pl.ds(20, 62)])
        pltpu.sync_copy(idt_hbm, dst_l.at[pl.ds(20, 62)])

    zeros16 = jnp.zeros((16,), f32)

    def _zero_den(j, carry):
        den_l[pl.ds(j * 16, 16)] = zeros16
        return carry

    lax.fori_loop(0, NPAD // 16, _zero_den, 0)

    def _zero_rows(j, carry):
        rows0[j] = zeros16
        return carry

    lax.fori_loop(0, K, _zero_rows, 0)

    def _zero_num(i, carry):
        pltpu.sync_copy(rows0, num_sh.at[pl.ds(s * R + i * K, K)])
        return carry

    lax.fori_loop(0, R // K, _zero_num, 0)
    plsc.subcore_barrier()

    def _phase1(b):
        def _grp(g, carry2):
            sl = pl.ds(g * 16, 16)
            s16 = src_l[b, sl]
            d16 = dst_l[b, sl]
            e = plsc.load_gather(as_l, [s16]) + plsc.load_gather(ad_l, [d16])
            e = jnp.maximum(e, e * 0.2)
            ex = jnp.exp(e)
            ex = jnp.where(d16 < N, ex, 0.0)
            plsc.addupdate_scatter(den_l, [d16], ex)
            exb[sl] = ex
            return carry2

        lax.fori_loop(0, K // 16, _grp, 0)

    def _scale(buf):
        def _s(g, carry2):
            exv = exb[pl.ds(g * 16, 16)]
            for j in range(16):
                r = g * 16 + j
                buf[r] = buf[r] * exv[j]
            return carry2

        lax.fori_loop(0, K // 16, _s, 0)

    S = TPB // 2
    pltpu.async_copy(h_hbm.at[src_l.at[0]], rows0, sem_g0)

    def _super(i, carry):
        b0 = 2 * i
        b1 = b0 + 1
        _phase1(b0)

        @pl.when(i > 0)
        def _():
            pltpu.make_async_copy(
                rows1, num_sh.at[dst_l.at[b0 - 1]], sem_s1).wait()

        pltpu.async_copy(h_hbm.at[src_l.at[b1]], rows1, sem_g1)
        pltpu.make_async_copy(h_hbm.at[src_l.at[b0]], rows0, sem_g0).wait()
        _scale(rows0)
        pltpu.async_copy(rows0, num_sh.at[dst_l.at[b0]], sem_s0, add=True)
        _phase1(b1)

        @pl.when(i < S - 1)
        def _():
            pltpu.make_async_copy(
                rows0, num_sh.at[dst_l.at[b0]], sem_s0).wait()
            pltpu.async_copy(h_hbm.at[src_l.at[b0 + 2]], rows0, sem_g0)

        pltpu.make_async_copy(h_hbm.at[src_l.at[b1]], rows1, sem_g1).wait()
        _scale(rows1)
        pltpu.async_copy(rows1, num_sh.at[dst_l.at[b1]], sem_s1, add=True)
        return carry

    lax.fori_loop(0, S, _super, 0)
    pltpu.make_async_copy(rows0, num_sh.at[dst_l.at[TPB - 2]], sem_s0).wait()
    pltpu.make_async_copy(rows1, num_sh.at[dst_l.at[TPB - 1]], sem_s1).wait()

    plsc.subcore_barrier()
    pltpu.sync_copy(den_l, den_out.at[pl.ds(wid * NPAD, NPAD)])
    pltpu.sync_copy(num_sh.at[pl.ds(s * R, R)],
                    num_out.at[pl.ds(c * NPAD + s * R, R)])


_idn_vals = np.concatenate(
    [np.arange(NPAD, dtype=np.int32),
     np.full((IB * K - NPAD,), N, dtype=np.int32)]).reshape(IB, K)
_idn_src = np.minimum(_idn_vals, N - 1)
_ids_small = _idn_src[:62].reshape(NW - 1, 2, K)
_idd_small = _idn_vals[:62].reshape(NW - 1, 2, K)
_ids_tail = _idn_src[62:]
_idd_tail = _idn_vals[62:]


def kernel(x, edge_index, W1, att_src1, att_dst1, b1,
           W2, att_src2, att_dst2, b2, Wout, bout):
    se2d = edge_index[0].reshape(EB // 20, 20, K)
    de2d = edge_index[1].reshape(EB // 20, 20, K)

    h1, as1, ad1 = _tc1(x, W1, att_src1.reshape(1, HID),
                        att_dst1.reshape(1, HID))
    num1, den1 = _sc_edge(h1, as1, ad1, se2d, de2d, _ids_small, _idd_small,
                          _ids_tail, _idd_tail)
    h2, as2, ad2 = _tc2(num1, den1, b1.reshape(1, HID), W2,
                        att_src2.reshape(1, HID), att_dst2.reshape(1, HID))
    num2, den2 = _sc_edge(h2, as2, ad2, se2d, de2d, _ids_small, _idd_small,
                          _ids_tail, _idd_tail)
    return _tc3(num2, den2, b2.reshape(1, HID), Wout, bout.reshape(1, NCLS))

# --- scband reference (transcript-rebuilt; emitter-appended) ---
"""Pipeline reference for scband-gat-2946347565081 (READ-ONLY COPY).

The authoritative reference and input builder live on the scoring server;
editing this copy changes nothing except your own understanding.
"""

import jax, jax.numpy as jnp
import numpy as np

N = 10000
E = 320000
D_FEAT = 128
HID = 16
NUM_CLASSES = 16


def setup_inputs(seed: int = 0) -> dict:
    key = jax.random.key(seed)
    ks = jax.random.split(key, 16)
    x = jax.random.normal(ks[0], (N, D_FEAT), dtype=jnp.float32)
    edge_index = jax.random.randint(ks[1], (2, E), 0, N, dtype=jnp.int32)
    # GATConv layer 1 params (in=D_FEAT, out=HID, heads=1)
    W1 = jax.random.normal(ks[2], (D_FEAT, HID), dtype=jnp.float32) * (1.0 / np.sqrt(D_FEAT))
    att_src1 = jax.random.normal(ks[3], (HID,), dtype=jnp.float32) * 0.1
    att_dst1 = jax.random.normal(ks[4], (HID,), dtype=jnp.float32) * 0.1
    b1 = jnp.zeros((HID,), dtype=jnp.float32)
    # GATConv layer 2 params (in=HID, out=HID)
    W2 = jax.random.normal(ks[5], (HID, HID), dtype=jnp.float32) * (1.0 / np.sqrt(HID))
    att_src2 = jax.random.normal(ks[6], (HID,), dtype=jnp.float32) * 0.1
    att_dst2 = jax.random.normal(ks[7], (HID,), dtype=jnp.float32) * 0.1
    b2 = jnp.zeros((HID,), dtype=jnp.float32)
    # output Linear
    Wout = jax.random.normal(ks[8], (HID, NUM_CLASSES), dtype=jnp.float32) * (1.0 / np.sqrt(HID))
    bout = jnp.zeros((NUM_CLASSES,), dtype=jnp.float32)
    return {"x": x, "edge_index": edge_index, "W1": W1, "att_src1": att_src1,
            "att_dst1": att_dst1, "b1": b1, "W2": W2, "att_src2": att_src2,
            "att_dst2": att_dst2, "b2": b2, "Wout": Wout, "bout": bout}


def _gat_conv(x, edge_index, W, att_src, att_dst, b):
    # Faithful PyG GATConv (heads=1, concat=True, negative_slope=0.2, add_self_loops=True)
    n = x.shape[0]
    src = edge_index[0]
    dst = edge_index[1]
    loop = jnp.arange(n, dtype=src.dtype)
    src = jnp.concatenate([src, loop])
    dst = jnp.concatenate([dst, loop])
    h = x @ W                              # [N, HID]
    a_s = h @ att_src                      # [N]
    a_d = h @ att_dst                      # [N]
    e = a_s[src] + a_d[dst]                # gather per edge
    e = jax.nn.leaky_relu(e, 0.2)
    m = jax.ops.segment_max(e, dst, num_segments=n)
    ex = jnp.exp(e - m[dst])
    denom = jax.ops.segment_sum(ex, dst, num_segments=n)
    alpha = ex / (denom[dst] + 1e-16)
    out = jax.ops.segment_sum(alpha[:, None] * h[src], dst, num_segments=n)
    return out + b


def reference(x, edge_index, W1, att_src1, att_dst1, b1, W2, att_src2, att_dst2, b2, Wout, bout):
    h = jax.nn.relu(_gat_conv(x, edge_index, W1, att_src1, att_dst1, b1))
    # dropout is identity in eval mode
    h = jax.nn.relu(_gat_conv(h, edge_index, W2, att_src2, att_dst2, b2))
    logits = h @ Wout + bout
    return jax.nn.softmax(logits, axis=1)

if __name__ == "__main__":
    import jax
    _d = setup_inputs()
    print(jax.jit(kernel)(*tuple(_d.values())))

</pallas_src>

<mosaic_0001>
#map = affine_map<(d0, d1) -> (0, 0)>
#map1 = affine_map<(d0, d1) -> (0)>
#map2 = affine_map<(d0, d1) -> (0, 0, 0)>
module attributes {stable_mosaic.version = 14 : i64} {
  func.func @_sc_edge(%arg0: i32, %arg1: i32, %arg2: memref<10000x16xf32, #tpu.memory_space<hbm>>, %arg3: memref<10240xf32, #tpu.memory_space<hbm>>, %arg4: memref<10240xf32, #tpu.memory_space<hbm>>, %arg5: memref<125x20x128xi32, #tpu.memory_space<hbm>>, %arg6: memref<125x20x128xi32, #tpu.memory_space<hbm>>, %arg7: memref<31x2x128xi32, #tpu.memory_space<hbm>>, %arg8: memref<31x2x128xi32, #tpu.memory_space<hbm>>, %arg9: memref<62x128xi32, #tpu.memory_space<hbm>>, %arg10: memref<62x128xi32, #tpu.memory_space<hbm>>, %arg11: memref<20480x16xf32, #tpu.memory_space<hbm>>, %arg12: memref<327680xf32, #tpu.memory_space<hbm>>, %arg13: memref<10240xf32, #tpu.memory_space<vmem>>, %arg14: memref<10240xf32, #tpu.memory_space<vmem>>, %arg15: memref<10240xf32, #tpu.memory_space<vmem>>, %arg16: memref<82x128xi32, #tpu.memory_space<vmem>>, %arg17: memref<82x128xi32, #tpu.memory_space<vmem>>, %arg18: memref<128xf32, #tpu.memory_space<vmem>>, %arg19: memref<128x16xf32, #tpu.memory_space<vmem>>, %arg20: memref<128x16xf32, #tpu.memory_space<vmem>>, %arg21: memref<10240x16xf32, #tpu.memory_space<vmem_shared>>, %arg22: memref<!tpu.dma_semaphore, #tpu.memory_space<semaphore_mem>>, %arg23: memref<!tpu.dma_semaphore, #tpu.memory_space<semaphore_mem>>, %arg24: memref<!tpu.dma_semaphore, #tpu.memory_space<semaphore_mem>>, %arg25: memref<!tpu.dma_semaphore, #tpu.memory_space<semaphore_mem>>) attributes {dimension_semantics = [#tpu.dimension_semantics<core_parallel>, #tpu.dimension_semantics<subcore_parallel>], iteration_bounds = array<i64: 2, 16>, scalar_prefetch = 0 : i64, scratch_operands = 13 : i64, tpu.core_type = #tpu.core_type<sc_vector_subcore>, window_params = [{transform_indices = #map}, {transform_indices = #map1}, {transform_indices = #map1}, {transform_indices = #map2}, {transform_indices = #map2}, {transform_indices = #map2}, {transform_indices = #map2}, {transform_indices = #map}, {transform_indices = #map}, {transform_indices = #map}, {transform_indices = #map1}]} {
    %mul3A = arith.constant 16 : i32
    %mul3A_0 = arith.muli %arg0, %mul3A : i32
    %add3A = arith.addi %mul3A_0, %arg1 : i32
    "tpu.region"() ({
      %run_scoped3A = tpu.sem_alloc : memref<!tpu.dma_semaphore, #tpu.memory_space<semaphore_mem>>
      tpu.enqueue_dma source(%arg3 : memref<10240xf32, #tpu.memory_space<hbm>>) target(%arg13 : memref<10240xf32, #tpu.memory_space<vmem>>) target_semaphore(%run_scoped3A : memref<!tpu.dma_semaphore, #tpu.memory_space<semaphore_mem>>)
      tpu.wait_dma2 semaphore(%run_scoped3A : memref<!tpu.dma_semaphore, #tpu.memory_space<semaphore_mem>>) src(%arg3 : memref<10240xf32, #tpu.memory_space<hbm>>) dst(%arg13 : memref<10240xf32, #tpu.memory_space<vmem>>)
      tpu.yield
    }) : () -> ()
    "tpu.region"() ({
      %run_scoped3A = tpu.sem_alloc : memref<!tpu.dma_semaphore, #tpu.memory_space<semaphore_mem>>
      tpu.enqueue_dma source(%arg4 : memref<10240xf32, #tpu.memory_space<hbm>>) target(%arg14 : memref<10240xf32, #tpu.memory_space<vmem>>) target_semaphore(%run_scoped3A : memref<!tpu.dma_semaphore, #tpu.memory_space<semaphore_mem>>)
      tpu.wait_dma2 semaphore(%run_scoped3A : memref<!tpu.dma_semaphore, #tpu.memory_space<semaphore_mem>>) src(%arg4 : memref<10240xf32, #tpu.memory_space<hbm>>) dst(%arg14 : memref<10240xf32, #tpu.memory_space<vmem>>)
      tpu.yield
    }) : () -> ()
    %lt3A = arith.constant 31 : i32
    %lt3A_1 = arith.cmpi slt, %add3A, %lt3A : i32
    %convert_element_type3A = arith.extui %lt3A_1 : i1 to i32
    %cond3A = arith.constant 0 : i32
    %cond3A_2 = arith.cmpi ne, %convert_element_type3A, %cond3A : i32
    scf.if %cond3A_2 {
      %mul3A_60 = arith.constant 4 : i32
      %mul3A_61 = arith.muli %mul3A_60, %add3A : i32
      %add3A_62 = arith.constant 0 : i32
      %add3A_63 = arith.addi %mul3A_61, %add3A_62 : i32
      "tpu.region"() ({
        %run_scoped3A = tpu.sem_alloc : memref<!tpu.dma_semaphore, #tpu.memory_space<semaphore_mem>>
        %dma_start3A_92 = arith.constant 0 : i32
        %dma_start3A_93 = arith.constant 0 : i32
        %dma_start3A_94 = tpu.memref_slice %arg16[%dma_start3A_92, %dma_start3A_93] : memref<82x128xi32, #tpu.memory_space<vmem>> -> memref<20x128xi32, #tpu.memory_space<vmem>>
        %dma_start3A_95 = arith.constant 0 : i32
        %dma_start3A_96 = arith.constant 0 : i32
        %dma_start3A_97 = tpu.memref_slice %arg5[%add3A_63, %dma_start3A_95, %dma_start3A_96] : memref<125x20x128xi32, #tpu.memory_space<hbm>> -> memref<1x20x128xi32, #tpu.memory_space<hbm>>
        %dma_start3A_98 = tpu.memref_squeeze %dma_start3A_97 : memref<1x20x128xi32, #tpu.memory_space<hbm>> -> memref<20x128xi32, #tpu.memory_space<hbm>>
        %dma_start3A_99 = arith.constant 0 : i32
        %dma_start3A_100 = arith.constant 0 : i32
        %dma_start3A_101 = tpu.memref_slice %arg16[%dma_start3A_99, %dma_start3A_100] : memref<82x128xi32, #tpu.memory_space<vmem>> -> memref<20x128xi32, #tpu.memory_space<vmem>>
        %dma_start3A_102 = arith.constant 0 : i32
        %dma_start3A_103 = arith.constant 0 : i32
        %dma_start3A_104 = tpu.memref_slice %arg5[%add3A_63, %dma_start3A_102, %dma_start3A_103] : memref<125x20x128xi32, #tpu.memory_space<hbm>> -> memref<1x20x128xi32, #tpu.memory_space<hbm>>
        %dma_start3A_105 = tpu.memref_squeeze %dma_start3A_104 : memref<1x20x128xi32, #tpu.memory_space<hbm>> -> memref<20x128xi32, #tpu.memory_space<hbm>>
        tpu.enqueue_dma source(%dma_start3A_105 : memref<20x128xi32, #tpu.memory_space<hbm>>) target(%dma_start3A_101 : memref<20x128xi32, #tpu.memory_space<vmem>>) target_semaphore(%run_scoped3A : memref<!tpu.dma_semaphore, #tpu.memory_space<semaphore_mem>>)
        %dma_wait3A_106 = arith.constant 0 : i32
        %dma_wait3A_107 = arith.constant 0 : i32
        %dma_wait3A_108 = tpu.memref_slice %arg16[%dma_wait3A_106, %dma_wait3A_107] : memref<82x128xi32, #tpu.memory_space<vmem>> -> memref<20x128xi32, #tpu.memory_space<vmem>>
        %dma_wait3A_109 = arith.constant 0 : i32
        %dma_wait3A_110 = arith.constant 0 : i32
        %dma_wait3A_111 = tpu.memref_slice %arg5[%add3A_63, %dma_wait3A_109, %dma_wait3A_110] : memref<125x20x128xi32, #tpu.memory_space<hbm>> -> memref<1x20x128xi32, #tpu.memory_space<hbm>>
        %dma_wait3A_112 = tpu.memref_squeeze %dma_wait3A_111 : memref<1x20x128xi32, #tpu.memory_space<hbm>> -> memref<20x128xi32, #tpu.memory_space<hbm>>
        %dma_wait3A_113 = arith.constant 0 : i32
        %dma_wait3A_114 = arith.constant 0 : i32
        %dma_wait3A_115 = tpu.memref_slice %arg16[%dma_wait3A_113, %dma_wait3A_114] : memref<82x128xi32, #tpu.memory_space<vmem>> -> memref<20x128xi32, #tpu.memory_space<vmem>>
        %dma_wait3A_116 = arith.constant 0 : i32
        %dma_wait3A_117 = arith.constant 0 : i32
        %dma_wait3A_118 = tpu.memref_slice %arg5[%add3A_63, %dma_wait3A_116, %dma_wait3A_117] : memref<125x20x128xi32, #tpu.memory_space<hbm>> -> memref<1x20x128xi32, #tpu.memory_space<hbm>>
        %dma_wait3A_119 = tpu.memref_squeeze %dma_wait3A_118 : memref<1x20x128xi32, #tpu.memory_space<hbm>> -> memref<20x128xi32, #tpu.memory_space<hbm>>
        tpu.wait_dma2 semaphore(%run_scoped3A : memref<!tpu.dma_semaphore, #tpu.memory_space<semaphore_mem>>) src(%dma_wait3A_119 : memref<20x128xi32, #tpu.memory_space<hbm>>) dst(%dma_wait3A_115 : memref<20x128xi32, #tpu.memory_space<vmem>>)
        tpu.yield
      }) : () -> ()
      %mul3A_64 = arith.constant 4 : i32
      %mul3A_65 = arith.muli %mul3A_64, %add3A : i32
      %add3A_66 = arith.constant 0 : i32
      %add3A_67 = arith.addi %mul3A_65, %add3A_66 : i32
      "tpu.region"() ({
        %run_scoped3A = tpu.sem_alloc : memref<!tpu.dma_semaphore, #tpu.memory_space<semaphore_mem>>
        %dma_start3A_92 = arith.constant 0 : i32
        %dma_start3A_93 = arith.constant 0 : i32
        %dma_start3A_94 = tpu.memref_slice %arg17[%dma_start3A_92, %dma_start3A_93] : memref<82x128xi32, #tpu.memory_space<vmem>> -> memref<20x128xi32, #tpu.memory_space<vmem>>
        %dma_start3A_95 = arith.constant 0 : i32
        %dma_start3A_96 = arith.constant 0 : i32
        %dma_start3A_97 = tpu.memref_slice %arg6[%add3A_67, %dma_start3A_95, %dma_start3A_96] : memref<125x20x128xi32, #tpu.memory_space<hbm>> -> memref<1x20x128xi32, #tpu.memory_space<hbm>>
        %dma_start3A_98 = tpu.memref_squeeze %dma_start3A_97 : memref<1x20x128xi32, #tpu.memory_space<hbm>> -> memref<20x128xi32, #tpu.memory_space<hbm>>
        %dma_start3A_99 = arith.constant 0 : i32
        %dma_start3A_100 = arith.constant 0 : i32
        %dma_start3A_101 = tpu.memref_slice %arg17[%dma_start3A_99, %dma_start3A_100] : memref<82x128xi32, #tpu.memory_space<vmem>> -> memref<20x128xi32, #tpu.memory_space<vmem>>
        %dma_start3A_102 = arith.constant 0 : i32
        %dma_start3A_103 = arith.constant 0 : i32
        %dma_start3A_104 = tpu.memref_slice %arg6[%add3A_67, %dma_start3A_102, %dma_start3A_103] : memref<125x20x128xi32, #tpu.memory_space<hbm>> -> memref<1x20x128xi32, #tpu.memory_space<hbm>>
        %dma_start3A_105 = tpu.memref_squeeze %dma_start3A_104 : memref<1x20x128xi32, #tpu.memory_space<hbm>> -> memref<20x128xi32, #tpu.memory_space<hbm>>
        tpu.enqueue_dma source(%dma_start3A_105 : memref<20x128xi32, #tpu.memory_space<hbm>>) target(%dma_start3A_101 : memref<20x128xi32, #tpu.memory_space<vmem>>) target_semaphore(%run_scoped3A : memref<!tpu.dma_semaphore, #tpu.memory_space<semaphore_mem>>)
        %dma_wait3A_106 = arith.constant 0 : i32
        %dma_wait3A_107 = arith.constant 0 : i32
        %dma_wait3A_108 = tpu.memref_slice %arg17[%dma_wait3A_106, %dma_wait3A_107] : memref<82x128xi32, #tpu.memory_space<vmem>> -> memref<20x128xi32, #tpu.memory_space<vmem>>
        %dma_wait3A_109 = arith.constant 0 : i32
        %dma_wait3A_110 = arith.constant 0 : i32
        %dma_wait3A_111 = tpu.memref_slice %arg6[%add3A_67, %dma_wait3A_109, %dma_wait3A_110] : memref<125x20x128xi32, #tpu.memory_space<hbm>> -> memref<1x20x128xi32, #tpu.memory_space<hbm>>
        %dma_wait3A_112 = tpu.memref_squeeze %dma_wait3A_111 : memref<1x20x128xi32, #tpu.memory_space<hbm>> -> memref<20x128xi32, #tpu.memory_space<hbm>>
        %dma_wait3A_113 = arith.constant 0 : i32
        %dma_wait3A_114 = arith.constant 0 : i32
        %dma_wait3A_115 = tpu.memref_slice %arg17[%dma_wait3A_113, %dma_wait3A_114] : memref<82x128xi32, #tpu.memory_space<vmem>> -> memref<20x128xi32, #tpu.memory_space<vmem>>
        %dma_wait3A_116 = arith.constant 0 : i32
        %dma_wait3A_117 = arith.constant 0 : i32
        %dma_wait3A_118 = tpu.memref_slice %arg6[%add3A_67, %dma_wait3A_116, %dma_wait3A_117] : memref<125x20x128xi32, #tpu.memory_space<hbm>> -> memref<1x20x128xi32, #tpu.memory_space<hbm>>
        %dma_wait3A_119 = tpu.memref_squeeze %dma_wait3A_118 : memref<1x20x128xi32, #tpu.memory_space<hbm>> -> memref<20x128xi32, #tpu.memory_space<hbm>>
        tpu.wait_dma2 semaphore(%run_scoped3A : memref<!tpu.dma_semaphore, #tpu.memory_space<semaphore_mem>>) src(%dma_wait3A_119 : memref<20x128xi32, #tpu.memory_space<hbm>>) dst(%dma_wait3A_115 : memref<20x128xi32, #tpu.memory_space<vmem>>)
        tpu.yield
      }) : () -> ()
      %mul3A_68 = arith.constant 4 : i32
      %mul3A_69 = arith.muli %mul3A_68, %add3A : i32
      %add3A_70 = arith.constant 1 : i32
      %add3A_71 = arith.addi %mul3A_69, %add3A_70 : i32
      "tpu.region"() ({
        %run_scoped3A = tpu.sem_alloc : memref<!tpu.dma_semaphore, #tpu.memory_space<semaphore_mem>>
        %dma_start3A_92 = arith.constant 20 : i32
        %dma_start3A_93 = arith.constant 0 : i32
        %dma_start3A_94 = tpu.memref_slice %arg16[%dma_start3A_92, %dma_start3A_93] : memref<82x128xi32, #tpu.memory_space<vmem>> -> memref<20x128xi32, #tpu.memory_space<vmem>>
        %dma_start3A_95 = arith.constant 0 : i32
        %dma_start3A_96 = arith.constant 0 : i32
        %dma_start3A_97 = tpu.memref_slice %arg5[%add3A_71, %dma_start3A_95, %dma_start3A_96] : memref<125x20x128xi32, #tpu.memory_space<hbm>> -> memref<1x20x128xi32, #tpu.memory_space<hbm>>
        %dma_start3A_98 = tpu.memref_squeeze %dma_start3A_97 : memref<1x20x128xi32, #tpu.memory_space<hbm>> -> memref<20x128xi32, #tpu.memory_space<hbm>>
        %dma_start3A_99 = arith.constant 20 : i32
        %dma_start3A_100 = arith.constant 0 : i32
        %dma_start3A_101 = tpu.memref_slice %arg16[%dma_start3A_99, %dma_start3A_100] : memref<82x128xi32, #tpu.memory_space<vmem>> -> memref<20x128xi32, #tpu.memory_space<vmem>>
        %dma_start3A_102 = arith.constant 0 : i32
        %dma_start3A_103 = arith.constant 0 : i32
        %dma_start3A_104 = tpu.memref_slice %arg5[%add3A_71, %dma_start3A_102, %dma_start3A_103] : memref<125x20x128xi32, #tpu.memory_space<hbm>> -> memref<1x20x128xi32, #tpu.memory_space<hbm>>
        %dma_start3A_105 = tpu.memref_squeeze %dma_start3A_104 : memref<1x20x128xi32, #tpu.memory_space<hbm>> -> memref<20x128xi32, #tpu.memory_space<hbm>>
        tpu.enqueue_dma source(%dma_start3A_105 : memref<20x128xi32, #tpu.memory_space<hbm>>) target(%dma_start3A_101 : memref<20x128xi32, #tpu.memory_space<vmem>>) target_semaphore(%run_scoped3A : memref<!tpu.dma_semaphore, #tpu.memory_space<semaphore_mem>>)
        %dma_wait3A_106 = arith.constant 20 : i32
        %dma_wait3A_107 = arith.constant 0 : i32
        %dma_wait3A_108 = tpu.memref_slice %arg16[%dma_wait3A_106, %dma_wait3A_107] : memref<82x128xi32, #tpu.memory_space<vmem>> -> memref<20x128xi32, #tpu.memory_space<vmem>>
        %dma_wait3A_109 = arith.constant 0 : i32
        %dma_wait3A_110 = arith.constant 0 : i32
        %dma_wait3A_111 = tpu.memref_slice %arg5[%add3A_71, %dma_wait3A_109, %dma_wait3A_110] : memref<125x20x128xi32, #tpu.memory_space<hbm>> -> memref<1x20x128xi32, #tpu.memory_space<hbm>>
        %dma_wait3A_112 = tpu.memref_squeeze %dma_wait3A_111 : memref<1x20x128xi32, #tpu.memory_space<hbm>> -> memref<20x128xi32, #tpu.memory_space<hbm>>
        %dma_wait3A_113 = arith.constant 20 : i32
        %dma_wait3A_114 = arith.constant 0 : i32
        %dma_wait3A_115 = tpu.memref_slice %arg16[%dma_wait3A_113, %dma_wait3A_114] : memref<82x128xi32, #tpu.memory_space<vmem>> -> memref<20x128xi32, #tpu.memory_space<vmem>>
        %dma_wait3A_116 = arith.constant 0 : i32
        %dma_wait3A_117 = arith.constant 0 : i32
        %dma_wait3A_118 = tpu.memref_slice %arg5[%add3A_71, %dma_wait3A_116, %dma_wait3A_117] : memref<125x20x128xi32, #tpu.memory_space<hbm>> -> memref<1x20x128xi32, #tpu.memory_space<hbm>>
        %dma_wait3A_119 = tpu.memref_squeeze %dma_wait3A_118 : memref<1x20x128xi32, #tpu.memory_space<hbm>> -> memref<20x128xi32, #tpu.memory_space<hbm>>
        tpu.wait_dma2 semaphore(%run_scoped3A : memref<!tpu.dma_semaphore, #tpu.memory_space<semaphore_mem>>) src(%dma_wait3A_119 : memref<20x128xi32, #tpu.memory_space<hbm>>) dst(%dma_wait3A_115 : memref<20x128xi32, #tpu.memory_space<vmem>>)
        tpu.yield
      }) : () -> ()
      %mul3A_72 = arith.constant 4 : i32
      %mul3A_73 = arith.muli %mul3A_72, %add3A : i32
      %add3A_74 = arith.constant 1 : i32
      %add3A_75 = arith.addi %mul3A_73, %add3A_74 : i32
      "tpu.region"() ({
        %run_scoped3A = tpu.sem_alloc : memref<!tpu.dma_semaphore, #tpu.memory_space<semaphore_mem>>
        %dma_start3A_92 = arith.constant 20 : i32
        %dma_start3A_93 = arith.constant 0 : i32
        %dma_start3A_94 = tpu.memref_slice %arg17[%dma_start3A_92, %dma_start3A_93] : memref<82x128xi32, #tpu.memory_space<vmem>> -> memref<20x128xi32, #tpu.memory_space<vmem>>
        %dma_start3A_95 = arith.constant 0 : i32
        %dma_start3A_96 = arith.constant 0 : i32
        %dma_start3A_97 = tpu.memref_slice %arg6[%add3A_75, %dma_start3A_95, %dma_start3A_96] : memref<125x20x128xi32, #tpu.memory_space<hbm>> -> memref<1x20x128xi32, #tpu.memory_space<hbm>>
        %dma_start3A_98 = tpu.memref_squeeze %dma_start3A_97 : memref<1x20x128xi32, #tpu.memory_space<hbm>> -> memref<20x128xi32, #tpu.memory_space<hbm>>
        %dma_start3A_99 = arith.constant 20 : i32
        %dma_start3A_100 = arith.constant 0 : i32
        %dma_start3A_101 = tpu.memref_slice %arg17[%dma_start3A_99, %dma_start3A_100] : memref<82x128xi32, #tpu.memory_space<vmem>> -> memref<20x128xi32, #tpu.memory_space<vmem>>
        %dma_start3A_102 = arith.constant 0 : i32
        %dma_start3A_103 = arith.constant 0 : i32
        %dma_start3A_104 = tpu.memref_slice %arg6[%add3A_75, %dma_start3A_102, %dma_start3A_103] : memref<125x20x128xi32, #tpu.memory_space<hbm>> -> memref<1x20x128xi32, #tpu.memory_space<hbm>>
        %dma_start3A_105 = tpu.memref_squeeze %dma_start3A_104 : memref<1x20x128xi32, #tpu.memory_space<hbm>> -> memref<20x128xi32, #tpu.memory_space<hbm>>
        tpu.enqueue_dma source(%dma_start3A_105 : memref<20x128xi32, #tpu.memory_space<hbm>>) target(%dma_start3A_101 : memref<20x128xi32, #tpu.memory_space<vmem>>) target_semaphore(%run_scoped3A : memref<!tpu.dma_semaphore, #tpu.memory_space<semaphore_mem>>)
        %dma_wait3A_106 = arith.constant 20 : i32
        %dma_wait3A_107 = arith.constant 0 : i32
        %dma_wait3A_108 = tpu.memref_slice %arg17[%dma_wait3A_106, %dma_wait3A_107] : memref<82x128xi32, #tpu.memory_space<vmem>> -> memref<20x128xi32, #tpu.memory_space<vmem>>
        %dma_wait3A_109 = arith.constant 0 : i32
        %dma_wait3A_110 = arith.constant 0 : i32
        %dma_wait3A_111 = tpu.memref_slice %arg6[%add3A_75, %dma_wait3A_109, %dma_wait3A_110] : memref<125x20x128xi32, #tpu.memory_space<hbm>> -> memref<1x20x128xi32, #tpu.memory_space<hbm>>
        %dma_wait3A_112 = tpu.memref_squeeze %dma_wait3A_111 : memref<1x20x128xi32, #tpu.memory_space<hbm>> -> memref<20x128xi32, #tpu.memory_space<hbm>>
        %dma_wait3A_113 = arith.constant 20 : i32
        %dma_wait3A_114 = arith.constant 0 : i32
        %dma_wait3A_115 = tpu.memref_slice %arg17[%dma_wait3A_113, %dma_wait3A_114] : memref<82x128xi32, #tpu.memory_space<vmem>> -> memref<20x128xi32, #tpu.memory_space<vmem>>
        %dma_wait3A_116 = arith.constant 0 : i32
        %dma_wait3A_117 = arith.constant 0 : i32
        %dma_wait3A_118 = tpu.memref_slice %arg6[%add3A_75, %dma_wait3A_116, %dma_wait3A_117] : memref<125x20x128xi32, #tpu.memory_space<hbm>> -> memref<1x20x128xi32, #tpu.memory_space<hbm>>
        %dma_wait3A_119 = tpu.memref_squeeze %dma_wait3A_118 : memref<1x20x128xi32, #tpu.memory_space<hbm>> -> memref<20x128xi32, #tpu.memory_space<hbm>>
        tpu.wait_dma2 semaphore(%run_scoped3A : memref<!tpu.dma_semaphore, #tpu.memory_space<semaphore_mem>>) src(%dma_wait3A_119 : memref<20x128xi32, #tpu.memory_space<hbm>>) dst(%dma_wait3A_115 : memref<20x128xi32, #tpu.memory_space<vmem>>)
        tpu.yield
      }) : () -> ()
      %mul3A_76 = arith.constant 4 : i32
      %mul3A_77 = arith.muli %mul3A_76, %add3A : i32
      %add3A_78 = arith.constant 2 : i32
      %add3A_79 = arith.addi %mul3A_77, %add3A_78 : i32
      "tpu.region"() ({
        %run_scoped3A = tpu.sem_alloc : memref<!tpu.dma_semaphore, #tpu.memory_space<semaphore_mem>>
        %dma_start3A_92 = arith.constant 40 : i32
        %dma_start3A_93 = arith.constant 0 : i32
        %dma_start3A_94 = tpu.memref_slice %arg16[%dma_start3A_92, %dma_start3A_93] : memref<82x128xi32, #tpu.memory_space<vmem>> -> memref<20x128xi32, #tpu.memory_space<vmem>>
        %dma_start3A_95 = arith.constant 0 : i32
        %dma_start3A_96 = arith.constant 0 : i32
        %dma_start3A_97 = tpu.memref_slice %arg5[%add3A_79, %dma_start3A_95, %dma_start3A_96] : memref<125x20x128xi32, #tpu.memory_space<hbm>> -> memref<1x20x128xi32, #tpu.memory_space<hbm>>
        %dma_start3A_98 = tpu.memref_squeeze %dma_start3A_97 : memref<1x20x128xi32, #tpu.memory_space<hbm>> -> memref<20x128xi32, #tpu.memory_space<hbm>>
        %dma_start3A_99 = arith.constant 40 : i32
        %dma_start3A_100 = arith.constant 0 : i32
        %dma_start3A_101 = tpu.memref_slice %arg16[%dma_start3A_99, %dma_start3A_100] : memref<82x128xi32, #tpu.memory_space<vmem>> -> memref<20x128xi32, #tpu.memory_space<vmem>>
        %dma_start3A_102 = arith.constant 0 : i32
        %dma_start3A_103 = arith.constant 0 : i32
        %dma_start3A_104 = tpu.memref_slice %arg5[%add3A_79, %dma_start3A_102, %dma_start3A_103] : memref<125x20x128xi32, #tpu.memory_space<hbm>> -> memref<1x20x128xi32, #tpu.memory_space<hbm>>
        %dma_start3A_105 = tpu.memref_squeeze %dma_start3A_104 : memref<1x20x128xi32, #tpu.memory_space<hbm>> -> memref<20x128xi32, #tpu.memory_space<hbm>>
        tpu.enqueue_dma source(%dma_start3A_105 : memref<20x128xi32, #tpu.memory_space<hbm>>) target(%dma_start3A_101 : memref<20x128xi32, #tpu.memory_space<vmem>>) target_semaphore(%run_scoped3A : memref<!tpu.dma_semaphore, #tpu.memory_space<semaphore_mem>>)
        %dma_wait3A_106 = arith.constant 40 : i32
        %dma_wait3A_107 = arith.constant 0 : i32
        %dma_wait3A_108 = tpu.memref_slice %arg16[%dma_wait3A_106, %dma_wait3A_107] : memref<82x128xi32, #tpu.memory_space<vmem>> -> memref<20x128xi32, #tpu.memory_space<vmem>>
        %dma_wait3A_109 = arith.constant 0 : i32
        %dma_wait3A_110 = arith.constant 0 : i32
        %dma_wait3A_111 = tpu.memref_slice %arg5[%add3A_79, %dma_wait3A_109, %dma_wait3A_110] : memref<125x20x128xi32, #tpu.memory_space<hbm>> -> memref<1x20x128xi32, #tpu.memory_space<hbm>>
        %dma_wait3A_112 = tpu.memref_squeeze %dma_wait3A_111 : memref<1x20x128xi32, #tpu.memory_space<hbm>> -> memref<20x128xi32, #tpu.memory_space<hbm>>
        %dma_wait3A_113 = arith.constant 40 : i32
        %dma_wait3A_114 = arith.constant 0 : i32
        %dma_wait3A_115 = tpu.memref_slice %arg16[%dma_wait3A_113, %dma_wait3A_114] : memref<82x128xi32, #tpu.memory_space<vmem>> -> memref<20x128xi32, #tpu.memory_space<vmem>>
        %dma_wait3A_116 = arith.constant 0 : i32
        %dma_wait3A_117 = arith.constant 0 : i32
        %dma_wait3A_118 = tpu.memref_slice %arg5[%add3A_79, %dma_wait3A_116, %dma_wait3A_117] : memref<125x20x128xi32, #tpu.memory_space<hbm>> -> memref<1x20x128xi32, #tpu.memory_space<hbm>>
        %dma_wait3A_119 = tpu.memref_squeeze %dma_wait3A_118 : memref<1x20x128xi32, #tpu.memory_space<hbm>> -> memref<20x128xi32, #tpu.memory_space<hbm>>
        tpu.wait_dma2 semaphore(%run_scoped3A : memref<!tpu.dma_semaphore, #tpu.memory_space<semaphore_mem>>) src(%dma_wait3A_119 : memref<20x128xi32, #tpu.memory_space<hbm>>) dst(%dma_wait3A_115 : memref<20x128xi32, #tpu.memory_space<vmem>>)
        tpu.yield
      }) : () -> ()
      %mul3A_80 = arith.constant 4 : i32
      %mul3A_81 = arith.muli %mul3A_80, %add3A : i32
      %add3A_82 = arith.constant 2 : i32
      %add3A_83 = arith.addi %mul3A_81, %add3A_82 : i32
      "tpu.region"() ({
        %run_scoped3A = tpu.sem_alloc : memref<!tpu.dma_semaphore, #tpu.memory_space<semaphore_mem>>
        %dma_start3A_92 = arith.constant 40 : i32
        %dma_start3A_93 = arith.constant 0 : i32
        %dma_start3A_94 = tpu.memref_slice %arg17[%dma_start3A_92, %dma_start3A_93] : memref<82x128xi32, #tpu.memory_space<vmem>> -> memref<20x128xi32, #tpu.memory_space<vmem>>
        %dma_start3A_95 = arith.constant 0 : i32
        %dma_start3A_96 = arith.constant 0 : i32
        %dma_start3A_97 = tpu.memref_slice %arg6[%add3A_83, %dma_start3A_95, %dma_start3A_96] : memref<125x20x128xi32, #tpu.memory_space<hbm>> -> memref<1x20x128xi32, #tpu.memory_space<hbm>>
        %dma_start3A_98 = tpu.memref_squeeze %dma_start3A_97 : memref<1x20x128xi32, #tpu.memory_space<hbm>> -> memref<20x128xi32, #tpu.memory_space<hbm>>
        %dma_start3A_99 = arith.constant 40 : i32
        %dma_start3A_100 = arith.constant 0 : i32
        %dma_start3A_101 = tpu.memref_slice %arg17[%dma_start3A_99, %dma_start3A_100] : memref<82x128xi32, #tpu.memory_space<vmem>> -> memref<20x128xi32, #tpu.memory_space<vmem>>
        %dma_start3A_102 = arith.constant 0 : i32
        %dma_start3A_103 = arith.constant 0 : i32
        %dma_start3A_104 = tpu.memref_slice %arg6[%add3A_83, %dma_start3A_102, %dma_start3A_103] : memref<125x20x128xi32, #tpu.memory_space<hbm>> -> memref<1x20x128xi32, #tpu.memory_space<hbm>>
        %dma_start3A_105 = tpu.memref_squeeze %dma_start3A_104 : memref<1x20x128xi32, #tpu.memory_space<hbm>> -> memref<20x128xi32, #tpu.memory_space<hbm>>
        tpu.enqueue_dma source(%dma_start3A_105 : memref<20x128xi32, #tpu.memory_space<hbm>>) target(%dma_start3A_101 : memref<20x128xi32, #tpu.memory_space<vmem>>) target_semaphore(%run_scoped3A : memref<!tpu.dma_semaphore, #tpu.memory_space<semaphore_mem>>)
        %dma_wait3A_106 = arith.constant 40 : i32
        %dma_wait3A_107 = arith.constant 0 : i32
        %dma_wait3A_108 = tpu.memref_slice %arg17[%dma_wait3A_106, %dma_wait3A_107] : memref<82x128xi32, #tpu.memory_space<vmem>> -> memref<20x128xi32, #tpu.memory_space<vmem>>
        %dma_wait3A_109 = arith.constant 0 : i32
        %dma_wait3A_110 = arith.constant 0 : i32
        %dma_wait3A_111 = tpu.memref_slice %arg6[%add3A_83, %dma_wait3A_109, %dma_wait3A_110] : memref<125x20x128xi32, #tpu.memory_space<hbm>> -> memref<1x20x128xi32, #tpu.memory_space<hbm>>
        %dma_wait3A_112 = tpu.memref_squeeze %dma_wait3A_111 : memref<1x20x128xi32, #tpu.memory_space<hbm>> -> memref<20x128xi32, #tpu.memory_space<hbm>>
        %dma_wait3A_113 = arith.constant 40 : i32
        %dma_wait3A_114 = arith.constant 0 : i32
        %dma_wait3A_115 = tpu.memref_slice %arg17[%dma_wait3A_113, %dma_wait3A_114] : memref<82x128xi32, #tpu.memory_space<vmem>> -> memref<20x128xi32, #tpu.memory_space<vmem>>
        %dma_wait3A_116 = arith.constant 0 : i32
        %dma_wait3A_117 = arith.constant 0 : i32
        %dma_wait3A_118 = tpu.memref_slice %arg6[%add3A_83, %dma_wait3A_116, %dma_wait3A_117] : memref<125x20x128xi32, #tpu.memory_space<hbm>> -> memref<1x20x128xi32, #tpu.memory_space<hbm>>
        %dma_wait3A_119 = tpu.memref_squeeze %dma_wait3A_118 : memref<1x20x128xi32, #tpu.memory_space<hbm>> -> memref<20x128xi32, #tpu.memory_space<hbm>>
        tpu.wait_dma2 semaphore(%run_scoped3A : memref<!tpu.dma_semaphore, #tpu.memory_space<semaphore_mem>>) src(%dma_wait3A_119 : memref<20x128xi32, #tpu.memory_space<hbm>>) dst(%dma_wait3A_115 : memref<20x128xi32, #tpu.memory_space<vmem>>)
        tpu.yield
      }) : () -> ()
      %mul3A_84 = arith.constant 4 : i32
      %mul3A_85 = arith.muli %mul3A_84, %add3A : i32
      %add3A_86 = arith.constant 3 : i32
      %add3A_87 = arith.addi %mul3A_85, %add3A_86 : i32
      "tpu.region"() ({
        %run_scoped3A = tpu.sem_alloc : memref<!tpu.dma_semaphore, #tpu.memory_space<semaphore_mem>>
        %dma_start3A_92 = arith.constant 60 : i32
        %dma_start3A_93 = arith.constant 0 : i32
        %dma_start3A_94 = tpu.memref_slice %arg16[%dma_start3A_92, %dma_start3A_93] : memref<82x128xi32, #tpu.memory_space<vmem>> -> memref<20x128xi32, #tpu.memory_space<vmem>>
        %dma_start3A_95 = arith.constant 0 : i32
        %dma_start3A_96 = arith.constant 0 : i32
        %dma_start3A_97 = tpu.memref_slice %arg5[%add3A_87, %dma_start3A_95, %dma_start3A_96] : memref<125x20x128xi32, #tpu.memory_space<hbm>> -> memref<1x20x128xi32, #tpu.memory_space<hbm>>
        %dma_start3A_98 = tpu.memref_squeeze %dma_start3A_97 : memref<1x20x128xi32, #tpu.memory_space<hbm>> -> memref<20x128xi32, #tpu.memory_space<hbm>>
        %dma_start3A_99 = arith.constant 60 : i32
        %dma_start3A_100 = arith.constant 0 : i32
        %dma_start3A_101 = tpu.memref_slice %arg16[%dma_start3A_99, %dma_start3A_100] : memref<82x128xi32, #tpu.memory_space<vmem>> -> memref<20x128xi32, #tpu.memory_space<vmem>>
        %dma_start3A_102 = arith.constant 0 : i32
        %dma_start3A_103 = arith.constant 0 : i32
        %dma_start3A_104 = tpu.memref_slice %arg5[%add3A_87, %dma_start3A_102, %dma_start3A_103] : memref<125x20x128xi32, #tpu.memory_space<hbm>> -> memref<1x20x128xi32, #tpu.memory_space<hbm>>
        %dma_start3A_105 = tpu.memref_squeeze %dma_start3A_104 : memref<1x20x128xi32, #tpu.memory_space<hbm>> -> memref<20x128xi32, #tpu.memory_space<hbm>>
        tpu.enqueue_dma source(%dma_start3A_105 : memref<20x128xi32, #tpu.memory_space<hbm>>) target(%dma_start3A_101 : memref<20x128xi32, #tpu.memory_space<vmem>>) target_semaphore(%run_scoped3A : memref<!tpu.dma_semaphore, #tpu.memory_space<semaphore_mem>>)
        %dma_wait3A_106 = arith.constant 60 : i32
        %dma_wait3A_107 = arith.constant 0 : i32
        %dma_wait3A_108 = tpu.memref_slice %arg16[%dma_wait3A_106, %dma_wait3A_107] : memref<82x128xi32, #tpu.memory_space<vmem>> -> memref<20x128xi32, #tpu.memory_space<vmem>>
        %dma_wait3A_109 = arith.constant 0 : i32
        %dma_wait3A_110 = arith.constant 0 : i32
        %dma_wait3A_111 = tpu.memref_slice %arg5[%add3A_87, %dma_wait3A_109, %dma_wait3A_110] : memref<125x20x128xi32, #tpu.memory_space<hbm>> -> memref<1x20x128xi32, #tpu.memory_space<hbm>>
        %dma_wait3A_112 = tpu.memref_squeeze %dma_wait3A_111 : memref<1x20x128xi32, #tpu.memory_space<hbm>> -> memref<20x128xi32, #tpu.memory_space<hbm>>
        %dma_wait3A_113 = arith.constant 60 : i32
        %dma_wait3A_114 = arith.constant 0 : i32
        %dma_wait3A_115 = tpu.memref_slice %arg16[%dma_wait3A_113, %dma_wait3A_114] : memref<82x128xi32, #tpu.memory_space<vmem>> -> memref<20x128xi32, #tpu.memory_space<vmem>>
        %dma_wait3A_116 = arith.constant 0 : i32
        %dma_wait3A_117 = arith.constant 0 : i32
        %dma_wait3A_118 = tpu.memref_slice %arg5[%add3A_87, %dma_wait3A_116, %dma_wait3A_117] : memref<125x20x128xi32, #tpu.memory_space<hbm>> -> memref<1x20x128xi32, #tpu.memory_space<hbm>>
        %dma_wait3A_119 = tpu.memref_squeeze %dma_wait3A_118 : memref<1x20x128xi32, #tpu.memory_space<hbm>> -> memref<20x128xi32, #tpu.memory_space<hbm>>
        tpu.wait_dma2 semaphore(%run_scoped3A : memref<!tpu.dma_semaphore, #tpu.memory_space<semaphore_mem>>) src(%dma_wait3A_119 : memref<20x128xi32, #tpu.memory_space<hbm>>) dst(%dma_wait3A_115 : memref<20x128xi32, #tpu.memory_space<vmem>>)
        tpu.yield
      }) : () -> ()
      %mul3A_88 = arith.constant 4 : i32
      %mul3A_89 = arith.muli %mul3A_88, %add3A : i32
      %add3A_90 = arith.constant 3 : i32
      %add3A_91 = arith.addi %mul3A_89, %add3A_90 : i32
      "tpu.region"() ({
        %run_scoped3A = tpu.sem_alloc : memref<!tpu.dma_semaphore, #tpu.memory_space<semaphore_mem>>
        %dma_start3A_92 = arith.constant 60 : i32
        %dma_start3A_93 = arith.constant 0 : i32
        %dma_start3A_94 = tpu.memref_slice %arg17[%dma_start3A_92, %dma_start3A_93] : memref<82x128xi32, #tpu.memory_space<vmem>> -> memref<20x128xi32, #tpu.memory_space<vmem>>
        %dma_start3A_95 = arith.constant 0 : i32
        %dma_start3A_96 = arith.constant 0 : i32
        %dma_start3A_97 = tpu.memref_slice %arg6[%add3A_91, %dma_start3A_95, %dma_start3A_96] : memref<125x20x128xi32, #tpu.memory_space<hbm>> -> memref<1x20x128xi32, #tpu.memory_space<hbm>>
        %dma_start3A_98 = tpu.memref_squeeze %dma_start3A_97 : memref<1x20x128xi32, #tpu.memory_space<hbm>> -> memref<20x128xi32, #tpu.memory_space<hbm>>
        %dma_start3A_99 = arith.constant 60 : i32
        %dma_start3A_100 = arith.constant 0 : i32
        %dma_start3A_101 = tpu.memref_slice %arg17[%dma_start3A_99, %dma_start3A_100] : memref<82x128xi32, #tpu.memory_space<vmem>> -> memref<20x128xi32, #tpu.memory_space<vmem>>
        %dma_start3A_102 = arith.constant 0 : i32
        %dma_start3A_103 = arith.constant 0 : i32
        %dma_start3A_104 = tpu.memref_slice %arg6[%add3A_91, %dma_start3A_102, %dma_start3A_103] : memref<125x20x128xi32, #tpu.memory_space<hbm>> -> memref<1x20x128xi32, #tpu.memory_space<hbm>>
        %dma_start3A_105 = tpu.memref_squeeze %dma_start3A_104 : memref<1x20x128xi32, #tpu.memory_space<hbm>> -> memref<20x128xi32, #tpu.memory_space<hbm>>
        tpu.enqueue_dma source(%dma_start3A_105 : memref<20x128xi32, #tpu.memory_space<hbm>>) target(%dma_start3A_101 : memref<20x128xi32, #tpu.memory_space<vmem>>) target_semaphore(%run_scoped3A : memref<!tpu.dma_semaphore, #tpu.memory_space<semaphore_mem>>)
        %dma_wait3A_106 = arith.constant 60 : i32
        %dma_wait3A_107 = arith.constant 0 : i32
        %dma_wait3A_108 = tpu.memref_slice %arg17[%dma_wait3A_106, %dma_wait3A_107] : memref<82x128xi32, #tpu.memory_space<vmem>> -> memref<20x128xi32, #tpu.memory_space<vmem>>
        %dma_wait3A_109 = arith.constant 0 : i32
        %dma_wait3A_110 = arith.constant 0 : i32
        %dma_wait3A_111 = tpu.memref_slice %arg6[%add3A_91, %dma_wait3A_109, %dma_wait3A_110] : memref<125x20x128xi32, #tpu.memory_space<hbm>> -> memref<1x20x128xi32, #tpu.memory_space<hbm>>
        %dma_wait3A_112 = tpu.memref_squeeze %dma_wait3A_111 : memref<1x20x128xi32, #tpu.memory_space<hbm>> -> memref<20x128xi32, #tpu.memory_space<hbm>>
        %dma_wait3A_113 = arith.constant 60 : i32
        %dma_wait3A_114 = arith.constant 0 : i32
        %dma_wait3A_115 = tpu.memref_slice %arg17[%dma_wait3A_113, %dma_wait3A_114] : memref<82x128xi32, #tpu.memory_space<vmem>> -> memref<20x128xi32, #tpu.memory_space<vmem>>
        %dma_wait3A_116 = arith.constant 0 : i32
        %dma_wait3A_117 = arith.constant 0 : i32
        %dma_wait3A_118 = tpu.memref_slice %arg6[%add3A_91, %dma_wait3A_116, %dma_wait3A_117] : memref<125x20x128xi32, #tpu.memory_space<hbm>> -> memref<1x20x128xi32, #tpu.memory_space<hbm>>
        %dma_wait3A_119 = tpu.memref_squeeze %dma_wait3A_118 : memref<1x20x128xi32, #tpu.memory_space<hbm>> -> memref<20x128xi32, #tpu.memory_space<hbm>>
        tpu.wait_dma2 semaphore(%run_scoped3A : memref<!tpu.dma_semaphore, #tpu.memory_space<semaphore_mem>>) src(%dma_wait3A_119 : memref<20x128xi32, #tpu.memory_space<hbm>>) dst(%dma_wait3A_115 : memref<20x128xi32, #tpu.memory_space<vmem>>)
        tpu.yield
      }) : () -> ()
      "tpu.region"() ({
        %run_scoped3A = tpu.sem_alloc : memref<!tpu.dma_semaphore, #tpu.memory_space<semaphore_mem>>
        %dma_start3A_92 = arith.constant 80 : i32
        %dma_start3A_93 = arith.constant 0 : i32
        %dma_start3A_94 = tpu.memref_slice %arg16[%dma_start3A_92, %dma_start3A_93] : memref<82x128xi32, #tpu.memory_space<vmem>> -> memref<2x128xi32, #tpu.memory_space<vmem>>
        %dma_start3A_95 = arith.constant 0 : i32
        %dma_start3A_96 = arith.constant 0 : i32
        %dma_start3A_97 = tpu.memref_slice %arg7[%add3A, %dma_start3A_95, %dma_start3A_96] : memref<31x2x128xi32, #tpu.memory_space<hbm>> -> memref<1x2x128xi32, #tpu.memory_space<hbm>>
        %dma_start3A_98 = tpu.memref_squeeze %dma_start3A_97 : memref<1x2x128xi32, #tpu.memory_space<hbm>> -> memref<2x128xi32, #tpu.memory_space<hbm>>
        %dma_start3A_99 = arith.constant 80 : i32
        %dma_start3A_100 = arith.constant 0 : i32
        %dma_start3A_101 = tpu.memref_slice %arg16[%dma_start3A_99, %dma_start3A_100] : memref<82x128xi32, #tpu.memory_space<vmem>> -> memref<2x128xi32, #tpu.memory_space<vmem>>
        %dma_start3A_102 = arith.constant 0 : i32
        %dma_start3A_103 = arith.constant 0 : i32
        %dma_start3A_104 = tpu.memref_slice %arg7[%add3A, %dma_start3A_102, %dma_start3A_103] : memref<31x2x128xi32, #tpu.memory_space<hbm>> -> memref<1x2x128xi32, #tpu.memory_space<hbm>>
        %dma_start3A_105 = tpu.memref_squeeze %dma_start3A_104 : memref<1x2x128xi32, #tpu.memory_space<hbm>> -> memref<2x128xi32, #tpu.memory_space<hbm>>
        tpu.enqueue_dma source(%dma_start3A_105 : memref<2x128xi32, #tpu.memory_space<hbm>>) target(%dma_start3A_101 : memref<2x128xi32, #tpu.memory_space<vmem>>) target_semaphore(%run_scoped3A : memref<!tpu.dma_semaphore, #tpu.memory_space<semaphore_mem>>)
        %dma_wait3A_106 = arith.constant 80 : i32
        %dma_wait3A_107 = arith.constant 0 : i32
        %dma_wait3A_108 = tpu.memref_slice %arg16[%dma_wait3A_106, %dma_wait3A_107] : memref<82x128xi32, #tpu.memory_space<vmem>> -> memref<2x128xi32, #tpu.memory_space<vmem>>
        %dma_wait3A_109 = arith.constant 0 : i32
        %dma_wait3A_110 = arith.constant 0 : i32
        %dma_wait3A_111 = tpu.memref_slice %arg7[%add3A, %dma_wait3A_109, %dma_wait3A_110] : memref<31x2x128xi32, #tpu.memory_space<hbm>> -> memref<1x2x128xi32, #tpu.memory_space<hbm>>
        %dma_wait3A_112 = tpu.memref_squeeze %dma_wait3A_111 : memref<1x2x128xi32, #tpu.memory_space<hbm>> -> memref<2x128xi32, #tpu.memory_space<hbm>>
        %dma_wait3A_113 = arith.constant 80 : i32
        %dma_wait3A_114 = arith.constant 0 : i32
        %dma_wait3A_115 = tpu.memref_slice %arg16[%dma_wait3A_113, %dma_wait3A_114] : memref<82x128xi32, #tpu.memory_space<vmem>> -> memref<2x128xi32, #tpu.memory_space<vmem>>
        %dma_wait3A_116 = arith.constant 0 : i32
        %dma_wait3A_117 = arith.constant 0 : i32
        %dma_wait3A_118 = tpu.memref_slice %arg7[%add3A, %dma_wait3A_116, %dma_wait3A_117] : memref<31x2x128xi32, #tpu.memory_space<hbm>> -> memref<1x2x128xi32, #tpu.memory_space<hbm>>
        %dma_wait3A_119 = tpu.memref_squeeze %dma_wait3A_118 : memref<1x2x128xi32, #tpu.memory_space<hbm>> -> memref<2x128xi32, #tpu.memory_space<hbm>>
        tpu.wait_dma2 semaphore(%run_scoped3A : memref<!tpu.dma_semaphore, #tpu.memory_space<semaphore_mem>>) src(%dma_wait3A_119 : memref<2x128xi32, #tpu.memory_space<hbm>>) dst(%dma_wait3A_115 : memref<2x128xi32, #tpu.memory_space<vmem>>)
        tpu.yield
      }) : () -> ()
      "tpu.region"() ({
        %run_scoped3A = tpu.sem_alloc : memref<!tpu.dma_semaphore, #tpu.memory_space<semaphore_mem>>
        %dma_start3A_92 = arith.constant 80 : i32
        %dma_start3A_93 = arith.constant 0 : i32
        %dma_start3A_94 = tpu.memref_slice %arg17[%dma_start3A_92, %dma_start3A_93] : memref<82x128xi32, #tpu.memory_space<vmem>> -> memref<2x128xi32, #tpu.memory_space<vmem>>
        %dma_start3A_95 = arith.constant 0 : i32
        %dma_start3A_96 = arith.constant 0 : i32
        %dma_start3A_97 = tpu.memref_slice %arg8[%add3A, %dma_start3A_95, %dma_start3A_96] : memref<31x2x128xi32, #tpu.memory_space<hbm>> -> memref<1x2x128xi32, #tpu.memory_space<hbm>>
        %dma_start3A_98 = tpu.memref_squeeze %dma_start3A_97 : memref<1x2x128xi32, #tpu.memory_space<hbm>> -> memref<2x128xi32, #tpu.memory_space<hbm>>
        %dma_start3A_99 = arith.constant 80 : i32
        %dma_start3A_100 = arith.constant 0 : i32
        %dma_start3A_101 = tpu.memref_slice %arg17[%dma_start3A_99, %dma_start3A_100] : memref<82x128xi32, #tpu.memory_space<vmem>> -> memref<2x128xi32, #tpu.memory_space<vmem>>
        %dma_start3A_102 = arith.constant 0 : i32
        %dma_start3A_103 = arith.constant 0 : i32
        %dma_start3A_104 = tpu.memref_slice %arg8[%add3A, %dma_start3A_102, %dma_start3A_103] : memref<31x2x128xi32, #tpu.memory_space<hbm>> -> memref<1x2x128xi32, #tpu.memory_space<hbm>>
        %dma_start3A_105 = tpu.memref_squeeze %dma_start3A_104 : memref<1x2x128xi32, #tpu.memory_space<hbm>> -> memref<2x128xi32, #tpu.memory_space<hbm>>
        tpu.enqueue_dma source(%dma_start3A_105 : memref<2x128xi32, #tpu.memory_space<hbm>>) target(%dma_start3A_101 : memref<2x128xi32, #tpu.memory_space<vmem>>) target_semaphore(%run_scoped3A : memref<!tpu.dma_semaphore, #tpu.memory_space<semaphore_mem>>)
        %dma_wait3A_106 = arith.constant 80 : i32
        %dma_wait3A_107 = arith.constant 0 : i32
        %dma_wait3A_108 = tpu.memref_slice %arg17[%dma_wait3A_106, %dma_wait3A_107] : memref<82x128xi32, #tpu.memory_space<vmem>> -> memref<2x128xi32, #tpu.memory_space<vmem>>
        %dma_wait3A_109 = arith.constant 0 : i32
        %dma_wait3A_110 = arith.constant 0 : i32
        %dma_wait3A_111 = tpu.memref_slice %arg8[%add3A, %dma_wait3A_109, %dma_wait3A_110] : memref<31x2x128xi32, #tpu.memory_space<hbm>> -> memref<1x2x128xi32, #tpu.memory_space<hbm>>
        %dma_wait3A_112 = tpu.memref_squeeze %dma_wait3A_111 : memref<1x2x128xi32, #tpu.memory_space<hbm>> -> memref<2x128xi32, #tpu.memory_space<hbm>>
        %dma_wait3A_113 = arith.constant 80 : i32
        %dma_wait3A_114 = arith.constant 0 : i32
        %dma_wait3A_115 = tpu.memref_slice %arg17[%dma_wait3A_113, %dma_wait3A_114] : memref<82x128xi32, #tpu.memory_space<vmem>> -> memref<2x128xi32, #tpu.memory_space<vmem>>
        %dma_wait3A_116 = arith.constant 0 : i32
        %dma_wait3A_117 = arith.constant 0 : i32
        %dma_wait3A_118 = tpu.memref_slice %arg8[%add3A, %dma_wait3A_116, %dma_wait3A_117] : memref<31x2x128xi32, #tpu.memory_space<hbm>> -> memref<1x2x128xi32, #tpu.memory_space<hbm>>
        %dma_wait3A_119 = tpu.memref_squeeze %dma_wait3A_118 : memref<1x2x128xi32, #tpu.memory_space<hbm>> -> memref<2x128xi32, #tpu.memory_space<hbm>>
        tpu.wait_dma2 semaphore(%run_scoped3A : memref<!tpu.dma_semaphore, #tpu.memory_space<semaphore_mem>>) src(%dma_wait3A_119 : memref<2x128xi32, #tpu.memory_space<hbm>>) dst(%dma_wait3A_115 : memref<2x128xi32, #tpu.memory_space<vmem>>)
        tpu.yield
      }) : () -> ()
    } else {
    }
    %eq3A = arith.constant 31 : i32
    %eq3A_3 = arith.cmpi eq, %add3A, %eq3A : i32
    %convert_element_type3A_4 = arith.extui %eq3A_3 : i1 to i32
    %cond3A_5 = arith.constant 0 : i32
    %cond3A_6 = arith.cmpi ne, %convert_element_type3A_4, %cond3A_5 : i32
    scf.if %cond3A_6 {
      %run_scoped3A = arith.constant 124 : i32
      "tpu.region"() ({
        %run_scoped3A_61 = tpu.sem_alloc : memref<!tpu.dma_semaphore, #tpu.memory_space<semaphore_mem>>
        %dma_start3A_62 = arith.constant 0 : i32
        %dma_start3A_63 = arith.constant 0 : i32
        %dma_start3A_64 = tpu.memref_slice %arg16[%dma_start3A_62, %dma_start3A_63] : memref<82x128xi32, #tpu.memory_space<vmem>> -> memref<20x128xi32, #tpu.memory_space<vmem>>
        %dma_start3A_65 = arith.constant 0 : i32
        %dma_start3A_66 = arith.constant 0 : i32
        %dma_start3A_67 = tpu.memref_slice %arg5[%run_scoped3A, %dma_start3A_65, %dma_start3A_66] : memref<125x20x128xi32, #tpu.memory_space<hbm>> -> memref<1x20x128xi32, #tpu.memory_space<hbm>>
        %dma_start3A_68 = tpu.memref_squeeze %dma_start3A_67 : memref<1x20x128xi32, #tpu.memory_space<hbm>> -> memref<20x128xi32, #tpu.memory_space<hbm>>
        %dma_start3A_69 = arith.constant 0 : i32
        %dma_start3A_70 = arith.constant 0 : i32
        %dma_start3A_71 = tpu.memref_slice %arg16[%dma_start3A_69, %dma_start3A_70] : memref<82x128xi32, #tpu.memory_space<vmem>> -> memref<20x128xi32, #tpu.memory_space<vmem>>
        %dma_start3A_72 = arith.constant 0 : i32
        %dma_start3A_73 = arith.constant 0 : i32
        %dma_start3A_74 = tpu.memref_slice %arg5[%run_scoped3A, %dma_start3A_72, %dma_start3A_73] : memref<125x20x128xi32, #tpu.memory_space<hbm>> -> memref<1x20x128xi32, #tpu.memory_space<hbm>>
        %dma_start3A_75 = tpu.memref_squeeze %dma_start3A_74 : memref<1x20x128xi32, #tpu.memory_space<hbm>> -> memref<20x128xi32, #tpu.memory_space<hbm>>
        tpu.enqueue_dma source(%dma_start3A_75 : memref<20x128xi32, #tpu.memory_space<hbm>>) target(%dma_start3A_71 : memref<20x128xi32, #tpu.memory_space<vmem>>) target_semaphore(%run_scoped3A_61 : memref<!tpu.dma_semaphore, #tpu.memory_space<semaphore_mem>>)
        %dma_wait3A_76 = arith.constant 0 : i32
        %dma_wait3A_77 = arith.constant 0 : i32
        %dma_wait3A_78 = tpu.memref_slice %arg16[%dma_wait3A_76, %dma_wait3A_77] : memref<82x128xi32, #tpu.memory_space<vmem>> -> memref<20x128xi32, #tpu.memory_space<vmem>>
        %dma_wait3A_79 = arith.constant 0 : i32
        %dma_wait3A_80 = arith.constant 0 : i32
        %dma_wait3A_81 = tpu.memref_slice %arg5[%run_scoped3A, %dma_wait3A_79, %dma_wait3A_80] : memref<125x20x128xi32, #tpu.memory_space<hbm>> -> memref<1x20x128xi32, #tpu.memory_space<hbm>>
        %dma_wait3A_82 = tpu.memref_squeeze %dma_wait3A_81 : memref<1x20x128xi32, #tpu.memory_space<hbm>> -> memref<20x128xi32, #tpu.memory_space<hbm>>
        %dma_wait3A_83 = arith.constant 0 : i32
        %dma_wait3A_84 = arith.constant 0 : i32
        %dma_wait3A_85 = tpu.memref_slice %arg16[%dma_wait3A_83, %dma_wait3A_84] : memref<82x128xi32, #tpu.memory_space<vmem>> -> memref<20x128xi32, #tpu.memory_space<vmem>>
        %dma_wait3A_86 = arith.constant 0 : i32
        %dma_wait3A_87 = arith.constant 0 : i32
        %dma_wait3A_88 = tpu.memref_slice %arg5[%run_scoped3A, %dma_wait3A_86, %dma_wait3A_87] : memref<125x20x128xi32, #tpu.memory_space<hbm>> -> memref<1x20x128xi32, #tpu.memory_space<hbm>>
        %dma_wait3A_89 = tpu.memref_squeeze %dma_wait3A_88 : memref<1x20x128xi32, #tpu.memory_space<hbm>> -> memref<20x128xi32, #tpu.memory_space<hbm>>
        tpu.wait_dma2 semaphore(%run_scoped3A_61 : memref<!tpu.dma_semaphore, #tpu.memory_space<semaphore_mem>>) src(%dma_wait3A_89 : memref<20x128xi32, #tpu.memory_space<hbm>>) dst(%dma_wait3A_85 : memref<20x128xi32, #tpu.memory_space<vmem>>)
        tpu.yield
      }) : () -> ()
      %run_scoped3A_60 = arith.constant 124 : i32
      "tpu.region"() ({
        %run_scoped3A_61 = tpu.sem_alloc : memref<!tpu.dma_semaphore, #tpu.memory_space<semaphore_mem>>
        %dma_start3A_62 = arith.constant 0 : i32
        %dma_start3A_63 = arith.constant 0 : i32
        %dma_start3A_64 = tpu.memref_slice %arg17[%dma_start3A_62, %dma_start3A_63] : memref<82x128xi32, #tpu.memory_space<vmem>> -> memref<20x128xi32, #tpu.memory_space<vmem>>
        %dma_start3A_65 = arith.constant 0 : i32
        %dma_start3A_66 = arith.constant 0 : i32
        %dma_start3A_67 = tpu.memref_slice %arg6[%run_scoped3A_60, %dma_start3A_65, %dma_start3A_66] : memref<125x20x128xi32, #tpu.memory_space<hbm>> -> memref<1x20x128xi32, #tpu.memory_space<hbm>>
        %dma_start3A_68 = tpu.memref_squeeze %dma_start3A_67 : memref<1x20x128xi32, #tpu.memory_space<hbm>> -> memref<20x128xi32, #tpu.memory_space<hbm>>
        %dma_start3A_69 = arith.constant 0 : i32
        %dma_start3A_70 = arith.constant 0 : i32
        %dma_start3A_71 = tpu.memref_slice %arg17[%dma_start3A_69, %dma_start3A_70] : memref<82x128xi32, #tpu.memory_space<vmem>> -> memref<20x128xi32, #tpu.memory_space<vmem>>
        %dma_start3A_72 = arith.constant 0 : i32
        %dma_start3A_73 = arith.constant 0 : i32
        %dma_start3A_74 = tpu.memref_slice %arg6[%run_scoped3A_60, %dma_start3A_72, %dma_start3A_73] : memref<125x20x128xi32, #tpu.memory_space<hbm>> -> memref<1x20x128xi32, #tpu.memory_space<hbm>>
        %dma_start3A_75 = tpu.memref_squeeze %dma_start3A_74 : memref<1x20x128xi32, #tpu.memory_space<hbm>> -> memref<20x128xi32, #tpu.memory_space<hbm>>
        tpu.enqueue_dma source(%dma_start3A_75 : memref<20x128xi32, #tpu.memory_space<hbm>>) target(%dma_start3A_71 : memref<20x128xi32, #tpu.memory_space<vmem>>) target_semaphore(%run_scoped3A_61 : memref<!tpu.dma_semaphore, #tpu.memory_space<semaphore_mem>>)
        %dma_wait3A_76 = arith.constant 0 : i32
        %dma_wait3A_77 = arith.constant 0 : i32
        %dma_wait3A_78 = tpu.memref_slice %arg17[%dma_wait3A_76, %dma_wait3A_77] : memref<82x128xi32, #tpu.memory_space<vmem>> -> memref<20x128xi32, #tpu.memory_space<vmem>>
        %dma_wait3A_79 = arith.constant 0 : i32
        %dma_wait3A_80 = arith.constant 0 : i32
        %dma_wait3A_81 = tpu.memref_slice %arg6[%run_scoped3A_60, %dma_wait3A_79, %dma_wait3A_80] : memref<125x20x128xi32, #tpu.memory_space<hbm>> -> memref<1x20x128xi32, #tpu.memory_space<hbm>>
        %dma_wait3A_82 = tpu.memref_squeeze %dma_wait3A_81 : memref<1x20x128xi32, #tpu.memory_space<hbm>> -> memref<20x128xi32, #tpu.memory_space<hbm>>
        %dma_wait3A_83 = arith.constant 0 : i32
        %dma_wait3A_84 = arith.constant 0 : i32
        %dma_wait3A_85 = tpu.memref_slice %arg17[%dma_wait3A_83, %dma_wait3A_84] : memref<82x128xi32, #tpu.memory_space<vmem>> -> memref<20x128xi32, #tpu.memory_space<vmem>>
        %dma_wait3A_86 = arith.constant 0 : i32
        %dma_wait3A_87 = arith.constant 0 : i32
        %dma_wait3A_88 = tpu.memref_slice %arg6[%run_scoped3A_60, %dma_wait3A_86, %dma_wait3A_87] : memref<125x20x128xi32, #tpu.memory_space<hbm>> -> memref<1x20x128xi32, #tpu.memory_space<hbm>>
        %dma_wait3A_89 = tpu.memref_squeeze %dma_wait3A_88 : memref<1x20x128xi32, #tpu.memory_space<hbm>> -> memref<20x128xi32, #tpu.memory_space<hbm>>
        tpu.wait_dma2 semaphore(%run_scoped3A_61 : memref<!tpu.dma_semaphore, #tpu.memory_space<semaphore_mem>>) src(%dma_wait3A_89 : memref<20x128xi32, #tpu.memory_space<hbm>>) dst(%dma_wait3A_85 : memref<20x128xi32, #tpu.memory_space<vmem>>)
        tpu.yield
      }) : () -> ()
      "tpu.region"() ({
        %run_scoped3A_61 = tpu.sem_alloc : memref<!tpu.dma_semaphore, #tpu.memory_space<semaphore_mem>>
        %dma_start3A_62 = arith.constant 20 : i32
        %dma_start3A_63 = arith.constant 0 : i32
        %dma_start3A_64 = tpu.memref_slice %arg16[%dma_start3A_62, %dma_start3A_63] : memref<82x128xi32, #tpu.memory_space<vmem>> -> memref<62x128xi32, #tpu.memory_space<vmem>>
        %dma_start3A_65 = arith.constant 20 : i32
        %dma_start3A_66 = arith.constant 0 : i32
        %dma_start3A_67 = tpu.memref_slice %arg16[%dma_start3A_65, %dma_start3A_66] : memref<82x128xi32, #tpu.memory_space<vmem>> -> memref<62x128xi32, #tpu.memory_space<vmem>>
        tpu.enqueue_dma source(%arg9 : memref<62x128xi32, #tpu.memory_space<hbm>>) target(%dma_start3A_67 : memref<62x128xi32, #tpu.memory_space<vmem>>) target_semaphore(%run_scoped3A_61 : memref<!tpu.dma_semaphore, #tpu.memory_space<semaphore_mem>>)
        %dma_wait3A_68 = arith.constant 20 : i32
        %dma_wait3A_69 = arith.constant 0 : i32
        %dma_wait3A_70 = tpu.memref_slice %arg16[%dma_wait3A_68, %dma_wait3A_69] : memref<82x128xi32, #tpu.memory_space<vmem>> -> memref<62x128xi32, #tpu.memory_space<vmem>>
        %dma_wait3A_71 = arith.constant 20 : i32
        %dma_wait3A_72 = arith.constant 0 : i32
        %dma_wait3A_73 = tpu.memref_slice %arg16[%dma_wait3A_71, %dma_wait3A_72] : memref<82x128xi32, #tpu.memory_space<vmem>> -> memref<62x128xi32, #tpu.memory_space<vmem>>
        tpu.wait_dma2 semaphore(%run_scoped3A_61 : memref<!tpu.dma_semaphore, #tpu.memory_space<semaphore_mem>>) src(%arg9 : memref<62x128xi32, #tpu.memory_space<hbm>>) dst(%dma_wait3A_73 : memref<62x128xi32, #tpu.memory_space<vmem>>)
        tpu.yield
      }) : () -> ()
      "tpu.region"() ({
        %run_scoped3A_61 = tpu.sem_alloc : memref<!tpu.dma_semaphore, #tpu.memory_space<semaphore_mem>>
        %dma_start3A_62 = arith.constant 20 : i32
        %dma_start3A_63 = arith.constant 0 : i32
        %dma_start3A_64 = tpu.memref_slice %arg17[%dma_start3A_62, %dma_start3A_63] : memref<82x128xi32, #tpu.memory_space<vmem>> -> memref<62x128xi32, #tpu.memory_space<vmem>>
        %dma_start3A_65 = arith.constant 20 : i32
        %dma_start3A_66 = arith.constant 0 : i32
        %dma_start3A_67 = tpu.memref_slice %arg17[%dma_start3A_65, %dma_start3A_66] : memref<82x128xi32, #tpu.memory_space<vmem>> -> memref<62x128xi32, #tpu.memory_space<vmem>>
        tpu.enqueue_dma source(%arg10 : memref<62x128xi32, #tpu.memory_space<hbm>>) target(%dma_start3A_67 : memref<62x128xi32, #tpu.memory_space<vmem>>) target_semaphore(%run_scoped3A_61 : memref<!tpu.dma_semaphore, #tpu.memory_space<semaphore_mem>>)
        %dma_wait3A_68 = arith.constant 20 : i32
        %dma_wait3A_69 = arith.constant 0 : i32
        %dma_wait3A_70 = tpu.memref_slice %arg17[%dma_wait3A_68, %dma_wait3A_69] : memref<82x128xi32, #tpu.memory_space<vmem>> -> memref<62x128xi32, #tpu.memory_space<vmem>>
        %dma_wait3A_71 = arith.constant 20 : i32
        %dma_wait3A_72 = arith.constant 0 : i32
        %dma_wait3A_73 = tpu.memref_slice %arg17[%dma_wait3A_71, %dma_wait3A_72] : memref<82x128xi32, #tpu.memory_space<vmem>> -> memref<62x128xi32, #tpu.memory_space<vmem>>
        tpu.wait_dma2 semaphore(%run_scoped3A_61 : memref<!tpu.dma_semaphore, #tpu.memory_space<semaphore_mem>>) src(%arg10 : memref<62x128xi32, #tpu.memory_space<hbm>>) dst(%dma_wait3A_73 : memref<62x128xi32, #tpu.memory_space<vmem>>)
        tpu.yield
      }) : () -> ()
    } else {
    }
    %broadcast_in_dim3A = arith.constant 0.000000e+00 : f32
    %broadcast_in_dim3A_7 = vector.broadcast %broadcast_in_dim3A : f32 to vector<16xf32>
    %scan3A = arith.constant 0 : i32
    %scan3A_8 = arith.constant 0 : i32
    %scan3A_9 = arith.constant 640 : i32
    %scan3A_10 = arith.addi %scan3A_8, %scan3A_9 : i32
    %scan3A_11 = arith.constant 1 : i32
    scf.for %scan3A_60 = %scan3A_8 to %scan3A_10 step %scan3A_11  : i32 {
      %mul3A_61 = arith.constant 16 : i32
      %mul3A_62 = arith.muli %scan3A_60, %mul3A_61 : i32
      %swap3A = arith.index_cast %mul3A_62 : i32 to index
      %swap3A_63 = tpu.vector_load %arg15[%swap3A] {strides = array<i32>} : memref<10240xf32, #tpu.memory_space<vmem>>, vector<16xf32>,
      tpu.vector_store %arg15[%swap3A], %broadcast_in_dim3A_7 {strides = array<i32>} : memref<10240xf32, #tpu.memory_space<vmem>>, vector<16xf32>,
    }
    %scan3A_12 = arith.constant 640 : i32
    %scan3A_13 = arith.constant 0 : i32
    %scan3A_14 = arith.constant 0 : i32
    %scan3A_15 = arith.constant 128 : i32
    %scan3A_16 = arith.addi %scan3A_14, %scan3A_15 : i32
    %scan3A_17 = arith.constant 1 : i32
    scf.for %scan3A_60 = %scan3A_14 to %scan3A_16 step %scan3A_17  : i32 {
      %swap3A = arith.index_cast %scan3A_60 : i32 to index
      %swap3A_61 = arith.constant 0 : index
      %swap3A_62 = tpu.vector_load %arg19[%swap3A, %swap3A_61] {strides = array<i32>} : memref<128x16xf32, #tpu.memory_space<vmem>>, vector<16xf32>,
      tpu.vector_store %arg19[%swap3A, %swap3A_61], %broadcast_in_dim3A_7 {strides = array<i32>} : memref<128x16xf32, #tpu.memory_space<vmem>>, vector<16xf32>,
    }
    %scan3A_18 = arith.constant 128 : i32
    %scan3A_19 = arith.constant 0 : i32
    %scan3A_20 = arith.constant 0 : i32
    %scan3A_21 = arith.constant 5 : i32
    %scan3A_22 = arith.addi %scan3A_20, %scan3A_21 : i32
    %scan3A_23 = arith.constant 1 : i32
    scf.for %scan3A_60 = %scan3A_20 to %scan3A_22 step %scan3A_23  : i32 {
      %mul3A_61 = arith.constant 640 : i32
      %mul3A_62 = arith.muli %arg1, %mul3A_61 : i32
      %mul3A_63 = arith.constant 128 : i32
      %mul3A_64 = arith.muli %scan3A_60, %mul3A_63 : i32
      %add3A_65 = arith.addi %mul3A_62, %mul3A_64 : i32
      "tpu.region"() ({
        %run_scoped3A = tpu.sem_alloc : memref<!tpu.dma_semaphore, #tpu.memory_space<semaphore_mem>>
        %dma_start3A_66 = arith.constant 0 : i32
        %dma_start3A_67 = tpu.memref_slice %arg21[%add3A_65, %dma_start3A_66] : memref<10240x16xf32, #tpu.memory_space<vmem_shared>> -> memref<128x16xf32, #tpu.memory_space<vmem_shared>>
        %dma_start3A_68 = arith.constant 0 : i32
        %dma_start3A_69 = tpu.memref_slice %arg21[%add3A_65, %dma_start3A_68] : memref<10240x16xf32, #tpu.memory_space<vmem_shared>> -> memref<128x16xf32, #tpu.memory_space<vmem_shared>>
        tpu.enqueue_dma source(%arg19 : memref<128x16xf32, #tpu.memory_space<vmem>>) target(%dma_start3A_69 : memref<128x16xf32, #tpu.memory_space<vmem_shared>>) target_semaphore(%run_scoped3A : memref<!tpu.dma_semaphore, #tpu.memory_space<semaphore_mem>>)
        %dma_wait3A_70 = arith.constant 0 : i32
        %dma_wait3A_71 = tpu.memref_slice %arg21[%add3A_65, %dma_wait3A_70] : memref<10240x16xf32, #tpu.memory_space<vmem_shared>> -> memref<128x16xf32, #tpu.memory_space<vmem_shared>>
        %dma_wait3A_72 = arith.constant 0 : i32
        %dma_wait3A_73 = tpu.memref_slice %arg21[%add3A_65, %dma_wait3A_72] : memref<10240x16xf32, #tpu.memory_space<vmem_shared>> -> memref<128x16xf32, #tpu.memory_space<vmem_shared>>
        tpu.wait_dma2 semaphore(%run_scoped3A : memref<!tpu.dma_semaphore, #tpu.memory_space<semaphore_mem>>) src(%arg19 : memref<128x16xf32, #tpu.memory_space<vmem>>) dst(%dma_wait3A_73 : memref<128x16xf32, #tpu.memory_space<vmem_shared>>)
        tpu.yield
      }) : () -> ()
    }
    %scan3A_24 = arith.constant 5 : i32
    %barrier3A = arith.constant 0 : index
    tpu.barrier barrier_id(%barrier3A)
    %dma_start3A = arith.constant 0 : i32
    %dma_start3A_25 = arith.constant 0 : i32
    %dma_start3A_26 = tpu.memref_slice %arg16[%dma_start3A, %dma_start3A_25] : memref<82x128xi32, #tpu.memory_space<vmem>> -> memref<1x128xi32, #tpu.memory_space<vmem>>
    %dma_start3A_27 = tpu.memref_squeeze %dma_start3A_26 : memref<1x128xi32, #tpu.memory_space<vmem>> -> memref<128xi32, #tpu.memory_space<vmem>>
    %dma_start3A_28 = arith.constant 0 : i32
    %dma_start3A_29 = arith.constant 0 : i32
    %dma_start3A_30 = tpu.memref_slice %arg2[%dma_start3A_28, %dma_start3A_29] : memref<10000x16xf32, #tpu.memory_space<hbm>> -> memref<10000x16xf32, #tpu.memory_space<hbm>>
    tpu.enqueue_indirect_dma source(%dma_start3A_30 : memref<10000x16xf32, #tpu.memory_space<hbm>>) target(%arg19 : memref<128x16xf32, #tpu.memory_space<vmem>>) offsets(%dma_start3A_27 : memref<128xi32, #tpu.memory_space<vmem>>) semaphore(%arg22 : memref<!tpu.dma_semaphore, #tpu.memory_space<semaphore_mem>>)
    %scan3A_31 = arith.constant 0 : i32
    %scan3A_32 = arith.constant 0 : i32
    %scan3A_33 = arith.constant 41 : i32
    %scan3A_34 = arith.addi %scan3A_32, %scan3A_33 : i32
    %scan3A_35 = arith.constant 1 : i32
    scf.for %scan3A_60 = %scan3A_32 to %scan3A_34 step %scan3A_35  : i32 {
      %mul3A_61 = arith.constant 2 : i32
      %mul3A_62 = arith.muli %mul3A_61, %scan3A_60 : i32
      %add3A_63 = arith.constant 1 : i32
      %add3A_64 = arith.addi %mul3A_62, %add3A_63 : i32
      %scan3A_65 = arith.constant 0 : i32
      %scan3A_66 = arith.constant 0 : i32
      %scan3A_67 = arith.constant 8 : i32
      %scan3A_68 = arith.addi %scan3A_66, %scan3A_67 : i32
      %scan3A_69 = arith.constant 1 : i32
      scf.for %scan3A_128 = %scan3A_66 to %scan3A_68 step %scan3A_69  : i32 {
        %mul3A_129 = arith.constant 16 : i32
        %mul3A_130 = arith.muli %scan3A_128, %mul3A_129 : i32
        %get3A = arith.index_cast %mul3A_62 : i32 to index
        %get3A_131 = arith.index_cast %mul3A_130 : i32 to index
        %get3A_132 = tpu.vector_load %arg16[%get3A, %get3A_131] {strides = array<i32>} : memref<82x128xi32, #tpu.memory_space<vmem>>, vector<16xi32>,
        %get3A_133 = arith.index_cast %mul3A_62 : i32 to index
        %get3A_134 = arith.index_cast %mul3A_130 : i32 to index
        %get3A_135 = tpu.vector_load %arg17[%get3A_133, %get3A_134] {strides = array<i32>} : memref<82x128xi32, #tpu.memory_space<vmem>>, vector<16xi32>,
        %gather3A = tpu.vector_load_idx %arg13[%get3A_132] : memref<10240xf32, #tpu.memory_space<vmem>>[vector<16xi32>], vector<16xf32>,
        %gather3A_136 = tpu.vector_load_idx %arg14[%get3A_135] : memref<10240xf32, #tpu.memory_space<vmem>>[vector<16xi32>], vector<16xf32>,
        %add3A_137 = arith.addf %gather3A, %gather3A_136 : vector<16xf32>
        %mul3A_138 = arith.constant 2.000000e-01 : f32
        %mul3A_139 = vector.broadcast %mul3A_138 : f32 to vector<16xf32>
        %mul3A_140 = arith.mulf %add3A_137, %mul3A_139 : vector<16xf32>
        %max3A = arith.maximumf %add3A_137, %mul3A_140 : vector<16xf32>
        %exp3A = math.exp %max3A : vector<16xf32>
        %lt3A_141 = arith.constant 10000 : i32
        %lt3A_142 = vector.broadcast %lt3A_141 : i32 to vector<16xi32>
        %lt3A_143 = arith.cmpi slt, %get3A_135, %lt3A_142 : vector<16xi32>
        %jit3A = arith.constant 0.000000e+00 : f32
        %broadcast_in_dim3A_144 = vector.broadcast %jit3A : f32 to vector<16xf32>
        %select_n3A = arith.select %lt3A_143, %exp3A, %broadcast_in_dim3A_144 : vector<16xi1>, vector<16xf32>
        tpu.vector_store_idx %arg15[%get3A_135], %select_n3A {add = true} : memref<10240xf32, #tpu.memory_space<vmem>>[vector<16xi32>], vector<16xf32>,
        %swap3A = arith.index_cast %mul3A_130 : i32 to index
        %swap3A_145 = tpu.vector_load %arg18[%swap3A] {strides = array<i32>} : memref<128xf32, #tpu.memory_space<vmem>>, vector<16xf32>,
        tpu.vector_store %arg18[%swap3A], %select_n3A {strides = array<i32>} : memref<128xf32, #tpu.memory_space<vmem>>, vector<16xf32>,
      }
      %scan3A_70 = arith.constant 8 : i32
      %gt3A = arith.constant 0 : i32
      %gt3A_71 = arith.cmpi sgt, %scan3A_60, %gt3A : i32
      %convert_element_type3A_72 = arith.extui %gt3A_71 : i1 to i32
      %cond3A_73 = arith.constant 0 : i32
      %cond3A_74 = arith.cmpi ne, %convert_element_type3A_72, %cond3A_73 : i32
      scf.if %cond3A_74 {
        %sub3A = arith.constant 1 : i32
        %sub3A_128 = arith.subi %mul3A_62, %sub3A : i32
        %dma_wait3A_129 = arith.constant 0 : i32
        %dma_wait3A_130 = tpu.memref_slice %arg17[%sub3A_128, %dma_wait3A_129] : memref<82x128xi32, #tpu.memory_space<vmem>> -> memref<1x128xi32, #tpu.memory_space<vmem>>
        %dma_wait3A_131 = tpu.memref_squeeze %dma_wait3A_130 : memref<1x128xi32, #tpu.memory_space<vmem>> -> memref<128xi32, #tpu.memory_space<vmem>>
        %dma_wait3A_132 = arith.constant 0 : i32
        %dma_wait3A_133 = arith.constant 0 : i32
        %dma_wait3A_134 = tpu.memref_slice %arg21[%dma_wait3A_132, %dma_wait3A_133] : memref<10240x16xf32, #tpu.memory_space<vmem_shared>> -> memref<10240x16xf32, #tpu.memory_space<vmem_shared>>
        tpu.wait_indirect_dma semaphore(%arg25 : memref<!tpu.dma_semaphore, #tpu.memory_space<semaphore_mem>>) src(%arg20 : memref<128x16xf32, #tpu.memory_space<vmem>>) dst(%dma_wait3A_134 : memref<10240x16xf32, #tpu.memory_space<vmem_shared>>)
      } else {
      }
      %dma_start3A_75 = arith.constant 0 : i32
      %dma_start3A_76 = tpu.memref_slice %arg16[%add3A_64, %dma_start3A_75] : memref<82x128xi32, #tpu.memory_space<vmem>> -> memref<1x128xi32, #tpu.memory_space<vmem>>
      %dma_start3A_77 = tpu.memref_squeeze %dma_start3A_76 : memref<1x128xi32, #tpu.memory_space<vmem>> -> memref<128xi32, #tpu.memory_space<vmem>>
      %dma_start3A_78 = arith.constant 0 : i32
      %dma_start3A_79 = arith.constant 0 : i32
      %dma_start3A_80 = tpu.memref_slice %arg2[%dma_start3A_78, %dma_start3A_79] : memref<10000x16xf32, #tpu.memory_space<hbm>> -> memref<10000x16xf32, #tpu.memory_space<hbm>>
      tpu.enqueue_indirect_dma source(%dma_start3A_80 : memref<10000x16xf32, #tpu.memory_space<hbm>>) target(%arg20 : memref<128x16xf32, #tpu.memory_space<vmem>>) offsets(%dma_start3A_77 : memref<128xi32, #tpu.memory_space<vmem>>) semaphore(%arg23 : memref<!tpu.dma_semaphore, #tpu.memory_space<semaphore_mem>>)
      %dma_wait3A_81 = arith.constant 0 : i32
      %dma_wait3A_82 = tpu.memref_slice %arg16[%mul3A_62, %dma_wait3A_81] : memref<82x128xi32, #tpu.memory_space<vmem>> -> memref<1x128xi32, #tpu.memory_space<vmem>>
      %dma_wait3A_83 = tpu.memref_squeeze %dma_wait3A_82 : memref<1x128xi32, #tpu.memory_space<vmem>> -> memref<128xi32, #tpu.memory_space<vmem>>
      %dma_wait3A_84 = arith.constant 0 : i32
      %dma_wait3A_85 = arith.constant 0 : i32
      %dma_wait3A_86 = tpu.memref_slice %arg2[%dma_wait3A_84, %dma_wait3A_85] : memref<10000x16xf32, #tpu.memory_space<hbm>> -> memref<10000x16xf32, #tpu.memory_space<hbm>>
      tpu.wait_indirect_dma semaphore(%arg22 : memref<!tpu.dma_semaphore, #tpu.memory_space<semaphore_mem>>) src(%dma_wait3A_86 : memref<10000x16xf32, #tpu.memory_space<hbm>>) dst(%arg19 : memref<128x16xf32, #tpu.memory_space<vmem>>)
      %scan3A_87 = arith.constant 0 : i32
      %scan3A_88 = arith.constant 0 : i32
      %scan3A_89 = arith.constant 8 : i32
      %scan3A_90 = arith.addi %scan3A_88, %scan3A_89 : i32
      %scan3A_91 = arith.constant 1 : i32
      scf.for %scan3A_128 = %scan3A_88 to %scan3A_90 step %scan3A_91  : i32 {
        %mul3A_129 = arith.constant 16 : i32
        %mul3A_130 = arith.muli %scan3A_128, %mul3A_129 : i32
        %get3A = arith.index_cast %mul3A_130 : i32 to index
        %get3A_131 = tpu.vector_load %arg18[%get3A] {strides = array<i32>} : memref<128xf32, #tpu.memory_space<vmem>>, vector<16xf32>,
        %mul3A_132 = arith.constant 16 : i32
        %mul3A_133 = arith.muli %scan3A_128, %mul3A_132 : i32
        %add3A_134 = arith.constant 0 : i32
        %add3A_135 = arith.addi %mul3A_133, %add3A_134 : i32
        %get3A_136 = arith.index_cast %add3A_135 : i32 to index
        %get3A_137 = arith.constant 0 : index
        %get3A_138 = tpu.vector_load %arg19[%get3A_136, %get3A_137] {strides = array<i32>} : memref<128x16xf32, #tpu.memory_space<vmem>>, vector<16xf32>,
        %slice3A = vector.extract_strided_slice %get3A_131 {offsets = [0], sizes = [1], strides = [1]} : vector<16xf32> to vector<1xf32>
        %squeeze3A = vector.extract %slice3A[0] : f32 from vector<1xf32>
        %mul3A_139 = vector.broadcast %squeeze3A : f32 to vector<16xf32>
        %mul3A_140 = arith.mulf %get3A_138, %mul3A_139 : vector<16xf32>
        %swap3A = arith.index_cast %add3A_135 : i32 to index
        %swap3A_141 = arith.constant 0 : index
        %swap3A_142 = tpu.vector_load %arg19[%swap3A, %swap3A_141] {strides = array<i32>} : memref<128x16xf32, #tpu.memory_space<vmem>>, vector<16xf32>,
        tpu.vector_store %arg19[%swap3A, %swap3A_141], %mul3A_140 {strides = array<i32>} : memref<128x16xf32, #tpu.memory_space<vmem>>, vector<16xf32>,
        %mul3A_143 = arith.constant 16 : i32
        %mul3A_144 = arith.muli %scan3A_128, %mul3A_143 : i32
        %add3A_145 = arith.constant 1 : i32
        %add3A_146 = arith.addi %mul3A_144, %add3A_145 : i32
        %get3A_147 = arith.index_cast %add3A_146 : i32 to index
        %get3A_148 = arith.constant 0 : index
        %get3A_149 = tpu.vector_load %arg19[%get3A_147, %get3A_148] {strides = array<i32>} : memref<128x16xf32, #tpu.memory_space<vmem>>, vector<16xf32>,
        %slice3A_150 = vector.extract_strided_slice %get3A_131 {offsets = [1], sizes = [1], strides = [1]} : vector<16xf32> to vector<1xf32>
        %squeeze3A_151 = vector.extract %slice3A_150[0] : f32 from vector<1xf32>
        %mul3A_152 = vector.broadcast %squeeze3A_151 : f32 to vector<16xf32>
        %mul3A_153 = arith.mulf %get3A_149, %mul3A_152 : vector<16xf32>
        %swap3A_154 = arith.index_cast %add3A_146 : i32 to index
        %swap3A_155 = arith.constant 0 : index
        %swap3A_156 = tpu.vector_load %arg19[%swap3A_154, %swap3A_155] {strides = array<i32>} : memref<128x16xf32, #tpu.memory_space<vmem>>, vector<16xf32>,
        tpu.vector_store %arg19[%swap3A_154, %swap3A_155], %mul3A_153 {strides = array<i32>} : memref<128x16xf32, #tpu.memory_space<vmem>>, vector<16xf32>,
        %mul3A_157 = arith.constant 16 : i32
        %mul3A_158 = arith.muli %scan3A_128, %mul3A_157 : i32
        %add3A_159 = arith.constant 2 : i32
        %add3A_160 = arith.addi %mul3A_158, %add3A_159 : i32
        %get3A_161 = arith.index_cast %add3A_160 : i32 to index
        %get3A_162 = arith.constant 0 : index
        %get3A_163 = tpu.vector_load %arg19[%get3A_161, %get3A_162] {strides = array<i32>} : memref<128x16xf32, #tpu.memory_space<vmem>>, vector<16xf32>,
        %slice3A_164 = vector.extract_strided_slice %get3A_131 {offsets = [2], sizes = [1], strides = [1]} : vector<16xf32> to vector<1xf32>
        %squeeze3A_165 = vector.extract %slice3A_164[0] : f32 from vector<1xf32>
        %mul3A_166 = vector.broadcast %squeeze3A_165 : f32 to vector<16xf32>
        %mul3A_167 = arith.mulf %get3A_163, %mul3A_166 : vector<16xf32>
        %swap3A_168 = arith.index_cast %add3A_160 : i32 to index
        %swap3A_169 = arith.constant 0 : index
        %swap3A_170 = tpu.vector_load %arg19[%swap3A_168, %swap3A_169] {strides = array<i32>} : memref<128x16xf32, #tpu.memory_space<vmem>>, vector<16xf32>,
        tpu.vector_store %arg19[%swap3A_168, %swap3A_169], %mul3A_167 {strides = array<i32>} : memref<128x16xf32, #tpu.memory_space<vmem>>, vector<16xf32>,
        %mul3A_171 = arith.constant 16 : i32
        %mul3A_172 = arith.muli %scan3A_128, %mul3A_171 : i32
        %add3A_173 = arith.constant 3 : i32
        %add3A_174 = arith.addi %mul3A_172, %add3A_173 : i32
        %get3A_175 = arith.index_cast %add3A_174 : i32 to index
        %get3A_176 = arith.constant 0 : index
        %get3A_177 = tpu.vector_load %arg19[%get3A_175, %get3A_176] {strides = array<i32>} : memref<128x16xf32, #tpu.memory_space<vmem>>, vector<16xf32>,
        %slice3A_178 = vector.extract_strided_slice %get3A_131 {offsets = [3], sizes = [1], strides = [1]} : vector<16xf32> to vector<1xf32>
        %squeeze3A_179 = vector.extract %slice3A_178[0] : f32 from vector<1xf32>
        %mul3A_180 = vector.broadcast %squeeze3A_179 : f32 to vector<16xf32>
        %mul3A_181 = arith.mulf %get3A_177, %mul3A_180 : vector<16xf32>
        %swap3A_182 = arith.index_cast %add3A_174 : i32 to index
        %swap3A_183 = arith.constant 0 : index
        %swap3A_184 = tpu.vector_load %arg19[%swap3A_182, %swap3A_183] {strides = array<i32>} : memref<128x16xf32, #tpu.memory_space<vmem>>, vector<16xf32>,
        tpu.vector_store %arg19[%swap3A_182, %swap3A_183], %mul3A_181 {strides = array<i32>} : memref<128x16xf32, #tpu.memory_space<vmem>>, vector<16xf32>,
        %mul3A_185 = arith.constant 16 : i32
        %mul3A_186 = arith.muli %scan3A_128, %mul3A_185 : i32
        %add3A_187 = arith.constant 4 : i32
        %add3A_188 = arith.addi %mul3A_186, %add3A_187 : i32
        %get3A_189 = arith.index_cast %add3A_188 : i32 to index
        %get3A_190 = arith.constant 0 : index
        %get3A_191 = tpu.vector_load %arg19[%get3A_189, %get3A_190] {strides = array<i32>} : memref<128x16xf32, #tpu.memory_space<vmem>>, vector<16xf32>,
        %slice3A_192 = vector.extract_strided_slice %get3A_131 {offsets = [4], sizes = [1], strides = [1]} : vector<16xf32> to vector<1xf32>
        %squeeze3A_193 = vector.extract %slice3A_192[0] : f32 from vector<1xf32>
        %mul3A_194 = vector.broadcast %squeeze3A_193 : f32 to vector<16xf32>
        %mul3A_195 = arith.mulf %get3A_191, %mul3A_194 : vector<16xf32>
        %swap3A_196 = arith.index_cast %add3A_188 : i32 to index
        %swap3A_197 = arith.constant 0 : index
        %swap3A_198 = tpu.vector_load %arg19[%swap3A_196, %swap3A_197] {strides = array<i32>} : memref<128x16xf32, #tpu.memory_space<vmem>>, vector<16xf32>,
        tpu.vector_store %arg19[%swap3A_196, %swap3A_197], %mul3A_195 {strides = array<i32>} : memref<128x16xf32, #tpu.memory_space<vmem>>, vector<16xf32>,
        %mul3A_199 = arith.constant 16 : i32
        %mul3A_200 = arith.muli %scan3A_128, %mul3A_199 : i32
        %add3A_201 = arith.constant 5 : i32
        %add3A_202 = arith.addi %mul3A_200, %add3A_201 : i32
        %get3A_203 = arith.index_cast %add3A_202 : i32 to index
        %get3A_204 = arith.constant 0 : index
        %get3A_205 = tpu.vector_load %arg19[%get3A_203, %get3A_204] {strides = array<i32>} : memref<128x16xf32, #tpu.memory_space<vmem>>, vector<16xf32>,
        %slice3A_206 = vector.extract_strided_slice %get3A_131 {offsets = [5], sizes = [1], strides = [1]} : vector<16xf32> to vector<1xf32>
        %squeeze3A_207 = vector.extract %slice3A_206[0] : f32 from vector<1xf32>
        %mul3A_208 = vector.broadcast %squeeze3A_207 : f32 to vector<16xf32>
        %mul3A_209 = arith.mulf %get3A_205, %mul3A_208 : vector<16xf32>
        %swap3A_210 = arith.index_cast %add3A_202 : i32 to index
        %swap3A_211 = arith.constant 0 : index
        %swap3A_212 = tpu.vector_load %arg19[%swap3A_210, %swap3A_211] {strides = array<i32>} : memref<128x16xf32, #tpu.memory_space<vmem>>, vector<16xf32>,
        tpu.vector_store %arg19[%swap3A_210, %swap3A_211], %mul3A_209 {strides = array<i32>} : memref<128x16xf32, #tpu.memory_space<vmem>>, vector<16xf32>,
        %mul3A_213 = arith.constant 16 : i32
        %mul3A_214 = arith.muli %scan3A_128, %mul3A_213 : i32
        %add3A_215 = arith.constant 6 : i32
        %add3A_216 = arith.addi %mul3A_214, %add3A_215 : i32
        %get3A_217 = arith.index_cast %add3A_216 : i32 to index
        %get3A_218 = arith.constant 0 : index
        %get3A_219 = tpu.vector_load %arg19[%get3A_217, %get3A_218] {strides = array<i32>} : memref<128x16xf32, #tpu.memory_space<vmem>>, vector<16xf32>,
        %slice3A_220 = vector.extract_strided_slice %get3A_131 {offsets = [6], sizes = [1], strides = [1]} : vector<16xf32> to vector<1xf32>
        %squeeze3A_221 = vector.extract %slice3A_220[0] : f32 from vector<1xf32>
        %mul3A_222 = vector.broadcast %squeeze3A_221 : f32 to vector<16xf32>
        %mul3A_223 = arith.mulf %get3A_219, %mul3A_222 : vector<16xf32>
        %swap3A_224 = arith.index_cast %add3A_216 : i32 to index
        %swap3A_225 = arith.constant 0 : index
        %swap3A_226 = tpu.vector_load %arg19[%swap3A_224, %swap3A_225] {strides = array<i32>} : memref<128x16xf32, #tpu.memory_space<vmem>>, vector<16xf32>,
        tpu.vector_store %arg19[%swap3A_224, %swap3A_225], %mul3A_223 {strides = array<i32>} : memref<128x16xf32, #tpu.memory_space<vmem>>, vector<16xf32>,
        %mul3A_227 = arith.constant 16 : i32
        %mul3A_228 = arith.muli %scan3A_128, %mul3A_227 : i32
        %add3A_229 = arith.constant 7 : i32
        %add3A_230 = arith.addi %mul3A_228, %add3A_229 : i32
        %get3A_231 = arith.index_cast %add3A_230 : i32 to index
        %get3A_232 = arith.constant 0 : index
        %get3A_233 = tpu.vector_load %arg19[%get3A_231, %get3A_232] {strides = array<i32>} : memref<128x16xf32, #tpu.memory_space<vmem>>, vector<16xf32>,
        %slice3A_234 = vector.extract_strided_slice %get3A_131 {offsets = [7], sizes = [1], strides = [1]} : vector<16xf32> to vector<1xf32>
        %squeeze3A_235 = vector.extract %slice3A_234[0] : f32 from vector<1xf32>
        %mul3A_236 = vector.broadcast %squeeze3A_235 : f32 to vector<16xf32>
        %mul3A_237 = arith.mulf %get3A_233, %mul3A_236 : vector<16xf32>
        %swap3A_238 = arith.index_cast %add3A_230 : i32 to index
        %swap3A_239 = arith.constant 0 : index
        %swap3A_240 = tpu.vector_load %arg19[%swap3A_238, %swap3A_239] {strides = array<i32>} : memref<128x16xf32, #tpu.memory_space<vmem>>, vector<16xf32>,
        tpu.vector_store %arg19[%swap3A_238, %swap3A_239], %mul3A_237 {strides = array<i32>} : memref<128x16xf32, #tpu.memory_space<vmem>>, vector<16xf32>,
        %mul3A_241 = arith.constant 16 : i32
        %mul3A_242 = arith.muli %scan3A_128, %mul3A_241 : i32
        %add3A_243 = arith.constant 8 : i32
        %add3A_244 = arith.addi %mul3A_242, %add3A_243 : i32
        %get3A_245 = arith.index_cast %add3A_244 : i32 to index
        %get3A_246 = arith.constant 0 : index
        %get3A_247 = tpu.vector_load %arg19[%get3A_245, %get3A_246] {strides = array<i32>} : memref<128x16xf32, #tpu.memory_space<vmem>>, vector<16xf32>,
        %slice3A_248 = vector.extract_strided_slice %get3A_131 {offsets = [8], sizes = [1], strides = [1]} : vector<16xf32> to vector<1xf32>
        %squeeze3A_249 = vector.extract %slice3A_248[0] : f32 from vector<1xf32>
        %mul3A_250 = vector.broadcast %squeeze3A_249 : f32 to vector<16xf32>
        %mul3A_251 = arith.mulf %get3A_247, %mul3A_250 : vector<16xf32>
        %swap3A_252 = arith.index_cast %add3A_244 : i32 to index
        %swap3A_253 = arith.constant 0 : index
        %swap3A_254 = tpu.vector_load %arg19[%swap3A_252, %swap3A_253] {strides = array<i32>} : memref<128x16xf32, #tpu.memory_space<vmem>>, vector<16xf32>,
        tpu.vector_store %arg19[%swap3A_252, %swap3A_253], %mul3A_251 {strides = array<i32>} : memref<128x16xf32, #tpu.memory_space<vmem>>, vector<16xf32>,
        %mul3A_255 = arith.constant 16 : i32
        %mul3A_256 = arith.muli %scan3A_128, %mul3A_255 : i32
        %add3A_257 = arith.constant 9 : i32
        %add3A_258 = arith.addi %mul3A_256, %add3A_257 : i32
        %get3A_259 = arith.index_cast %add3A_258 : i32 to index
        %get3A_260 = arith.constant 0 : index
        %get3A_261 = tpu.vector_load %arg19[%get3A_259, %get3A_260] {strides = array<i32>} : memref<128x16xf32, #tpu.memory_space<vmem>>, vector<16xf32>,
        %slice3A_262 = vector.extract_strided_slice %get3A_131 {offsets = [9], sizes = [1], strides = [1]} : vector<16xf32> to vector<1xf32>
        %squeeze3A_263 = vector.extract %slice3A_262[0] : f32 from vector<1xf32>
        %mul3A_264 = vector.broadcast %squeeze3A_263 : f32 to vector<16xf32>
        %mul3A_265 = arith.mulf %get3A_261, %mul3A_264 : vector<16xf32>
        %swap3A_266 = arith.index_cast %add3A_258 : i32 to index
        %swap3A_267 = arith.constant 0 : index
        %swap3A_268 = tpu.vector_load %arg19[%swap3A_266, %swap3A_267] {strides = array<i32>} : memref<128x16xf32, #tpu.memory_space<vmem>>, vector<16xf32>,
        tpu.vector_store %arg19[%swap3A_266, %swap3A_267], %mul3A_265 {strides = array<i32>} : memref<128x16xf32, #tpu.memory_space<vmem>>, vector<16xf32>,
        %mul3A_269 = arith.constant 16 : i32
        %mul3A_270 = arith.muli %scan3A_128, %mul3A_269 : i32
        %add3A_271 = arith.constant 10 : i32
        %add3A_272 = arith.addi %mul3A_270, %add3A_271 : i32
        %get3A_273 = arith.index_cast %add3A_272 : i32 to index
        %get3A_274 = arith.constant 0 : index
        %get3A_275 = tpu.vector_load %arg19[%get3A_273, %get3A_274] {strides = array<i32>} : memref<128x16xf32, #tpu.memory_space<vmem>>, vector<16xf32>,
        %slice3A_276 = vector.extract_strided_slice %get3A_131 {offsets = [10], sizes = [1], strides = [1]} : vector<16xf32> to vector<1xf32>
        %squeeze3A_277 = vector.extract %slice3A_276[0] : f32 from vector<1xf32>
        %mul3A_278 = vector.broadcast %squeeze3A_277 : f32 to vector<16xf32>
        %mul3A_279 = arith.mulf %get3A_275, %mul3A_278 : vector<16xf32>
        %swap3A_280 = arith.index_cast %add3A_272 : i32 to index
        %swap3A_281 = arith.constant 0 : index
        %swap3A_282 = tpu.vector_load %arg19[%swap3A_280, %swap3A_281] {strides = array<i32>} : memref<128x16xf32, #tpu.memory_space<vmem>>, vector<16xf32>,
        tpu.vector_store %arg19[%swap3A_280, %swap3A_281], %mul3A_279 {strides = array<i32>} : memref<128x16xf32, #tpu.memory_space<vmem>>, vector<16xf32>,
        %mul3A_283 = arith.constant 16 : i32
        %mul3A_284 = arith.muli %scan3A_128, %mul3A_283 : i32
        %add3A_285 = arith.constant 11 : i32
        %add3A_286 = arith.addi %mul3A_284, %add3A_285 : i32
        %get3A_287 = arith.index_cast %add3A_286 : i32 to index
        %get3A_288 = arith.constant 0 : index
        %get3A_289 = tpu.vector_load %arg19[%get3A_287, %get3A_288] {strides = array<i32>} : memref<128x16xf32, #tpu.memory_space<vmem>>, vector<16xf32>,
        %slice3A_290 = vector.extract_strided_slice %get3A_131 {offsets = [11], sizes = [1], strides = [1]} : vector<16xf32> to vector<1xf32>
        %squeeze3A_291 = vector.extract %slice3A_290[0] : f32 from vector<1xf32>
        %mul3A_292 = vector.broadcast %squeeze3A_291 : f32 to vector<16xf32>
        %mul3A_293 = arith.mulf %get3A_289, %mul3A_292 : vector<16xf32>
        %swap3A_294 = arith.index_cast %add3A_286 : i32 to index
        %swap3A_295 = arith.constant 0 : index
        %swap3A_296 = tpu.vector_load %arg19[%swap3A_294, %swap3A_295] {strides = array<i32>} : memref<128x16xf32, #tpu.memory_space<vmem>>, vector<16xf32>,
        tpu.vector_store %arg19[%swap3A_294, %swap3A_295], %mul3A_293 {strides = array<i32>} : memref<128x16xf32, #tpu.memory_space<vmem>>, vector<16xf32>,
        %mul3A_297 = arith.constant 16 : i32
        %mul3A_298 = arith.muli %scan3A_128, %mul3A_297 : i32
        %add3A_299 = arith.constant 12 : i32
        %add3A_300 = arith.addi %mul3A_298, %add3A_299 : i32
        %get3A_301 = arith.index_cast %add3A_300 : i32 to index
        %get3A_302 = arith.constant 0 : index
        %get3A_303 = tpu.vector_load %arg19[%get3A_301, %get3A_302] {strides = array<i32>} : memref<128x16xf32, #tpu.memory_space<vmem>>, vector<16xf32>,
        %slice3A_304 = vector.extract_strided_slice %get3A_131 {offsets = [12], sizes = [1], strides = [1]} : vector<16xf32> to vector<1xf32>
        %squeeze3A_305 = vector.extract %slice3A_304[0] : f32 from vector<1xf32>
        %mul3A_306 = vector.broadcast %squeeze3A_305 : f32 to vector<16xf32>
        %mul3A_307 = arith.mulf %get3A_303, %mul3A_306 : vector<16xf32>
        %swap3A_308 = arith.index_cast %add3A_300 : i32 to index
        %swap3A_309 = arith.constant 0 : index
        %swap3A_310 = tpu.vector_load %arg19[%swap3A_308, %swap3A_309] {strides = array<i32>} : memref<128x16xf32, #tpu.memory_space<vmem>>, vector<16xf32>,
        tpu.vector_store %arg19[%swap3A_308, %swap3A_309], %mul3A_307 {strides = array<i32>} : memref<128x16xf32, #tpu.memory_space<vmem>>, vector<16xf32>,
        %mul3A_311 = arith.constant 16 : i32
        %mul3A_312 = arith.muli %scan3A_128, %mul3A_311 : i32
        %add3A_313 = arith.constant 13 : i32
        %add3A_314 = arith.addi %mul3A_312, %add3A_313 : i32
        %get3A_315 = arith.index_cast %add3A_314 : i32 to index
        %get3A_316 = arith.constant 0 : index
        %get3A_317 = tpu.vector_load %arg19[%get3A_315, %get3A_316] {strides = array<i32>} : memref<128x16xf32, #tpu.memory_space<vmem>>, vector<16xf32>,
        %slice3A_318 = vector.extract_strided_slice %get3A_131 {offsets = [13], sizes = [1], strides = [1]} : vector<16xf32> to vector<1xf32>
        %squeeze3A_319 = vector.extract %slice3A_318[0] : f32 from vector<1xf32>
        %mul3A_320 = vector.broadcast %squeeze3A_319 : f32 to vector<16xf32>
        %mul3A_321 = arith.mulf %get3A_317, %mul3A_320 : vector<16xf32>
        %swap3A_322 = arith.index_cast %add3A_314 : i32 to index
        %swap3A_323 = arith.constant 0 : index
        %swap3A_324 = tpu.vector_load %arg19[%swap3A_322, %swap3A_323] {strides = array<i32>} : memref<128x16xf32, #tpu.memory_space<vmem>>, vector<16xf32>,
        tpu.vector_store %arg19[%swap3A_322, %swap3A_323], %mul3A_321 {strides = array<i32>} : memref<128x16xf32, #tpu.memory_space<vmem>>, vector<16xf32>,
        %mul3A_325 = arith.constant 16 : i32
        %mul3A_326 = arith.muli %scan3A_128, %mul3A_325 : i32
        %add3A_327 = arith.constant 14 : i32
        %add3A_328 = arith.addi %mul3A_326, %add3A_327 : i32
        %get3A_329 = arith.index_cast %add3A_328 : i32 to index
        %get3A_330 = arith.constant 0 : index
        %get3A_331 = tpu.vector_load %arg19[%get3A_329, %get3A_330] {strides = array<i32>} : memref<128x16xf32, #tpu.memory_space<vmem>>, vector<16xf32>,
        %slice3A_332 = vector.extract_strided_slice %get3A_131 {offsets = [14], sizes = [1], strides = [1]} : vector<16xf32> to vector<1xf32>
        %squeeze3A_333 = vector.extract %slice3A_332[0] : f32 from vector<1xf32>
        %mul3A_334 = vector.broadcast %squeeze3A_333 : f32 to vector<16xf32>
        %mul3A_335 = arith.mulf %get3A_331, %mul3A_334 : vector<16xf32>
        %swap3A_336 = arith.index_cast %add3A_328 : i32 to index
        %swap3A_337 = arith.constant 0 : index
        %swap3A_338 = tpu.vector_load %arg19[%swap3A_336, %swap3A_337] {strides = array<i32>} : memref<128x16xf32, #tpu.memory_space<vmem>>, vector<16xf32>,
        tpu.vector_store %arg19[%swap3A_336, %swap3A_337], %mul3A_335 {strides = array<i32>} : memref<128x16xf32, #tpu.memory_space<vmem>>, vector<16xf32>,
        %mul3A_339 = arith.constant 16 : i32
        %mul3A_340 = arith.muli %scan3A_128, %mul3A_339 : i32
        %add3A_341 = arith.constant 15 : i32
        %add3A_342 = arith.addi %mul3A_340, %add3A_341 : i32
        %get3A_343 = arith.index_cast %add3A_342 : i32 to index
        %get3A_344 = arith.constant 0 : index
        %get3A_345 = tpu.vector_load %arg19[%get3A_343, %get3A_344] {strides = array<i32>} : memref<128x16xf32, #tpu.memory_space<vmem>>, vector<16xf32>,
        %slice3A_346 = vector.extract_strided_slice %get3A_131 {offsets = [15], sizes = [1], strides = [1]} : vector<16xf32> to vector<1xf32>
        %squeeze3A_347 = vector.extract %slice3A_346[0] : f32 from vector<1xf32>
        %mul3A_348 = vector.broadcast %squeeze3A_347 : f32 to vector<16xf32>
        %mul3A_349 = arith.mulf %get3A_345, %mul3A_348 : vector<16xf32>
        %swap3A_350 = arith.index_cast %add3A_342 : i32 to index
        %swap3A_351 = arith.constant 0 : index
        %swap3A_352 = tpu.vector_load %arg19[%swap3A_350, %swap3A_351] {strides = array<i32>} : memref<128x16xf32, #tpu.memory_space<vmem>>, vector<16xf32>,
        tpu.vector_store %arg19[%swap3A_350, %swap3A_351], %mul3A_349 {strides = array<i32>} : memref<128x16xf32, #tpu.memory_space<vmem>>, vector<16xf32>,
      }
      %scan3A_92 = arith.constant 8 : i32
      %dma_start3A_93 = arith.constant 0 : i32
      %dma_start3A_94 = tpu.memref_slice %arg17[%mul3A_62, %dma_start3A_93] : memref<82x128xi32, #tpu.memory_space<vmem>> -> memref<1x128xi32, #tpu.memory_space<vmem>>
      %dma_start3A_95 = tpu.memref_squeeze %dma_start3A_94 : memref<1x128xi32, #tpu.memory_space<vmem>> -> memref<128xi32, #tpu.memory_space<vmem>>
      %dma_start3A_96 = arith.constant 0 : i32
      %dma_start3A_97 = arith.constant 0 : i32
      %dma_start3A_98 = tpu.memref_slice %arg21[%dma_start3A_96, %dma_start3A_97] : memref<10240x16xf32, #tpu.memory_space<vmem_shared>> -> memref<10240x16xf32, #tpu.memory_space<vmem_shared>>
      tpu.enqueue_indirect_dma source(%arg19 : memref<128x16xf32, #tpu.memory_space<vmem>>) target(%dma_start3A_98 : memref<10240x16xf32, #tpu.memory_space<vmem_shared>>) offsets(%dma_start3A_95 : memref<128xi32, #tpu.memory_space<vmem>>) semaphore(%arg24 : memref<!tpu.dma_semaphore, #tpu.memory_space<semaphore_mem>>) {add = true}
      %scan3A_99 = arith.constant 0 : i32
      %scan3A_100 = arith.constant 0 : i32
      %scan3A_101 = arith.constant 8 : i32
      %scan3A_102 = arith.addi %scan3A_100, %scan3A_101 : i32
      %scan3A_103 = arith.constant 1 : i32
      scf.for %scan3A_128 = %scan3A_100 to %scan3A_102 step %scan3A_103  : i32 {
        %mul3A_129 = arith.constant 16 : i32
        %mul3A_130 = arith.muli %scan3A_128, %mul3A_129 : i32
        %get3A = arith.index_cast %add3A_64 : i32 to index
        %get3A_131 = arith.index_cast %mul3A_130 : i32 to index
        %get3A_132 = tpu.vector_load %arg16[%get3A, %get3A_131] {strides = array<i32>} : memref<82x128xi32, #tpu.memory_space<vmem>>, vector<16xi32>,
        %get3A_133 = arith.index_cast %add3A_64 : i32 to index
        %get3A_134 = arith.index_cast %mul3A_130 : i32 to index
        %get3A_135 = tpu.vector_load %arg17[%get3A_133, %get3A_134] {strides = array<i32>} : memref<82x128xi32, #tpu.memory_space<vmem>>, vector<16xi32>,
        %gather3A = tpu.vector_load_idx %arg13[%get3A_132] : memref<10240xf32, #tpu.memory_space<vmem>>[vector<16xi32>], vector<16xf32>,
        %gather3A_136 = tpu.vector_load_idx %arg14[%get3A_135] : memref<10240xf32, #tpu.memory_space<vmem>>[vector<16xi32>], vector<16xf32>,
        %add3A_137 = arith.addf %gather3A, %gather3A_136 : vector<16xf32>
        %mul3A_138 = arith.constant 2.000000e-01 : f32
        %mul3A_139 = vector.broadcast %mul3A_138 : f32 to vector<16xf32>
        %mul3A_140 = arith.mulf %add3A_137, %mul3A_139 : vector<16xf32>
        %max3A = arith.maximumf %add3A_137, %mul3A_140 : vector<16xf32>
        %exp3A = math.exp %max3A : vector<16xf32>
        %lt3A_141 = arith.constant 10000 : i32
        %lt3A_142 = vector.broadcast %lt3A_141 : i32 to vector<16xi32>
        %lt3A_143 = arith.cmpi slt, %get3A_135, %lt3A_142 : vector<16xi32>
        %jit3A = arith.constant 0.000000e+00 : f32
        %broadcast_in_dim3A_144 = vector.broadcast %jit3A : f32 to vector<16xf32>
        %select_n3A = arith.select %lt3A_143, %exp3A, %broadcast_in_dim3A_144 : vector<16xi1>, vector<16xf32>
        tpu.vector_store_idx %arg15[%get3A_135], %select_n3A {add = true} : memref<10240xf32, #tpu.memory_space<vmem>>[vector<16xi32>], vector<16xf32>,
        %swap3A = arith.index_cast %mul3A_130 : i32 to index
        %swap3A_145 = tpu.vector_load %arg18[%swap3A] {strides = array<i32>} : memref<128xf32, #tpu.memory_space<vmem>>, vector<16xf32>,
        tpu.vector_store %arg18[%swap3A], %select_n3A {strides = array<i32>} : memref<128xf32, #tpu.memory_space<vmem>>, vector<16xf32>,
      }
      %scan3A_104 = arith.constant 8 : i32
      %lt3A_105 = arith.constant 40 : i32
      %lt3A_106 = arith.cmpi slt, %scan3A_60, %lt3A_105 : i32
      %convert_element_type3A_107 = arith.extui %lt3A_106 : i1 to i32
      %cond3A_108 = arith.constant 0 : i32
      %cond3A_109 = arith.cmpi ne, %convert_element_type3A_107, %cond3A_108 : i32
      scf.if %cond3A_109 {
        %dma_wait3A_128 = arith.constant 0 : i32
        %dma_wait3A_129 = tpu.memref_slice %arg17[%mul3A_62, %dma_wait3A_128] : memref<82x128xi32, #tpu.memory_space<vmem>> -> memref<1x128xi32, #tpu.memory_space<vmem>>
        %dma_wait3A_130 = tpu.memref_squeeze %dma_wait3A_129 : memref<1x128xi32, #tpu.memory_space<vmem>> -> memref<128xi32, #tpu.memory_space<vmem>>
        %dma_wait3A_131 = arith.constant 0 : i32
        %dma_wait3A_132 = arith.constant 0 : i32
        %dma_wait3A_133 = tpu.memref_slice %arg21[%dma_wait3A_131, %dma_wait3A_132] : memref<10240x16xf32, #tpu.memory_space<vmem_shared>> -> memref<10240x16xf32, #tpu.memory_space<vmem_shared>>
        tpu.wait_indirect_dma semaphore(%arg24 : memref<!tpu.dma_semaphore, #tpu.memory_space<semaphore_mem>>) src(%arg19 : memref<128x16xf32, #tpu.memory_space<vmem>>) dst(%dma_wait3A_133 : memref<10240x16xf32, #tpu.memory_space<vmem_shared>>)
        %add3A_134 = arith.constant 2 : i32
        %add3A_135 = arith.addi %mul3A_62, %add3A_134 : i32
        %dma_start3A_136 = arith.constant 0 : i32
        %dma_start3A_137 = tpu.memref_slice %arg16[%add3A_135, %dma_start3A_136] : memref<82x128xi32, #tpu.memory_space<vmem>> -> memref<1x128xi32, #tpu.memory_space<vmem>>
        %dma_start3A_138 = tpu.memref_squeeze %dma_start3A_137 : memref<1x128xi32, #tpu.memory_space<vmem>> -> memref<128xi32, #tpu.memory_space<vmem>>
        %dma_start3A_139 = arith.constant 0 : i32
        %dma_start3A_140 = arith.constant 0 : i32
        %dma_start3A_141 = tpu.memref_slice %arg2[%dma_start3A_139, %dma_start3A_140] : memref<10000x16xf32, #tpu.memory_space<hbm>> -> memref<10000x16xf32, #tpu.memory_space<hbm>>
        tpu.enqueue_indirect_dma source(%dma_start3A_141 : memref<10000x16xf32, #tpu.memory_space<hbm>>) target(%arg19 : memref<128x16xf32, #tpu.memory_space<vmem>>) offsets(%dma_start3A_138 : memref<128xi32, #tpu.memory_space<vmem>>) semaphore(%arg22 : memref<!tpu.dma_semaphore, #tpu.memory_space<semaphore_mem>>)
      } else {
      }
      %dma_wait3A_110 = arith.constant 0 : i32
      %dma_wait3A_111 = tpu.memref_slice %arg16[%add3A_64, %dma_wait3A_110] : memref<82x128xi32, #tpu.memory_space<vmem>> -> memref<1x128xi32, #tpu.memory_space<vmem>>
      %dma_wait3A_112 = tpu.memref_squeeze %dma_wait3A_111 : memref<1x128xi32, #tpu.memory_space<vmem>> -> memref<128xi32, #tpu.memory_space<vmem>>
      %dma_wait3A_113 = arith.constant 0 : i32
      %dma_wait3A_114 = arith.constant 0 : i32
      %dma_wait3A_115 = tpu.memref_slice %arg2[%dma_wait3A_113, %dma_wait3A_114] : memref<10000x16xf32, #tpu.memory_space<hbm>> -> memref<10000x16xf32, #tpu.memory_space<hbm>>
      tpu.wait_indirect_dma semaphore(%arg23 : memref<!tpu.dma_semaphore, #tpu.memory_space<semaphore_mem>>) src(%dma_wait3A_115 : memref<10000x16xf32, #tpu.memory_space<hbm>>) dst(%arg20 : memref<128x16xf32, #tpu.memory_space<vmem>>)
      %scan3A_116 = arith.constant 0 : i32
      %scan3A_117 = arith.constant 0 : i32
      %scan3A_118 = arith.constant 8 : i32
      %scan3A_119 = arith.addi %scan3A_117, %scan3A_118 : i32
      %scan3A_120 = arith.constant 1 : i32
      scf.for %scan3A_128 = %scan3A_117 to %scan3A_119 step %scan3A_120  : i32 {
        %mul3A_129 = arith.constant 16 : i32
        %mul3A_130 = arith.muli %scan3A_128, %mul3A_129 : i32
        %get3A = arith.index_cast %mul3A_130 : i32 to index
        %get3A_131 = tpu.vector_load %arg18[%get3A] {strides = array<i32>} : memref<128xf32, #tpu.memory_space<vmem>>, vector<16xf32>,
        %mul3A_132 = arith.constant 16 : i32
        %mul3A_133 = arith.muli %scan3A_128, %mul3A_132 : i32
        %add3A_134 = arith.constant 0 : i32
        %add3A_135 = arith.addi %mul3A_133, %add3A_134 : i32
        %get3A_136 = arith.index_cast %add3A_135 : i32 to index
        %get3A_137 = arith.constant 0 : index
        %get3A_138 = tpu.vector_load %arg20[%get3A_136, %get3A_137] {strides = array<i32>} : memref<128x16xf32, #tpu.memory_space<vmem>>, vector<16xf32>,
        %slice3A = vector.extract_strided_slice %get3A_131 {offsets = [0], sizes = [1], strides = [1]} : vector<16xf32> to vector<1xf32>
        %squeeze3A = vector.extract %slice3A[0] : f32 from vector<1xf32>
        %mul3A_139 = vector.broadcast %squeeze3A : f32 to vector<16xf32>
        %mul3A_140 = arith.mulf %get3A_138, %mul3A_139 : vector<16xf32>
        %swap3A = arith.index_cast %add3A_135 : i32 to index
        %swap3A_141 = arith.constant 0 : index
        %swap3A_142 = tpu.vector_load %arg20[%swap3A, %swap3A_141] {strides = array<i32>} : memref<128x16xf32, #tpu.memory_space<vmem>>, vector<16xf32>,
        tpu.vector_store %arg20[%swap3A, %swap3A_141], %mul3A_140 {strides = array<i32>} : memref<128x16xf32, #tpu.memory_space<vmem>>, vector<16xf32>,
        %mul3A_143 = arith.constant 16 : i32
        %mul3A_144 = arith.muli %scan3A_128, %mul3A_143 : i32
        %add3A_145 = arith.constant 1 : i32
        %add3A_146 = arith.addi %mul3A_144, %add3A_145 : i32
        %get3A_147 = arith.index_cast %add3A_146 : i32 to index
        %get3A_148 = arith.constant 0 : index
        %get3A_149 = tpu.vector_load %arg20[%get3A_147, %get3A_148] {strides = array<i32>} : memref<128x16xf32, #tpu.memory_space<vmem>>, vector<16xf32>,
        %slice3A_150 = vector.extract_strided_slice %get3A_131 {offsets = [1], sizes = [1], strides = [1]} : vector<16xf32> to vector<1xf32>
        %squeeze3A_151 = vector.extract %slice3A_150[0] : f32 from vector<1xf32>
        %mul3A_152 = vector.broadcast %squeeze3A_151 : f32 to vector<16xf32>
        %mul3A_153 = arith.mulf %get3A_149, %mul3A_152 : vector<16xf32>
        %swap3A_154 = arith.index_cast %add3A_146 : i32 to index
        %swap3A_155 = arith.constant 0 : index
        %swap3A_156 = tpu.vector_load %arg20[%swap3A_154, %swap3A_155] {strides = array<i32>} : memref<128x16xf32, #tpu.memory_space<vmem>>, vector<16xf32>,
        tpu.vector_store %arg20[%swap3A_154, %swap3A_155], %mul3A_153 {strides = array<i32>} : memref<128x16xf32, #tpu.memory_space<vmem>>, vector<16xf32>,
        %mul3A_157 = arith.constant 16 : i32
        %mul3A_158 = arith.muli %scan3A_128, %mul3A_157 : i32
        %add3A_159 = arith.constant 2 : i32
        %add3A_160 = arith.addi %mul3A_158, %add3A_159 : i32
        %get3A_161 = arith.index_cast %add3A_160 : i32 to index
        %get3A_162 = arith.constant 0 : index
        %get3A_163 = tpu.vector_load %arg20[%get3A_161, %get3A_162] {strides = array<i32>} : memref<128x16xf32, #tpu.memory_space<vmem>>, vector<16xf32>,
        %slice3A_164 = vector.extract_strided_slice %get3A_131 {offsets = [2], sizes = [1], strides = [1]} : vector<16xf32> to vector<1xf32>
        %squeeze3A_165 = vector.extract %slice3A_164[0] : f32 from vector<1xf32>
        %mul3A_166 = vector.broadcast %squeeze3A_165 : f32 to vector<16xf32>
        %mul3A_167 = arith.mulf %get3A_163, %mul3A_166 : vector<16xf32>
        %swap3A_168 = arith.index_cast %add3A_160 : i32 to index
        %swap3A_169 = arith.constant 0 : index
        %swap3A_170 = tpu.vector_load %arg20[%swap3A_168, %swap3A_169] {strides = array<i32>} : memref<128x16xf32, #tpu.memory_space<vmem>>, vector<16xf32>,
        tpu.vector_store %arg20[%swap3A_168, %swap3A_169], %mul3A_167 {strides = array<i32>} : memref<128x16xf32, #tpu.memory_space<vmem>>, vector<16xf32>,
        %mul3A_171 = arith.constant 16 : i32
        %mul3A_172 = arith.muli %scan3A_128, %mul3A_171 : i32
        %add3A_173 = arith.constant 3 : i32
        %add3A_174 = arith.addi %mul3A_172, %add3A_173 : i32
        %get3A_175 = arith.index_cast %add3A_174 : i32 to index
        %get3A_176 = arith.constant 0 : index
        %get3A_177 = tpu.vector_load %arg20[%get3A_175, %get3A_176] {strides = array<i32>} : memref<128x16xf32, #tpu.memory_space<vmem>>, vector<16xf32>,
        %slice3A_178 = vector.extract_strided_slice %get3A_131 {offsets = [3], sizes = [1], strides = [1]} : vector<16xf32> to vector<1xf32>
        %squeeze3A_179 = vector.extract %slice3A_178[0] : f32 from vector<1xf32>
        %mul3A_180 = vector.broadcast %squeeze3A_179 : f32 to vector<16xf32>
        %mul3A_181 = arith.mulf %get3A_177, %mul3A_180 : vector<16xf32>
        %swap3A_182 = arith.index_cast %add3A_174 : i32 to index
        %swap3A_183 = arith.constant 0 : index
        %swap3A_184 = tpu.vector_load %arg20[%swap3A_182, %swap3A_183] {strides = array<i32>} : memref<128x16xf32, #tpu.memory_space<vmem>>, vector<16xf32>,
        tpu.vector_store %arg20[%swap3A_182, %swap3A_183], %mul3A_181 {strides = array<i32>} : memref<128x16xf32, #tpu.memory_space<vmem>>, vector<16xf32>,
        %mul3A_185 = arith.constant 16 : i32
        %mul3A_186 = arith.muli %scan3A_128, %mul3A_185 : i32
        %add3A_187 = arith.constant 4 : i32
        %add3A_188 = arith.addi %mul3A_186, %add3A_187 : i32
        %get3A_189 = arith.index_cast %add3A_188 : i32 to index
        %get3A_190 = arith.constant 0 : index
        %get3A_191 = tpu.vector_load %arg20[%get3A_189, %get3A_190] {strides = array<i32>} : memref<128x16xf32, #tpu.memory_space<vmem>>, vector<16xf32>,
        %slice3A_192 = vector.extract_strided_slice %get3A_131 {offsets = [4], sizes = [1], strides = [1]} : vector<16xf32> to vector<1xf32>
        %squeeze3A_193 = vector.extract %slice3A_192[0] : f32 from vector<1xf32>
        %mul3A_194 = vector.broadcast %squeeze3A_193 : f32 to vector<16xf32>
        %mul3A_195 = arith.mulf %get3A_191, %mul3A_194 : vector<16xf32>
        %swap3A_196 = arith.index_cast %add3A_188 : i32 to index
        %swap3A_197 = arith.constant 0 : index
        %swap3A_198 = tpu.vector_load %arg20[%swap3A_196, %swap3A_197] {strides = array<i32>} : memref<128x16xf32, #tpu.memory_space<vmem>>, vector<16xf32>,
        tpu.vector_store %arg20[%swap3A_196, %swap3A_197], %mul3A_195 {strides = array<i32>} : memref<128x16xf32, #tpu.memory_space<vmem>>, vector<16xf32>,
        %mul3A_199 = arith.constant 16 : i32
        %mul3A_200 = arith.muli %scan3A_128, %mul3A_199 : i32
        %add3A_201 = arith.constant 5 : i32
        %add3A_202 = arith.addi %mul3A_200, %add3A_201 : i32
        %get3A_203 = arith.index_cast %add3A_202 : i32 to index
        %get3A_204 = arith.constant 0 : index
        %get3A_205 = tpu.vector_load %arg20[%get3A_203, %get3A_204] {strides = array<i32>} : memref<128x16xf32, #tpu.memory_space<vmem>>, vector<16xf32>,
        %slice3A_206 = vector.extract_strided_slice %get3A_131 {offsets = [5], sizes = [1], strides = [1]} : vector<16xf32> to vector<1xf32>
        %squeeze3A_207 = vector.extract %slice3A_206[0] : f32 from vector<1xf32>
        %mul3A_208 = vector.broadcast %squeeze3A_207 : f32 to vector<16xf32>
        %mul3A_209 = arith.mulf %get3A_205, %mul3A_208 : vector<16xf32>
        %swap3A_210 = arith.index_cast %add3A_202 : i32 to index
        %swap3A_211 = arith.constant 0 : index
        %swap3A_212 = tpu.vector_load %arg20[%swap3A_210, %swap3A_211] {strides = array<i32>} : memref<128x16xf32, #tpu.memory_space<vmem>>, vector<16xf32>,
        tpu.vector_store %arg20[%swap3A_210, %swap3A_211], %mul3A_209 {strides = array<i32>} : memref<128x16xf32, #tpu.memory_space<vmem>>, vector<16xf32>,
        %mul3A_213 = arith.constant 16 : i32
        %mul3A_214 = arith.muli %scan3A_128, %mul3A_213 : i32
        %add3A_215 = arith.constant 6 : i32
        %add3A_216 = arith.addi %mul3A_214, %add3A_215 : i32
        %get3A_217 = arith.index_cast %add3A_216 : i32 to index
        %get3A_218 = arith.constant 0 : index
        %get3A_219 = tpu.vector_load %arg20[%get3A_217, %get3A_218] {strides = array<i32>} : memref<128x16xf32, #tpu.memory_space<vmem>>, vector<16xf32>,
        %slice3A_220 = vector.extract_strided_slice %get3A_131 {offsets = [6], sizes = [1], strides = [1]} : vector<16xf32> to vector<1xf32>
        %squeeze3A_221 = vector.extract %slice3A_220[0] : f32 from vector<1xf32>
        %mul3A_222 = vector.broadcast %squeeze3A_221 : f32 to vector<16xf32>
        %mul3A_223 = arith.mulf %get3A_219, %mul3A_222 : vector<16xf32>
        %swap3A_224 = arith.index_cast %add3A_216 : i32 to index
        %swap3A_225 = arith.constant 0 : index
        %swap3A_226 = tpu.vector_load %arg20[%swap3A_224, %swap3A_225] {strides = array<i32>} : memref<128x16xf32, #tpu.memory_space<vmem>>, vector<16xf32>,
        tpu.vector_store %arg20[%swap3A_224, %swap3A_225], %mul3A_223 {strides = array<i32>} : memref<128x16xf32, #tpu.memory_space<vmem>>, vector<16xf32>,
        %mul3A_227 = arith.constant 16 : i32
        %mul3A_228 = arith.muli %scan3A_128, %mul3A_227 : i32
        %add3A_229 = arith.constant 7 : i32
        %add3A_230 = arith.addi %mul3A_228, %add3A_229 : i32
        %get3A_231 = arith.index_cast %add3A_230 : i32 to index
        %get3A_232 = arith.constant 0 : index
        %get3A_233 = tpu.vector_load %arg20[%get3A_231, %get3A_232] {strides = array<i32>} : memref<128x16xf32, #tpu.memory_space<vmem>>, vector<16xf32>,
        %slice3A_234 = vector.extract_strided_slice %get3A_131 {offsets = [7], sizes = [1], strides = [1]} : vector<16xf32> to vector<1xf32>
        %squeeze3A_235 = vector.extract %slice3A_234[0] : f32 from vector<1xf32>
        %mul3A_236 = vector.broadcast %squeeze3A_235 : f32 to vector<16xf32>
        %mul3A_237 = arith.mulf %get3A_233, %mul3A_236 : vector<16xf32>
        %swap3A_238 = arith.index_cast %add3A_230 : i32 to index
        %swap3A_239 = arith.constant 0 : index
        %swap3A_240 = tpu.vector_load %arg20[%swap3A_238, %swap3A_239] {strides = array<i32>} : memref<128x16xf32, #tpu.memory_space<vmem>>, vector<16xf32>,
        tpu.vector_store %arg20[%swap3A_238, %swap3A_239], %mul3A_237 {strides = array<i32>} : memref<128x16xf32, #tpu.memory_space<vmem>>, vector<16xf32>,
        %mul3A_241 = arith.constant 16 : i32
        %mul3A_242 = arith.muli %scan3A_128, %mul3A_241 : i32
        %add3A_243 = arith.constant 8 : i32
        %add3A_244 = arith.addi %mul3A_242, %add3A_243 : i32
        %get3A_245 = arith.index_cast %add3A_244 : i32 to index
        %get3A_246 = arith.constant 0 : index
        %get3A_247 = tpu.vector_load %arg20[%get3A_245, %get3A_246] {strides = array<i32>} : memref<128x16xf32, #tpu.memory_space<vmem>>, vector<16xf32>,
        %slice3A_248 = vector.extract_strided_slice %get3A_131 {offsets = [8], sizes = [1], strides = [1]} : vector<16xf32> to vector<1xf32>
        %squeeze3A_249 = vector.extract %slice3A_248[0] : f32 from vector<1xf32>
        %mul3A_250 = vector.broadcast %squeeze3A_249 : f32 to vector<16xf32>
        %mul3A_251 = arith.mulf %get3A_247, %mul3A_250 : vector<16xf32>
        %swap3A_252 = arith.index_cast %add3A_244 : i32 to index
        %swap3A_253 = arith.constant 0 : index
        %swap3A_254 = tpu.vector_load %arg20[%swap3A_252, %swap3A_253] {strides = array<i32>} : memref<128x16xf32, #tpu.memory_space<vmem>>, vector<16xf32>,
        tpu.vector_store %arg20[%swap3A_252, %swap3A_253], %mul3A_251 {strides = array<i32>} : memref<128x16xf32, #tpu.memory_space<vmem>>, vector<16xf32>,
        %mul3A_255 = arith.constant 16 : i32
        %mul3A_256 = arith.muli %scan3A_128, %mul3A_255 : i32
        %add3A_257 = arith.constant 9 : i32
        %add3A_258 = arith.addi %mul3A_256, %add3A_257 : i32
        %get3A_259 = arith.index_cast %add3A_258 : i32 to index
        %get3A_260 = arith.constant 0 : index
        %get3A_261 = tpu.vector_load %arg20[%get3A_259, %get3A_260] {strides = array<i32>} : memref<128x16xf32, #tpu.memory_space<vmem>>, vector<16xf32>,
        %slice3A_262 = vector.extract_strided_slice %get3A_131 {offsets = [9], sizes = [1], strides = [1]} : vector<16xf32> to vector<1xf32>
        %squeeze3A_263 = vector.extract %slice3A_262[0] : f32 from vector<1xf32>
        %mul3A_264 = vector.broadcast %squeeze3A_263 : f32 to vector<16xf32>
        %mul3A_265 = arith.mulf %get3A_261, %mul3A_264 : vector<16xf32>
        %swap3A_266 = arith.index_cast %add3A_258 : i32 to index
        %swap3A_267 = arith.constant 0 : index
        %swap3A_268 = tpu.vector_load %arg20[%swap3A_266, %swap3A_267] {strides = array<i32>} : memref<128x16xf32, #tpu.memory_space<vmem>>, vector<16xf32>,
        tpu.vector_store %arg20[%swap3A_266, %swap3A_267], %mul3A_265 {strides = array<i32>} : memref<128x16xf32, #tpu.memory_space<vmem>>, vector<16xf32>,
        %mul3A_269 = arith.constant 16 : i32
        %mul3A_270 = arith.muli %scan3A_128, %mul3A_269 : i32
        %add3A_271 = arith.constant 10 : i32
        %add3A_272 = arith.addi %mul3A_270, %add3A_271 : i32
        %get3A_273 = arith.index_cast %add3A_272 : i32 to index
        %get3A_274 = arith.constant 0 : index
        %get3A_275 = tpu.vector_load %arg20[%get3A_273, %get3A_274] {strides = array<i32>} : memref<128x16xf32, #tpu.memory_space<vmem>>, vector<16xf32>,
        %slice3A_276 = vector.extract_strided_slice %get3A_131 {offsets = [10], sizes = [1], strides = [1]} : vector<16xf32> to vector<1xf32>
        %squeeze3A_277 = vector.extract %slice3A_276[0] : f32 from vector<1xf32>
        %mul3A_278 = vector.broadcast %squeeze3A_277 : f32 to vector<16xf32>
        %mul3A_279 = arith.mulf %get3A_275, %mul3A_278 : vector<16xf32>
        %swap3A_280 = arith.index_cast %add3A_272 : i32 to index
        %swap3A_281 = arith.constant 0 : index
        %swap3A_282 = tpu.vector_load %arg20[%swap3A_280, %swap3A_281] {strides = array<i32>} : memref<128x16xf32, #tpu.memory_space<vmem>>, vector<16xf32>,
        tpu.vector_store %arg20[%swap3A_280, %swap3A_281], %mul3A_279 {strides = array<i32>} : memref<128x16xf32, #tpu.memory_space<vmem>>, vector<16xf32>,
        %mul3A_283 = arith.constant 16 : i32
        %mul3A_284 = arith.muli %scan3A_128, %mul3A_283 : i32
        %add3A_285 = arith.constant 11 : i32
        %add3A_286 = arith.addi %mul3A_284, %add3A_285 : i32
        %get3A_287 = arith.index_cast %add3A_286 : i32 to index
        %get3A_288 = arith.constant 0 : index
        %get3A_289 = tpu.vector_load %arg20[%get3A_287, %get3A_288] {strides = array<i32>} : memref<128x16xf32, #tpu.memory_space<vmem>>, vector<16xf32>,
        %slice3A_290 = vector.extract_strided_slice %get3A_131 {offsets = [11], sizes = [1], strides = [1]} : vector<16xf32> to vector<1xf32>
        %squeeze3A_291 = vector.extract %slice3A_290[0] : f32 from vector<1xf32>
        %mul3A_292 = vector.broadcast %squeeze3A_291 : f32 to vector<16xf32>
        %mul3A_293 = arith.mulf %get3A_289, %mul3A_292 : vector<16xf32>
        %swap3A_294 = arith.index_cast %add3A_286 : i32 to index
        %swap3A_295 = arith.constant 0 : index
        %swap3A_296 = tpu.vector_load %arg20[%swap3A_294, %swap3A_295] {strides = array<i32>} : memref<128x16xf32, #tpu.memory_space<vmem>>, vector<16xf32>,
        tpu.vector_store %arg20[%swap3A_294, %swap3A_295], %mul3A_293 {strides = array<i32>} : memref<128x16xf32, #tpu.memory_space<vmem>>, vector<16xf32>,
        %mul3A_297 = arith.constant 16 : i32
        %mul3A_298 = arith.muli %scan3A_128, %mul3A_297 : i32
        %add3A_299 = arith.constant 12 : i32
        %add3A_300 = arith.addi %mul3A_298, %add3A_299 : i32
        %get3A_301 = arith.index_cast %add3A_300 : i32 to index
        %get3A_302 = arith.constant 0 : index
        %get3A_303 = tpu.vector_load %arg20[%get3A_301, %get3A_302] {strides = array<i32>} : memref<128x16xf32, #tpu.memory_space<vmem>>, vector<16xf32>,
        %slice3A_304 = vector.extract_strided_slice %get3A_131 {offsets = [12], sizes = [1], strides = [1]} : vector<16xf32> to vector<1xf32>
        %squeeze3A_305 = vector.extract %slice3A_304[0] : f32 from vector<1xf32>
        %mul3A_306 = vector.broadcast %squeeze3A_305 : f32 to vector<16xf32>
        %mul3A_307 = arith.mulf %get3A_303, %mul3A_306 : vector<16xf32>
        %swap3A_308 = arith.index_cast %add3A_300 : i32 to index
        %swap3A_309 = arith.constant 0 : index
        %swap3A_310 = tpu.vector_load %arg20[%swap3A_308, %swap3A_309] {strides = array<i32>} : memref<128x16xf32, #tpu.memory_space<vmem>>, vector<16xf32>,
        tpu.vector_store %arg20[%swap3A_308, %swap3A_309], %mul3A_307 {strides = array<i32>} : memref<128x16xf32, #tpu.memory_space<vmem>>, vector<16xf32>,
        %mul3A_311 = arith.constant 16 : i32
        %mul3A_312 = arith.muli %scan3A_128, %mul3A_311 : i32
        %add3A_313 = arith.constant 13 : i32
        %add3A_314 = arith.addi %mul3A_312, %add3A_313 : i32
        %get3A_315 = arith.index_cast %add3A_314 : i32 to index
        %get3A_316 = arith.constant 0 : index
        %get3A_317 = tpu.vector_load %arg20[%get3A_315, %get3A_316] {strides = array<i32>} : memref<128x16xf32, #tpu.memory_space<vmem>>, vector<16xf32>,
        %slice3A_318 = vector.extract_strided_slice %get3A_131 {offsets = [13], sizes = [1], strides = [1]} : vector<16xf32> to vector<1xf32>
        %squeeze3A_319 = vector.extract %slice3A_318[0] : f32 from vector<1xf32>
        %mul3A_320 = vector.broadcast %squeeze3A_319 : f32 to vector<16xf32>
        %mul3A_321 = arith.mulf %get3A_317, %mul3A_320 : vector<16xf32>
        %swap3A_322 = arith.index_cast %add3A_314 : i32 to index
        %swap3A_323 = arith.constant 0 : index
        %swap3A_324 = tpu.vector_load %arg20[%swap3A_322, %swap3A_323] {strides = array<i32>} : memref<128x16xf32, #tpu.memory_space<vmem>>, vector<16xf32>,
        tpu.vector_store %arg20[%swap3A_322, %swap3A_323], %mul3A_321 {strides = array<i32>} : memref<128x16xf32, #tpu.memory_space<vmem>>, vector<16xf32>,
        %mul3A_325 = arith.constant 16 : i32
        %mul3A_326 = arith.muli %scan3A_128, %mul3A_325 : i32
        %add3A_327 = arith.constant 14 : i32
        %add3A_328 = arith.addi %mul3A_326, %add3A_327 : i32
        %get3A_329 = arith.index_cast %add3A_328 : i32 to index
        %get3A_330 = arith.constant 0 : index
        %get3A_331 = tpu.vector_load %arg20[%get3A_329, %get3A_330] {strides = array<i32>} : memref<128x16xf32, #tpu.memory_space<vmem>>, vector<16xf32>,
        %slice3A_332 = vector.extract_strided_slice %get3A_131 {offsets = [14], sizes = [1], strides = [1]} : vector<16xf32> to vector<1xf32>
        %squeeze3A_333 = vector.extract %slice3A_332[0] : f32 from vector<1xf32>
        %mul3A_334 = vector.broadcast %squeeze3A_333 : f32 to vector<16xf32>
        %mul3A_335 = arith.mulf %get3A_331, %mul3A_334 : vector<16xf32>
        %swap3A_336 = arith.index_cast %add3A_328 : i32 to index
        %swap3A_337 = arith.constant 0 : index
        %swap3A_338 = tpu.vector_load %arg20[%swap3A_336, %swap3A_337] {strides = array<i32>} : memref<128x16xf32, #tpu.memory_space<vmem>>, vector<16xf32>,
        tpu.vector_store %arg20[%swap3A_336, %swap3A_337], %mul3A_335 {strides = array<i32>} : memref<128x16xf32, #tpu.memory_space<vmem>>, vector<16xf32>,
        %mul3A_339 = arith.constant 16 : i32
        %mul3A_340 = arith.muli %scan3A_128, %mul3A_339 : i32
        %add3A_341 = arith.constant 15 : i32
        %add3A_342 = arith.addi %mul3A_340, %add3A_341 : i32
        %get3A_343 = arith.index_cast %add3A_342 : i32 to index
        %get3A_344 = arith.constant 0 : index
        %get3A_345 = tpu.vector_load %arg20[%get3A_343, %get3A_344] {strides = array<i32>} : memref<128x16xf32, #tpu.memory_space<vmem>>, vector<16xf32>,
        %slice3A_346 = vector.extract_strided_slice %get3A_131 {offsets = [15], sizes = [1], strides = [1]} : vector<16xf32> to vector<1xf32>
        %squeeze3A_347 = vector.extract %slice3A_346[0] : f32 from vector<1xf32>
        %mul3A_348 = vector.broadcast %squeeze3A_347 : f32 to vector<16xf32>
        %mul3A_349 = arith.mulf %get3A_345, %mul3A_348 : vector<16xf32>
        %swap3A_350 = arith.index_cast %add3A_342 : i32 to index
        %swap3A_351 = arith.constant 0 : index
        %swap3A_352 = tpu.vector_load %arg20[%swap3A_350, %swap3A_351] {strides = array<i32>} : memref<128x16xf32, #tpu.memory_space<vmem>>, vector<16xf32>,
        tpu.vector_store %arg20[%swap3A_350, %swap3A_351], %mul3A_349 {strides = array<i32>} : memref<128x16xf32, #tpu.memory_space<vmem>>, vector<16xf32>,
      }
      %scan3A_121 = arith.constant 8 : i32
      %dma_start3A_122 = arith.constant 0 : i32
      %dma_start3A_123 = tpu.memref_slice %arg17[%add3A_64, %dma_start3A_122] : memref<82x128xi32, #tpu.memory_space<vmem>> -> memref<1x128xi32, #tpu.memory_space<vmem>>
      %dma_start3A_124 = tpu.memref_squeeze %dma_start3A_123 : memref<1x128xi32, #tpu.memory_space<vmem>> -> memref<128xi32, #tpu.memory_space<vmem>>
      %dma_start3A_125 = arith.constant 0 : i32
      %dma_start3A_126 = arith.constant 0 : i32
      %dma_start3A_127 = tpu.memref_slice %arg21[%dma_start3A_125, %dma_start3A_126] : memref<10240x16xf32, #tpu.memory_space<vmem_shared>> -> memref<10240x16xf32, #tpu.memory_space<vmem_shared>>
      tpu.enqueue_indirect_dma source(%arg20 : memref<128x16xf32, #tpu.memory_space<vmem>>) target(%dma_start3A_127 : memref<10240x16xf32, #tpu.memory_space<vmem_shared>>) offsets(%dma_start3A_124 : memref<128xi32, #tpu.memory_space<vmem>>) semaphore(%arg25 : memref<!tpu.dma_semaphore, #tpu.memory_space<semaphore_mem>>) {add = true}
    }
    %scan3A_36 = arith.constant 41 : i32
    %dma_wait3A = arith.constant 80 : i32
    %dma_wait3A_37 = arith.constant 0 : i32
    %dma_wait3A_38 = tpu.memref_slice %arg17[%dma_wait3A, %dma_wait3A_37] : memref<82x128xi32, #tpu.memory_space<vmem>> -> memref<1x128xi32, #tpu.memory_space<vmem>>
    %dma_wait3A_39 = tpu.memref_squeeze %dma_wait3A_38 : memref<1x128xi32, #tpu.memory_space<vmem>> -> memref<128xi32, #tpu.memory_space<vmem>>
    %dma_wait3A_40 = arith.constant 0 : i32
    %dma_wait3A_41 = arith.constant 0 : i32
    %dma_wait3A_42 = tpu.memref_slice %arg21[%dma_wait3A_40, %dma_wait3A_41] : memref<10240x16xf32, #tpu.memory_space<vmem_shared>> -> memref<10240x16xf32, #tpu.memory_space<vmem_shared>>
    tpu.wait_indirect_dma semaphore(%arg24 : memref<!tpu.dma_semaphore, #tpu.memory_space<semaphore_mem>>) src(%arg19 : memref<128x16xf32, #tpu.memory_space<vmem>>) dst(%dma_wait3A_42 : memref<10240x16xf32, #tpu.memory_space<vmem_shared>>)
    %dma_wait3A_43 = arith.constant 81 : i32
    %dma_wait3A_44 = arith.constant 0 : i32
    %dma_wait3A_45 = tpu.memref_slice %arg17[%dma_wait3A_43, %dma_wait3A_44] : memref<82x128xi32, #tpu.memory_space<vmem>> -> memref<1x128xi32, #tpu.memory_space<vmem>>
    %dma_wait3A_46 = tpu.memref_squeeze %dma_wait3A_45 : memref<1x128xi32, #tpu.memory_space<vmem>> -> memref<128xi32, #tpu.memory_space<vmem>>
    %dma_wait3A_47 = arith.constant 0 : i32
    %dma_wait3A_48 = arith.constant 0 : i32
    %dma_wait3A_49 = tpu.memref_slice %arg21[%dma_wait3A_47, %dma_wait3A_48] : memref<10240x16xf32, #tpu.memory_space<vmem_shared>> -> memref<10240x16xf32, #tpu.memory_space<vmem_shared>>
    tpu.wait_indirect_dma semaphore(%arg25 : memref<!tpu.dma_semaphore, #tpu.memory_space<semaphore_mem>>) src(%arg20 : memref<128x16xf32, #tpu.memory_space<vmem>>) dst(%dma_wait3A_49 : memref<10240x16xf32, #tpu.memory_space<vmem_shared>>)
    %barrier3A_50 = arith.constant 0 : index
    tpu.barrier barrier_id(%barrier3A_50)
    %mul3A_51 = arith.constant 10240 : i32
    %mul3A_52 = arith.muli %add3A, %mul3A_51 : i32
    "tpu.region"() ({
      %run_scoped3A = tpu.sem_alloc : memref<!tpu.dma_semaphore, #tpu.memory_space<semaphore_mem>>
      %dma_start3A_60 = tpu.memref_slice %arg12[%mul3A_52] : memref<327680xf32, #tpu.memory_space<hbm>> -> memref<10240xf32, #tpu.memory_space<hbm>>
      %dma_start3A_61 = tpu.memref_slice %arg12[%mul3A_52] : memref<327680xf32, #tpu.memory_space<hbm>> -> memref<10240xf32, #tpu.memory_space<hbm>>
      tpu.enqueue_dma source(%arg15 : memref<10240xf32, #tpu.memory_space<vmem>>) target(%dma_start3A_61 : memref<10240xf32, #tpu.memory_space<hbm>>) target_semaphore(%run_scoped3A : memref<!tpu.dma_semaphore, #tpu.memory_space<semaphore_mem>>)
      %dma_wait3A_62 = tpu.memref_slice %arg12[%mul3A_52] : memref<327680xf32, #tpu.memory_space<hbm>> -> memref<10240xf32, #tpu.memory_space<hbm>>
      %dma_wait3A_63 = tpu.memref_slice %arg12[%mul3A_52] : memref<327680xf32, #tpu.memory_space<hbm>> -> memref<10240xf32, #tpu.memory_space<hbm>>
      tpu.wait_dma2 semaphore(%run_scoped3A : memref<!tpu.dma_semaphore, #tpu.memory_space<semaphore_mem>>) src(%arg15 : memref<10240xf32, #tpu.memory_space<vmem>>) dst(%dma_wait3A_63 : memref<10240xf32, #tpu.memory_space<hbm>>)
      tpu.yield
    }) : () -> ()
    %mul3A_53 = arith.constant 640 : i32
    %mul3A_54 = arith.muli %arg1, %mul3A_53 : i32
    %mul3A_55 = arith.constant 10240 : i32
    %mul3A_56 = arith.muli %arg0, %mul3A_55 : i32
    %mul3A_57 = arith.constant 640 : i32
    %mul3A_58 = arith.muli %arg1, %mul3A_57 : i32
    %add3A_59 = arith.addi %mul3A_56, %mul3A_58 : i32
    "tpu.region"() ({
      %run_scoped3A = tpu.sem_alloc : memref<!tpu.dma_semaphore, #tpu.memory_space<semaphore_mem>>
      %dma_start3A_60 = arith.constant 0 : i32
      %dma_start3A_61 = tpu.memref_slice %arg11[%add3A_59, %dma_start3A_60] : memref<20480x16xf32, #tpu.memory_space<hbm>> -> memref<640x16xf32, #tpu.memory_space<hbm>>
      %dma_start3A_62 = arith.constant 0 : i32
      %dma_start3A_63 = tpu.memref_slice %arg21[%mul3A_54, %dma_start3A_62] : memref<10240x16xf32, #tpu.memory_space<vmem_shared>> -> memref<640x16xf32, #tpu.memory_space<vmem_shared>>
      tpu.enqueue_dma source(%dma_start3A_63 : memref<640x16xf32, #tpu.memory_space<vmem_shared>>) target(%dma_start3A_61 : memref<640x16xf32, #tpu.memory_space<hbm>>) target_semaphore(%run_scoped3A : memref<!tpu.dma_semaphore, #tpu.memory_space<semaphore_mem>>)
      %dma_wait3A_64 = arith.constant 0 : i32
      %dma_wait3A_65 = tpu.memref_slice %arg11[%add3A_59, %dma_wait3A_64] : memref<20480x16xf32, #tpu.memory_space<hbm>> -> memref<640x16xf32, #tpu.memory_space<hbm>>
      %dma_wait3A_66 = arith.constant 0 : i32
      %dma_wait3A_67 = tpu.memref_slice %arg21[%mul3A_54, %dma_wait3A_66] : memref<10240x16xf32, #tpu.memory_space<vmem_shared>> -> memref<640x16xf32, #tpu.memory_space<vmem_shared>>
      tpu.wait_dma2 semaphore(%run_scoped3A : memref<!tpu.dma_semaphore, #tpu.memory_space<semaphore_mem>>) src(%dma_wait3A_67 : memref<640x16xf32, #tpu.memory_space<vmem_shared>>) dst(%dma_wait3A_65 : memref<640x16xf32, #tpu.memory_space<hbm>>)
      tpu.yield
    }) : () -> ()
    return
  }
}

#map = affine_map<(d0, d1) -> (0, 0)>
#map1 = affine_map<(d0, d1) -> (0)>
#map2 = affine_map<(d0, d1) -> (0, 0, 0)>
module attributes {stable_mosaic.version = 14 : i64} {
  func.func @_sc_edge(%arg0: i32, %arg1: i32, %arg2: memref<10000x16xf32, #tpu.memory_space<hbm>>, %arg3: memref<10240xf32, #tpu.memory_space<hbm>>, %arg4: memref<10240xf32, #tpu.memory_space<hbm>>, %arg5: memref<125x20x128xi32, #tpu.memory_space<hbm>>, %arg6: memref<125x20x128xi32, #tpu.memory_space<hbm>>, %arg7: memref<31x2x128xi32, #tpu.memory_space<hbm>>, %arg8: memref<31x2x128xi32, #tpu.memory_space<hbm>>, %arg9: memref<62x128xi32, #tpu.memory_space<hbm>>, %arg10: memref<62x128xi32, #tpu.memory_space<hbm>>, %arg11: memref<20480x16xf32, #tpu.memory_space<hbm>>, %arg12: memref<327680xf32, #tpu.memory_space<hbm>>, %arg13: memref<10240xf32, #tpu.memory_space<vmem>>, %arg14: memref<10240xf32, #tpu.memory_space<vmem>>, %arg15: memref<10240xf32, #tpu.memory_space<vmem>>, %arg16: memref<82x128xi32, #tpu.memory_space<vmem>>, %arg17: memref<82x128xi32, #tpu.memory_space<vmem>>, %arg18: memref<128xf32, #tpu.memory_space<vmem>>, %arg19: memref<128x16xf32, #tpu.memory_space<vmem>>, %arg20: memref<128x16xf32, #tpu.memory_space<vmem>>, %arg21: memref<10240x16xf32, #tpu.memory_space<vmem_shared>>, %arg22: memref<!tpu.dma_semaphore, #tpu.memory_space<semaphore_mem>>, %arg23: memref<!tpu.dma_semaphore, #tpu.memory_space<semaphore_mem>>, %arg24: memref<!tpu.dma_semaphore, #tpu.memory_space<semaphore_mem>>, %arg25: memref<!tpu.dma_semaphore, #tpu.memory_space<semaphore_mem>>) attributes {dimension_semantics = [#tpu.dimension_semantics<core_parallel>, #tpu.dimension_semantics<subcore_parallel>], iteration_bounds = array<i64: 2, 16>, scalar_prefetch = 0 : i64, scratch_operands = 13 : i64, tpu.core_type = #tpu.core_type<sc_vector_subcore>, window_params = [{transform_indices = #map}, {transform_indices = #map1}, {transform_indices = #map1}, {transform_indices = #map2}, {transform_indices = #map2}, {transform_indices = #map2}, {transform_indices = #map2}, {transform_indices = #map}, {transform_indices = #map}, {transform_indices = #map}, {transform_indices = #map1}]} {
    %mul3A = arith.constant 16 : i32
    %mul3A_0 = arith.muli %arg0, %mul3A : i32
    %add3A = arith.addi %mul3A_0, %arg1 : i32
    "tpu.region"() ({
      %run_scoped3A = tpu.sem_alloc : memref<!tpu.dma_semaphore, #tpu.memory_space<semaphore_mem>>
      tpu.enqueue_dma source(%arg3 : memref<10240xf32, #tpu.memory_space<hbm>>) target(%arg13 : memref<10240xf32, #tpu.memory_space<vmem>>) target_semaphore(%run_scoped3A : memref<!tpu.dma_semaphore, #tpu.memory_space<semaphore_mem>>)
      tpu.wait_dma2 semaphore(%run_scoped3A : memref<!tpu.dma_semaphore, #tpu.memory_space<semaphore_mem>>) src(%arg3 : memref<10240xf32, #tpu.memory_space<hbm>>) dst(%arg13 : memref<10240xf32, #tpu.memory_space<vmem>>)
      tpu.yield
    }) : () -> ()
    "tpu.region"() ({
      %run_scoped3A = tpu.sem_alloc : memref<!tpu.dma_semaphore, #tpu.memory_space<semaphore_mem>>
      tpu.enqueue_dma source(%arg4 : memref<10240xf32, #tpu.memory_space<hbm>>) target(%arg14 : memref<10240xf32, #tpu.memory_space<vmem>>) target_semaphore(%run_scoped3A : memref<!tpu.dma_semaphore, #tpu.memory_space<semaphore_mem>>)
      tpu.wait_dma2 semaphore(%run_scoped3A : memref<!tpu.dma_semaphore, #tpu.memory_space<semaphore_mem>>) src(%arg4 : memref<10240xf32, #tpu.memory_space<hbm>>) dst(%arg14 : memref<10240xf32, #tpu.memory_space<vmem>>)
      tpu.yield
    }) : () -> ()
    %lt3A = arith.constant 31 : i32
    %lt3A_1 = arith.cmpi slt, %add3A, %lt3A : i32
    %convert_element_type3A = arith.extui %lt3A_1 : i1 to i32
    %cond3A = arith.constant 0 : i32
    %cond3A_2 = arith.cmpi ne, %convert_element_type3A, %cond3A : i32
    scf.if %cond3A_2 {
      %mul3A_60 = arith.constant 4 : i32
      %mul3A_61 = arith.muli %mul3A_60, %add3A : i32
      %add3A_62 = arith.constant 0 : i32
      %add3A_63 = arith.addi %mul3A_61, %add3A_62 : i32
      "tpu.region"() ({
        %run_scoped3A = tpu.sem_alloc : memref<!tpu.dma_semaphore, #tpu.memory_space<semaphore_mem>>
        %dma_start3A_92 = arith.constant 0 : i32
        %dma_start3A_93 = arith.constant 0 : i32
        %dma_start3A_94 = tpu.memref_slice %arg16[%dma_start3A_92, %dma_start3A_93] : memref<82x128xi32, #tpu.memory_space<vmem>> -> memref<20x128xi32, #tpu.memory_space<vmem>>
        %dma_start3A_95 = arith.constant 0 : i32
        %dma_start3A_96 = arith.constant 0 : i32
        %dma_start3A_97 = tpu.memref_slice %arg5[%add3A_63, %dma_start3A_95, %dma_start3A_96] : memref<125x20x128xi32, #tpu.memory_space<hbm>> -> memref<1x20x128xi32, #tpu.memory_space<hbm>>
        %dma_start3A_98 = tpu.memref_squeeze %dma_start3A_97 : memref<1x20x128xi32, #tpu.memory_space<hbm>> -> memref<20x128xi32, #tpu.memory_space<hbm>>
        %dma_start3A_99 = arith.constant 0 : i32
        %dma_start3A_100 = arith.constant 0 : i32
        %dma_start3A_101 = tpu.memref_slice %arg16[%dma_start3A_99, %dma_start3A_100] : memref<82x128xi32, #tpu.memory_space<vmem>> -> memref<20x128xi32, #tpu.memory_space<vmem>>
        %dma_start3A_102 = arith.constant 0 : i32
        %dma_start3A_103 = arith.constant 0 : i32
        %dma_start3A_104 = tpu.memref_slice %arg5[%add3A_63, %dma_start3A_102, %dma_start3A_103] : memref<125x20x128xi32, #tpu.memory_space<hbm>> -> memref<1x20x128xi32, #tpu.memory_space<hbm>>
        %dma_start3A_105 = tpu.memref_squeeze %dma_start3A_104 : memref<1x20x128xi32, #tpu.memory_space<hbm>> -> memref<20x128xi32, #tpu.memory_space<hbm>>
        tpu.enqueue_dma source(%dma_start3A_105 : memref<20x128xi32, #tpu.memory_space<hbm>>) target(%dma_start3A_101 : memref<20x128xi32, #tpu.memory_space<vmem>>) target_semaphore(%run_scoped3A : memref<!tpu.dma_semaphore, #tpu.memory_space<semaphore_mem>>)
        %dma_wait3A_106 = arith.constant 0 : i32
        %dma_wait3A_107 = arith.constant 0 : i32
        %dma_wait3A_108 = tpu.memref_slice %arg16[%dma_wait3A_106, %dma_wait3A_107] : memref<82x128xi32, #tpu.memory_space<vmem>> -> memref<20x128xi32, #tpu.memory_space<vmem>>
        %dma_wait3A_109 = arith.constant 0 : i32
        %dma_wait3A_110 = arith.constant 0 : i32
        %dma_wait3A_111 = tpu.memref_slice %arg5[%add3A_63, %dma_wait3A_109, %dma_wait3A_110] : memref<125x20x128xi32, #tpu.memory_space<hbm>> -> memref<1x20x128xi32, #tpu.memory_space<hbm>>
        %dma_wait3A_112 = tpu.memref_squeeze %dma_wait3A_111 : memref<1x20x128xi32, #tpu.memory_space<hbm>> -> memref<20x128xi32, #tpu.memory_space<hbm>>
        %dma_wait3A_113 = arith.constant 0 : i32
        %dma_wait3A_114 = arith.constant 0 : i32
        %dma_wait3A_115 = tpu.memref_slice %arg16[%dma_wait3A_113, %dma_wait3A_114] : memref<82x128xi32, #tpu.memory_space<vmem>> -> memref<20x128xi32, #tpu.memory_space<vmem>>
        %dma_wait3A_116 = arith.constant 0 : i32
        %dma_wait3A_117 = arith.constant 0 : i32
        %dma_wait3A_118 = tpu.memref_slice %arg5[%add3A_63, %dma_wait3A_116, %dma_wait3A_117] : memref<125x20x128xi32, #tpu.memory_space<hbm>> -> memref<1x20x128xi32, #tpu.memory_space<hbm>>
        %dma_wait3A_119 = tpu.memref_squeeze %dma_wait3A_118 : memref<1x20x128xi32, #tpu.memory_space<hbm>> -> memref<20x128xi32, #tpu.memory_space<hbm>>
        tpu.wait_dma2 semaphore(%run_scoped3A : memref<!tpu.dma_semaphore, #tpu.memory_space<semaphore_mem>>) src(%dma_wait3A_119 : memref<20x128xi32, #tpu.memory_space<hbm>>) dst(%dma_wait3A_115 : memref<20x128xi32, #tpu.memory_space<vmem>>)
        tpu.yield
      }) : () -> ()
      %mul3A_64 = arith.constant 4 : i32
      %mul3A_65 = arith.muli %mul3A_64, %add3A : i32
      %add3A_66 = arith.constant 0 : i32
      %add3A_67 = arith.addi %mul3A_65, %add3A_66 : i32
      "tpu.region"() ({
        %run_scoped3A = tpu.sem_alloc : memref<!tpu.dma_semaphore, #tpu.memory_space<semaphore_mem>>
        %dma_start3A_92 = arith.constant 0 : i32
        %dma_start3A_93 = arith.constant 0 : i32
        %dma_start3A_94 = tpu.memref_slice %arg17[%dma_start3A_92, %dma_start3A_93] : memref<82x128xi32, #tpu.memory_space<vmem>> -> memref<20x128xi32, #tpu.memory_space<vmem>>
        %dma_start3A_95 = arith.constant 0 : i32
        %dma_start3A_96 = arith.constant 0 : i32
        %dma_start3A_97 = tpu.memref_slice %arg6[%add3A_67, %dma_start3A_95, %dma_start3A_96] : memref<125x20x128xi32, #tpu.memory_space<hbm>> -> memref<1x20x128xi32, #tpu.memory_space<hbm>>
        %dma_start3A_98 = tpu.memref_squeeze %dma_start3A_97 : memref<1x20x128xi32, #tpu.memory_space<hbm>> -> memref<20x128xi32, #tpu.memory_space<hbm>>
        %dma_start3A_99 = arith.constant 0 : i32
        %dma_start3A_100 = arith.constant 0 : i32
        %dma_start3A_101 = tpu.memref_slice %arg17[%dma_start3A_99, %dma_start3A_100] : memref<82x128xi32, #tpu.memory_space<vmem>> -> memref<20x128xi32, #tpu.memory_space<vmem>>
        %dma_start3A_102 = arith.constant 0 : i32
        %dma_start3A_103 = arith.constant 0 : i32
        %dma_start3A_104 = tpu.memref_slice %arg6[%add3A_67, %dma_start3A_102, %dma_start3A_103] : memref<125x20x128xi32, #tpu.memory_space<hbm>> -> memref<1x20x128xi32, #tpu.memory_space<hbm>>
        %dma_start3A_105 = tpu.memref_squeeze %dma_start3A_104 : memref<1x20x128xi32, #tpu.memory_space<hbm>> -> memref<20x128xi32, #tpu.memory_space<hbm>>
        tpu.enqueue_dma source(%dma_start3A_105 : memref<20x128xi32, #tpu.memory_space<hbm>>) target(%dma_start3A_101 : memref<20x128xi32, #tpu.memory_space<vmem>>) target_semaphore(%run_scoped3A : memref<!tpu.dma_semaphore, #tpu.memory_space<semaphore_mem>>)
        %dma_wait3A_106 = arith.constant 0 : i32
        %dma_wait3A_107 = arith.constant 0 : i32
        %dma_wait3A_108 = tpu.memref_slice %arg17[%dma_wait3A_106, %dma_wait3A_107] : memref<82x128xi32, #tpu.memory_space<vmem>> -> memref<20x128xi32, #tpu.memory_space<vmem>>
        %dma_wait3A_109 = arith.constant 0 : i32
        %dma_wait3A_110 = arith.constant 0 : i32
        %dma_wait3A_111 = tpu.memref_slice %arg6[%add3A_67, %dma_wait3A_109, %dma_wait3A_110] : memref<125x20x128xi32, #tpu.memory_space<hbm>> -> memref<1x20x128xi32, #tpu.memory_space<hbm>>
        %dma_wait3A_112 = tpu.memref_squeeze %dma_wait3A_111 : memref<1x20x128xi32, #tpu.memory_space<hbm>> -> memref<20x128xi32, #tpu.memory_space<hbm>>
        %dma_wait3A_113 = arith.constant 0 : i32
        %dma_wait3A_114 = arith.constant 0 : i32
        %dma_wait3A_115 = tpu.memref_slice %arg17[%dma_wait3A_113, %dma_wait3A_114] : memref<82x128xi32, #tpu.memory_space<vmem>> -> memref<20x128xi32, #tpu.memory_space<vmem>>
        %dma_wait3A_116 = arith.constant 0 : i32
        %dma_wait3A_117 = arith.constant 0 : i32
        %dma_wait3A_118 = tpu.memref_slice %arg6[%add3A_67, %dma_wait3A_116, %dma_wait3A_117] : memref<125x20x128xi32, #tpu.memory_space<hbm>> -> memref<1x20x128xi32, #tpu.memory_space<hbm>>
        %dma_wait3A_119 = tpu.memref_squeeze %dma_wait3A_118 : memref<1x20x128xi32, #tpu.memory_space<hbm>> -> memref<20x128xi32, #tpu.memory_space<hbm>>
        tpu.wait_dma2 semaphore(%run_scoped3A : memref<!tpu.dma_semaphore, #tpu.memory_space<semaphore_mem>>) src(%dma_wait3A_119 : memref<20x128xi32, #tpu.memory_space<hbm>>) dst(%dma_wait3A_115 : memref<20x128xi32, #tpu.memory_space<vmem>>)
        tpu.yield
      }) : () -> ()
      %mul3A_68 = arith.constant 4 : i32
      %mul3A_69 = arith.muli %mul3A_68, %add3A : i32
      %add3A_70 = arith.constant 1 : i32
      %add3A_71 = arith.addi %mul3A_69, %add3A_70 : i32
      "tpu.region"() ({
        %run_scoped3A = tpu.sem_alloc : memref<!tpu.dma_semaphore, #tpu.memory_space<semaphore_mem>>
        %dma_start3A_92 = arith.constant 20 : i32
        %dma_start3A_93 = arith.constant 0 : i32
        %dma_start3A_94 = tpu.memref_slice %arg16[%dma_start3A_92, %dma_start3A_93] : memref<82x128xi32, #tpu.memory_space<vmem>> -> memref<20x128xi32, #tpu.memory_space<vmem>>
        %dma_start3A_95 = arith.constant 0 : i32
        %dma_start3A_96 = arith.constant 0 : i32
        %dma_start3A_97 = tpu.memref_slice %arg5[%add3A_71, %dma_start3A_95, %dma_start3A_96] : memref<125x20x128xi32, #tpu.memory_space<hbm>> -> memref<1x20x128xi32, #tpu.memory_space<hbm>>
        %dma_start3A_98 = tpu.memref_squeeze %dma_start3A_97 : memref<1x20x128xi32, #tpu.memory_space<hbm>> -> memref<20x128xi32, #tpu.memory_space<hbm>>
        %dma_start3A_99 = arith.constant 20 : i32
        %dma_start3A_100 = arith.constant 0 : i32
        %dma_start3A_101 = tpu.memref_slice %arg16[%dma_start3A_99, %dma_start3A_100] : memref<82x128xi32, #tpu.memory_space<vmem>> -> memref<20x128xi32, #tpu.memory_space<vmem>>
        %dma_start3A_102 = arith.constant 0 : i32
        %dma_start3A_103 = arith.constant 0 : i32
        %dma_start3A_104 = tpu.memref_slice %arg5[%add3A_71, %dma_start3A_102, %dma_start3A_103] : memref<125x20x128xi32, #tpu.memory_space<hbm>> -> memref<1x20x128xi32, #tpu.memory_space<hbm>>
        %dma_start3A_105 = tpu.memref_squeeze %dma_start3A_104 : memref<1x20x128xi32, #tpu.memory_space<hbm>> -> memref<20x128xi32, #tpu.memory_space<hbm>>
        tpu.enqueue_dma source(%dma_start3A_105 : memref<20x128xi32, #tpu.memory_space<hbm>>) target(%dma_start3A_101 : memref<20x128xi32, #tpu.memory_space<vmem>>) target_semaphore(%run_scoped3A : memref<!tpu.dma_semaphore, #tpu.memory_space<semaphore_mem>>)
        %dma_wait3A_106 = arith.constant 20 : i32
        %dma_wait3A_107 = arith.constant 0 : i32
        %dma_wait3A_108 = tpu.memref_slice %arg16[%dma_wait3A_106, %dma_wait3A_107] : memref<82x128xi32, #tpu.memory_space<vmem>> -> memref<20x128xi32, #tpu.memory_space<vmem>>
        %dma_wait3A_109 = arith.constant 0 : i32
        %dma_wait3A_110 = arith.constant 0 : i32
        %dma_wait3A_111 = tpu.memref_slice %arg5[%add3A_71, %dma_wait3A_109, %dma_wait3A_110] : memref<125x20x128xi32, #tpu.memory_space<hbm>> -> memref<1x20x128xi32, #tpu.memory_space<hbm>>
        %dma_wait3A_112 = tpu.memref_squeeze %dma_wait3A_111 : memref<1x20x128xi32, #tpu.memory_space<hbm>> -> memref<20x128xi32, #tpu.memory_space<hbm>>
        %dma_wait3A_113 = arith.constant 20 : i32
        %dma_wait3A_114 = arith.constant 0 : i32
        %dma_wait3A_115 = tpu.memref_slice %arg16[%dma_wait3A_113, %dma_wait3A_114] : memref<82x128xi32, #tpu.memory_space<vmem>> -> memref<20x128xi32, #tpu.memory_space<vmem>>
        %dma_wait3A_116 = arith.constant 0 : i32
        %dma_wait3A_117 = arith.constant 0 : i32
        %dma_wait3A_118 = tpu.memref_slice %arg5[%add3A_71, %dma_wait3A_116, %dma_wait3A_117] : memref<125x20x128xi32, #tpu.memory_space<hbm>> -> memref<1x20x128xi32, #tpu.memory_space<hbm>>
        %dma_wait3A_119 = tpu.memref_squeeze %dma_wait3A_118 : memref<1x20x128xi32, #tpu.memory_space<hbm>> -> memref<20x128xi32, #tpu.memory_space<hbm>>
        tpu.wait_dma2 semaphore(%run_scoped3A : memref<!tpu.dma_semaphore, #tpu.memory_space<semaphore_mem>>) src(%dma_wait3A_119 : memref<20x128xi32, #tpu.memory_space<hbm>>) dst(%dma_wait3A_115 : memref<20x128xi32, #tpu.memory_space<vmem>>)
        tpu.yield
      }) : () -> ()
      %mul3A_72 = arith.constant 4 : i32
      %mul3A_73 = arith.muli %mul3A_72, %add3A : i32
      %add3A_74 = arith.constant 1 : i32
      %add3A_75 = arith.addi %mul3A_73, %add3A_74 : i32
      "tpu.region"() ({
        %run_scoped3A = tpu.sem_alloc : memref<!tpu.dma_semaphore, #tpu.memory_space<semaphore_mem>>
        %dma_start3A_92 = arith.constant 20 : i32
        %dma_start3A_93 = arith.constant 0 : i32
        %dma_start3A_94 = tpu.memref_slice %arg17[%dma_start3A_92, %dma_start3A_93] : memref<82x128xi32, #tpu.memory_space<vmem>> -> memref<20x128xi32, #tpu.memory_space<vmem>>
        %dma_start3A_95 = arith.constant 0 : i32
        %dma_start3A_96 = arith.constant 0 : i32
        %dma_start3A_97 = tpu.memref_slice %arg6[%add3A_75, %dma_start3A_95, %dma_start3A_96] : memref<125x20x128xi32, #tpu.memory_space<hbm>> -> memref<1x20x128xi32, #tpu.memory_space<hbm>>
        %dma_start3A_98 = tpu.memref_squeeze %dma_start3A_97 : memref<1x20x128xi32, #tpu.memory_space<hbm>> -> memref<20x128xi32, #tpu.memory_space<hbm>>
        %dma_start3A_99 = arith.constant 20 : i32
        %dma_start3A_100 = arith.constant 0 : i32
        %dma_start3A_101 = tpu.memref_slice %arg17[%dma_start3A_99, %dma_start3A_100] : memref<82x128xi32, #tpu.memory_space<vmem>> -> memref<20x128xi32, #tpu.memory_space<vmem>>
        %dma_start3A_102 = arith.constant 0 : i32
        %dma_start3A_103 = arith.constant 0 : i32
        %dma_start3A_104 = tpu.memref_slice %arg6[%add3A_75, %dma_start3A_102, %dma_start3A_103] : memref<125x20x128xi32, #tpu.memory_space<hbm>> -> memref<1x20x128xi32, #tpu.memory_space<hbm>>
        %dma_start3A_105 = tpu.memref_squeeze %dma_start3A_104 : memref<1x20x128xi32, #tpu.memory_space<hbm>> -> memref<20x128xi32, #tpu.memory_space<hbm>>
        tpu.enqueue_dma source(%dma_start3A_105 : memref<20x128xi32, #tpu.memory_space<hbm>>) target(%dma_start3A_101 : memref<20x128xi32, #tpu.memory_space<vmem>>) target_semaphore(%run_scoped3A : memref<!tpu.dma_semaphore, #tpu.memory_space<semaphore_mem>>)
        %dma_wait3A_106 = arith.constant 20 : i32
        %dma_wait3A_107 = arith.constant 0 : i32
        %dma_wait3A_108 = tpu.memref_slice %arg17[%dma_wait3A_106, %dma_wait3A_107] : memref<82x128xi32, #tpu.memory_space<vmem>> -> memref<20x128xi32, #tpu.memory_space<vmem>>
        %dma_wait3A_109 = arith.constant 0 : i32
        %dma_wait3A_110 = arith.constant 0 : i32
        %dma_wait3A_111 = tpu.memref_slice %arg6[%add3A_75, %dma_wait3A_109, %dma_wait3A_110] : memref<125x20x128xi32, #tpu.memory_space<hbm>> -> memref<1x20x128xi32, #tpu.memory_space<hbm>>
        %dma_wait3A_112 = tpu.memref_squeeze %dma_wait3A_111 : memref<1x20x128xi32, #tpu.memory_space<hbm>> -> memref<20x128xi32, #tpu.memory_space<hbm>>
        %dma_wait3A_113 = arith.constant 20 : i32
        %dma_wait3A_114 = arith.constant 0 : i32
        %dma_wait3A_115 = tpu.memref_slice %arg17[%dma_wait3A_113, %dma_wait3A_114] : memref<82x128xi32, #tpu.memory_space<vmem>> -> memref<20x128xi32, #tpu.memory_space<vmem>>
        %dma_wait3A_116 = arith.constant 0 : i32
        %dma_wait3A_117 = arith.constant 0 : i32
        %dma_wait3A_118 = tpu.memref_slice %arg6[%add3A_75, %dma_wait3A_116, %dma_wait3A_117] : memref<125x20x128xi32, #tpu.memory_space<hbm>> -> memref<1x20x128xi32, #tpu.memory_space<hbm>>
        %dma_wait3A_119 = tpu.memref_squeeze %dma_wait3A_118 : memref<1x20x128xi32, #tpu.memory_space<hbm>> -> memref<20x128xi32, #tpu.memory_space<hbm>>
        tpu.wait_dma2 semaphore(%run_scoped3A : memref<!tpu.dma_semaphore, #tpu.memory_space<semaphore_mem>>) src(%dma_wait3A_119 : memref<20x128xi32, #tpu.memory_space<hbm>>) dst(%dma_wait3A_115 : memref<20x128xi32, #tpu.memory_space<vmem>>)
        tpu.yield
      }) : () -> ()
      %mul3A_76 = arith.constant 4 : i32
      %mul3A_77 = arith.muli %mul3A_76, %add3A : i32
      %add3A_78 = arith.constant 2 : i32
      %add3A_79 = arith.addi %mul3A_77, %add3A_78 : i32
      "tpu.region"() ({
        %run_scoped3A = tpu.sem_alloc : memref<!tpu.dma_semaphore, #tpu.memory_space<semaphore_mem>>
        %dma_start3A_92 = arith.constant 40 : i32
        %dma_start3A_93 = arith.constant 0 : i32
        %dma_start3A_94 = tpu.memref_slice %arg16[%dma_start3A_92, %dma_start3A_93] : memref<82x128xi32, #tpu.memory_space<vmem>> -> memref<20x128xi32, #tpu.memory_space<vmem>>
        %dma_start3A_95 = arith.constant 0 : i32
        %dma_start3A_96 = arith.constant 0 : i32
        %dma_start3A_97 = tpu.memref_slice %arg5[%add3A_79, %dma_start3A_95, %dma_start3A_96] : memref<125x20x128xi32, #tpu.memory_space<hbm>> -> memref<1x20x128xi32, #tpu.memory_space<hbm>>
        %dma_start3A_98 = tpu.memref_squeeze %dma_start3A_97 : memref<1x20x128xi32, #tpu.memory_space<hbm>> -> memref<20x128xi32, #tpu.memory_space<hbm>>
        %dma_start3A_99 = arith.constant 40 : i32
        %dma_start3A_100 = arith.constant 0 : i32
        %dma_start3A_101 = tpu.memref_slice %arg16[%dma_start3A_99, %dma_start3A_100] : memref<82x128xi32, #tpu.memory_space<vmem>> -> memref<20x128xi32, #tpu.memory_space<vmem>>
        %dma_start3A_102 = arith.constant 0 : i32
        %dma_start3A_103 = arith.constant 0 : i32
        %dma_start3A_104 = tpu.memref_slice %arg5[%add3A_79, %dma_start3A_102, %dma_start3A_103] : memref<125x20x128xi32, #tpu.memory_space<hbm>> -> memref<1x20x128xi32, #tpu.memory_space<hbm>>
        %dma_start3A_105 = tpu.memref_squeeze %dma_start3A_104 : memref<1x20x128xi32, #tpu.memory_space<hbm>> -> memref<20x128xi32, #tpu.memory_space<hbm>>
        tpu.enqueue_dma source(%dma_start3A_105 : memref<20x128xi32, #tpu.memory_space<hbm>>) target(%dma_start3A_101 : memref<20x128xi32, #tpu.memory_space<vmem>>) target_semaphore(%run_scoped3A : memref<!tpu.dma_semaphore, #tpu.memory_space<semaphore_mem>>)
        %dma_wait3A_106 = arith.constant 40 : i32
        %dma_wait3A_107 = arith.constant 0 : i32
        %dma_wait3A_108 = tpu.memref_slice %arg16[%dma_wait3A_106, %dma_wait3A_107] : memref<82x128xi32, #tpu.memory_space<vmem>> -> memref<20x128xi32, #tpu.memory_space<vmem>>
        %dma_wait3A_109 = arith.constant 0 : i32
        %dma_wait3A_110 = arith.constant 0 : i32
        %dma_wait3A_111 = tpu.memref_slice %arg5[%add3A_79, %dma_wait3A_109, %dma_wait3A_110] : memref<125x20x128xi32, #tpu.memory_space<hbm>> -> memref<1x20x128xi32, #tpu.memory_space<hbm>>
        %dma_wait3A_112 = tpu.memref_squeeze %dma_wait3A_111 : memref<1x20x128xi32, #tpu.memory_space<hbm>> -> memref<20x128xi32, #tpu.memory_space<hbm>>
        %dma_wait3A_113 = arith.constant 40 : i32
        %dma_wait3A_114 = arith.constant 0 : i32
        %dma_wait3A_115 = tpu.memref_slice %arg16[%dma_wait3A_113, %dma_wait3A_114] : memref<82x128xi32, #tpu.memory_space<vmem>> -> memref<20x128xi32, #tpu.memory_space<vmem>>
        %dma_wait3A_116 = arith.constant 0 : i32
        %dma_wait3A_117 = arith.constant 0 : i32
        %dma_wait3A_118 = tpu.memref_slice %arg5[%add3A_79, %dma_wait3A_116, %dma_wait3A_117] : memref<125x20x128xi32, #tpu.memory_space<hbm>> -> memref<1x20x128xi32, #tpu.memory_space<hbm>>
        %dma_wait3A_119 = tpu.memref_squeeze %dma_wait3A_118 : memref<1x20x128xi32, #tpu.memory_space<hbm>> -> memref<20x128xi32, #tpu.memory_space<hbm>>
        tpu.wait_dma2 semaphore(%run_scoped3A : memref<!tpu.dma_semaphore, #tpu.memory_space<semaphore_mem>>) src(%dma_wait3A_119 : memref<20x128xi32, #tpu.memory_space<hbm>>) dst(%dma_wait3A_115 : memref<20x128xi32, #tpu.memory_space<vmem>>)
        tpu.yield
      }) : () -> ()
      %mul3A_80 = arith.constant 4 : i32
      %mul3A_81 = arith.muli %mul3A_80, %add3A : i32
      %add3A_82 = arith.constant 2 : i32
      %add3A_83 = arith.addi %mul3A_81, %add3A_82 : i32
      "tpu.region"() ({
        %run_scoped3A = tpu.sem_alloc : memref<!tpu.dma_semaphore, #tpu.memory_space<semaphore_mem>>
        %dma_start3A_92 = arith.constant 40 : i32
        %dma_start3A_93 = arith.constant 0 : i32
        %dma_start3A_94 = tpu.memref_slice %arg17[%dma_start3A_92, %dma_start3A_93] : memref<82x128xi32, #tpu.memory_space<vmem>> -> memref<20x128xi32, #tpu.memory_space<vmem>>
        %dma_start3A_95 = arith.constant 0 : i32
        %dma_start3A_96 = arith.constant 0 : i32
        %dma_start3A_97 = tpu.memref_slice %arg6[%add3A_83, %dma_start3A_95, %dma_start3A_96] : memref<125x20x128xi32, #tpu.memory_space<hbm>> -> memref<1x20x128xi32, #tpu.memory_space<hbm>>
        %dma_start3A_98 = tpu.memref_squeeze %dma_start3A_97 : memref<1x20x128xi32, #tpu.memory_space<hbm>> -> memref<20x128xi32, #tpu.memory_space<hbm>>
        %dma_start3A_99 = arith.constant 40 : i32
        %dma_start3A_100 = arith.constant 0 : i32
        %dma_start3A_101 = tpu.memref_slice %arg17[%dma_start3A_99, %dma_start3A_100] : memref<82x128xi32, #tpu.memory_space<vmem>> -> memref<20x128xi32, #tpu.memory_space<vmem>>
        %dma_start3A_102 = arith.constant 0 : i32
        %dma_start3A_103 = arith.constant 0 : i32
        %dma_start3A_104 = tpu.memref_slice %arg6[%add3A_83, %dma_start3A_102, %dma_start3A_103] : memref<125x20x128xi32, #tpu.memory_space<hbm>> -> memref<1x20x128xi32, #tpu.memory_space<hbm>>
        %dma_start3A_105 = tpu.memref_squeeze %dma_start3A_104 : memref<1x20x128xi32, #tpu.memory_space<hbm>> -> memref<20x128xi32, #tpu.memory_space<hbm>>
        tpu.enqueue_dma source(%dma_start3A_105 : memref<20x128xi32, #tpu.memory_space<hbm>>) target(%dma_start3A_101 : memref<20x128xi32, #tpu.memory_space<vmem>>) target_semaphore(%run_scoped3A : memref<!tpu.dma_semaphore, #tpu.memory_space<semaphore_mem>>)
        %dma_wait3A_106 = arith.constant 40 : i32
        %dma_wait3A_107 = arith.constant 0 : i32
        %dma_wait3A_108 = tpu.memref_slice %arg17[%dma_wait3A_106, %dma_wait3A_107] : memref<82x128xi32, #tpu.memory_space<vmem>> -> memref<20x128xi32, #tpu.memory_space<vmem>>
        %dma_wait3A_109 = arith.constant 0 : i32
        %dma_wait3A_110 = arith.constant 0 : i32
        %dma_wait3A_111 = tpu.memref_slice %arg6[%add3A_83, %dma_wait3A_109, %dma_wait3A_110] : memref<125x20x128xi32, #tpu.memory_space<hbm>> -> memref<1x20x128xi32, #tpu.memory_space<hbm>>
        %dma_wait3A_112 = tpu.memref_squeeze %dma_wait3A_111 : memref<1x20x128xi32, #tpu.memory_space<hbm>> -> memref<20x128xi32, #tpu.memory_space<hbm>>
        %dma_wait3A_113 = arith.constant 40 : i32
        %dma_wait3A_114 = arith.constant 0 : i32
        %dma_wait3A_115 = tpu.memref_slice %arg17[%dma_wait3A_113, %dma_wait3A_114] : memref<82x128xi32, #tpu.memory_space<vmem>> -> memref<20x128xi32, #tpu.memory_space<vmem>>
        %dma_wait3A_116 = arith.constant 0 : i32
        %dma_wait3A_117 = arith.constant 0 : i32
        %dma_wait3A_118 = tpu.memref_slice %arg6[%add3A_83, %dma_wait3A_116, %dma_wait3A_117] : memref<125x20x128xi32, #tpu.memory_space<hbm>> -> memref<1x20x128xi32, #tpu.memory_space<hbm>>
        %dma_wait3A_119 = tpu.memref_squeeze %dma_wait3A_118 : memref<1x20x128xi32, #tpu.memory_space<hbm>> -> memref<20x128xi32, #tpu.memory_space<hbm>>
        tpu.wait_dma2 semaphore(%run_scoped3A : memref<!tpu.dma_semaphore, #tpu.memory_space<semaphore_mem>>) src(%dma_wait3A_119 : memref<20x128xi32, #tpu.memory_space<hbm>>) dst(%dma_wait3A_115 : memref<20x128xi32, #tpu.memory_space<vmem>>)
        tpu.yield
      }) : () -> ()
      %mul3A_84 = arith.constant 4 : i32
      %mul3A_85 = arith.muli %mul3A_84, %add3A : i32
      %add3A_86 = arith.constant 3 : i32
      %add3A_87 = arith.addi %mul3A_85, %add3A_86 : i32
      "tpu.region"() ({
        %run_scoped3A = tpu.sem_alloc : memref<!tpu.dma_semaphore, #tpu.memory_space<semaphore_mem>>
        %dma_start3A_92 = arith.constant 60 : i32
        %dma_start3A_93 = arith.constant 0 : i32
        %dma_start3A_94 = tpu.memref_slice %arg16[%dma_start3A_92, %dma_start3A_93] : memref<82x128xi32, #tpu.memory_space<vmem>> -> memref<20x128xi32, #tpu.memory_space<vmem>>
        %dma_start3A_95 = arith.constant 0 : i32
        %dma_start3A_96 = arith.constant 0 : i32
        %dma_start3A_97 = tpu.memref_slice %arg5[%add3A_87, %dma_start3A_95, %dma_start3A_96] : memref<125x20x128xi32, #tpu.memory_space<hbm>> -> memref<1x20x128xi32, #tpu.memory_space<hbm>>
        %dma_start3A_98 = tpu.memref_squeeze %dma_start3A_97 : memref<1x20x128xi32, #tpu.memory_space<hbm>> -> memref<20x128xi32, #tpu.memory_space<hbm>>
        %dma_start3A_99 = arith.constant 60 : i32
        %dma_start3A_100 = arith.constant 0 : i32
        %dma_start3A_101 = tpu.memref_slice %arg16[%dma_start3A_99, %dma_start3A_100] : memref<82x128xi32, #tpu.memory_space<vmem>> -> memref<20x128xi32, #tpu.memory_space<vmem>>
        %dma_start3A_102 = arith.constant 0 : i32
        %dma_start3A_103 = arith.constant 0 : i32
        %dma_start3A_104 = tpu.memref_slice %arg5[%add3A_87, %dma_start3A_102, %dma_start3A_103] : memref<125x20x128xi32, #tpu.memory_space<hbm>> -> memref<1x20x128xi32, #tpu.memory_space<hbm>>
        %dma_start3A_105 = tpu.memref_squeeze %dma_start3A_104 : memref<1x20x128xi32, #tpu.memory_space<hbm>> -> memref<20x128xi32, #tpu.memory_space<hbm>>
        tpu.enqueue_dma source(%dma_start3A_105 : memref<20x128xi32, #tpu.memory_space<hbm>>) target(%dma_start3A_101 : memref<20x128xi32, #tpu.memory_space<vmem>>) target_semaphore(%run_scoped3A : memref<!tpu.dma_semaphore, #tpu.memory_space<semaphore_mem>>)
        %dma_wait3A_106 = arith.constant 60 : i32
        %dma_wait3A_107 = arith.constant 0 : i32
        %dma_wait3A_108 = tpu.memref_slice %arg16[%dma_wait3A_106, %dma_wait3A_107] : memref<82x128xi32, #tpu.memory_space<vmem>> -> memref<20x128xi32, #tpu.memory_space<vmem>>
        %dma_wait3A_109 = arith.constant 0 : i32
        %dma_wait3A_110 = arith.constant 0 : i32
        %dma_wait3A_111 = tpu.memref_slice %arg5[%add3A_87, %dma_wait3A_109, %dma_wait3A_110] : memref<125x20x128xi32, #tpu.memory_space<hbm>> -> memref<1x20x128xi32, #tpu.memory_space<hbm>>
        %dma_wait3A_112 = tpu.memref_squeeze %dma_wait3A_111 : memref<1x20x128xi32, #tpu.memory_space<hbm>> -> memref<20x128xi32, #tpu.memory_space<hbm>>
        %dma_wait3A_113 = arith.constant 60 : i32
        %dma_wait3A_114 = arith.constant 0 : i32
        %dma_wait3A_115 = tpu.memref_slice %arg16[%dma_wait3A_113, %dma_wait3A_114] : memref<82x128xi32, #tpu.memory_space<vmem>> -> memref<20x128xi32, #tpu.memory_space<vmem>>
        %dma_wait3A_116 = arith.constant 0 : i32
        %dma_wait3A_117 = arith.constant 0 : i32
        %dma_wait3A_118 = tpu.memref_slice %arg5[%add3A_87, %dma_wait3A_116, %dma_wait3A_117] : memref<125x20x128xi32, #tpu.memory_space<hbm>> -> memref<1x20x128xi32, #tpu.memory_space<hbm>>
        %dma_wait3A_119 = tpu.memref_squeeze %dma_wait3A_118 : memref<1x20x128xi32, #tpu.memory_space<hbm>> -> memref<20x128xi32, #tpu.memory_space<hbm>>
        tpu.wait_dma2 semaphore(%run_scoped3A : memref<!tpu.dma_semaphore, #tpu.memory_space<semaphore_mem>>) src(%dma_wait3A_119 : memref<20x128xi32, #tpu.memory_space<hbm>>) dst(%dma_wait3A_115 : memref<20x128xi32, #tpu.memory_space<vmem>>)
        tpu.yield
      }) : () -> ()
      %mul3A_88 = arith.constant 4 : i32
      %mul3A_89 = arith.muli %mul3A_88, %add3A : i32
      %add3A_90 = arith.constant 3 : i32
      %add3A_91 = arith.addi %mul3A_89, %add3A_90 : i32
      "tpu.region"() ({
        %run_scoped3A = tpu.sem_alloc : memref<!tpu.dma_semaphore, #tpu.memory_space<semaphore_mem>>
        %dma_start3A_92 = arith.constant 60 : i32
        %dma_start3A_93 = arith.constant 0 : i32
        %dma_start3A_94 = tpu.memref_slice %arg17[%dma_start3A_92, %dma_start3A_93] : memref<82x128xi32, #tpu.memory_space<vmem>> -> memref<20x128xi32, #tpu.memory_space<vmem>>
        %dma_start3A_95 = arith.constant 0 : i32
        %dma_start3A_96 = arith.constant 0 : i32
        %dma_start3A_97 = tpu.memref_slice %arg6[%add3A_91, %dma_start3A_95, %dma_start3A_96] : memref<125x20x128xi32, #tpu.memory_space<hbm>> -> memref<1x20x128xi32, #tpu.memory_space<hbm>>
        %dma_start3A_98 = tpu.memref_squeeze %dma_start3A_97 : memref<1x20x128xi32, #tpu.memory_space<hbm>> -> memref<20x128xi32, #tpu.memory_space<hbm>>
        %dma_start3A_99 = arith.constant 60 : i32
        %dma_start3A_100 = arith.constant 0 : i32
        %dma_start3A_101 = tpu.memref_slice %arg17[%dma_start3A_99, %dma_start3A_100] : memref<82x128xi32, #tpu.memory_space<vmem>> -> memref<20x128xi32, #tpu.memory_space<vmem>>
        %dma_start3A_102 = arith.constant 0 : i32
        %dma_start3A_103 = arith.constant 0 : i32
        %dma_start3A_104 = tpu.memref_slice %arg6[%add3A_91, %dma_start3A_102, %dma_start3A_103] : memref<125x20x128xi32, #tpu.memory_space<hbm>> -> memref<1x20x128xi32, #tpu.memory_space<hbm>>
        %dma_start3A_105 = tpu.memref_squeeze %dma_start3A_104 : memref<1x20x128xi32, #tpu.memory_space<hbm>> -> memref<20x128xi32, #tpu.memory_space<hbm>>
        tpu.enqueue_dma source(%dma_start3A_105 : memref<20x128xi32, #tpu.memory_space<hbm>>) target(%dma_start3A_101 : memref<20x128xi32, #tpu.memory_space<vmem>>) target_semaphore(%run_scoped3A : memref<!tpu.dma_semaphore, #tpu.memory_space<semaphore_mem>>)
        %dma_wait3A_106 = arith.constant 60 : i32
        %dma_wait3A_107 = arith.constant 0 : i32
        %dma_wait3A_108 = tpu.memref_slice %arg17[%dma_wait3A_106, %dma_wait3A_107] : memref<82x128xi32, #tpu.memory_space<vmem>> -> memref<20x128xi32, #tpu.memory_space<vmem>>
        %dma_wait3A_109 = arith.constant 0 : i32
        %dma_wait3A_110 = arith.constant 0 : i32
        %dma_wait3A_111 = tpu.memref_slice %arg6[%add3A_91, %dma_wait3A_109, %dma_wait3A_110] : memref<125x20x128xi32, #tpu.memory_space<hbm>> -> memref<1x20x128xi32, #tpu.memory_space<hbm>>
        %dma_wait3A_112 = tpu.memref_squeeze %dma_wait3A_111 : memref<1x20x128xi32, #tpu.memory_space<hbm>> -> memref<20x128xi32, #tpu.memory_space<hbm>>
        %dma_wait3A_113 = arith.constant 60 : i32
        %dma_wait3A_114 = arith.constant 0 : i32
        %dma_wait3A_115 = tpu.memref_slice %arg17[%dma_wait3A_113, %dma_wait3A_114] : memref<82x128xi32, #tpu.memory_space<vmem>> -> memref<20x128xi32, #tpu.memory_space<vmem>>
        %dma_wait3A_116 = arith.constant 0 : i32
        %dma_wait3A_117 = arith.constant 0 : i32
        %dma_wait3A_118 = tpu.memref_slice %arg6[%add3A_91, %dma_wait3A_116, %dma_wait3A_117] : memref<125x20x128xi32, #tpu.memory_space<hbm>> -> memref<1x20x128xi32, #tpu.memory_space<hbm>>
        %dma_wait3A_119 = tpu.memref_squeeze %dma_wait3A_118 : memref<1x20x128xi32, #tpu.memory_space<hbm>> -> memref<20x128xi32, #tpu.memory_space<hbm>>
        tpu.wait_dma2 semaphore(%run_scoped3A : memref<!tpu.dma_semaphore, #tpu.memory_space<semaphore_mem>>) src(%dma_wait3A_119 : memref<20x128xi32, #tpu.memory_space<hbm>>) dst(%dma_wait3A_115 : memref<20x128xi32, #tpu.memory_space<vmem>>)
        tpu.yield
      }) : () -> ()
      "tpu.region"() ({
        %run_scoped3A = tpu.sem_alloc : memref<!tpu.dma_semaphore, #tpu.memory_space<semaphore_mem>>
        %dma_start3A_92 = arith.constant 80 : i32
        %dma_start3A_93 = arith.constant 0 : i32
        %dma_start3A_94 = tpu.memref_slice %arg16[%dma_start3A_92, %dma_start3A_93] : memref<82x128xi32, #tpu.memory_space<vmem>> -> memref<2x128xi32, #tpu.memory_space<vmem>>
        %dma_start3A_95 = arith.constant 0 : i32
        %dma_start3A_96 = arith.constant 0 : i32
        %dma_start3A_97 = tpu.memref_slice %arg7[%add3A, %dma_start3A_95, %dma_start3A_96] : memref<31x2x128xi32, #tpu.memory_space<hbm>> -> memref<1x2x128xi32, #tpu.memory_space<hbm>>
        %dma_start3A_98 = tpu.memref_squeeze %dma_start3A_97 : memref<1x2x128xi32, #tpu.memory_space<hbm>> -> memref<2x128xi32, #tpu.memory_space<hbm>>
        %dma_start3A_99 = arith.constant 80 : i32
        %dma_start3A_100 = arith.constant 0 : i32
        %dma_start3A_101 = tpu.memref_slice %arg16[%dma_start3A_99, %dma_start3A_100] : memref<82x128xi32, #tpu.memory_space<vmem>> -> memref<2x128xi32, #tpu.memory_space<vmem>>
        %dma_start3A_102 = arith.constant 0 : i32
        %dma_start3A_103 = arith.constant 0 : i32
        %dma_start3A_104 = tpu.memref_slice %arg7[%add3A, %dma_start3A_102, %dma_start3A_103] : memref<31x2x128xi32, #tpu.memory_space<hbm>> -> memref<1x2x128xi32, #tpu.memory_space<hbm>>
        %dma_start3A_105 = tpu.memref_squeeze %dma_start3A_104 : memref<1x2x128xi32, #tpu.memory_space<hbm>> -> memref<2x128xi32, #tpu.memory_space<hbm>>
        tpu.enqueue_dma source(%dma_start3A_105 : memref<2x128xi32, #tpu.memory_space<hbm>>) target(%dma_start3A_101 : memref<2x128xi32, #tpu.memory_space<vmem>>) target_semaphore(%run_scoped3A : memref<!tpu.dma_semaphore, #tpu.memory_space<semaphore_mem>>)
        %dma_wait3A_106 = arith.constant 80 : i32
        %dma_wait3A_107 = arith.constant 0 : i32
        %dma_wait3A_108 = tpu.memref_slice %arg16[%dma_wait3A_106, %dma_wait3A_107] : memref<82x128xi32, #tpu.memory_space<vmem>> -> memref<2x128xi32, #tpu.memory_space<vmem>>
        %dma_wait3A_109 = arith.constant 0 : i32
        %dma_wait3A_110 = arith.constant 0 : i32
        %dma_wait3A_111 = tpu.memref_slice %arg7[%add3A, %dma_wait3A_109, %dma_wait3A_110] : memref<31x2x128xi32, #tpu.memory_space<hbm>> -> memref<1x2x128xi32, #tpu.memory_space<hbm>>
        %dma_wait3A_112 = tpu.memref_squeeze %dma_wait3A_111 : memref<1x2x128xi32, #tpu.memory_space<hbm>> -> memref<2x128xi32, #tpu.memory_space<hbm>>
        %dma_wait3A_113 = arith.constant 80 : i32
        %dma_wait3A_114 = arith.constant 0 : i32
        %dma_wait3A_115 = tpu.memref_slice %arg16[%dma_wait3A_113, %dma_wait3A_114] : memref<82x128xi32, #tpu.memory_space<vmem>> -> memref<2x128xi32, #tpu.memory_space<vmem>>
        %dma_wait3A_116 = arith.constant 0 : i32
        %dma_wait3A_117 = arith.constant 0 : i32
        %dma_wait3A_118 = tpu.memref_slice %arg7[%add3A, %dma_wait3A_116, %dma_wait3A_117] : memref<31x2x128xi32, #tpu.memory_space<hbm>> -> memref<1x2x128xi32, #tpu.memory_space<hbm>>
        %dma_wait3A_119 = tpu.memref_squeeze %dma_wait3A_118 : memref<1x2x128xi32, #tpu.memory_space<hbm>> -> memref<2x128xi32, #tpu.memory_space<hbm>>
        tpu.wait_dma2 semaphore(%run_scoped3A : memref<!tpu.dma_semaphore, #tpu.memory_space<semaphore_mem>>) src(%dma_wait3A_119 : memref<2x128xi32, #tpu.memory_space<hbm>>) dst(%dma_wait3A_115 : memref<2x128xi32, #tpu.memory_space<vmem>>)
        tpu.yield
      }) : () -> ()
      "tpu.region"() ({
        %run_scoped3A = tpu.sem_alloc : memref<!tpu.dma_semaphore, #tpu.memory_space<semaphore_mem>>
        %dma_start3A_92 = arith.constant 80 : i32
        %dma_start3A_93 = arith.constant 0 : i32
        %dma_start3A_94 = tpu.memref_slice %arg17[%dma_start3A_92, %dma_start3A_93] : memref<82x128xi32, #tpu.memory_space<vmem>> -> memref<2x128xi32, #tpu.memory_space<vmem>>
        %dma_start3A_95 = arith.constant 0 : i32
        %dma_start3A_96 = arith.constant 0 : i32
        %dma_start3A_97 = tpu.memref_slice %arg8[%add3A, %dma_start3A_95, %dma_start3A_96] : memref<31x2x128xi32, #tpu.memory_space<hbm>> -> memref<1x2x128xi32, #tpu.memory_space<hbm>>
        %dma_start3A_98 = tpu.memref_squeeze %dma_start3A_97 : memref<1x2x128xi32, #tpu.memory_space<hbm>> -> memref<2x128xi32, #tpu.memory_space<hbm>>
        %dma_start3A_99 = arith.constant 80 : i32
        %dma_start3A_100 = arith.constant 0 : i32
        %dma_start3A_101 = tpu.memref_slice %arg17[%dma_start3A_99, %dma_start3A_100] : memref<82x128xi32, #tpu.memory_space<vmem>> -> memref<2x128xi32, #tpu.memory_space<vmem>>
        %dma_start3A_102 = arith.constant 0 : i32
        %dma_start3A_103 = arith.constant 0 : i32
        %dma_start3A_104 = tpu.memref_slice %arg8[%add3A, %dma_start3A_102, %dma_start3A_103] : memref<31x2x128xi32, #tpu.memory_space<hbm>> -> memref<1x2x128xi32, #tpu.memory_space<hbm>>
        %dma_start3A_105 = tpu.memref_squeeze %dma_start3A_104 : memref<1x2x128xi32, #tpu.memory_space<hbm>> -> memref<2x128xi32, #tpu.memory_space<hbm>>
        tpu.enqueue_dma source(%dma_start3A_105 : memref<2x128xi32, #tpu.memory_space<hbm>>) target(%dma_start3A_101 : memref<2x128xi32, #tpu.memory_space<vmem>>) target_semaphore(%run_scoped3A : memref<!tpu.dma_semaphore, #tpu.memory_space<semaphore_mem>>)
        %dma_wait3A_106 = arith.constant 80 : i32
        %dma_wait3A_107 = arith.constant 0 : i32
        %dma_wait3A_108 = tpu.memref_slice %arg17[%dma_wait3A_106, %dma_wait3A_107] : memref<82x128xi32, #tpu.memory_space<vmem>> -> memref<2x128xi32, #tpu.memory_space<vmem>>
        %dma_wait3A_109 = arith.constant 0 : i32
        %dma_wait3A_110 = arith.constant 0 : i32
        %dma_wait3A_111 = tpu.memref_slice %arg8[%add3A, %dma_wait3A_109, %dma_wait3A_110] : memref<31x2x128xi32, #tpu.memory_space<hbm>> -> memref<1x2x128xi32, #tpu.memory_space<hbm>>
        %dma_wait3A_112 = tpu.memref_squeeze %dma_wait3A_111 : memref<1x2x128xi32, #tpu.memory_space<hbm>> -> memref<2x128xi32, #tpu.memory_space<hbm>>
        %dma_wait3A_113 = arith.constant 80 : i32
        %dma_wait3A_114 = arith.constant 0 : i32
        %dma_wait3A_115 = tpu.memref_slice %arg17[%dma_wait3A_113, %dma_wait3A_114] : memref<82x128xi32, #tpu.memory_space<vmem>> -> memref<2x128xi32, #tpu.memory_space<vmem>>
        %dma_wait3A_116 = arith.constant 0 : i32
        %dma_wait3A_117 = arith.constant 0 : i32
        %dma_wait3A_118 = tpu.memref_slice %arg8[%add3A, %dma_wait3A_116, %dma_wait3A_117] : memref<31x2x128xi32, #tpu.memory_space<hbm>> -> memref<1x2x128xi32, #tpu.memory_space<hbm>>
        %dma_wait3A_119 = tpu.memref_squeeze %dma_wait3A_118 : memref<1x2x128xi32, #tpu.memory_space<hbm>> -> memref<2x128xi32, #tpu.memory_space<hbm>>
        tpu.wait_dma2 semaphore(%run_scoped3A : memref<!tpu.dma_semaphore, #tpu.memory_space<semaphore_mem>>) src(%dma_wait3A_119 : memref<2x128xi32, #tpu.memory_space<hbm>>) dst(%dma_wait3A_115 : memref<2x128xi32, #tpu.memory_space<vmem>>)
        tpu.yield
      }) : () -> ()
    } else {
    }
    %eq3A = arith.constant 31 : i32
    %eq3A_3 = arith.cmpi eq, %add3A, %eq3A : i32
    %convert_element_type3A_4 = arith.extui %eq3A_3 : i1 to i32
    %cond3A_5 = arith.constant 0 : i32
    %cond3A_6 = arith.cmpi ne, %convert_element_type3A_4, %cond3A_5 : i32
    scf.if %cond3A_6 {
      %run_scoped3A = arith.constant 124 : i32
      "tpu.region"() ({
        %run_scoped3A_61 = tpu.sem_alloc : memref<!tpu.dma_semaphore, #tpu.memory_space<semaphore_mem>>
        %dma_start3A_62 = arith.constant 0 : i32
        %dma_start3A_63 = arith.constant 0 : i32
        %dma_start3A_64 = tpu.memref_slice %arg16[%dma_start3A_62, %dma_start3A_63] : memref<82x128xi32, #tpu.memory_space<vmem>> -> memref<20x128xi32, #tpu.memory_space<vmem>>
        %dma_start3A_65 = arith.constant 0 : i32
        %dma_start3A_66 = arith.constant 0 : i32
        %dma_start3A_67 = tpu.memref_slice %arg5[%run_scoped3A, %dma_start3A_65, %dma_start3A_66] : memref<125x20x128xi32, #tpu.memory_space<hbm>> -> memref<1x20x128xi32, #tpu.memory_space<hbm>>
        %dma_start3A_68 = tpu.memref_squeeze %dma_start3A_67 : memref<1x20x128xi32, #tpu.memory_space<hbm>> -> memref<20x128xi32, #tpu.memory_space<hbm>>
        %dma_start3A_69 = arith.constant 0 : i32
        %dma_start3A_70 = arith.constant 0 : i32
        %dma_start3A_71 = tpu.memref_slice %arg16[%dma_start3A_69, %dma_start3A_70] : memref<82x128xi32, #tpu.memory_space<vmem>> -> memref<20x128xi32, #tpu.memory_space<vmem>>
        %dma_start3A_72 = arith.constant 0 : i32
        %dma_start3A_73 = arith.constant 0 : i32
        %dma_start3A_74 = tpu.memref_slice %arg5[%run_scoped3A, %dma_start3A_72, %dma_start3A_73] : memref<125x20x128xi32, #tpu.memory_space<hbm>> -> memref<1x20x128xi32, #tpu.memory_space<hbm>>
        %dma_start3A_75 = tpu.memref_squeeze %dma_start3A_74 : memref<1x20x128xi32, #tpu.memory_space<hbm>> -> memref<20x128xi32, #tpu.memory_space<hbm>>
        tpu.enqueue_dma source(%dma_start3A_75 : memref<20x128xi32, #tpu.memory_space<hbm>>) target(%dma_start3A_71 : memref<20x128xi32, #tpu.memory_space<vmem>>) target_semaphore(%run_scoped3A_61 : memref<!tpu.dma_semaphore, #tpu.memory_space<semaphore_mem>>)
        %dma_wait3A_76 = arith.constant 0 : i32
        %dma_wait3A_77 = arith.constant 0 : i32
        %dma_wait3A_78 = tpu.memref_slice %arg16[%dma_wait3A_76, %dma_wait3A_77] : memref<82x128xi32, #tpu.memory_space<vmem>> -> memref<20x128xi32, #tpu.memory_space<vmem>>
        %dma_wait3A_79 = arith.constant 0 : i32
        %dma_wait3A_80 = arith.constant 0 : i32
        %dma_wait3A_81 = tpu.memref_slice %arg5[%run_scoped3A, %dma_wait3A_79, %dma_wait3A_80] : memref<125x20x128xi32, #tpu.memory_space<hbm>> -> memref<1x20x128xi32, #tpu.memory_space<hbm>>
        %dma_wait3A_82 = tpu.memref_squeeze %dma_wait3A_81 : memref<1x20x128xi32, #tpu.memory_space<hbm>> -> memref<20x128xi32, #tpu.memory_space<hbm>>
        %dma_wait3A_83 = arith.constant 0 : i32
        %dma_wait3A_84 = arith.constant 0 : i32
        %dma_wait3A_85 = tpu.memref_slice %arg16[%dma_wait3A_83, %dma_wait3A_84] : memref<82x128xi32, #tpu.memory_space<vmem>> -> memref<20x128xi32, #tpu.memory_space<vmem>>
        %dma_wait3A_86 = arith.constant 0 : i32
        %dma_wait3A_87 = arith.constant 0 : i32
        %dma_wait3A_88 = tpu.memref_slice %arg5[%run_scoped3A, %dma_wait3A_86, %dma_wait3A_87] : memref<125x20x128xi32, #tpu.memory_space<hbm>> -> memref<1x20x128xi32, #tpu.memory_space<hbm>>
        %dma_wait3A_89 = tpu.memref_squeeze %dma_wait3A_88 : memref<1x20x128xi32, #tpu.memory_space<hbm>> -> memref<20x128xi32, #tpu.memory_space<hbm>>
        tpu.wait_dma2 semaphore(%run_scoped3A_61 : memref<!tpu.dma_semaphore, #tpu.memory_space<semaphore_mem>>) src(%dma_wait3A_89 : memref<20x128xi32, #tpu.memory_space<hbm>>) dst(%dma_wait3A_85 : memref<20x128xi32, #tpu.memory_space<vmem>>)
        tpu.yield
      }) : () -> ()
      %run_scoped3A_60 = arith.constant 124 : i32
      "tpu.region"() ({
        %run_scoped3A_61 = tpu.sem_alloc : memref<!tpu.dma_semaphore, #tpu.memory_space<semaphore_mem>>
        %dma_start3A_62 = arith.constant 0 : i32
        %dma_start3A_63 = arith.constant 0 : i32
        %dma_start3A_64 = tpu.memref_slice %arg17[%dma_start3A_62, %dma_start3A_63] : memref<82x128xi32, #tpu.memory_space<vmem>> -> memref<20x128xi32, #tpu.memory_space<vmem>>
        %dma_start3A_65 = arith.constant 0 : i32
        %dma_start3A_66 = arith.constant 0 : i32
        %dma_start3A_67 = tpu.memref_slice %arg6[%run_scoped3A_60, %dma_start3A_65, %dma_start3A_66] : memref<125x20x128xi32, #tpu.memory_space<hbm>> -> memref<1x20x128xi32, #tpu.memory_space<hbm>>
        %dma_start3A_68 = tpu.memref_squeeze %dma_start3A_67 : memref<1x20x128xi32, #tpu.memory_space<hbm>> -> memref<20x128xi32, #tpu.memory_space<hbm>>
        %dma_start3A_69 = arith.constant 0 : i32
        %dma_start3A_70 = arith.constant 0 : i32
        %dma_start3A_71 = tpu.memref_slice %arg17[%dma_start3A_69, %dma_start3A_70] : memref<82x128xi32, #tpu.memory_space<vmem>> -> memref<20x128xi32, #tpu.memory_space<vmem>>
        %dma_start3A_72 = arith.constant 0 : i32
        %dma_start3A_73 = arith.constant 0 : i32
        %dma_start3A_74 = tpu.memref_slice %arg6[%run_scoped3A_60, %dma_start3A_72, %dma_start3A_73] : memref<125x20x128xi32, #tpu.memory_space<hbm>> -> memref<1x20x128xi32, #tpu.memory_space<hbm>>
        %dma_start3A_75 = tpu.memref_squeeze %dma_start3A_74 : memref<1x20x128xi32, #tpu.memory_space<hbm>> -> memref<20x128xi32, #tpu.memory_space<hbm>>
        tpu.enqueue_dma source(%dma_start3A_75 : memref<20x128xi32, #tpu.memory_space<hbm>>) target(%dma_start3A_71 : memref<20x128xi32, #tpu.memory_space<vmem>>) target_semaphore(%run_scoped3A_61 : memref<!tpu.dma_semaphore, #tpu.memory_space<semaphore_mem>>)
        %dma_wait3A_76 = arith.constant 0 : i32
        %dma_wait3A_77 = arith.constant 0 : i32
        %dma_wait3A_78 = tpu.memref_slice %arg17[%dma_wait3A_76, %dma_wait3A_77] : memref<82x128xi32, #tpu.memory_space<vmem>> -> memref<20x128xi32, #tpu.memory_space<vmem>>
        %dma_wait3A_79 = arith.constant 0 : i32
        %dma_wait3A_80 = arith.constant 0 : i32
        %dma_wait3A_81 = tpu.memref_slice %arg6[%run_scoped3A_60, %dma_wait3A_79, %dma_wait3A_80] : memref<125x20x128xi32, #tpu.memory_space<hbm>> -> memref<1x20x128xi32, #tpu.memory_space<hbm>>
        %dma_wait3A_82 = tpu.memref_squeeze %dma_wait3A_81 : memref<1x20x128xi32, #tpu.memory_space<hbm>> -> memref<20x128xi32, #tpu.memory_space<hbm>>
        %dma_wait3A_83 = arith.constant 0 : i32
        %dma_wait3A_84 = arith.constant 0 : i32
        %dma_wait3A_85 = tpu.memref_slice %arg17[%dma_wait3A_83, %dma_wait3A_84] : memref<82x128xi32, #tpu.memory_space<vmem>> -> memref<20x128xi32, #tpu.memory_space<vmem>>
        %dma_wait3A_86 = arith.constant 0 : i32
        %dma_wait3A_87 = arith.constant 0 : i32
        %dma_wait3A_88 = tpu.memref_slice %arg6[%run_scoped3A_60, %dma_wait3A_86, %dma_wait3A_87] : memref<125x20x128xi32, #tpu.memory_space<hbm>> -> memref<1x20x128xi32, #tpu.memory_space<hbm>>
        %dma_wait3A_89 = tpu.memref_squeeze %dma_wait3A_88 : memref<1x20x128xi32, #tpu.memory_space<hbm>> -> memref<20x128xi32, #tpu.memory_space<hbm>>
        tpu.wait_dma2 semaphore(%run_scoped3A_61 : memref<!tpu.dma_semaphore, #tpu.memory_space<semaphore_mem>>) src(%dma_wait3A_89 : memref<20x128xi32, #tpu.memory_space<hbm>>) dst(%dma_wait3A_85 : memref<20x128xi32, #tpu.memory_space<vmem>>)
        tpu.yield
      }) : () -> ()
      "tpu.region"() ({
        %run_scoped3A_61 = tpu.sem_alloc : memref<!tpu.dma_semaphore, #tpu.memory_space<semaphore_mem>>
        %dma_start3A_62 = arith.constant 20 : i32
        %dma_start3A_63 = arith.constant 0 : i32
        %dma_start3A_64 = tpu.memref_slice %arg16[%dma_start3A_62, %dma_start3A_63] : memref<82x128xi32, #tpu.memory_space<vmem>> -> memref<62x128xi32, #tpu.memory_space<vmem>>
        %dma_start3A_65 = arith.constant 20 : i32
        %dma_start3A_66 = arith.constant 0 : i32
        %dma_start3A_67 = tpu.memref_slice %arg16[%dma_start3A_65, %dma_start3A_66] : memref<82x128xi32, #tpu.memory_space<vmem>> -> memref<62x128xi32, #tpu.memory_space<vmem>>
        tpu.enqueue_dma source(%arg9 : memref<62x128xi32, #tpu.memory_space<hbm>>) target(%dma_start3A_67 : memref<62x128xi32, #tpu.memory_space<vmem>>) target_semaphore(%run_scoped3A_61 : memref<!tpu.dma_semaphore, #tpu.memory_space<semaphore_mem>>)
        %dma_wait3A_68 = arith.constant 20 : i32
        %dma_wait3A_69 = arith.constant 0 : i32
        %dma_wait3A_70 = tpu.memref_slice %arg16[%dma_wait3A_68, %dma_wait3A_69] : memref<82x128xi32, #tpu.memory_space<vmem>> -> memref<62x128xi32, #tpu.memory_space<vmem>>
        %dma_wait3A_71 = arith.constant 20 : i32
        %dma_wait3A_72 = arith.constant 0 : i32
        %dma_wait3A_73 = tpu.memref_slice %arg16[%dma_wait3A_71, %dma_wait3A_72] : memref<82x128xi32, #tpu.memory_space<vmem>> -> memref<62x128xi32, #tpu.memory_space<vmem>>
        tpu.wait_dma2 semaphore(%run_scoped3A_61 : memref<!tpu.dma_semaphore, #tpu.memory_space<semaphore_mem>>) src(%arg9 : memref<62x128xi32, #tpu.memory_space<hbm>>) dst(%dma_wait3A_73 : memref<62x128xi32, #tpu.memory_space<vmem>>)
        tpu.yield
      }) : () -> ()
      "tpu.region"() ({
        %run_scoped3A_61 = tpu.sem_alloc : memref<!tpu.dma_semaphore, #tpu.memory_space<semaphore_mem>>
        %dma_start3A_62 = arith.constant 20 : i32
        %dma_start3A_63 = arith.constant 0 : i32
        %dma_start3A_64 = tpu.memref_slice %arg17[%dma_start3A_62, %dma_start3A_63] : memref<82x128xi32, #tpu.memory_space<vmem>> -> memref<62x128xi32, #tpu.memory_space<vmem>>
        %dma_start3A_65 = arith.constant 20 : i32
        %dma_start3A_66 = arith.constant 0 : i32
        %dma_start3A_67 = tpu.memref_slice %arg17[%dma_start3A_65, %dma_start3A_66] : memref<82x128xi32, #tpu.memory_space<vmem>> -> memref<62x128xi32, #tpu.memory_space<vmem>>
        tpu.enqueue_dma source(%arg10 : memref<62x128xi32, #tpu.memory_space<hbm>>) target(%dma_start3A_67 : memref<62x128xi32, #tpu.memory_space<vmem>>) target_semaphore(%run_scoped3A_61 : memref<!tpu.dma_semaphore, #tpu.memory_space<semaphore_mem>>)
        %dma_wait3A_68 = arith.constant 20 : i32
        %dma_wait3A_69 = arith.constant 0 : i32
        %dma_wait3A_70 = tpu.memref_slice %arg17[%dma_wait3A_68, %dma_wait3A_69] : memref<82x128xi32, #tpu.memory_space<vmem>> -> memref<62x128xi32, #tpu.memory_space<vmem>>
        %dma_wait3A_71 = arith.constant 20 : i32
        %dma_wait3A_72 = arith.constant 0 : i32
        %dma_wait3A_73 = tpu.memref_slice %arg17[%dma_wait3A_71, %dma_wait3A_72] : memref<82x128xi32, #tpu.memory_space<vmem>> -> memref<62x128xi32, #tpu.memory_space<vmem>>
        tpu.wait_dma2 semaphore(%run_scoped3A_61 : memref<!tpu.dma_semaphore, #tpu.memory_space<semaphore_mem>>) src(%arg10 : memref<62x128xi32, #tpu.memory_space<hbm>>) dst(%dma_wait3A_73 : memref<62x128xi32, #tpu.memory_space<vmem>>)
        tpu.yield
      }) : () -> ()
    } else {
    }
    %broadcast_in_dim3A = arith.constant 0.000000e+00 : f32
    %broadcast_in_dim3A_7 = vector.broadcast %broadcast_in_dim3A : f32 to vector<16xf32>
    %scan3A = arith.constant 0 : i32
    %scan3A_8 = arith.constant 0 : i32
    %scan3A_9 = arith.constant 640 : i32
    %scan3A_10 = arith.addi %scan3A_8, %scan3A_9 : i32
    %scan3A_11 = arith.constant 1 : i32
    scf.for %scan3A_60 = %scan3A_8 to %scan3A_10 step %scan3A_11  : i32 {
      %mul3A_61 = arith.constant 16 : i32
      %mul3A_62 = arith.muli %scan3A_60, %mul3A_61 : i32
      %swap3A = arith.index_cast %mul3A_62 : i32 to index
      %swap3A_63 = tpu.vector_load %arg15[%swap3A] {strides = array<i32>} : memref<10240xf32, #tpu.memory_space<vmem>>, vector<16xf32>,
      tpu.vector_store %arg15[%swap3A], %broadcast_in_dim3A_7 {strides = array<i32>} : memref<10240xf32, #tpu.memory_space<vmem>>, vector<16xf32>,
    }
    %scan3A_12 = arith.constant 640 : i32
    %scan3A_13 = arith.constant 0 : i32
    %scan3A_14 = arith.constant 0 : i32
    %scan3A_15 = arith.constant 128 : i32
    %scan3A_16 = arith.addi %scan3A_14, %scan3A_15 : i32
    %scan3A_17 = arith.constant 1 : i32
    scf.for %scan3A_60 = %scan3A_14 to %scan3A_16 step %scan3A_17  : i32 {
      %swap3A = arith.index_cast %scan3A_60 : i32 to index
      %swap3A_61 = arith.constant 0 : index
      %swap3A_62 = tpu.vector_load %arg19[%swap3A, %swap3A_61] {strides = array<i32>} : memref<128x16xf32, #tpu.memory_space<vmem>>, vector<16xf32>,
      tpu.vector_store %arg19[%swap3A, %swap3A_61], %broadcast_in_dim3A_7 {strides = array<i32>} : memref<128x16xf32, #tpu.memory_space<vmem>>, vector<16xf32>,
    }
    %scan3A_18 = arith.constant 128 : i32
    %scan3A_19 = arith.constant 0 : i32
    %scan3A_20 = arith.constant 0 : i32
    %scan3A_21 = arith.constant 5 : i32
    %scan3A_22 = arith.addi %scan3A_20, %scan3A_21 : i32
    %scan3A_23 = arith.constant 1 : i32
    scf.for %scan3A_60 = %scan3A_20 to %scan3A_22 step %scan3A_23  : i32 {
      %mul3A_61 = arith.constant 640 : i32
      %mul3A_62 = arith.muli %arg1, %mul3A_61 : i32
      %mul3A_63 = arith.constant 128 : i32
      %mul3A_64 = arith.muli %scan3A_60, %mul3A_63 : i32
      %add3A_65 = arith.addi %mul3A_62, %mul3A_64 : i32
      "tpu.region"() ({
        %run_scoped3A = tpu.sem_alloc : memref<!tpu.dma_semaphore, #tpu.memory_space<semaphore_mem>>
        %dma_start3A_66 = arith.constant 0 : i32
        %dma_start3A_67 = tpu.memref_slice %arg21[%add3A_65, %dma_start3A_66] : memref<10240x16xf32, #tpu.memory_space<vmem_shared>> -> memref<128x16xf32, #tpu.memory_space<vmem_shared>>
        %dma_start3A_68 = arith.constant 0 : i32
        %dma_start3A_69 = tpu.memref_slice %arg21[%add3A_65, %dma_start3A_68] : memref<10240x16xf32, #tpu.memory_space<vmem_shared>> -> memref<128x16xf32, #tpu.memory_space<vmem_shared>>
        tpu.enqueue_dma source(%arg19 : memref<128x16xf32, #tpu.memory_space<vmem>>) target(%dma_start3A_69 : memref<128x16xf32, #tpu.memory_space<vmem_shared>>) target_semaphore(%run_scoped3A : memref<!tpu.dma_semaphore, #tpu.memory_space<semaphore_mem>>)
        %dma_wait3A_70 = arith.constant 0 : i32
        %dma_wait3A_71 = tpu.memref_slice %arg21[%add3A_65, %dma_wait3A_70] : memref<10240x16xf32, #tpu.memory_space<vmem_shared>> -> memref<128x16xf32, #tpu.memory_space<vmem_shared>>
        %dma_wait3A_72 = arith.constant 0 : i32
        %dma_wait3A_73 = tpu.memref_slice %arg21[%add3A_65, %dma_wait3A_72] : memref<10240x16xf32, #tpu.memory_space<vmem_shared>> -> memref<128x16xf32, #tpu.memory_space<vmem_shared>>
        tpu.wait_dma2 semaphore(%run_scoped3A : memref<!tpu.dma_semaphore, #tpu.memory_space<semaphore_mem>>) src(%arg19 : memref<128x16xf32, #tpu.memory_space<vmem>>) dst(%dma_wait3A_73 : memref<128x16xf32, #tpu.memory_space<vmem_shared>>)
        tpu.yield
      }) : () -> ()
    }
    %scan3A_24 = arith.constant 5 : i32
    %barrier3A = arith.constant 0 : index
    tpu.barrier barrier_id(%barrier3A)
    %dma_start3A = arith.constant 0 : i32
    %dma_start3A_25 = arith.constant 0 : i32
    %dma_start3A_26 = tpu.memref_slice %arg16[%dma_start3A, %dma_start3A_25] : memref<82x128xi32, #tpu.memory_space<vmem>> -> memref<1x128xi32, #tpu.memory_space<vmem>>
    %dma_start3A_27 = tpu.memref_squeeze %dma_start3A_26 : memref<1x128xi32, #tpu.memory_space<vmem>> -> memref<128xi32, #tpu.memory_space<vmem>>
    %dma_start3A_28 = arith.constant 0 : i32
    %dma_start3A_29 = arith.constant 0 : i32
    %dma_start3A_30 = tpu.memref_slice %arg2[%dma_start3A_28, %dma_start3A_29] : memref<10000x16xf32, #tpu.memory_space<hbm>> -> memref<10000x16xf32, #tpu.memory_space<hbm>>
    tpu.enqueue_indirect_dma source(%dma_start3A_30 : memref<10000x16xf32, #tpu.memory_space<hbm>>) target(%arg19 : memref<128x16xf32, #tpu.memory_space<vmem>>) offsets(%dma_start3A_27 : memref<128xi32, #tpu.memory_space<vmem>>) semaphore(%arg22 : memref<!tpu.dma_semaphore, #tpu.memory_space<semaphore_mem>>)
    %scan3A_31 = arith.constant 0 : i32
    %scan3A_32 = arith.constant 0 : i32
    %scan3A_33 = arith.constant 41 : i32
    %scan3A_34 = arith.addi %scan3A_32, %scan3A_33 : i32
    %scan3A_35 = arith.constant 1 : i32
    scf.for %scan3A_60 = %scan3A_32 to %scan3A_34 step %scan3A_35  : i32 {
      %mul3A_61 = arith.constant 2 : i32
      %mul3A_62 = arith.muli %mul3A_61, %scan3A_60 : i32
      %add3A_63 = arith.constant 1 : i32
      %add3A_64 = arith.addi %mul3A_62, %add3A_63 : i32
      %scan3A_65 = arith.constant 0 : i32
      %scan3A_66 = arith.constant 0 : i32
      %scan3A_67 = arith.constant 8 : i32
      %scan3A_68 = arith.addi %scan3A_66, %scan3A_67 : i32
      %scan3A_69 = arith.constant 1 : i32
      scf.for %scan3A_128 = %scan3A_66 to %scan3A_68 step %scan3A_69  : i32 {
        %mul3A_129 = arith.constant 16 : i32
        %mul3A_130 = arith.muli %scan3A_128, %mul3A_129 : i32
        %get3A = arith.index_cast %mul3A_62 : i32 to index
        %get3A_131 = arith.index_cast %mul3A_130 : i32 to index
        %get3A_132 = tpu.vector_load %arg16[%get3A, %get3A_131] {strides = array<i32>} : memref<82x128xi32, #tpu.memory_space<vmem>>, vector<16xi32>,
        %get3A_133 = arith.index_cast %mul3A_62 : i32 to index
        %get3A_134 = arith.index_cast %mul3A_130 : i32 to index
        %get3A_135 = tpu.vector_load %arg17[%get3A_133, %get3A_134] {strides = array<i32>} : memref<82x128xi32, #tpu.memory_space<vmem>>, vector<16xi32>,
        %gather3A = tpu.vector_load_idx %arg13[%get3A_132] : memref<10240xf32, #tpu.memory_space<vmem>>[vector<16xi32>], vector<16xf32>,
        %gather3A_136 = tpu.vector_load_idx %arg14[%get3A_135] : memref<10240xf32, #tpu.memory_space<vmem>>[vector<16xi32>], vector<16xf32>,
        %add3A_137 = arith.addf %gather3A, %gather3A_136 : vector<16xf32>
        %mul3A_138 = arith.constant 2.000000e-01 : f32
        %mul3A_139 = vector.broadcast %mul3A_138 : f32 to vector<16xf32>
        %mul3A_140 = arith.mulf %add3A_137, %mul3A_139 : vector<16xf32>
        %max3A = arith.maximumf %add3A_137, %mul3A_140 : vector<16xf32>
        %exp3A = math.exp %max3A : vector<16xf32>
        %lt3A_141 = arith.constant 10000 : i32
        %lt3A_142 = vector.broadcast %lt3A_141 : i32 to vector<16xi32>
        %lt3A_143 = arith.cmpi slt, %get3A_135, %lt3A_142 : vector<16xi32>
        %jit3A = arith.constant 0.000000e+00 : f32
        %broadcast_in_dim3A_144 = vector.broadcast %jit3A : f32 to vector<16xf32>
        %select_n3A = arith.select %lt3A_143, %exp3A, %broadcast_in_dim3A_144 : vector<16xi1>, vector<16xf32>
        tpu.vector_store_idx %arg15[%get3A_135], %select_n3A {add = true} : memref<10240xf32, #tpu.memory_space<vmem>>[vector<16xi32>], vector<16xf32>,
        %swap3A = arith.index_cast %mul3A_130 : i32 to index
        %swap3A_145 = tpu.vector_load %arg18[%swap3A] {strides = array<i32>} : memref<128xf32, #tpu.memory_space<vmem>>, vector<16xf32>,
        tpu.vector_store %arg18[%swap3A], %select_n3A {strides = array<i32>} : memref<128xf32, #tpu.memory_space<vmem>>, vector<16xf32>,
      }
      %scan3A_70 = arith.constant 8 : i32
      %gt3A = arith.constant 0 : i32
      %gt3A_71 = arith.cmpi sgt, %scan3A_60, %gt3A : i32
      %convert_element_type3A_72 = arith.extui %gt3A_71 : i1 to i32
      %cond3A_73 = arith.constant 0 : i32
      %cond3A_74 = arith.cmpi ne, %convert_element_type3A_72, %cond3A_73 : i32
      scf.if %cond3A_74 {
        %sub3A = arith.constant 1 : i32
        %sub3A_128 = arith.subi %mul3A_62, %sub3A : i32
        %dma_wait3A_129 = arith.constant 0 : i32
        %dma_wait3A_130 = tpu.memref_slice %arg17[%sub3A_128, %dma_wait3A_129] : memref<82x128xi32, #tpu.memory_space<vmem>> -> memref<1x128xi32, #tpu.memory_space<vmem>>
        %dma_wait3A_131 = tpu.memref_squeeze %dma_wait3A_130 : memref<1x128xi32, #tpu.memory_space<vmem>> -> memref<128xi32, #tpu.memory_space<vmem>>
        %dma_wait3A_132 = arith.constant 0 : i32
        %dma_wait3A_133 = arith.constant 0 : i32
        %dma_wait3A_134 = tpu.memref_slice %arg21[%dma_wait3A_132, %dma_wait3A_133] : memref<10240x16xf32, #tpu.memory_space<vmem_shared>> -> memref<10240x16xf32, #tpu.memory_space<vmem_shared>>
        tpu.wait_indirect_dma semaphore(%arg25 : memref<!tpu.dma_semaphore, #tpu.memory_space<semaphore_mem>>) src(%arg20 : memref<128x16xf32, #tpu.memory_space<vmem>>) dst(%dma_wait3A_134 : memref<10240x16xf32, #tpu.memory_space<vmem_shared>>)
      } else {
      }
      %dma_start3A_75 = arith.constant 0 : i32
      %dma_start3A_76 = tpu.memref_slice %arg16[%add3A_64, %dma_start3A_75] : memref<82x128xi32, #tpu.memory_space<vmem>> -> memref<1x128xi32, #tpu.memory_space<vmem>>
      %dma_start3A_77 = tpu.memref_squeeze %dma_start3A_76 : memref<1x128xi32, #tpu.memory_space<vmem>> -> memref<128xi32, #tpu.memory_space<vmem>>
      %dma_start3A_78 = arith.constant 0 : i32
      %dma_start3A_79 = arith.constant 0 : i32
      %dma_start3A_80 = tpu.memref_slice %arg2[%dma_start3A_78, %dma_start3A_79] : memref<10000x16xf32, #tpu.memory_space<hbm>> -> memref<10000x16xf32, #tpu.memory_space<hbm>>
      tpu.enqueue_indirect_dma source(%dma_start3A_80 : memref<10000x16xf32, #tpu.memory_space<hbm>>) target(%arg20 : memref<128x16xf32, #tpu.memory_space<vmem>>) offsets(%dma_start3A_77 : memref<128xi32, #tpu.memory_space<vmem>>) semaphore(%arg23 : memref<!tpu.dma_semaphore, #tpu.memory_space<semaphore_mem>>)
      %dma_wait3A_81 = arith.constant 0 : i32
      %dma_wait3A_82 = tpu.memref_slice %arg16[%mul3A_62, %dma_wait3A_81] : memref<82x128xi32, #tpu.memory_space<vmem>> -> memref<1x128xi32, #tpu.memory_space<vmem>>
      %dma_wait3A_83 = tpu.memref_squeeze %dma_wait3A_82 : memref<1x128xi32, #tpu.memory_space<vmem>> -> memref<128xi32, #tpu.memory_space<vmem>>
      %dma_wait3A_84 = arith.constant 0 : i32
      %dma_wait3A_85 = arith.constant 0 : i32
      %dma_wait3A_86 = tpu.memref_slice %arg2[%dma_wait3A_84, %dma_wait3A_85] : memref<10000x16xf32, #tpu.memory_space<hbm>> -> memref<10000x16xf32, #tpu.memory_space<hbm>>
      tpu.wait_indirect_dma semaphore(%arg22 : memref<!tpu.dma_semaphore, #tpu.memory_space<semaphore_mem>>) src(%dma_wait3A_86 : memref<10000x16xf32, #tpu.memory_space<hbm>>) dst(%arg19 : memref<128x16xf32, #tpu.memory_space<vmem>>)
      %scan3A_87 = arith.constant 0 : i32
      %scan3A_88 = arith.constant 0 : i32
      %scan3A_89 = arith.constant 8 : i32
      %scan3A_90 = arith.addi %scan3A_88, %scan3A_89 : i32
      %scan3A_91 = arith.constant 1 : i32
      scf.for %scan3A_128 = %scan3A_88 to %scan3A_90 step %scan3A_91  : i32 {
        %mul3A_129 = arith.constant 16 : i32
        %mul3A_130 = arith.muli %scan3A_128, %mul3A_129 : i32
        %get3A = arith.index_cast %mul3A_130 : i32 to index
        %get3A_131 = tpu.vector_load %arg18[%get3A] {strides = array<i32>} : memref<128xf32, #tpu.memory_space<vmem>>, vector<16xf32>,
        %mul3A_132 = arith.constant 16 : i32
        %mul3A_133 = arith.muli %scan3A_128, %mul3A_132 : i32
        %add3A_134 = arith.constant 0 : i32
        %add3A_135 = arith.addi %mul3A_133, %add3A_134 : i32
        %get3A_136 = arith.index_cast %add3A_135 : i32 to index
        %get3A_137 = arith.constant 0 : index
        %get3A_138 = tpu.vector_load %arg19[%get3A_136, %get3A_137] {strides = array<i32>} : memref<128x16xf32, #tpu.memory_space<vmem>>, vector<16xf32>,
        %slice3A = vector.extract_strided_slice %get3A_131 {offsets = [0], sizes = [1], strides = [1]} : vector<16xf32> to vector<1xf32>
        %squeeze3A = vector.extract %slice3A[0] : f32 from vector<1xf32>
        %mul3A_139 = vector.broadcast %squeeze3A : f32 to vector<16xf32>
        %mul3A_140 = arith.mulf %get3A_138, %mul3A_139 : vector<16xf32>
        %swap3A = arith.index_cast %add3A_135 : i32 to index
        %swap3A_141 = arith.constant 0 : index
        %swap3A_142 = tpu.vector_load %arg19[%swap3A, %swap3A_141] {strides = array<i32>} : memref<128x16xf32, #tpu.memory_space<vmem>>, vector<16xf32>,
        tpu.vector_store %arg19[%swap3A, %swap3A_141], %mul3A_140 {strides = array<i32>} : memref<128x16xf32, #tpu.memory_space<vmem>>, vector<16xf32>,
        %mul3A_143 = arith.constant 16 : i32
        %mul3A_144 = arith.muli %scan3A_128, %mul3A_143 : i32
        %add3A_145 = arith.constant 1 : i32
        %add3A_146 = arith.addi %mul3A_144, %add3A_145 : i32
        %get3A_147 = arith.index_cast %add3A_146 : i32 to index
        %get3A_148 = arith.constant 0 : index
        %get3A_149 = tpu.vector_load %arg19[%get3A_147, %get3A_148] {strides = array<i32>} : memref<128x16xf32, #tpu.memory_space<vmem>>, vector<16xf32>,
        %slice3A_150 = vector.extract_strided_slice %get3A_131 {offsets = [1], sizes = [1], strides = [1]} : vector<16xf32> to vector<1xf32>
        %squeeze3A_151 = vector.extract %slice3A_150[0] : f32 from vector<1xf32>
        %mul3A_152 = vector.broadcast %squeeze3A_151 : f32 to vector<16xf32>
        %mul3A_153 = arith.mulf %get3A_149, %mul3A_152 : vector<16xf32>
        %swap3A_154 = arith.index_cast %add3A_146 : i32 to index
        %swap3A_155 = arith.constant 0 : index
        %swap3A_156 = tpu.vector_load %arg19[%swap3A_154, %swap3A_155] {strides = array<i32>} : memref<128x16xf32, #tpu.memory_space<vmem>>, vector<16xf32>,
        tpu.vector_store %arg19[%swap3A_154, %swap3A_155], %mul3A_153 {strides = array<i32>} : memref<128x16xf32, #tpu.memory_space<vmem>>, vector<16xf32>,
        %mul3A_157 = arith.constant 16 : i32
        %mul3A_158 = arith.muli %scan3A_128, %mul3A_157 : i32
        %add3A_159 = arith.constant 2 : i32
        %add3A_160 = arith.addi %mul3A_158, %add3A_159 : i32
        %get3A_161 = arith.index_cast %add3A_160 : i32 to index
        %get3A_162 = arith.constant 0 : index
        %get3A_163 = tpu.vector_load %arg19[%get3A_161, %get3A_162] {strides = array<i32>} : memref<128x16xf32, #tpu.memory_space<vmem>>, vector<16xf32>,
        %slice3A_164 = vector.extract_strided_slice %get3A_131 {offsets = [2], sizes = [1], strides = [1]} : vector<16xf32> to vector<1xf32>
        %squeeze3A_165 = vector.extract %slice3A_164[0] : f32 from vector<1xf32>
        %mul3A_166 = vector.broadcast %squeeze3A_165 : f32 to vector<16xf32>
        %mul3A_167 = arith.mulf %get3A_163, %mul3A_166 : vector<16xf32>
        %swap3A_168 = arith.index_cast %add3A_160 : i32 to index
        %swap3A_169 = arith.constant 0 : index
        %swap3A_170 = tpu.vector_load %arg19[%swap3A_168, %swap3A_169] {strides = array<i32>} : memref<128x16xf32, #tpu.memory_space<vmem>>, vector<16xf32>,
        tpu.vector_store %arg19[%swap3A_168, %swap3A_169], %mul3A_167 {strides = array<i32>} : memref<128x16xf32, #tpu.memory_space<vmem>>, vector<16xf32>,
        %mul3A_171 = arith.constant 16 : i32
        %mul3A_172 = arith.muli %scan3A_128, %mul3A_171 : i32
        %add3A_173 = arith.constant 3 : i32
        %add3A_174 = arith.addi %mul3A_172, %add3A_173 : i32
        %get3A_175 = arith.index_cast %add3A_174 : i32 to index
        %get3A_176 = arith.constant 0 : index
        %get3A_177 = tpu.vector_load %arg19[%get3A_175, %get3A_176] {strides = array<i32>} : memref<128x16xf32, #tpu.memory_space<vmem>>, vector<16xf32>,
        %slice3A_178 = vector.extract_strided_slice %get3A_131 {offsets = [3], sizes = [1], strides = [1]} : vector<16xf32> to vector<1xf32>
        %squeeze3A_179 = vector.extract %slice3A_178[0] : f32 from vector<1xf32>
        %mul3A_180 = vector.broadcast %squeeze3A_179 : f32 to vector<16xf32>
        %mul3A_181 = arith.mulf %get3A_177, %mul3A_180 : vector<16xf32>
        %swap3A_182 = arith.index_cast %add3A_174 : i32 to index
        %swap3A_183 = arith.constant 0 : index
        %swap3A_184 = tpu.vector_load %arg19[%swap3A_182, %swap3A_183] {strides = array<i32>} : memref<128x16xf32, #tpu.memory_space<vmem>>, vector<16xf32>,
        tpu.vector_store %arg19[%swap3A_182, %swap3A_183], %mul3A_181 {strides = array<i32>} : memref<128x16xf32, #tpu.memory_space<vmem>>, vector<16xf32>,
        %mul3A_185 = arith.constant 16 : i32
        %mul3A_186 = arith.muli %scan3A_128, %mul3A_185 : i32
        %add3A_187 = arith.constant 4 : i32
        %add3A_188 = arith.addi %mul3A_186, %add3A_187 : i32
        %get3A_189 = arith.index_cast %add3A_188 : i32 to index
        %get3A_190 = arith.constant 0 : index
        %get3A_191 = tpu.vector_load %arg19[%get3A_189, %get3A_190] {strides = array<i32>} : memref<128x16xf32, #tpu.memory_space<vmem>>, vector<16xf32>,
        %slice3A_192 = vector.extract_strided_slice %get3A_131 {offsets = [4], sizes = [1], strides = [1]} : vector<16xf32> to vector<1xf32>
        %squeeze3A_193 = vector.extract %slice3A_192[0] : f32 from vector<1xf32>
        %mul3A_194 = vector.broadcast %squeeze3A_193 : f32 to vector<16xf32>
        %mul3A_195 = arith.mulf %get3A_191, %mul3A_194 : vector<16xf32>
        %swap3A_196 = arith.index_cast %add3A_188 : i32 to index
        %swap3A_197 = arith.constant 0 : index
        %swap3A_198 = tpu.vector_load %arg19[%swap3A_196, %swap3A_197] {strides = array<i32>} : memref<128x16xf32, #tpu.memory_space<vmem>>, vector<16xf32>,
        tpu.vector_store %arg19[%swap3A_196, %swap3A_197], %mul3A_195 {strides = array<i32>} : memref<128x16xf32, #tpu.memory_space<vmem>>, vector<16xf32>,
        %mul3A_199 = arith.constant 16 : i32
        %mul3A_200 = arith.muli %scan3A_128, %mul3A_199 : i32
        %add3A_201 = arith.constant 5 : i32
        %add3A_202 = arith.addi %mul3A_200, %add3A_201 : i32
        %get3A_203 = arith.index_cast %add3A_202 : i32 to index
        %get3A_204 = arith.constant 0 : index
        %get3A_205 = tpu.vector_load %arg19[%get3A_203, %get3A_204] {strides = array<i32>} : memref<128x16xf32, #tpu.memory_space<vmem>>, vector<16xf32>,
        %slice3A_206 = vector.extract_strided_slice %get3A_131 {offsets = [5], sizes = [1], strides = [1]} : vector<16xf32> to vector<1xf32>
        %squeeze3A_207 = vector.extract %slice3A_206[0] : f32 from vector<1xf32>
        %mul3A_208 = vector.broadcast %squeeze3A_207 : f32 to vector<16xf32>
        %mul3A_209 = arith.mulf %get3A_205, %mul3A_208 : vector<16xf32>
        %swap3A_210 = arith.index_cast %add3A_202 : i32 to index
        %swap3A_211 = arith.constant 0 : index
        %swap3A_212 = tpu.vector_load %arg19[%swap3A_210, %swap3A_211] {strides = array<i32>} : memref<128x16xf32, #tpu.memory_space<vmem>>, vector<16xf32>,
        tpu.vector_store %arg19[%swap3A_210, %swap3A_211], %mul3A_209 {strides = array<i32>} : memref<128x16xf32, #tpu.memory_space<vmem>>, vector<16xf32>,
        %mul3A_213 = arith.constant 16 : i32
        %mul3A_214 = arith.muli %scan3A_128, %mul3A_213 : i32
        %add3A_215 = arith.constant 6 : i32
        %add3A_216 = arith.addi %mul3A_214, %add3A_215 : i32
        %get3A_217 = arith.index_cast %add3A_216 : i32 to index
        %get3A_218 = arith.constant 0 : index
        %get3A_219 = tpu.vector_load %arg19[%get3A_217, %get3A_218] {strides = array<i32>} : memref<128x16xf32, #tpu.memory_space<vmem>>, vector<16xf32>,
        %slice3A_220 = vector.extract_strided_slice %get3A_131 {offsets = [6], sizes = [1], strides = [1]} : vector<16xf32> to vector<1xf32>
        %squeeze3A_221 = vector.extract %slice3A_220[0] : f32 from vector<1xf32>
        %mul3A_222 = vector.broadcast %squeeze3A_221 : f32 to vector<16xf32>
        %mul3A_223 = arith.mulf %get3A_219, %mul3A_222 : vector<16xf32>
        %swap3A_224 = arith.index_cast %add3A_216 : i32 to index
        %swap3A_225 = arith.constant 0 : index
        %swap3A_226 = tpu.vector_load %arg19[%swap3A_224, %swap3A_225] {strides = array<i32>} : memref<128x16xf32, #tpu.memory_space<vmem>>, vector<16xf32>,
        tpu.vector_store %arg19[%swap3A_224, %swap3A_225], %mul3A_223 {strides = array<i32>} : memref<128x16xf32, #tpu.memory_space<vmem>>, vector<16xf32>,
        %mul3A_227 = arith.constant 16 : i32
        %mul3A_228 = arith.muli %scan3A_128, %mul3A_227 : i32
        %add3A_229 = arith.constant 7 : i32
        %add3A_230 = arith.addi %mul3A_228, %add3A_229 : i32
        %get3A_231 = arith.index_cast %add3A_230 : i32 to index
        %get3A_232 = arith.constant 0 : index
        %get3A_233 = tpu.vector_load %arg19[%get3A_231, %get3A_232] {strides = array<i32>} : memref<128x16xf32, #tpu.memory_space<vmem>>, vector<16xf32>,
        %slice3A_234 = vector.extract_strided_slice %get3A_131 {offsets = [7], sizes = [1], strides = [1]} : vector<16xf32> to vector<1xf32>
        %squeeze3A_235 = vector.extract %slice3A_234[0] : f32 from vector<1xf32>
        %mul3A_236 = vector.broadcast %squeeze3A_235 : f32 to vector<16xf32>
        %mul3A_237 = arith.mulf %get3A_233, %mul3A_236 : vector<16xf32>
        %swap3A_238 = arith.index_cast %add3A_230 : i32 to index
        %swap3A_239 = arith.constant 0 : index
        %swap3A_240 = tpu.vector_load %arg19[%swap3A_238, %swap3A_239] {strides = array<i32>} : memref<128x16xf32, #tpu.memory_space<vmem>>, vector<16xf32>,
        tpu.vector_store %arg19[%swap3A_238, %swap3A_239], %mul3A_237 {strides = array<i32>} : memref<128x16xf32, #tpu.memory_space<vmem>>, vector<16xf32>,
        %mul3A_241 = arith.constant 16 : i32
        %mul3A_242 = arith.muli %scan3A_128, %mul3A_241 : i32
        %add3A_243 = arith.constant 8 : i32
        %add3A_244 = arith.addi %mul3A_242, %add3A_243 : i32
        %get3A_245 = arith.index_cast %add3A_244 : i32 to index
        %get3A_246 = arith.constant 0 : index
        %get3A_247 = tpu.vector_load %arg19[%get3A_245, %get3A_246] {strides = array<i32>} : memref<128x16xf32, #tpu.memory_space<vmem>>, vector<16xf32>,
        %slice3A_248 = vector.extract_strided_slice %get3A_131 {offsets = [8], sizes = [1], strides = [1]} : vector<16xf32> to vector<1xf32>
        %squeeze3A_249 = vector.extract %slice3A_248[0] : f32 from vector<1xf32>
        %mul3A_250 = vector.broadcast %squeeze3A_249 : f32 to vector<16xf32>
        %mul3A_251 = arith.mulf %get3A_247, %mul3A_250 : vector<16xf32>
        %swap3A_252 = arith.index_cast %add3A_244 : i32 to index
        %swap3A_253 = arith.constant 0 : index
        %swap3A_254 = tpu.vector_load %arg19[%swap3A_252, %swap3A_253] {strides = array<i32>} : memref<128x16xf32, #tpu.memory_space<vmem>>, vector<16xf32>,
        tpu.vector_store %arg19[%swap3A_252, %swap3A_253], %mul3A_251 {strides = array<i32>} : memref<128x16xf32, #tpu.memory_space<vmem>>, vector<16xf32>,
        %mul3A_255 = arith.constant 16 : i32
        %mul3A_256 = arith.muli %scan3A_128, %mul3A_255 : i32
        %add3A_257 = arith.constant 9 : i32
        %add3A_258 = arith.addi %mul3A_256, %add3A_257 : i32
        %get3A_259 = arith.index_cast %add3A_258 : i32 to index
        %get3A_260 = arith.constant 0 : index
        %get3A_261 = tpu.vector_load %arg19[%get3A_259, %get3A_260] {strides = array<i32>} : memref<128x16xf32, #tpu.memory_space<vmem>>, vector<16xf32>,
        %slice3A_262 = vector.extract_strided_slice %get3A_131 {offsets = [9], sizes = [1], strides = [1]} : vector<16xf32> to vector<1xf32>
        %squeeze3A_263 = vector.extract %slice3A_262[0] : f32 from vector<1xf32>
        %mul3A_264 = vector.broadcast %squeeze3A_263 : f32 to vector<16xf32>
        %mul3A_265 = arith.mulf %get3A_261, %mul3A_264 : vector<16xf32>
        %swap3A_266 = arith.index_cast %add3A_258 : i32 to index
        %swap3A_267 = arith.constant 0 : index
        %swap3A_268 = tpu.vector_load %arg19[%swap3A_266, %swap3A_267] {strides = array<i32>} : memref<128x16xf32, #tpu.memory_space<vmem>>, vector<16xf32>,
        tpu.vector_store %arg19[%swap3A_266, %swap3A_267], %mul3A_265 {strides = array<i32>} : memref<128x16xf32, #tpu.memory_space<vmem>>, vector<16xf32>,
        %mul3A_269 = arith.constant 16 : i32
        %mul3A_270 = arith.muli %scan3A_128, %mul3A_269 : i32
        %add3A_271 = arith.constant 10 : i32
        %add3A_272 = arith.addi %mul3A_270, %add3A_271 : i32
        %get3A_273 = arith.index_cast %add3A_272 : i32 to index
        %get3A_274 = arith.constant 0 : index
        %get3A_275 = tpu.vector_load %arg19[%get3A_273, %get3A_274] {strides = array<i32>} : memref<128x16xf32, #tpu.memory_space<vmem>>, vector<16xf32>,
        %slice3A_276 = vector.extract_strided_slice %get3A_131 {offsets = [10], sizes = [1], strides = [1]} : vector<16xf32> to vector<1xf32>
        %squeeze3A_277 = vector.extract %slice3A_276[0] : f32 from vector<1xf32>
        %mul3A_278 = vector.broadcast %squeeze3A_277 : f32 to vector<16xf32>
        %mul3A_279 = arith.mulf %get3A_275, %mul3A_278 : vector<16xf32>
        %swap3A_280 = arith.index_cast %add3A_272 : i32 to index
        %swap3A_281 = arith.constant 0 : index
        %swap3A_282 = tpu.vector_load %arg19[%swap3A_280, %swap3A_281] {strides = array<i32>} : memref<128x16xf32, #tpu.memory_space<vmem>>, vector<16xf32>,
        tpu.vector_store %arg19[%swap3A_280, %swap3A_281], %mul3A_279 {strides = array<i32>} : memref<128x16xf32, #tpu.memory_space<vmem>>, vector<16xf32>,
        %mul3A_283 = arith.constant 16 : i32
        %mul3A_284 = arith.muli %scan3A_128, %mul3A_283 : i32
        %add3A_285 = arith.constant 11 : i32
        %add3A_286 = arith.addi %mul3A_284, %add3A_285 : i32
        %get3A_287 = arith.index_cast %add3A_286 : i32 to index
        %get3A_288 = arith.constant 0 : index
        %get3A_289 = tpu.vector_load %arg19[%get3A_287, %get3A_288] {strides = array<i32>} : memref<128x16xf32, #tpu.memory_space<vmem>>, vector<16xf32>,
        %slice3A_290 = vector.extract_strided_slice %get3A_131 {offsets = [11], sizes = [1], strides = [1]} : vector<16xf32> to vector<1xf32>
        %squeeze3A_291 = vector.extract %slice3A_290[0] : f32 from vector<1xf32>
        %mul3A_292 = vector.broadcast %squeeze3A_291 : f32 to vector<16xf32>
        %mul3A_293 = arith.mulf %get3A_289, %mul3A_292 : vector<16xf32>
        %swap3A_294 = arith.index_cast %add3A_286 : i32 to index
        %swap3A_295 = arith.constant 0 : index
        %swap3A_296 = tpu.vector_load %arg19[%swap3A_294, %swap3A_295] {strides = array<i32>} : memref<128x16xf32, #tpu.memory_space<vmem>>, vector<16xf32>,
        tpu.vector_store %arg19[%swap3A_294, %swap3A_295], %mul3A_293 {strides = array<i32>} : memref<128x16xf32, #tpu.memory_space<vmem>>, vector<16xf32>,
        %mul3A_297 = arith.constant 16 : i32
        %mul3A_298 = arith.muli %scan3A_128, %mul3A_297 : i32
        %add3A_299 = arith.constant 12 : i32
        %add3A_300 = arith.addi %mul3A_298, %add3A_299 : i32
        %get3A_301 = arith.index_cast %add3A_300 : i32 to index
        %get3A_302 = arith.constant 0 : index
        %get3A_303 = tpu.vector_load %arg19[%get3A_301, %get3A_302] {strides = array<i32>} : memref<128x16xf32, #tpu.memory_space<vmem>>, vector<16xf32>,
        %slice3A_304 = vector.extract_strided_slice %get3A_131 {offsets = [12], sizes = [1], strides = [1]} : vector<16xf32> to vector<1xf32>
        %squeeze3A_305 = vector.extract %slice3A_304[0] : f32 from vector<1xf32>
        %mul3A_306 = vector.broadcast %squeeze3A_305 : f32 to vector<16xf32>
        %mul3A_307 = arith.mulf %get3A_303, %mul3A_306 : vector<16xf32>
        %swap3A_308 = arith.index_cast %add3A_300 : i32 to index
        %swap3A_309 = arith.constant 0 : index
        %swap3A_310 = tpu.vector_load %arg19[%swap3A_308, %swap3A_309] {strides = array<i32>} : memref<128x16xf32, #tpu.memory_space<vmem>>, vector<16xf32>,
        tpu.vector_store %arg19[%swap3A_308, %swap3A_309], %mul3A_307 {strides = array<i32>} : memref<128x16xf32, #tpu.memory_space<vmem>>, vector<16xf32>,
        %mul3A_311 = arith.constant 16 : i32
        %mul3A_312 = arith.muli %scan3A_128, %mul3A_311 : i32
        %add3A_313 = arith.constant 13 : i32
        %add3A_314 = arith.addi %mul3A_312, %add3A_313 : i32
        %get3A_315 = arith.index_cast %add3A_314 : i32 to index
        %get3A_316 = arith.constant 0 : index
        %get3A_317 = tpu.vector_load %arg19[%get3A_315, %get3A_316] {strides = array<i32>} : memref<128x16xf32, #tpu.memory_space<vmem>>, vector<16xf32>,
        %slice3A_318 = vector.extract_strided_slice %get3A_131 {offsets = [13], sizes = [1], strides = [1]} : vector<16xf32> to vector<1xf32>
        %squeeze3A_319 = vector.extract %slice3A_318[0] : f32 from vector<1xf32>
        %mul3A_320 = vector.broadcast %squeeze3A_319 : f32 to vector<16xf32>
        %mul3A_321 = arith.mulf %get3A_317, %mul3A_320 : vector<16xf32>
        %swap3A_322 = arith.index_cast %add3A_314 : i32 to index
        %swap3A_323 = arith.constant 0 : index
        %swap3A_324 = tpu.vector_load %arg19[%swap3A_322, %swap3A_323] {strides = array<i32>} : memref<128x16xf32, #tpu.memory_space<vmem>>, vector<16xf32>,
        tpu.vector_store %arg19[%swap3A_322, %swap3A_323], %mul3A_321 {strides = array<i32>} : memref<128x16xf32, #tpu.memory_space<vmem>>, vector<16xf32>,
        %mul3A_325 = arith.constant 16 : i32
        %mul3A_326 = arith.muli %scan3A_128, %mul3A_325 : i32
        %add3A_327 = arith.constant 14 : i32
        %add3A_328 = arith.addi %mul3A_326, %add3A_327 : i32
        %get3A_329 = arith.index_cast %add3A_328 : i32 to index
        %get3A_330 = arith.constant 0 : index
        %get3A_331 = tpu.vector_load %arg19[%get3A_329, %get3A_330] {strides = array<i32>} : memref<128x16xf32, #tpu.memory_space<vmem>>, vector<16xf32>,
        %slice3A_332 = vector.extract_strided_slice %get3A_131 {offsets = [14], sizes = [1], strides = [1]} : vector<16xf32> to vector<1xf32>
        %squeeze3A_333 = vector.extract %slice3A_332[0] : f32 from vector<1xf32>
        %mul3A_334 = vector.broadcast %squeeze3A_333 : f32 to vector<16xf32>
        %mul3A_335 = arith.mulf %get3A_331, %mul3A_334 : vector<16xf32>
        %swap3A_336 = arith.index_cast %add3A_328 : i32 to index
        %swap3A_337 = arith.constant 0 : index
        %swap3A_338 = tpu.vector_load %arg19[%swap3A_336, %swap3A_337] {strides = array<i32>} : memref<128x16xf32, #tpu.memory_space<vmem>>, vector<16xf32>,
        tpu.vector_store %arg19[%swap3A_336, %swap3A_337], %mul3A_335 {strides = array<i32>} : memref<128x16xf32, #tpu.memory_space<vmem>>, vector<16xf32>,
        %mul3A_339 = arith.constant 16 : i32
        %mul3A_340 = arith.muli %scan3A_128, %mul3A_339 : i32
        %add3A_341 = arith.constant 15 : i32
        %add3A_342 = arith.addi %mul3A_340, %add3A_341 : i32
        %get3A_343 = arith.index_cast %add3A_342 : i32 to index
        %get3A_344 = arith.constant 0 : index
        %get3A_345 = tpu.vector_load %arg19[%get3A_343, %get3A_344] {strides = array<i32>} : memref<128x16xf32, #tpu.memory_space<vmem>>, vector<16xf32>,
        %slice3A_346 = vector.extract_strided_slice %get3A_131 {offsets = [15], sizes = [1], strides = [1]} : vector<16xf32> to vector<1xf32>
        %squeeze3A_347 = vector.extract %slice3A_346[0] : f32 from vector<1xf32>
        %mul3A_348 = vector.broadcast %squeeze3A_347 : f32 to vector<16xf32>
        %mul3A_349 = arith.mulf %get3A_345, %mul3A_348 : vector<16xf32>
        %swap3A_350 = arith.index_cast %add3A_342 : i32 to index
        %swap3A_351 = arith.constant 0 : index
        %swap3A_352 = tpu.vector_load %arg19[%swap3A_350, %swap3A_351] {strides = array<i32>} : memref<128x16xf32, #tpu.memory_space<vmem>>, vector<16xf32>,
        tpu.vector_store %arg19[%swap3A_350, %swap3A_351], %mul3A_349 {strides = array<i32>} : memref<128x16xf32, #tpu.memory_space<vmem>>, vector<16xf32>,
      }
      %scan3A_92 = arith.constant 8 : i32
      %dma_start3A_93 = arith.constant 0 : i32
      %dma_start3A_94 = tpu.memref_slice %arg17[%mul3A_62, %dma_start3A_93] : memref<82x128xi32, #tpu.memory_space<vmem>> -> memref<1x128xi32, #tpu.memory_space<vmem>>
      %dma_start3A_95 = tpu.memref_squeeze %dma_start3A_94 : memref<1x128xi32, #tpu.memory_space<vmem>> -> memref<128xi32, #tpu.memory_space<vmem>>
      %dma_start3A_96 = arith.constant 0 : i32
      %dma_start3A_97 = arith.constant 0 : i32
      %dma_start3A_98 = tpu.memref_slice %arg21[%dma_start3A_96, %dma_start3A_97] : memref<10240x16xf32, #tpu.memory_space<vmem_shared>> -> memref<10240x16xf32, #tpu.memory_space<vmem_shared>>
      tpu.enqueue_indirect_dma source(%arg19 : memref<128x16xf32, #tpu.memory_space<vmem>>) target(%dma_start3A_98 : memref<10240x16xf32, #tpu.memory_space<vmem_shared>>) offsets(%dma_start3A_95 : memref<128xi32, #tpu.memory_space<vmem>>) semaphore(%arg24 : memref<!tpu.dma_semaphore, #tpu.memory_space<semaphore_mem>>) {add = true}
      %scan3A_99 = arith.constant 0 : i32
      %scan3A_100 = arith.constant 0 : i32
      %scan3A_101 = arith.constant 8 : i32
      %scan3A_102 = arith.addi %scan3A_100, %scan3A_101 : i32
      %scan3A_103 = arith.constant 1 : i32
      scf.for %scan3A_128 = %scan3A_100 to %scan3A_102 step %scan3A_103  : i32 {
        %mul3A_129 = arith.constant 16 : i32
        %mul3A_130 = arith.muli %scan3A_128, %mul3A_129 : i32
        %get3A = arith.index_cast %add3A_64 : i32 to index
        %get3A_131 = arith.index_cast %mul3A_130 : i32 to index
        %get3A_132 = tpu.vector_load %arg16[%get3A, %get3A_131] {strides = array<i32>} : memref<82x128xi32, #tpu.memory_space<vmem>>, vector<16xi32>,
        %get3A_133 = arith.index_cast %add3A_64 : i32 to index
        %get3A_134 = arith.index_cast %mul3A_130 : i32 to index
        %get3A_135 = tpu.vector_load %arg17[%get3A_133, %get3A_134] {strides = array<i32>} : memref<82x128xi32, #tpu.memory_space<vmem>>, vector<16xi32>,
        %gather3A = tpu.vector_load_idx %arg13[%get3A_132] : memref<10240xf32, #tpu.memory_space<vmem>>[vector<16xi32>], vector<16xf32>,
        %gather3A_136 = tpu.vector_load_idx %arg14[%get3A_135] : memref<10240xf32, #tpu.memory_space<vmem>>[vector<16xi32>], vector<16xf32>,
        %add3A_137 = arith.addf %gather3A, %gather3A_136 : vector<16xf32>
        %mul3A_138 = arith.constant 2.000000e-01 : f32
        %mul3A_139 = vector.broadcast %mul3A_138 : f32 to vector<16xf32>
        %mul3A_140 = arith.mulf %add3A_137, %mul3A_139 : vector<16xf32>
        %max3A = arith.maximumf %add3A_137, %mul3A_140 : vector<16xf32>
        %exp3A = math.exp %max3A : vector<16xf32>
        %lt3A_141 = arith.constant 10000 : i32
        %lt3A_142 = vector.broadcast %lt3A_141 : i32 to vector<16xi32>
        %lt3A_143 = arith.cmpi slt, %get3A_135, %lt3A_142 : vector<16xi32>
        %jit3A = arith.constant 0.000000e+00 : f32
        %broadcast_in_dim3A_144 = vector.broadcast %jit3A : f32 to vector<16xf32>
        %select_n3A = arith.select %lt3A_143, %exp3A, %broadcast_in_dim3A_144 : vector<16xi1>, vector<16xf32>
        tpu.vector_store_idx %arg15[%get3A_135], %select_n3A {add = true} : memref<10240xf32, #tpu.memory_space<vmem>>[vector<16xi32>], vector<16xf32>,
        %swap3A = arith.index_cast %mul3A_130 : i32 to index
        %swap3A_145 = tpu.vector_load %arg18[%swap3A] {strides = array<i32>} : memref<128xf32, #tpu.memory_space<vmem>>, vector<16xf32>,
        tpu.vector_store %arg18[%swap3A], %select_n3A {strides = array<i32>} : memref<128xf32, #tpu.memory_space<vmem>>, vector<16xf32>,
      }
      %scan3A_104 = arith.constant 8 : i32
      %lt3A_105 = arith.constant 40 : i32
      %lt3A_106 = arith.cmpi slt, %scan3A_60, %lt3A_105 : i32
      %convert_element_type3A_107 = arith.extui %lt3A_106 : i1 to i32
      %cond3A_108 = arith.constant 0 : i32
      %cond3A_109 = arith.cmpi ne, %convert_element_type3A_107, %cond3A_108 : i32
      scf.if %cond3A_109 {
        %dma_wait3A_128 = arith.constant 0 : i32
        %dma_wait3A_129 = tpu.memref_slice %arg17[%mul3A_62, %dma_wait3A_128] : memref<82x128xi32, #tpu.memory_space<vmem>> -> memref<1x128xi32, #tpu.memory_space<vmem>>
        %dma_wait3A_130 = tpu.memref_squeeze %dma_wait3A_129 : memref<1x128xi32, #tpu.memory_space<vmem>> -> memref<128xi32, #tpu.memory_space<vmem>>
        %dma_wait3A_131 = arith.constant 0 : i32
        %dma_wait3A_132 = arith.constant 0 : i32
        %dma_wait3A_133 = tpu.memref_slice %arg21[%dma_wait3A_131, %dma_wait3A_132] : memref<10240x16xf32, #tpu.memory_space<vmem_shared>> -> memref<10240x16xf32, #tpu.memory_space<vmem_shared>>
        tpu.wait_indirect_dma semaphore(%arg24 : memref<!tpu.dma_semaphore, #tpu.memory_space<semaphore_mem>>) src(%arg19 : memref<128x16xf32, #tpu.memory_space<vmem>>) dst(%dma_wait3A_133 : memref<10240x16xf32, #tpu.memory_space<vmem_shared>>)
        %add3A_134 = arith.constant 2 : i32
        %add3A_135 = arith.addi %mul3A_62, %add3A_134 : i32
        %dma_start3A_136 = arith.constant 0 : i32
        %dma_start3A_137 = tpu.memref_slice %arg16[%add3A_135, %dma_start3A_136] : memref<82x128xi32, #tpu.memory_space<vmem>> -> memref<1x128xi32, #tpu.memory_space<vmem>>
        %dma_start3A_138 = tpu.memref_squeeze %dma_start3A_137 : memref<1x128xi32, #tpu.memory_space<vmem>> -> memref<128xi32, #tpu.memory_space<vmem>>
        %dma_start3A_139 = arith.constant 0 : i32
        %dma_start3A_140 = arith.constant 0 : i32
        %dma_start3A_141 = tpu.memref_slice %arg2[%dma_start3A_139, %dma_start3A_140] : memref<10000x16xf32, #tpu.memory_space<hbm>> -> memref<10000x16xf32, #tpu.memory_space<hbm>>
        tpu.enqueue_indirect_dma source(%dma_start3A_141 : memref<10000x16xf32, #tpu.memory_space<hbm>>) target(%arg19 : memref<128x16xf32, #tpu.memory_space<vmem>>) offsets(%dma_start3A_138 : memref<128xi32, #tpu.memory_space<vmem>>) semaphore(%arg22 : memref<!tpu.dma_semaphore, #tpu.memory_space<semaphore_mem>>)
      } else {
      }
      %dma_wait3A_110 = arith.constant 0 : i32
      %dma_wait3A_111 = tpu.memref_slice %arg16[%add3A_64, %dma_wait3A_110] : memref<82x128xi32, #tpu.memory_space<vmem>> -> memref<1x128xi32, #tpu.memory_space<vmem>>
      %dma_wait3A_112 = tpu.memref_squeeze %dma_wait3A_111 : memref<1x128xi32, #tpu.memory_space<vmem>> -> memref<128xi32, #tpu.memory_space<vmem>>
      %dma_wait3A_113 = arith.constant 0 : i32
      %dma_wait3A_114 = arith.constant 0 : i32
      %dma_wait3A_115 = tpu.memref_slice %arg2[%dma_wait3A_113, %dma_wait3A_114] : memref<10000x16xf32, #tpu.memory_space<hbm>> -> memref<10000x16xf32, #tpu.memory_space<hbm>>
      tpu.wait_indirect_dma semaphore(%arg23 : memref<!tpu.dma_semaphore, #tpu.memory_space<semaphore_mem>>) src(%dma_wait3A_115 : memref<10000x16xf32, #tpu.memory_space<hbm>>) dst(%arg20 : memref<128x16xf32, #tpu.memory_space<vmem>>)
      %scan3A_116 = arith.constant 0 : i32
      %scan3A_117 = arith.constant 0 : i32
      %scan3A_118 = arith.constant 8 : i32
      %scan3A_119 = arith.addi %scan3A_117, %scan3A_118 : i32
      %scan3A_120 = arith.constant 1 : i32
      scf.for %scan3A_128 = %scan3A_117 to %scan3A_119 step %scan3A_120  : i32 {
        %mul3A_129 = arith.constant 16 : i32
        %mul3A_130 = arith.muli %scan3A_128, %mul3A_129 : i32
        %get3A = arith.index_cast %mul3A_130 : i32 to index
        %get3A_131 = tpu.vector_load %arg18[%get3A] {strides = array<i32>} : memref<128xf32, #tpu.memory_space<vmem>>, vector<16xf32>,
        %mul3A_132 = arith.constant 16 : i32
        %mul3A_133 = arith.muli %scan3A_128, %mul3A_132 : i32
        %add3A_134 = arith.constant 0 : i32
        %add3A_135 = arith.addi %mul3A_133, %add3A_134 : i32
        %get3A_136 = arith.index_cast %add3A_135 : i32 to index
        %get3A_137 = arith.constant 0 : index
        %get3A_138 = tpu.vector_load %arg20[%get3A_136, %get3A_137] {strides = array<i32>} : memref<128x16xf32, #tpu.memory_space<vmem>>, vector<16xf32>,
        %slice3A = vector.extract_strided_slice %get3A_131 {offsets = [0], sizes = [1], strides = [1]} : vector<16xf32> to vector<1xf32>
        %squeeze3A = vector.extract %slice3A[0] : f32 from vector<1xf32>
        %mul3A_139 = vector.broadcast %squeeze3A : f32 to vector<16xf32>
        %mul3A_140 = arith.mulf %get3A_138, %mul3A_139 : vector<16xf32>
        %swap3A = arith.index_cast %add3A_135 : i32 to index
        %swap3A_141 = arith.constant 0 : index
        %swap3A_142 = tpu.vector_load %arg20[%swap3A, %swap3A_141] {strides = array<i32>} : memref<128x16xf32, #tpu.memory_space<vmem>>, vector<16xf32>,
        tpu.vector_store %arg20[%swap3A, %swap3A_141], %mul3A_140 {strides = array<i32>} : memref<128x16xf32, #tpu.memory_space<vmem>>, vector<16xf32>,
        %mul3A_143 = arith.constant 16 : i32
        %mul3A_144 = arith.muli %scan3A_128, %mul3A_143 : i32
        %add3A_145 = arith.constant 1 : i32
        %add3A_146 = arith.addi %mul3A_144, %add3A_145 : i32
        %get3A_147 = arith.index_cast %add3A_146 : i32 to index
        %get3A_148 = arith.constant 0 : index
        %get3A_149 = tpu.vector_load %arg20[%get3A_147, %get3A_148] {strides = array<i32>} : memref<128x16xf32, #tpu.memory_space<vmem>>, vector<16xf32>,
        %slice3A_150 = vector.extract_strided_slice %get3A_131 {offsets = [1], sizes = [1], strides = [1]} : vector<16xf32> to vector<1xf32>
        %squeeze3A_151 = vector.extract %slice3A_150[0] : f32 from vector<1xf32>
        %mul3A_152 = vector.broadcast %squeeze3A_151 : f32 to vector<16xf32>
        %mul3A_153 = arith.mulf %get3A_149, %mul3A_152 : vector<16xf32>
        %swap3A_154 = arith.index_cast %add3A_146 : i32 to index
        %swap3A_155 = arith.constant 0 : index
        %swap3A_156 = tpu.vector_load %arg20[%swap3A_154, %swap3A_155] {strides = array<i32>} : memref<128x16xf32, #tpu.memory_space<vmem>>, vector<16xf32>,
        tpu.vector_store %arg20[%swap3A_154, %swap3A_155], %mul3A_153 {strides = array<i32>} : memref<128x16xf32, #tpu.memory_space<vmem>>, vector<16xf32>,
        %mul3A_157 = arith.constant 16 : i32
        %mul3A_158 = arith.muli %scan3A_128, %mul3A_157 : i32
        %add3A_159 = arith.constant 2 : i32
        %add3A_160 = arith.addi %mul3A_158, %add3A_159 : i32
        %get3A_161 = arith.index_cast %add3A_160 : i32 to index
        %get3A_162 = arith.constant 0 : index
        %get3A_163 = tpu.vector_load %arg20[%get3A_161, %get3A_162] {strides = array<i32>} : memref<128x16xf32, #tpu.memory_space<vmem>>, vector<16xf32>,
        %slice3A_164 = vector.extract_strided_slice %get3A_131 {offsets = [2], sizes = [1], strides = [1]} : vector<16xf32> to vector<1xf32>
        %squeeze3A_165 = vector.extract %slice3A_164[0] : f32 from vector<1xf32>
        %mul3A_166 = vector.broadcast %squeeze3A_165 : f32 to vector<16xf32>
        %mul3A_167 = arith.mulf %get3A_163, %mul3A_166 : vector<16xf32>
        %swap3A_168 = arith.index_cast %add3A_160 : i32 to index
        %swap3A_169 = arith.constant 0 : index
        %swap3A_170 = tpu.vector_load %arg20[%swap3A_168, %swap3A_169] {strides = array<i32>} : memref<128x16xf32, #tpu.memory_space<vmem>>, vector<16xf32>,
        tpu.vector_store %arg20[%swap3A_168, %swap3A_169], %mul3A_167 {strides = array<i32>} : memref<128x16xf32, #tpu.memory_space<vmem>>, vector<16xf32>,
        %mul3A_171 = arith.constant 16 : i32
        %mul3A_172 = arith.muli %scan3A_128, %mul3A_171 : i32
        %add3A_173 = arith.constant 3 : i32
        %add3A_174 = arith.addi %mul3A_172, %add3A_173 : i32
        %get3A_175 = arith.index_cast %add3A_174 : i32 to index
        %get3A_176 = arith.constant 0 : index
        %get3A_177 = tpu.vector_load %arg20[%get3A_175, %get3A_176] {strides = array<i32>} : memref<128x16xf32, #tpu.memory_space<vmem>>, vector<16xf32>,
        %slice3A_178 = vector.extract_strided_slice %get3A_131 {offsets = [3], sizes = [1], strides = [1]} : vector<16xf32> to vector<1xf32>
        %squeeze3A_179 = vector.extract %slice3A_178[0] : f32 from vector<1xf32>
        %mul3A_180 = vector.broadcast %squeeze3A_179 : f32 to vector<16xf32>
        %mul3A_181 = arith.mulf %get3A_177, %mul3A_180 : vector<16xf32>
        %swap3A_182 = arith.index_cast %add3A_174 : i32 to index
        %swap3A_183 = arith.constant 0 : index
        %swap3A_184 = tpu.vector_load %arg20[%swap3A_182, %swap3A_183] {strides = array<i32>} : memref<128x16xf32, #tpu.memory_space<vmem>>, vector<16xf32>,
        tpu.vector_store %arg20[%swap3A_182, %swap3A_183], %mul3A_181 {strides = array<i32>} : memref<128x16xf32, #tpu.memory_space<vmem>>, vector<16xf32>,
        %mul3A_185 = arith.constant 16 : i32
        %mul3A_186 = arith.muli %scan3A_128, %mul3A_185 : i32
        %add3A_187 = arith.constant 4 : i32
        %add3A_188 = arith.addi %mul3A_186, %add3A_187 : i32
        %get3A_189 = arith.index_cast %add3A_188 : i32 to index
        %get3A_190 = arith.constant 0 : index
        %get3A_191 = tpu.vector_load %arg20[%get3A_189, %get3A_190] {strides = array<i32>} : memref<128x16xf32, #tpu.memory_space<vmem>>, vector<16xf32>,
        %slice3A_192 = vector.extract_strided_slice %get3A_131 {offsets = [4], sizes = [1], strides = [1]} : vector<16xf32> to vector<1xf32>
        %squeeze3A_193 = vector.extract %slice3A_192[0] : f32 from vector<1xf32>
        %mul3A_194 = vector.broadcast %squeeze3A_193 : f32 to vector<16xf32>
        %mul3A_195 = arith.mulf %get3A_191, %mul3A_194 : vector<16xf32>
        %swap3A_196 = arith.index_cast %add3A_188 : i32 to index
        %swap3A_197 = arith.constant 0 : index
        %swap3A_198 = tpu.vector_load %arg20[%swap3A_196, %swap3A_197] {strides = array<i32>} : memref<128x16xf32, #tpu.memory_space<vmem>>, vector<16xf32>,
        tpu.vector_store %arg20[%swap3A_196, %swap3A_197], %mul3A_195 {strides = array<i32>} : memref<128x16xf32, #tpu.memory_space<vmem>>, vector<16xf32>,
        %mul3A_199 = arith.constant 16 : i32
        %mul3A_200 = arith.muli %scan3A_128, %mul3A_199 : i32
        %add3A_201 = arith.constant 5 : i32
        %add3A_202 = arith.addi %mul3A_200, %add3A_201 : i32
        %get3A_203 = arith.index_cast %add3A_202 : i32 to index
        %get3A_204 = arith.constant 0 : index
        %get3A_205 = tpu.vector_load %arg20[%get3A_203, %get3A_204] {strides = array<i32>} : memref<128x16xf32, #tpu.memory_space<vmem>>, vector<16xf32>,
        %slice3A_206 = vector.extract_strided_slice %get3A_131 {offsets = [5], sizes = [1], strides = [1]} : vector<16xf32> to vector<1xf32>
        %squeeze3A_207 = vector.extract %slice3A_206[0] : f32 from vector<1xf32>
        %mul3A_208 = vector.broadcast %squeeze3A_207 : f32 to vector<16xf32>
        %mul3A_209 = arith.mulf %get3A_205, %mul3A_208 : vector<16xf32>
        %swap3A_210 = arith.index_cast %add3A_202 : i32 to index
        %swap3A_211 = arith.constant 0 : index
        %swap3A_212 = tpu.vector_load %arg20[%swap3A_210, %swap3A_211] {strides = array<i32>} : memref<128x16xf32, #tpu.memory_space<vmem>>, vector<16xf32>,
        tpu.vector_store %arg20[%swap3A_210, %swap3A_211], %mul3A_209 {strides = array<i32>} : memref<128x16xf32, #tpu.memory_space<vmem>>, vector<16xf32>,
        %mul3A_213 = arith.constant 16 : i32
        %mul3A_214 = arith.muli %scan3A_128, %mul3A_213 : i32
        %add3A_215 = arith.constant 6 : i32
        %add3A_216 = arith.addi %mul3A_214, %add3A_215 : i32
        %get3A_217 = arith.index_cast %add3A_216 : i32 to index
        %get3A_218 = arith.constant 0 : index
        %get3A_219 = tpu.vector_load %arg20[%get3A_217, %get3A_218] {strides = array<i32>} : memref<128x16xf32, #tpu.memory_space<vmem>>, vector<16xf32>,
        %slice3A_220 = vector.extract_strided_slice %get3A_131 {offsets = [6], sizes = [1], strides = [1]} : vector<16xf32> to vector<1xf32>
        %squeeze3A_221 = vector.extract %slice3A_220[0] : f32 from vector<1xf32>
        %mul3A_222 = vector.broadcast %squeeze3A_221 : f32 to vector<16xf32>
        %mul3A_223 = arith.mulf %get3A_219, %mul3A_222 : vector<16xf32>
        %swap3A_224 = arith.index_cast %add3A_216 : i32 to index
        %swap3A_225 = arith.constant 0 : index
        %swap3A_226 = tpu.vector_load %arg20[%swap3A_224, %swap3A_225] {strides = array<i32>} : memref<128x16xf32, #tpu.memory_space<vmem>>, vector<16xf32>,
        tpu.vector_store %arg20[%swap3A_224, %swap3A_225], %mul3A_223 {strides = array<i32>} : memref<128x16xf32, #tpu.memory_space<vmem>>, vector<16xf32>,
        %mul3A_227 = arith.constant 16 : i32
        %mul3A_228 = arith.muli %scan3A_128, %mul3A_227 : i32
        %add3A_229 = arith.constant 7 : i32
        %add3A_230 = arith.addi %mul3A_228, %add3A_229 : i32
        %get3A_231 = arith.index_cast %add3A_230 : i32 to index
        %get3A_232 = arith.constant 0 : index
        %get3A_233 = tpu.vector_load %arg20[%get3A_231, %get3A_232] {strides = array<i32>} : memref<128x16xf32, #tpu.memory_space<vmem>>, vector<16xf32>,
        %slice3A_234 = vector.extract_strided_slice %get3A_131 {offsets = [7], sizes = [1], strides = [1]} : vector<16xf32> to vector<1xf32>
        %squeeze3A_235 = vector.extract %slice3A_234[0] : f32 from vector<1xf32>
        %mul3A_236 = vector.broadcast %squeeze3A_235 : f32 to vector<16xf32>
        %mul3A_237 = arith.mulf %get3A_233, %mul3A_236 : vector<16xf32>
        %swap3A_238 = arith.index_cast %add3A_230 : i32 to index
        %swap3A_239 = arith.constant 0 : index
        %swap3A_240 = tpu.vector_load %arg20[%swap3A_238, %swap3A_239] {strides = array<i32>} : memref<128x16xf32, #tpu.memory_space<vmem>>, vector<16xf32>,
        tpu.vector_store %arg20[%swap3A_238, %swap3A_239], %mul3A_237 {strides = array<i32>} : memref<128x16xf32, #tpu.memory_space<vmem>>, vector<16xf32>,
        %mul3A_241 = arith.constant 16 : i32
        %mul3A_242 = arith.muli %scan3A_128, %mul3A_241 : i32
        %add3A_243 = arith.constant 8 : i32
        %add3A_244 = arith.addi %mul3A_242, %add3A_243 : i32
        %get3A_245 = arith.index_cast %add3A_244 : i32 to index
        %get3A_246 = arith.constant 0 : index
        %get3A_247 = tpu.vector_load %arg20[%get3A_245, %get3A_246] {strides = array<i32>} : memref<128x16xf32, #tpu.memory_space<vmem>>, vector<16xf32>,
        %slice3A_248 = vector.extract_strided_slice %get3A_131 {offsets = [8], sizes = [1], strides = [1]} : vector<16xf32> to vector<1xf32>
        %squeeze3A_249 = vector.extract %slice3A_248[0] : f32 from vector<1xf32>
        %mul3A_250 = vector.broadcast %squeeze3A_249 : f32 to vector<16xf32>
        %mul3A_251 = arith.mulf %get3A_247, %mul3A_250 : vector<16xf32>
        %swap3A_252 = arith.index_cast %add3A_244 : i32 to index
        %swap3A_253 = arith.constant 0 : index
        %swap3A_254 = tpu.vector_load %arg20[%swap3A_252, %swap3A_253] {strides = array<i32>} : memref<128x16xf32, #tpu.memory_space<vmem>>, vector<16xf32>,
        tpu.vector_store %arg20[%swap3A_252, %swap3A_253], %mul3A_251 {strides = array<i32>} : memref<128x16xf32, #tpu.memory_space<vmem>>, vector<16xf32>,
        %mul3A_255 = arith.constant 16 : i32
        %mul3A_256 = arith.muli %scan3A_128, %mul3A_255 : i32
        %add3A_257 = arith.constant 9 : i32
        %add3A_258 = arith.addi %mul3A_256, %add3A_257 : i32
        %get3A_259 = arith.index_cast %add3A_258 : i32 to index
        %get3A_260 = arith.constant 0 : index
        %get3A_261 = tpu.vector_load %arg20[%get3A_259, %get3A_260] {strides = array<i32>} : memref<128x16xf32, #tpu.memory_space<vmem>>, vector<16xf32>,
        %slice3A_262 = vector.extract_strided_slice %get3A_131 {offsets = [9], sizes = [1], strides = [1]} : vector<16xf32> to vector<1xf32>
        %squeeze3A_263 = vector.extract %slice3A_262[0] : f32 from vector<1xf32>
        %mul3A_264 = vector.broadcast %squeeze3A_263 : f32 to vector<16xf32>
        %mul3A_265 = arith.mulf %get3A_261, %mul3A_264 : vector<16xf32>
        %swap3A_266 = arith.index_cast %add3A_258 : i32 to index
        %swap3A_267 = arith.constant 0 : index
        %swap3A_268 = tpu.vector_load %arg20[%swap3A_266, %swap3A_267] {strides = array<i32>} : memref<128x16xf32, #tpu.memory_space<vmem>>, vector<16xf32>,
        tpu.vector_store %arg20[%swap3A_266, %swap3A_267], %mul3A_265 {strides = array<i32>} : memref<128x16xf32, #tpu.memory_space<vmem>>, vector<16xf32>,
        %mul3A_269 = arith.constant 16 : i32
        %mul3A_270 = arith.muli %scan3A_128, %mul3A_269 : i32
        %add3A_271 = arith.constant 10 : i32
        %add3A_272 = arith.addi %mul3A_270, %add3A_271 : i32
        %get3A_273 = arith.index_cast %add3A_272 : i32 to index
        %get3A_274 = arith.constant 0 : index
        %get3A_275 = tpu.vector_load %arg20[%get3A_273, %get3A_274] {strides = array<i32>} : memref<128x16xf32, #tpu.memory_space<vmem>>, vector<16xf32>,
        %slice3A_276 = vector.extract_strided_slice %get3A_131 {offsets = [10], sizes = [1], strides = [1]} : vector<16xf32> to vector<1xf32>
        %squeeze3A_277 = vector.extract %slice3A_276[0] : f32 from vector<1xf32>
        %mul3A_278 = vector.broadcast %squeeze3A_277 : f32 to vector<16xf32>
        %mul3A_279 = arith.mulf %get3A_275, %mul3A_278 : vector<16xf32>
        %swap3A_280 = arith.index_cast %add3A_272 : i32 to index
        %swap3A_281 = arith.constant 0 : index
        %swap3A_282 = tpu.vector_load %arg20[%swap3A_280, %swap3A_281] {strides = array<i32>} : memref<128x16xf32, #tpu.memory_space<vmem>>, vector<16xf32>,
        tpu.vector_store %arg20[%swap3A_280, %swap3A_281], %mul3A_279 {strides = array<i32>} : memref<128x16xf32, #tpu.memory_space<vmem>>, vector<16xf32>,
        %mul3A_283 = arith.constant 16 : i32
        %mul3A_284 = arith.muli %scan3A_128, %mul3A_283 : i32
        %add3A_285 = arith.constant 11 : i32
        %add3A_286 = arith.addi %mul3A_284, %add3A_285 : i32
        %get3A_287 = arith.index_cast %add3A_286 : i32 to index
        %get3A_288 = arith.constant 0 : index
        %get3A_289 = tpu.vector_load %arg20[%get3A_287, %get3A_288] {strides = array<i32>} : memref<128x16xf32, #tpu.memory_space<vmem>>, vector<16xf32>,
        %slice3A_290 = vector.extract_strided_slice %get3A_131 {offsets = [11], sizes = [1], strides = [1]} : vector<16xf32> to vector<1xf32>
        %squeeze3A_291 = vector.extract %slice3A_290[0] : f32 from vector<1xf32>
        %mul3A_292 = vector.broadcast %squeeze3A_291 : f32 to vector<16xf32>
        %mul3A_293 = arith.mulf %get3A_289, %mul3A_292 : vector<16xf32>
        %swap3A_294 = arith.index_cast %add3A_286 : i32 to index
        %swap3A_295 = arith.constant 0 : index
        %swap3A_296 = tpu.vector_load %arg20[%swap3A_294, %swap3A_295] {strides = array<i32>} : memref<128x16xf32, #tpu.memory_space<vmem>>, vector<16xf32>,
        tpu.vector_store %arg20[%swap3A_294, %swap3A_295], %mul3A_293 {strides = array<i32>} : memref<128x16xf32, #tpu.memory_space<vmem>>, vector<16xf32>,
        %mul3A_297 = arith.constant 16 : i32
        %mul3A_298 = arith.muli %scan3A_128, %mul3A_297 : i32
        %add3A_299 = arith.constant 12 : i32
        %add3A_300 = arith.addi %mul3A_298, %add3A_299 : i32
        %get3A_301 = arith.index_cast %add3A_300 : i32 to index
        %get3A_302 = arith.constant 0 : index
        %get3A_303 = tpu.vector_load %arg20[%get3A_301, %get3A_302] {strides = array<i32>} : memref<128x16xf32, #tpu.memory_space<vmem>>, vector<16xf32>,
        %slice3A_304 = vector.extract_strided_slice %get3A_131 {offsets = [12], sizes = [1], strides = [1]} : vector<16xf32> to vector<1xf32>
        %squeeze3A_305 = vector.extract %slice3A_304[0] : f32 from vector<1xf32>
        %mul3A_306 = vector.broadcast %squeeze3A_305 : f32 to vector<16xf32>
        %mul3A_307 = arith.mulf %get3A_303, %mul3A_306 : vector<16xf32>
        %swap3A_308 = arith.index_cast %add3A_300 : i32 to index
        %swap3A_309 = arith.constant 0 : index
        %swap3A_310 = tpu.vector_load %arg20[%swap3A_308, %swap3A_309] {strides = array<i32>} : memref<128x16xf32, #tpu.memory_space<vmem>>, vector<16xf32>,
        tpu.vector_store %arg20[%swap3A_308, %swap3A_309], %mul3A_307 {strides = array<i32>} : memref<128x16xf32, #tpu.memory_space<vmem>>, vector<16xf32>,
        %mul3A_311 = arith.constant 16 : i32
        %mul3A_312 = arith.muli %scan3A_128, %mul3A_311 : i32
        %add3A_313 = arith.constant 13 : i32
        %add3A_314 = arith.addi %mul3A_312, %add3A_313 : i32
        %get3A_315 = arith.index_cast %add3A_314 : i32 to index
        %get3A_316 = arith.constant 0 : index
        %get3A_317 = tpu.vector_load %arg20[%get3A_315, %get3A_316] {strides = array<i32>} : memref<128x16xf32, #tpu.memory_space<vmem>>, vector<16xf32>,
        %slice3A_318 = vector.extract_strided_slice %get3A_131 {offsets = [13], sizes = [1], strides = [1]} : vector<16xf32> to vector<1xf32>
        %squeeze3A_319 = vector.extract %slice3A_318[0] : f32 from vector<1xf32>
        %mul3A_320 = vector.broadcast %squeeze3A_319 : f32 to vector<16xf32>
        %mul3A_321 = arith.mulf %get3A_317, %mul3A_320 : vector<16xf32>
        %swap3A_322 = arith.index_cast %add3A_314 : i32 to index
        %swap3A_323 = arith.constant 0 : index
        %swap3A_324 = tpu.vector_load %arg20[%swap3A_322, %swap3A_323] {strides = array<i32>} : memref<128x16xf32, #tpu.memory_space<vmem>>, vector<16xf32>,
        tpu.vector_store %arg20[%swap3A_322, %swap3A_323], %mul3A_321 {strides = array<i32>} : memref<128x16xf32, #tpu.memory_space<vmem>>, vector<16xf32>,
        %mul3A_325 = arith.constant 16 : i32
        %mul3A_326 = arith.muli %scan3A_128, %mul3A_325 : i32
        %add3A_327 = arith.constant 14 : i32
        %add3A_328 = arith.addi %mul3A_326, %add3A_327 : i32
        %get3A_329 = arith.index_cast %add3A_328 : i32 to index
        %get3A_330 = arith.constant 0 : index
        %get3A_331 = tpu.vector_load %arg20[%get3A_329, %get3A_330] {strides = array<i32>} : memref<128x16xf32, #tpu.memory_space<vmem>>, vector<16xf32>,
        %slice3A_332 = vector.extract_strided_slice %get3A_131 {offsets = [14], sizes = [1], strides = [1]} : vector<16xf32> to vector<1xf32>
        %squeeze3A_333 = vector.extract %slice3A_332[0] : f32 from vector<1xf32>
        %mul3A_334 = vector.broadcast %squeeze3A_333 : f32 to vector<16xf32>
        %mul3A_335 = arith.mulf %get3A_331, %mul3A_334 : vector<16xf32>
        %swap3A_336 = arith.index_cast %add3A_328 : i32 to index
        %swap3A_337 = arith.constant 0 : index
        %swap3A_338 = tpu.vector_load %arg20[%swap3A_336, %swap3A_337] {strides = array<i32>} : memref<128x16xf32, #tpu.memory_space<vmem>>, vector<16xf32>,
        tpu.vector_store %arg20[%swap3A_336, %swap3A_337], %mul3A_335 {strides = array<i32>} : memref<128x16xf32, #tpu.memory_space<vmem>>, vector<16xf32>,
        %mul3A_339 = arith.constant 16 : i32
        %mul3A_340 = arith.muli %scan3A_128, %mul3A_339 : i32
        %add3A_341 = arith.constant 15 : i32
        %add3A_342 = arith.addi %mul3A_340, %add3A_341 : i32
        %get3A_343 = arith.index_cast %add3A_342 : i32 to index
        %get3A_344 = arith.constant 0 : index
        %get3A_345 = tpu.vector_load %arg20[%get3A_343, %get3A_344] {strides = array<i32>} : memref<128x16xf32, #tpu.memory_space<vmem>>, vector<16xf32>,
        %slice3A_346 = vector.extract_strided_slice %get3A_131 {offsets = [15], sizes = [1], strides = [1]} : vector<16xf32> to vector<1xf32>
        %squeeze3A_347 = vector.extract %slice3A_346[0] : f32 from vector<1xf32>
        %mul3A_348 = vector.broadcast %squeeze3A_347 : f32 to vector<16xf32>
        %mul3A_349 = arith.mulf %get3A_345, %mul3A_348 : vector<16xf32>
        %swap3A_350 = arith.index_cast %add3A_342 : i32 to index
        %swap3A_351 = arith.constant 0 : index
        %swap3A_352 = tpu.vector_load %arg20[%swap3A_350, %swap3A_351] {strides = array<i32>} : memref<128x16xf32, #tpu.memory_space<vmem>>, vector<16xf32>,
        tpu.vector_store %arg20[%swap3A_350, %swap3A_351], %mul3A_349 {strides = array<i32>} : memref<128x16xf32, #tpu.memory_space<vmem>>, vector<16xf32>,
      }
      %scan3A_121 = arith.constant 8 : i32
      %dma_start3A_122 = arith.constant 0 : i32
      %dma_start3A_123 = tpu.memref_slice %arg17[%add3A_64, %dma_start3A_122] : memref<82x128xi32, #tpu.memory_space<vmem>> -> memref<1x128xi32, #tpu.memory_space<vmem>>
      %dma_start3A_124 = tpu.memref_squeeze %dma_start3A_123 : memref<1x128xi32, #tpu.memory_space<vmem>> -> memref<128xi32, #tpu.memory_space<vmem>>
      %dma_start3A_125 = arith.constant 0 : i32
      %dma_start3A_126 = arith.constant 0 : i32
      %dma_start3A_127 = tpu.memref_slice %arg21[%dma_start3A_125, %dma_start3A_126] : memref<10240x16xf32, #tpu.memory_space<vmem_shared>> -> memref<10240x16xf32, #tpu.memory_space<vmem_shared>>
      tpu.enqueue_indirect_dma source(%arg20 : memref<128x16xf32, #tpu.memory_space<vmem>>) target(%dma_start3A_127 : memref<10240x16xf32, #tpu.memory_space<vmem_shared>>) offsets(%dma_start3A_124 : memref<128xi32, #tpu.memory_space<vmem>>) semaphore(%arg25 : memref<!tpu.dma_semaphore, #tpu.memory_space<semaphore_mem>>) {add = true}
    }
    %scan3A_36 = arith.constant 41 : i32
    %dma_wait3A = arith.constant 80 : i32
    %dma_wait3A_37 = arith.constant 0 : i32
    %dma_wait3A_38 = tpu.memref_slice %arg17[%dma_wait3A, %dma_wait3A_37] : memref<82x128xi32, #tpu.memory_space<vmem>> -> memref<1x128xi32, #tpu.memory_space<vmem>>
    %dma_wait3A_39 = tpu.memref_squeeze %dma_wait3A_38 : memref<1x128xi32, #tpu.memory_space<vmem>> -> memref<128xi32, #tpu.memory_space<vmem>>
    %dma_wait3A_40 = arith.constant 0 : i32
    %dma_wait3A_41 = arith.constant 0 : i32
    %dma_wait3A_42 = tpu.memref_slice %arg21[%dma_wait3A_40, %dma_wait3A_41] : memref<10240x16xf32, #tpu.memory_space<vmem_shared>> -> memref<10240x16xf32, #tpu.memory_space<vmem_shared>>
    tpu.wait_indirect_dma semaphore(%arg24 : memref<!tpu.dma_semaphore, #tpu.memory_space<semaphore_mem>>) src(%arg19 : memref<128x16xf32, #tpu.memory_space<vmem>>) dst(%dma_wait3A_42 : memref<10240x16xf32, #tpu.memory_space<vmem_shared>>)
    %dma_wait3A_43 = arith.constant 81 : i32
    %dma_wait3A_44 = arith.constant 0 : i32
    %dma_wait3A_45 = tpu.memref_slice %arg17[%dma_wait3A_43, %dma_wait3A_44] : memref<82x128xi32, #tpu.memory_space<vmem>> -> memref<1x128xi32, #tpu.memory_space<vmem>>
    %dma_wait3A_46 = tpu.memref_squeeze %dma_wait3A_45 : memref<1x128xi32, #tpu.memory_space<vmem>> -> memref<128xi32, #tpu.memory_space<vmem>>
    %dma_wait3A_47 = arith.constant 0 : i32
    %dma_wait3A_48 = arith.constant 0 : i32
    %dma_wait3A_49 = tpu.memref_slice %arg21[%dma_wait3A_47, %dma_wait3A_48] : memref<10240x16xf32, #tpu.memory_space<vmem_shared>> -> memref<10240x16xf32, #tpu.memory_space<vmem_shared>>
    tpu.wait_indirect_dma semaphore(%arg25 : memref<!tpu.dma_semaphore, #tpu.memory_space<semaphore_mem>>) src(%arg20 : memref<128x16xf32, #tpu.memory_space<vmem>>) dst(%dma_wait3A_49 : memref<10240x16xf32, #tpu.memory_space<vmem_shared>>)
    %barrier3A_50 = arith.constant 0 : index
    tpu.barrier barrier_id(%barrier3A_50)
    %mul3A_51 = arith.constant 10240 : i32
    %mul3A_52 = arith.muli %add3A, %mul3A_51 : i32
    "tpu.region"() ({
      %run_scoped3A = tpu.sem_alloc : memref<!tpu.dma_semaphore, #tpu.memory_space<semaphore_mem>>
      %dma_start3A_60 = tpu.memref_slice %arg12[%mul3A_52] : memref<327680xf32, #tpu.memory_space<hbm>> -> memref<10240xf32, #tpu.memory_space<hbm>>
      %dma_start3A_61 = tpu.memref_slice %arg12[%mul3A_52] : memref<327680xf32, #tpu.memory_space<hbm>> -> memref<10240xf32, #tpu.memory_space<hbm>>
      tpu.enqueue_dma source(%arg15 : memref<10240xf32, #tpu.memory_space<vmem>>) target(%dma_start3A_61 : memref<10240xf32, #tpu.memory_space<hbm>>) target_semaphore(%run_scoped3A : memref<!tpu.dma_semaphore, #tpu.memory_space<semaphore_mem>>)
      %dma_wait3A_62 = tpu.memref_slice %arg12[%mul3A_52] : memref<327680xf32, #tpu.memory_space<hbm>> -> memref<10240xf32, #tpu.memory_space<hbm>>
      %dma_wait3A_63 = tpu.memref_slice %arg12[%mul3A_52] : memref<327680xf32, #tpu.memory_space<hbm>> -> memref<10240xf32, #tpu.memory_space<hbm>>
      tpu.wait_dma2 semaphore(%run_scoped3A : memref<!tpu.dma_semaphore, #tpu.memory_space<semaphore_mem>>) src(%arg15 : memref<10240xf32, #tpu.memory_space<vmem>>) dst(%dma_wait3A_63 : memref<10240xf32, #tpu.memory_space<hbm>>)
      tpu.yield
    }) : () -> ()
    %mul3A_53 = arith.constant 640 : i32
    %mul3A_54 = arith.muli %arg1, %mul3A_53 : i32
    %mul3A_55 = arith.constant 10240 : i32
    %mul3A_56 = arith.muli %arg0, %mul3A_55 : i32
    %mul3A_57 = arith.constant 640 : i32
    %mul3A_58 = arith.muli %arg1, %mul3A_57 : i32
    %add3A_59 = arith.addi %mul3A_56, %mul3A_58 : i32
    "tpu.region"() ({
      %run_scoped3A = tpu.sem_alloc : memref<!tpu.dma_semaphore, #tpu.memory_space<semaphore_mem>>
      %dma_start3A_60 = arith.constant 0 : i32
      %dma_start3A_61 = tpu.memref_slice %arg11[%add3A_59, %dma_start3A_60] : memref<20480x16xf32, #tpu.memory_space<hbm>> -> memref<640x16xf32, #tpu.memory_space<hbm>>
      %dma_start3A_62 = arith.constant 0 : i32
      %dma_start3A_63 = tpu.memref_slice %arg21[%mul3A_54, %dma_start3A_62] : memref<10240x16xf32, #tpu.memory_space<vmem_shared>> -> memref<640x16xf32, #tpu.memory_space<vmem_shared>>
      tpu.enqueue_dma source(%dma_start3A_63 : memref<640x16xf32, #tpu.memory_space<vmem_shared>>) target(%dma_start3A_61 : memref<640x16xf32, #tpu.memory_space<hbm>>) target_semaphore(%run_scoped3A : memref<!tpu.dma_semaphore, #tpu.memory_space<semaphore_mem>>)
      %dma_wait3A_64 = arith.constant 0 : i32
      %dma_wait3A_65 = tpu.memref_slice %arg11[%add3A_59, %dma_wait3A_64] : memref<20480x16xf32, #tpu.memory_space<hbm>> -> memref<640x16xf32, #tpu.memory_space<hbm>>
      %dma_wait3A_66 = arith.constant 0 : i32
      %dma_wait3A_67 = tpu.memref_slice %arg21[%mul3A_54, %dma_wait3A_66] : memref<10240x16xf32, #tpu.memory_space<vmem_shared>> -> memref<640x16xf32, #tpu.memory_space<vmem_shared>>
      tpu.wait_dma2 semaphore(%run_scoped3A : memref<!tpu.dma_semaphore, #tpu.memory_space<semaphore_mem>>) src(%dma_wait3A_67 : memref<640x16xf32, #tpu.memory_space<vmem_shared>>) dst(%dma_wait3A_65 : memref<640x16xf32, #tpu.memory_space<hbm>>)
      tpu.yield
    }) : () -> ()
    return
  }
}

module attributes {stable_mosaic.version = 14 : i64} {
  func.func @_tc1_body(%arg0: memref<10000x128xf32, #tpu.memory_space<vmem>>, %arg1: memref<128x16xf32, #tpu.memory_space<vmem>>, %arg2: memref<1x16xf32, #tpu.memory_space<vmem>>, %arg3: memref<1x16xf32, #tpu.memory_space<vmem>>, %arg4: memref<10000x16xf32, #tpu.memory_space<vmem>>, %arg5: memref<10240xf32, #tpu.memory_space<vmem>>, %arg6: memref<10240xf32, #tpu.memory_space<vmem>>) attributes {dimension_semantics = [], scalar_prefetch = 0 : i64, scratch_operands = 0 : i64, tpu.core_type = #tpu.core_type<tc>} {
    %get3A = arith.constant 0 : index
    %get3A_0 = arith.constant 0 : index
    %get3A_1 = vector.load %arg0[%get3A, %get3A_0] : memref<10000x128xf32, #tpu.memory_space<vmem>>, vector<10000x128xf32>
    %get3A_2 = arith.constant 0 : index
    %get3A_3 = arith.constant 0 : index
    %get3A_4 = vector.load %arg1[%get3A_2, %get3A_3] : memref<128x16xf32, #tpu.memory_space<vmem>>, vector<128x16xf32>
    %dot_general3A = arith.constant dense<0.000000e+00> : vector<10000x16xf32>
    %dot_general3A_5 = tpu.matmul %get3A_1, %get3A_4, %dot_general3A {dimension_numbers = #tpu.dot_dimension_numbers<[1], [0], [0], [1], [0, 0, 1, 1], [], []>, transpose_lhs_hint = false} : vector<10000x128xf32>, vector<128x16xf32>, vector<10000x16xf32> -> vector<10000x16xf32>
    %swap3A = arith.constant 0 : index
    %swap3A_6 = arith.constant 0 : index
    %swap3A_7 = vector.load %arg4[%swap3A, %swap3A_6] : memref<10000x16xf32, #tpu.memory_space<vmem>>, vector<10000x16xf32>
    tpu.vector_store %arg4[%swap3A, %swap3A_6], %dot_general3A_5 {strides = array<i32>} : memref<10000x16xf32, #tpu.memory_space<vmem>>, vector<10000x16xf32>,
    %get3A_8 = arith.constant 0 : index
    %get3A_9 = arith.constant 0 : index
    %get3A_10 = vector.load %arg2[%get3A_8, %get3A_9] : memref<1x16xf32, #tpu.memory_space<vmem>>, vector<1x16xf32>
    %mul3A = vector.broadcast %get3A_10 : vector<1x16xf32> to vector<10000x16xf32>
    %mul3A_11 = arith.mulf %dot_general3A_5, %mul3A : vector<10000x16xf32>
    %reduce_sum3A = arith.constant dense<0.000000e+00> : vector<10000xf32>
    %reduce_sum3A_12 = vector.multi_reduction <add>, %mul3A_11, %reduce_sum3A [1] : vector<10000x16xf32> to vector<10000xf32>
    %swap3A_13 = arith.constant 0 : index
    %swap3A_14 = vector.load %arg5[%swap3A_13] : memref<10240xf32, #tpu.memory_space<vmem>>, vector<10000xf32>
    tpu.vector_store %arg5[%swap3A_13], %reduce_sum3A_12 {strides = array<i32>} : memref<10240xf32, #tpu.memory_space<vmem>>, vector<10000xf32>,
    %get3A_15 = arith.constant 0 : index
    %get3A_16 = arith.constant 0 : index
    %get3A_17 = vector.load %arg3[%get3A_15, %get3A_16] : memref<1x16xf32, #tpu.memory_space<vmem>>, vector<1x16xf32>
    %mul3A_18 = vector.broadcast %get3A_17 : vector<1x16xf32> to vector<10000x16xf32>
    %mul3A_19 = arith.mulf %dot_general3A_5, %mul3A_18 : vector<10000x16xf32>
    %reduce_sum3A_20 = arith.constant dense<0.000000e+00> : vector<10000xf32>
    %reduce_sum3A_21 = vector.multi_reduction <add>, %mul3A_19, %reduce_sum3A_20 [1] : vector<10000x16xf32> to vector<10000xf32>
    %swap3A_22 = arith.constant 0 : index
    %swap3A_23 = vector.load %arg6[%swap3A_22] : memref<10240xf32, #tpu.memory_space<vmem>>, vector<10000xf32>
    tpu.vector_store %arg6[%swap3A_22], %reduce_sum3A_21 {strides = array<i32>} : memref<10240xf32, #tpu.memory_space<vmem>>, vector<10000xf32>,
    return
  }
}

module attributes {stable_mosaic.version = 14 : i64} {
  func.func @_tc2_body(%arg0: memref<20480x16xf32, #tpu.memory_space<vmem>>, %arg1: memref<327680xf32, #tpu.memory_space<vmem>>, %arg2: memref<1x16xf32, #tpu.memory_space<vmem>>, %arg3: memref<16x16xf32, #tpu.memory_space<vmem>>, %arg4: memref<1x16xf32, #tpu.memory_space<vmem>>, %arg5: memref<1x16xf32, #tpu.memory_space<vmem>>, %arg6: memref<10000x16xf32, #tpu.memory_space<vmem>>, %arg7: memref<10240xf32, #tpu.memory_space<vmem>>, %arg8: memref<10240xf32, #tpu.memory_space<vmem>>) attributes {dimension_semantics = [], scalar_prefetch = 0 : i64, scratch_operands = 0 : i64, tpu.core_type = #tpu.core_type<tc>} {
    %get3A = arith.constant 0 : index
    %get3A_0 = arith.constant 0 : index
    %get3A_1 = vector.load %arg0[%get3A, %get3A_0] : memref<20480x16xf32, #tpu.memory_space<vmem>>, vector<10000x16xf32>
    %get3A_2 = arith.constant 10240 : index
    %get3A_3 = arith.constant 0 : index
    %get3A_4 = vector.load %arg0[%get3A_2, %get3A_3] : memref<20480x16xf32, #tpu.memory_space<vmem>>, vector<10000x16xf32>
    %add3A = arith.addf %get3A_1, %get3A_4 : vector<10000x16xf32>
    %get3A_5 = arith.constant 0 : index
    %get3A_6 = vector.load %arg1[%get3A_5] : memref<327680xf32, #tpu.memory_space<vmem>>, vector<10000xf32>
    %get3A_7 = arith.constant 10240 : index
    %get3A_8 = vector.load %arg1[%get3A_7] : memref<327680xf32, #tpu.memory_space<vmem>>, vector<10000xf32>
    %add3A_9 = arith.addf %get3A_6, %get3A_8 : vector<10000xf32>
    %get3A_10 = arith.constant 20480 : index
    %get3A_11 = vector.load %arg1[%get3A_10] : memref<327680xf32, #tpu.memory_space<vmem>>, vector<10000xf32>
    %add3A_12 = arith.addf %add3A_9, %get3A_11 : vector<10000xf32>
    %get3A_13 = arith.constant 30720 : index
    %get3A_14 = vector.load %arg1[%get3A_13] : memref<327680xf32, #tpu.memory_space<vmem>>, vector<10000xf32>
    %add3A_15 = arith.addf %add3A_12, %get3A_14 : vector<10000xf32>
    %get3A_16 = arith.constant 40960 : index
    %get3A_17 = vector.load %arg1[%get3A_16] : memref<327680xf32, #tpu.memory_space<vmem>>, vector<10000xf32>
    %add3A_18 = arith.addf %add3A_15, %get3A_17 : vector<10000xf32>
    %get3A_19 = arith.constant 51200 : index
    %get3A_20 = vector.load %arg1[%get3A_19] : memref<327680xf32, #tpu.memory_space<vmem>>, vector<10000xf32>
    %add3A_21 = arith.addf %add3A_18, %get3A_20 : vector<10000xf32>
    %get3A_22 = arith.constant 61440 : index
    %get3A_23 = vector.load %arg1[%get3A_22] : memref<327680xf32, #tpu.memory_space<vmem>>, vector<10000xf32>
    %add3A_24 = arith.addf %add3A_21, %get3A_23 : vector<10000xf32>
    %get3A_25 = arith.constant 71680 : index
    %get3A_26 = vector.load %arg1[%get3A_25] : memref<327680xf32, #tpu.memory_space<vmem>>, vector<10000xf32>
    %add3A_27 = arith.addf %add3A_24, %get3A_26 : vector<10000xf32>
    %get3A_28 = arith.constant 81920 : index
    %get3A_29 = vector.load %arg1[%get3A_28] : memref<327680xf32, #tpu.memory_space<vmem>>, vector<10000xf32>
    %add3A_30 = arith.addf %add3A_27, %get3A_29 : vector<10000xf32>
    %get3A_31 = arith.constant 92160 : index
    %get3A_32 = vector.load %arg1[%get3A_31] : memref<327680xf32, #tpu.memory_space<vmem>>, vector<10000xf32>
    %add3A_33 = arith.addf %add3A_30, %get3A_32 : vector<10000xf32>
    %get3A_34 = arith.constant 102400 : index
    %get3A_35 = vector.load %arg1[%get3A_34] : memref<327680xf32, #tpu.memory_space<vmem>>, vector<10000xf32>
    %add3A_36 = arith.addf %add3A_33, %get3A_35 : vector<10000xf32>
    %get3A_37 = arith.constant 112640 : index
    %get3A_38 = vector.load %arg1[%get3A_37] : memref<327680xf32, #tpu.memory_space<vmem>>, vector<10000xf32>
    %add3A_39 = arith.addf %add3A_36, %get3A_38 : vector<10000xf32>
    %get3A_40 = arith.constant 122880 : index
    %get3A_41 = vector.load %arg1[%get3A_40] : memref<327680xf32, #tpu.memory_space<vmem>>, vector<10000xf32>
    %add3A_42 = arith.addf %add3A_39, %get3A_41 : vector<10000xf32>
    %get3A_43 = arith.constant 133120 : index
    %get3A_44 = vector.load %arg1[%get3A_43] : memref<327680xf32, #tpu.memory_space<vmem>>, vector<10000xf32>
    %add3A_45 = arith.addf %add3A_42, %get3A_44 : vector<10000xf32>
    %get3A_46 = arith.constant 143360 : index
    %get3A_47 = vector.load %arg1[%get3A_46] : memref<327680xf32, #tpu.memory_space<vmem>>, vector<10000xf32>
    %add3A_48 = arith.addf %add3A_45, %get3A_47 : vector<10000xf32>
    %get3A_49 = arith.constant 153600 : index
    %get3A_50 = vector.load %arg1[%get3A_49] : memref<327680xf32, #tpu.memory_space<vmem>>, vector<10000xf32>
    %add3A_51 = arith.addf %add3A_48, %get3A_50 : vector<10000xf32>
    %get3A_52 = arith.constant 163840 : index
    %get3A_53 = vector.load %arg1[%get3A_52] : memref<327680xf32, #tpu.memory_space<vmem>>, vector<10000xf32>
    %add3A_54 = arith.addf %add3A_51, %get3A_53 : vector<10000xf32>
    %get3A_55 = arith.constant 174080 : index
    %get3A_56 = vector.load %arg1[%get3A_55] : memref<327680xf32, #tpu.memory_space<vmem>>, vector<10000xf32>
    %add3A_57 = arith.addf %add3A_54, %get3A_56 : vector<10000xf32>
    %get3A_58 = arith.constant 184320 : index
    %get3A_59 = vector.load %arg1[%get3A_58] : memref<327680xf32, #tpu.memory_space<vmem>>, vector<10000xf32>
    %add3A_60 = arith.addf %add3A_57, %get3A_59 : vector<10000xf32>
    %get3A_61 = arith.constant 194560 : index
    %get3A_62 = vector.load %arg1[%get3A_61] : memref<327680xf32, #tpu.memory_space<vmem>>, vector<10000xf32>
    %add3A_63 = arith.addf %add3A_60, %get3A_62 : vector<10000xf32>
    %get3A_64 = arith.constant 204800 : index
    %get3A_65 = vector.load %arg1[%get3A_64] : memref<327680xf32, #tpu.memory_space<vmem>>, vector<10000xf32>
    %add3A_66 = arith.addf %add3A_63, %get3A_65 : vector<10000xf32>
    %get3A_67 = arith.constant 215040 : index
    %get3A_68 = vector.load %arg1[%get3A_67] : memref<327680xf32, #tpu.memory_space<vmem>>, vector<10000xf32>
    %add3A_69 = arith.addf %add3A_66, %get3A_68 : vector<10000xf32>
    %get3A_70 = arith.constant 225280 : index
    %get3A_71 = vector.load %arg1[%get3A_70] : memref<327680xf32, #tpu.memory_space<vmem>>, vector<10000xf32>
    %add3A_72 = arith.addf %add3A_69, %get3A_71 : vector<10000xf32>
    %get3A_73 = arith.constant 235520 : index
    %get3A_74 = vector.load %arg1[%get3A_73] : memref<327680xf32, #tpu.memory_space<vmem>>, vector<10000xf32>
    %add3A_75 = arith.addf %add3A_72, %get3A_74 : vector<10000xf32>
    %get3A_76 = arith.constant 245760 : index
    %get3A_77 = vector.load %arg1[%get3A_76] : memref<327680xf32, #tpu.memory_space<vmem>>, vector<10000xf32>
    %add3A_78 = arith.addf %add3A_75, %get3A_77 : vector<10000xf32>
    %get3A_79 = arith.constant 256000 : index
    %get3A_80 = vector.load %arg1[%get3A_79] : memref<327680xf32, #tpu.memory_space<vmem>>, vector<10000xf32>
    %add3A_81 = arith.addf %add3A_78, %get3A_80 : vector<10000xf32>
    %get3A_82 = arith.constant 266240 : index
    %get3A_83 = vector.load %arg1[%get3A_82] : memref<327680xf32, #tpu.memory_space<vmem>>, vector<10000xf32>
    %add3A_84 = arith.addf %add3A_81, %get3A_83 : vector<10000xf32>
    %get3A_85 = arith.constant 276480 : index
    %get3A_86 = vector.load %arg1[%get3A_85] : memref<327680xf32, #tpu.memory_space<vmem>>, vector<10000xf32>
    %add3A_87 = arith.addf %add3A_84, %get3A_86 : vector<10000xf32>
    %get3A_88 = arith.constant 286720 : index
    %get3A_89 = vector.load %arg1[%get3A_88] : memref<327680xf32, #tpu.memory_space<vmem>>, vector<10000xf32>
    %add3A_90 = arith.addf %add3A_87, %get3A_89 : vector<10000xf32>
    %get3A_91 = arith.constant 296960 : index
    %get3A_92 = vector.load %arg1[%get3A_91] : memref<327680xf32, #tpu.memory_space<vmem>>, vector<10000xf32>
    %add3A_93 = arith.addf %add3A_90, %get3A_92 : vector<10000xf32>
    %get3A_94 = arith.constant 307200 : index
    %get3A_95 = vector.load %arg1[%get3A_94] : memref<327680xf32, #tpu.memory_space<vmem>>, vector<10000xf32>
    %add3A_96 = arith.addf %add3A_93, %get3A_95 : vector<10000xf32>
    %get3A_97 = arith.constant 317440 : index
    %get3A_98 = vector.load %arg1[%get3A_97] : memref<327680xf32, #tpu.memory_space<vmem>>, vector<10000xf32>
    %add3A_99 = arith.addf %add3A_96, %get3A_98 : vector<10000xf32>
    %broadcast_in_dim3A = vector.shape_cast %add3A_99 : vector<10000xf32> to vector<10000x1xf32>
    %add3A_100 = arith.constant 1.000000e-16 : f32
    %add3A_101 = vector.broadcast %add3A_100 : f32 to vector<10000x1xf32>
    %add3A_102 = arith.addf %broadcast_in_dim3A, %add3A_101 : vector<10000x1xf32>
    %div3A = vector.broadcast %add3A_102 : vector<10000x1xf32> to vector<10000x16xf32>
    %div3A_103 = arith.divf %add3A, %div3A : vector<10000x16xf32>
    %get3A_104 = arith.constant 0 : index
    %get3A_105 = arith.constant 0 : index
    %get3A_106 = vector.load %arg2[%get3A_104, %get3A_105] : memref<1x16xf32, #tpu.memory_space<vmem>>, vector<1x16xf32>
    %add3A_107 = vector.broadcast %get3A_106 : vector<1x16xf32> to vector<10000x16xf32>
    %add3A_108 = arith.addf %div3A_103, %add3A_107 : vector<10000x16xf32>
    %max3A = arith.constant 0.000000e+00 : f32
    %max3A_109 = vector.broadcast %max3A : f32 to vector<10000x16xf32>
    %max3A_110 = arith.maximumf %add3A_108, %max3A_109 : vector<10000x16xf32>
    %get3A_111 = arith.constant 0 : index
    %get3A_112 = arith.constant 0 : index
    %get3A_113 = vector.load %arg3[%get3A_111, %get3A_112] : memref<16x16xf32, #tpu.memory_space<vmem>>, vector<16x16xf32>
    %dot_general3A = arith.constant dense<0.000000e+00> : vector<10000x16xf32>
    %dot_general3A_114 = tpu.matmul %max3A_110, %get3A_113, %dot_general3A {dimension_numbers = #tpu.dot_dimension_numbers<[1], [0], [0], [1], [0, 0, 1, 1], [], []>, transpose_lhs_hint = false} : vector<10000x16xf32>, vector<16x16xf32>, vector<10000x16xf32> -> vector<10000x16xf32>
    %swap3A = arith.constant 0 : index
    %swap3A_115 = arith.constant 0 : index
    %swap3A_116 = vector.load %arg6[%swap3A, %swap3A_115] : memref<10000x16xf32, #tpu.memory_space<vmem>>, vector<10000x16xf32>
    tpu.vector_store %arg6[%swap3A, %swap3A_115], %dot_general3A_114 {strides = array<i32>} : memref<10000x16xf32, #tpu.memory_space<vmem>>, vector<10000x16xf32>,
    %get3A_117 = arith.constant 0 : index
    %get3A_118 = arith.constant 0 : index
    %get3A_119 = vector.load %arg4[%get3A_117, %get3A_118] : memref<1x16xf32, #tpu.memory_space<vmem>>, vector<1x16xf32>
    %mul3A = vector.broadcast %get3A_119 : vector<1x16xf32> to vector<10000x16xf32>
    %mul3A_120 = arith.mulf %dot_general3A_114, %mul3A : vector<10000x16xf32>
    %reduce_sum3A = arith.constant dense<0.000000e+00> : vector<10000xf32>
    %reduce_sum3A_121 = vector.multi_reduction <add>, %mul3A_120, %reduce_sum3A [1] : vector<10000x16xf32> to vector<10000xf32>
    %swap3A_122 = arith.constant 0 : index
    %swap3A_123 = vector.load %arg7[%swap3A_122] : memref<10240xf32, #tpu.memory_space<vmem>>, vector<10000xf32>
    tpu.vector_store %arg7[%swap3A_122], %reduce_sum3A_121 {strides = array<i32>} : memref<10240xf32, #tpu.memory_space<vmem>>, vector<10000xf32>,
    %get3A_124 = arith.constant 0 : index
    %get3A_125 = arith.constant 0 : index
    %get3A_126 = vector.load %arg5[%get3A_124, %get3A_125] : memref<1x16xf32, #tpu.memory_space<vmem>>, vector<1x16xf32>
    %mul3A_127 = vector.broadcast %get3A_126 : vector<1x16xf32> to vector<10000x16xf32>
    %mul3A_128 = arith.mulf %dot_general3A_114, %mul3A_127 : vector<10000x16xf32>
    %reduce_sum3A_129 = arith.constant dense<0.000000e+00> : vector<10000xf32>
    %reduce_sum3A_130 = vector.multi_reduction <add>, %mul3A_128, %reduce_sum3A_129 [1] : vector<10000x16xf32> to vector<10000xf32>
    %swap3A_131 = arith.constant 0 : index
    %swap3A_132 = vector.load %arg8[%swap3A_131] : memref<10240xf32, #tpu.memory_space<vmem>>, vector<10000xf32>
    tpu.vector_store %arg8[%swap3A_131], %reduce_sum3A_130 {strides = array<i32>} : memref<10240xf32, #tpu.memory_space<vmem>>, vector<10000xf32>,
    return
  }
}

module attributes {stable_mosaic.version = 14 : i64} {
  func.func @_tc3_body(%arg0: memref<20480x16xf32, #tpu.memory_space<vmem>>, %arg1: memref<327680xf32, #tpu.memory_space<vmem>>, %arg2: memref<1x16xf32, #tpu.memory_space<vmem>>, %arg3: memref<16x16xf32, #tpu.memory_space<vmem>>, %arg4: memref<1x16xf32, #tpu.memory_space<vmem>>, %arg5: memref<10000x16xf32, #tpu.memory_space<vmem>>) attributes {dimension_semantics = [], scalar_prefetch = 0 : i64, scratch_operands = 0 : i64, tpu.core_type = #tpu.core_type<tc>} {
    %get3A = arith.constant 0 : index
    %get3A_0 = arith.constant 0 : index
    %get3A_1 = vector.load %arg0[%get3A, %get3A_0] : memref<20480x16xf32, #tpu.memory_space<vmem>>, vector<10000x16xf32>
    %get3A_2 = arith.constant 10240 : index
    %get3A_3 = arith.constant 0 : index
    %get3A_4 = vector.load %arg0[%get3A_2, %get3A_3] : memref<20480x16xf32, #tpu.memory_space<vmem>>, vector<10000x16xf32>
    %add3A = arith.addf %get3A_1, %get3A_4 : vector<10000x16xf32>
    %get3A_5 = arith.constant 0 : index
    %get3A_6 = vector.load %arg1[%get3A_5] : memref<327680xf32, #tpu.memory_space<vmem>>, vector<10000xf32>
    %get3A_7 = arith.constant 10240 : index
    %get3A_8 = vector.load %arg1[%get3A_7] : memref<327680xf32, #tpu.memory_space<vmem>>, vector<10000xf32>
    %add3A_9 = arith.addf %get3A_6, %get3A_8 : vector<10000xf32>
    %get3A_10 = arith.constant 20480 : index
    %get3A_11 = vector.load %arg1[%get3A_10] : memref<327680xf32, #tpu.memory_space<vmem>>, vector<10000xf32>
    %add3A_12 = arith.addf %add3A_9, %get3A_11 : vector<10000xf32>
    %get3A_13 = arith.constant 30720 : index
    %get3A_14 = vector.load %arg1[%get3A_13] : memref<327680xf32, #tpu.memory_space<vmem>>, vector<10000xf32>
    %add3A_15 = arith.addf %add3A_12, %get3A_14 : vector<10000xf32>
    %get3A_16 = arith.constant 40960 : index
    %get3A_17 = vector.load %arg1[%get3A_16] : memref<327680xf32, #tpu.memory_space<vmem>>, vector<10000xf32>
    %add3A_18 = arith.addf %add3A_15, %get3A_17 : vector<10000xf32>
    %get3A_19 = arith.constant 51200 : index
    %get3A_20 = vector.load %arg1[%get3A_19] : memref<327680xf32, #tpu.memory_space<vmem>>, vector<10000xf32>
    %add3A_21 = arith.addf %add3A_18, %get3A_20 : vector<10000xf32>
    %get3A_22 = arith.constant 61440 : index
    %get3A_23 = vector.load %arg1[%get3A_22] : memref<327680xf32, #tpu.memory_space<vmem>>, vector<10000xf32>
    %add3A_24 = arith.addf %add3A_21, %get3A_23 : vector<10000xf32>
    %get3A_25 = arith.constant 71680 : index
    %get3A_26 = vector.load %arg1[%get3A_25] : memref<327680xf32, #tpu.memory_space<vmem>>, vector<10000xf32>
    %add3A_27 = arith.addf %add3A_24, %get3A_26 : vector<10000xf32>
    %get3A_28 = arith.constant 81920 : index
    %get3A_29 = vector.load %arg1[%get3A_28] : memref<327680xf32, #tpu.memory_space<vmem>>, vector<10000xf32>
    %add3A_30 = arith.addf %add3A_27, %get3A_29 : vector<10000xf32>
    %get3A_31 = arith.constant 92160 : index
    %get3A_32 = vector.load %arg1[%get3A_31] : memref<327680xf32, #tpu.memory_space<vmem>>, vector<10000xf32>
    %add3A_33 = arith.addf %add3A_30, %get3A_32 : vector<10000xf32>
    %get3A_34 = arith.constant 102400 : index
    %get3A_35 = vector.load %arg1[%get3A_34] : memref<327680xf32, #tpu.memory_space<vmem>>, vector<10000xf32>
    %add3A_36 = arith.addf %add3A_33, %get3A_35 : vector<10000xf32>
    %get3A_37 = arith.constant 112640 : index
    %get3A_38 = vector.load %arg1[%get3A_37] : memref<327680xf32, #tpu.memory_space<vmem>>, vector<10000xf32>
    %add3A_39 = arith.addf %add3A_36, %get3A_38 : vector<10000xf32>
    %get3A_40 = arith.constant 122880 : index
    %get3A_41 = vector.load %arg1[%get3A_40] : memref<327680xf32, #tpu.memory_space<vmem>>, vector<10000xf32>
    %add3A_42 = arith.addf %add3A_39, %get3A_41 : vector<10000xf32>
    %get3A_43 = arith.constant 133120 : index
    %get3A_44 = vector.load %arg1[%get3A_43] : memref<327680xf32, #tpu.memory_space<vmem>>, vector<10000xf32>
    %add3A_45 = arith.addf %add3A_42, %get3A_44 : vector<10000xf32>
    %get3A_46 = arith.constant 143360 : index
    %get3A_47 = vector.load %arg1[%get3A_46] : memref<327680xf32, #tpu.memory_space<vmem>>, vector<10000xf32>
    %add3A_48 = arith.addf %add3A_45, %get3A_47 : vector<10000xf32>
    %get3A_49 = arith.constant 153600 : index
    %get3A_50 = vector.load %arg1[%get3A_49] : memref<327680xf32, #tpu.memory_space<vmem>>, vector<10000xf32>
    %add3A_51 = arith.addf %add3A_48, %get3A_50 : vector<10000xf32>
    %get3A_52 = arith.constant 163840 : index
    %get3A_53 = vector.load %arg1[%get3A_52] : memref<327680xf32, #tpu.memory_space<vmem>>, vector<10000xf32>
    %add3A_54 = arith.addf %add3A_51, %get3A_53 : vector<10000xf32>
    %get3A_55 = arith.constant 174080 : index
    %get3A_56 = vector.load %arg1[%get3A_55] : memref<327680xf32, #tpu.memory_space<vmem>>, vector<10000xf32>
    %add3A_57 = arith.addf %add3A_54, %get3A_56 : vector<10000xf32>
    %get3A_58 = arith.constant 184320 : index
    %get3A_59 = vector.load %arg1[%get3A_58] : memref<327680xf32, #tpu.memory_space<vmem>>, vector<10000xf32>
    %add3A_60 = arith.addf %add3A_57, %get3A_59 : vector<10000xf32>
    %get3A_61 = arith.constant 194560 : index
    %get3A_62 = vector.load %arg1[%get3A_61] : memref<327680xf32, #tpu.memory_space<vmem>>, vector<10000xf32>
    %add3A_63 = arith.addf %add3A_60, %get3A_62 : vector<10000xf32>
    %get3A_64 = arith.constant 204800 : index
    %get3A_65 = vector.load %arg1[%get3A_64] : memref<327680xf32, #tpu.memory_space<vmem>>, vector<10000xf32>
    %add3A_66 = arith.addf %add3A_63, %get3A_65 : vector<10000xf32>
    %get3A_67 = arith.constant 215040 : index
    %get3A_68 = vector.load %arg1[%get3A_67] : memref<327680xf32, #tpu.memory_space<vmem>>, vector<10000xf32>
    %add3A_69 = arith.addf %add3A_66, %get3A_68 : vector<10000xf32>
    %get3A_70 = arith.constant 225280 : index
    %get3A_71 = vector.load %arg1[%get3A_70] : memref<327680xf32, #tpu.memory_space<vmem>>, vector<10000xf32>
    %add3A_72 = arith.addf %add3A_69, %get3A_71 : vector<10000xf32>
    %get3A_73 = arith.constant 235520 : index
    %get3A_74 = vector.load %arg1[%get3A_73] : memref<327680xf32, #tpu.memory_space<vmem>>, vector<10000xf32>
    %add3A_75 = arith.addf %add3A_72, %get3A_74 : vector<10000xf32>
    %get3A_76 = arith.constant 245760 : index
    %get3A_77 = vector.load %arg1[%get3A_76] : memref<327680xf32, #tpu.memory_space<vmem>>, vector<10000xf32>
    %add3A_78 = arith.addf %add3A_75, %get3A_77 : vector<10000xf32>
    %get3A_79 = arith.constant 256000 : index
    %get3A_80 = vector.load %arg1[%get3A_79] : memref<327680xf32, #tpu.memory_space<vmem>>, vector<10000xf32>
    %add3A_81 = arith.addf %add3A_78, %get3A_80 : vector<10000xf32>
    %get3A_82 = arith.constant 266240 : index
    %get3A_83 = vector.load %arg1[%get3A_82] : memref<327680xf32, #tpu.memory_space<vmem>>, vector<10000xf32>
    %add3A_84 = arith.addf %add3A_81, %get3A_83 : vector<10000xf32>
    %get3A_85 = arith.constant 276480 : index
    %get3A_86 = vector.load %arg1[%get3A_85] : memref<327680xf32, #tpu.memory_space<vmem>>, vector<10000xf32>
    %add3A_87 = arith.addf %add3A_84, %get3A_86 : vector<10000xf32>
    %get3A_88 = arith.constant 286720 : index
    %get3A_89 = vector.load %arg1[%get3A_88] : memref<327680xf32, #tpu.memory_space<vmem>>, vector<10000xf32>
    %add3A_90 = arith.addf %add3A_87, %get3A_89 : vector<10000xf32>
    %get3A_91 = arith.constant 296960 : index
    %get3A_92 = vector.load %arg1[%get3A_91] : memref<327680xf32, #tpu.memory_space<vmem>>, vector<10000xf32>
    %add3A_93 = arith.addf %add3A_90, %get3A_92 : vector<10000xf32>
    %get3A_94 = arith.constant 307200 : index
    %get3A_95 = vector.load %arg1[%get3A_94] : memref<327680xf32, #tpu.memory_space<vmem>>, vector<10000xf32>
    %add3A_96 = arith.addf %add3A_93, %get3A_95 : vector<10000xf32>
    %get3A_97 = arith.constant 317440 : index
    %get3A_98 = vector.load %arg1[%get3A_97] : memref<327680xf32, #tpu.memory_space<vmem>>, vector<10000xf32>
    %add3A_99 = arith.addf %add3A_96, %get3A_98 : vector<10000xf32>
    %broadcast_in_dim3A = vector.shape_cast %add3A_99 : vector<10000xf32> to vector<10000x1xf32>
    %add3A_100 = arith.constant 1.000000e-16 : f32
    %add3A_101 = vector.broadcast %add3A_100 : f32 to vector<10000x1xf32>
    %add3A_102 = arith.addf %broadcast_in_dim3A, %add3A_101 : vector<10000x1xf32>
    %div3A = vector.broadcast %add3A_102 : vector<10000x1xf32> to vector<10000x16xf32>
    %div3A_103 = arith.divf %add3A, %div3A : vector<10000x16xf32>
    %get3A_104 = arith.constant 0 : index
    %get3A_105 = arith.constant 0 : index
    %get3A_106 = vector.load %arg2[%get3A_104, %get3A_105] : memref<1x16xf32, #tpu.memory_space<vmem>>, vector<1x16xf32>
    %add3A_107 = vector.broadcast %get3A_106 : vector<1x16xf32> to vector<10000x16xf32>
    %add3A_108 = arith.addf %div3A_103, %add3A_107 : vector<10000x16xf32>
    %max3A = arith.constant 0.000000e+00 : f32
    %max3A_109 = vector.broadcast %max3A : f32 to vector<10000x16xf32>
    %max3A_110 = arith.maximumf %add3A_108, %max3A_109 : vector<10000x16xf32>
    %get3A_111 = arith.constant 0 : index
    %get3A_112 = arith.constant 0 : index
    %get3A_113 = vector.load %arg3[%get3A_111, %get3A_112] : memref<16x16xf32, #tpu.memory_space<vmem>>, vector<16x16xf32>
    %dot_general3A = arith.constant dense<0.000000e+00> : vector<10000x16xf32>
    %dot_general3A_114 = tpu.matmul %max3A_110, %get3A_113, %dot_general3A {dimension_numbers = #tpu.dot_dimension_numbers<[1], [0], [0], [1], [0, 0, 1, 1], [], []>, transpose_lhs_hint = false} : vector<10000x16xf32>, vector<16x16xf32>, vector<10000x16xf32> -> vector<10000x16xf32>
    %get3A_115 = arith.constant 0 : index
    %get3A_116 = arith.constant 0 : index
    %get3A_117 = vector.load %arg4[%get3A_115, %get3A_116] : memref<1x16xf32, #tpu.memory_space<vmem>>, vector<1x16xf32>
    %add3A_118 = vector.broadcast %get3A_117 : vector<1x16xf32> to vector<10000x16xf32>
    %add3A_119 = arith.addf %dot_general3A_114, %add3A_118 : vector<10000x16xf32>
    %reduce_max3A = arith.constant dense<0xFF800000> : vector<10000xf32>
    %reduce_max3A_120 = vector.multi_reduction <maximumf>, %add3A_119, %reduce_max3A [1] : vector<10000x16xf32> to vector<10000xf32>
    %broadcast_in_dim3A_121 = vector.shape_cast %reduce_max3A_120 : vector<10000xf32> to vector<10000x1xf32>
    %sub3A = vector.broadcast %broadcast_in_dim3A_121 : vector<10000x1xf32> to vector<10000x16xf32>
    %sub3A_122 = arith.subf %add3A_119, %sub3A : vector<10000x16xf32>
    %exp3A = math.exp %sub3A_122 : vector<10000x16xf32>
    %reduce_sum3A = arith.constant dense<0.000000e+00> : vector<10000xf32>
    %reduce_sum3A_123 = vector.multi_reduction <add>, %exp3A, %reduce_sum3A [1] : vector<10000x16xf32> to vector<10000xf32>
    %broadcast_in_dim3A_124 = vector.shape_cast %reduce_sum3A_123 : vector<10000xf32> to vector<10000x1xf32>
    %div3A_125 = vector.broadcast %broadcast_in_dim3A_124 : vector<10000x1xf32> to vector<10000x16xf32>
    %div3A_126 = arith.divf %exp3A, %div3A_125 : vector<10000x16xf32>
    %swap3A = arith.constant 0 : index
    %swap3A_127 = arith.constant 0 : index
    %swap3A_128 = vector.load %arg5[%swap3A, %swap3A_127] : memref<10000x16xf32, #tpu.memory_space<vmem>>, vector<10000x16xf32>
    tpu.vector_store %arg5[%swap3A, %swap3A_127], %div3A_126 {strides = array<i32>} : memref<10000x16xf32, #tpu.memory_space<vmem>>, vector<10000x16xf32>,
    return
  }
}

</mosaic_0001>

<sc_bundles>
// kernel: kernel.10.cloned.1.call-start
scs
__scs_entry_jumppad:
0x0: {  	(pc) =	sbr.rel $0x88, $3  }
0x1: {  	(tag) =	ssettag $0x0;
	lr =	simm.s32 $0x1  }
0x2: {  	[smem:$0x3F95] =	sst lr;
	_ =	strace $0xD0000000  }
0x3: {  	_ = 	snop  }
0x4: {  	_ = 	snop  }
0x5: {  	_ = 	snop  }
0x6: {  	_ = 	snop  }
0x7: {  	_ = 	snop  }
__scs_overlays_trampoline_lowered:
0x8: {  	[smem:$0x3FA4] =	sst s0  }
0x9: {  	[smem:$0x3FA5] =	sst s1  }
0xa: {  	[smem:$0x3FA6] =	sst s2  }
0xb: {  	[smem:$0x3FA7] =	sst s3  }
0xc: {  	[smem:$0x3FA8] =	sst s4  }
0xd: {  	[smem:$0x3FA9] =	sst s5  }
0xe: {  	[smem:$0x3FAA] =	sst s6  }
0xf: {  	[smem:$0x3FAB] =	sst s7  }
0x10: {  	[smem:$0x3FAC] =	sst s8  }
0x11: {  	[smem:$0x3FAD] =	sst s9;
	s0 =	simm.s32 @!p0 $0x0  }
0x12: {  	s1 =	sld [smem:$0x3F93];
	s0 =	simm.s32 @p0 $0x1  }
0x13: {  	[smem:$0x3FAE] =	sst s0;
	s0 =	simm.s32 @!p1 $0x0  }
0x14: {  	s2 =	sld [smem:$0x3F92];
	s0 =	simm.s32 @p1 $0x1  }
0x15: {  	[smem:$0x3FAF] =	sst s0;
	s0 =	simm.s32 @!p2 $0x0  }
0x16: {  	s3 =	sld [smem:$0x3FDB];
	s0 =	simm.s32 @p2 $0x1  }
0x17: {  	s4 =	simm.s32 $0x1BF5;
	[smem:$0x3FB1] =	sst s0  }
0x18: {  	s0 =	sld [smem:$0x3F94];
	_ =	swait.ge [sflag:s4], $0x0  }
0x19: {  	s7 =	sld [smem:$0x3F95]  }
0x1a: {  	s8 =	sadd.s32 $0xFFFFE003, lr  }
0x1b: {  	s9 =	sadd.s32 $0xFFFFFEF7, lr;
	s5 =	simm.s32 $0xFFFFFFFF;
	p2 =	slt.u32 s8, $0xFFFFF086  }
0x1c: {  	p1 =	slt.u32 s9, $0xF7A;
	s5 =	simm.s32 @!p2 $0x0  }
0x1d: {  	s5 =	simm.s32 @p1 $0x1;
	p0 =	seq.s32 s7, s2  }
0x1e: {  	s7 =	smul.u32 @!p0 $0xF7A, s2;
	p2 =	seq.s32 @!p0 s5, $0x0  }
0x1f: {  	s9 =	smul.u32 $0xF7A, s1;
	s8 =	simm.s32 @!p0 $0x1BF5;
	p2 =	por !p2, p0  }
0x20: {  	[sflag:s8] =	ssyncset.s32 @!p0 $0xFFFFF086;
	s6 =	sadd.s32 @!p0 s3, s7;
	s7 =	simm.s32 @!p0 $0x108  }
0x21: {  	s3 =	sadd.s32 s3, s9;
	s6 =	sadd.s32 @!p0 $0x88, s6;
	s7 =	simm.s32 @p2 $0x1082  }
0x22: {  	[simem:s7], [sflag:s8] =	dma.local @!p0 [hbm:s6], $0xF7A  }
0x23: {  	s9 =	sor.u32 $0xD0000000, s2;
	s6 =	simm.s32 $0x108;
	_ =	swait.ge @!p0 [sflag:s8], $0x0  }
0x24: {  	s3 =	sadd.s32 $0x88, s3;
	s6 =	simm.s32 @!p1 $0x1082;
	[sflag:s4] =	ssyncset.s32 $0xFFFFF086  }
0x25: {  	[simem:s6], [sflag:s4] =	dma.local [hbm:s3], $0xF7A  }
0x26: {  	[smem:$0x3F95] =	sst s1;
	(tag) =	ssettag s2;
	_ =	strace s9  }
0x27: {  	s1 =	sld [smem:$0x3FA5]  }
0x28: {  	s2 =	sld [smem:$0x3FA6]  }
0x29: {  	s4 =	sld [smem:$0x3FA8]  }
0x2a: {  	p0 =	seq.s32 s5, $0x0;
	s5 =	sld [smem:$0x3FA9]  }
0x2b: {  	s6 =	sld [smem:$0x3FAA]  }
0x2c: {  	s7 =	sld [smem:$0x3FAB]  }
0x2d: {  	s3 =	simm.s32 $0x108;
	s8 =	sld [smem:$0x3FAC]  }
0x2e: {  	s3 =	simm.s32 @!p0 $0x1082;
	s9 =	sld [smem:$0x3FAD]  }
0x2f: {  	lr =	sadd.s32 s0, s3;
	s0 =	sld [smem:$0x3FA4]  }
0x30: {  	s3 =	sld [smem:$0x3FA7]  }
0x31: {  	[smem:$0x3FB0] =	sst s10  }
0x32: {  	s10 =	sld [smem:$0x3FAE];
	_ =	sdelay $0x3  }
0x33: {  	p0 =	seq.s32 s10, $0x1;
	s10 =	sld [smem:$0x3FB0];
	_ =	sdelay $0x3  }
0x34: {  	[smem:$0x3FB0] =	sst s10  }
0x35: {  	s10 =	sld [smem:$0x3FAF];
	_ =	sdelay $0x3  }
0x36: {  	p1 =	seq.s32 s10, $0x1;
	s10 =	sld [smem:$0x3FB0];
	_ =	sdelay $0x3  }
0x37: {  	[smem:$0x3FB0] =	sst s10  }
0x38: {  	s10 =	sld [smem:$0x3FB1]  }
0x39: {  	_ = 	snop;
	(pc) =	sbr.ind lr, $3  }
0x3a: {  	_ = 	snop  }
0x3b: {  	_ = 	snop  }
0x3c: {  	p2 =	seq.s32 s10, $0x1;
	s10 =	sld [smem:$0x3FB0]  }
0x3d: {  	_ =	shalt  }
0x3e: {  	_ =	shalt  }
0x3f: {  	_ =	shalt  }
0x40: {  	_ =	shalt  }
0x41: {  	_ =	shalt  }
0x42: {  	_ =	shalt  }
0x43: {  	_ =	shalt  }
0x44: {  	_ =	shalt  }
0x45: {  	_ =	shalt  }
0x46: {  	_ =	shalt  }
0x47: {  	_ =	shalt  }
0x48: {  	_ =	shalt  }
0x49: {  	_ =	shalt  }
0x4a: {  	_ =	shalt  }
0x4b: {  	_ =	shalt  }
0x4c: {  	_ =	shalt  }
0x4d: {  	_ =	shalt  }
0x4e: {  	_ =	shalt  }
0x4f: {  	_ =	shalt  }
0x50: {  	_ =	shalt  }
0x51: {  	_ =	shalt  }
0x52: {  	_ =	shalt  }
0x53: {  	_ =	shalt  }
0x54: {  	_ =	shalt  }
0x55: {  	_ =	shalt  }
0x56: {  	_ =	shalt  }
0x57: {  	_ =	shalt  }
0x58: {  	_ =	shalt  }
0x59: {  	_ =	shalt  }
0x5a: {  	_ =	shalt  }
0x5b: {  	_ =	shalt  }
0x5c: {  	_ =	shalt  }
0x5d: {  	_ =	shalt  }
0x5e: {  	_ =	shalt  }
0x5f: {  	_ =	shalt  }
0x60: {  	_ =	shalt  }
0x61: {  	_ =	shalt  }
0x62: {  	_ =	shalt  }
0x63: {  	_ =	shalt  }
0x64: {  	_ =	shalt  }
0x65: {  	_ =	shalt  }
0x66: {  	_ =	shalt  }
0x67: {  	_ =	shalt  }
0x68: {  	_ =	shalt  }
0x69: {  	_ =	shalt  }
0x6a: {  	_ =	shalt  }
0x6b: {  	_ =	shalt  }
0x6c: {  	_ =	shalt  }
0x6d: {  	_ =	shalt  }
0x6e: {  	_ =	shalt  }
0x6f: {  	_ =	shalt  }
0x70: {  	_ =	shalt  }
0x71: {  	_ =	shalt  }
0x72: {  	_ =	shalt  }
0x73: {  	_ =	shalt  }
0x74: {  	_ =	shalt  }
0x75: {  	_ =	shalt  }
0x76: {  	_ =	shalt  }
0x77: {  	_ =	shalt  }
0x78: {  	_ =	shalt  }
0x79: {  	_ =	shalt  }
0x7a: {  	_ =	shalt  }
0x7b: {  	_ =	shalt  }
0x7c: {  	_ =	shalt  }
0x7d: {  	_ =	shalt  }
0x7e: {  	_ =	shalt  }
0x7f: {  	_ =	shalt  }
0x80: {  	_ =	shalt  }
0x81: {  	_ =	shalt  }
0x82: {  	_ =	shalt  }
0x83: {  	_ =	shalt  }
0x84: {  	_ =	shalt  }
0x85: {  	_ =	shalt  }
0x86: {  	_ =	shalt  }
0x87: {  	_ =	shalt  }
.Lfunc_end0:
.L_simem_size_0:
called_computation.1_lowered:
.L_overlay_start_0:
0x88: {  	s2 =	sld [smem:$0x3FD9]  }
0x89: {  	s3 =	sld [smem:$0x3FFE];
	_ =	sdelay $0x1  }
0x8a: {  	s1 =	srdreg.scid  }
0x8b: {  	s0 =	sand.u32 $0x1, s1  }
0x8c: {  	s17 =	sshll.u32 s0, $0xA;
	s2 =	sadd.s32 s3, s2  }
0x8d: {  	s2 =	sadd.s32 s2, s17  }
0x8e: {  	[smem:$0x3FBC] =	sst s2  }
0x8f: {  	_ = 	snop  }
0x90: {  	s2 =	sld [smem:$0x3FD0];
	(tm) =	ssettm $0x1  }
0x91: {  	s18 =	sld [smem:$0x3FFB];
	_ =	sdelay $0x3  }
0x92: {  	_ =	strace s18  }
0x93: {  	s3 =	sld [smem:$0x3FFC];
	_ =	sdelay $0x3  }
0x94: {  	_ =	strace s3  }
0x95: {  	s3 =	sld [smem:$0x3FFD];
	_ =	sdelay $0x3  }
0x96: {  	_ =	strace s3  }
0x97: {  	_ =	strace $0x8FFFFFFF  }
0x98: {  	s19 =	sld [smem:$0x3FDB];
	_ =	sdelay $0x1  }
0x99: {  	s4 =	simm.s32 $_scs_section_size  }
0x9a: {  	s5 =	simm.s32 $_size__tile_overlayer_lowered;
	s6 =	simm.s32 $_tile_overlayer_lowered  }
0x9b: {  	s22 =	simm.s32 $0x1BFF;
	s21 =	sshll.u32 s6, $0x1;
	s3 =	sadd.s32 s4, s19  }
0x9c: {  	s7 =	simm.s32 $0x0;
	s20 =	sshll.u32 s5, $0x1;
	s5 =	sadd.s32 s21, s3  }
0x9d: {  	[timem:s7], [sflag:s22] =	dma.local [hbm:s5], s20  }
0x9e: {  	_ =	swait.ge [sflag:s22], s20  }
0x9f: {  	s4 =	ssub.s32 $0x0, s20;
	[sflag:s22] =	ssyncset.done $0x0  }
0xa0: {  	[sflag:s22] =	ssyncadd.s32 s4;
	_ =	sdelay $0x1  }
0xa1: {  	s23 =	simm.s32 $0x1B8B  }
0xa2: {  	_ =	swait.ge [sflag:s23], $0x1  }
0xa3: {  	[sflag:s23] =	ssyncset.done $0x0  }
0xa4: {  	s25 =	simm.s32 $0x1B8E;
	s24 =	sld [smem:$0x3FFE];
	[sflag:s23] =	ssyncadd.s32 $0xFFFFFFFF  }
0xa5: {  	s26 =	simm.s32 $execute0_lowered;
	[smem:$0x3FD2] =	sst s25  }
0xa6: {  	s5 =	sshll.u32 s26, $0x1;
	_ =	strace $0x80000049;
	[dreg:$0x1] =	wrdreg $0xFFFFFFFF  }
0xa7: {  	s28 =	simm.s32 $_size_execute0_lowered;
	s3 =	sadd.s32 s3, s5;
	[dreg:$0x0] =	wrdreg $0x0  }
0xa8: {  	s5 =	sshll.u32 s28, $0x1;
	[dreg:$0x2] =	wrdreg s3  }
0xa9: {  	[dreg:$0x3] =	wrdreg s5  }
0xaa: {  	[dreg:$0x4] =	wrdreg $0xC0  }
0xab: {  	_ =	task [dreg:s7], $0x5FFFF  }
0xac: {  	[dreg:$0x1] =	wrdreg $0xFFFFFFFF  }
0xad: {  	[dreg:$0x0] =	wrdreg $0x60  }
0xae: {  	[dreg:$0x2] =	wrdreg s2  }
0xaf: {  	[dreg:$0x3] =	wrdreg s24  }
0xb0: {  	[dreg:$0x4] =	wrdreg $0xDA800  }
0xb1: {  	[dreg:$0x5] =	wrdreg $0x9  }
0xb2: {  	_ =	task.clear_ibuf [dreg:s7], $0x6FFFF;
	_ =	strace $0x90000049  }
0xb3: {  	s29 =	simm.s32 $0x9;
	_ =	strace $0x8000004B  }
0xb4: {  	_ =	swait.ge [sflag:s29], $0x1  }
0xb5: {  	[sflag:s29] =	ssyncadd.s32 $0xFFFFFFFF  }
0xb6: {  	_ =	strace $0x9000004B  }
0xb7: {  	_ =	sfence  }
0xb8: {  	s30 =	sld [smem:$0x0];
	_ =	sdelay $0x2  }
0xb9: {  	s31 =	sshll.u32 s1, $0xD;
	s1 =	sshrl.u32 s1, $0x2  }
0xba: {  	s3 =	sand.u32 $0x4000, s31;
	s1 =	sadd.s32 s1, s30  }
0xbb: {  	s0 =	sor.u32 s3, s0;
	s1 =	sshll.u32 s1, $0x11  }
0xbc: {  	s0 =	sor.u32 s1, s0  }
0xbd: {  	s0 =	sadd.s32 $0x8F2B, s0  }
0xbe: {  	[sflag:s0] =	ssyncadd.remote.s32 $0x1  }
0xbf: {  	_ =	sfence.sel $0xFFFF  }
0xc0: {  	[dreg:$0x0] =	wrdreg $0xFFFFFFFF;
	(pc) =	sbr.abs _section_cstart, $3  }
0xc1: {  	[dreg:$0x1] =	wrdreg $0xFFFFFFFF  }
0xc2: {  	_ =	task.clear_ibuf [dreg:s7], $0x2FFFF;
	_ =	strace $0x9FFFFFFF  }
0xc3: {  	(tm) =	ssettm $0x7FFFFFFF  }
tec
execute0_lowered:
.L_overlay_start_1:
0x0: {  	(tag) =	ssettag $0x1  }
0x1: {  	s1 =	rddreg [dreg:$0x0]  }
0x2: {  	s0 =	rddreg [dreg:$0x1]  }
0x3: {  	s2 =	rddreg [dreg:$0x2];
	s3 =	simm.s32 $0x0  }
0x4: {  	s4 =	srdreg.scid;
	s14 =	stileid.u32;
	s29 =	simm.s32 $0x5  }
0x5: {  	s30 =	simm.s32 $0x2800;
	s31 =	simm.s32 $0xCA80;
	[smem:$0x7FF] =	sst s3  }
0x6: {  	s4 =	sand.u32 $0x1, s4;
	s6 =	sadd.s32 $0x17000, s0;
	s25 =	sadd.s32 $0x17600, s0  }
0x7: {  	s26 =	sadd.s32 $0xD200, s0;
	s9 =	sadd.s32 $0x3400, s0;
	s10 =	smul.u32 $0x500, s14  }
0x8: {  	s11 =	sadd.s32 $0x18800, s0;
	_ =	strace $0x8000004A;
	[dreg:$0x4] =	wrdreg s6  }
0x9: {  	s15 =	sadd.s32 $0x18000, s0;
	s23 =	smul.u32 $0xA000, s14;
	[dreg:$0x5] =	wrdreg s25  }
0xa: {  	s5 =	sshll.u32 s4, $0x4;
	s8 =	smul.u32 $0x5000, s4;
	[dreg:$0x6] =	wrdreg s11  }
0xb: {  	[dreg:$0x7] =	wrdreg s15;
	s4 =	ssub.s32 $0x2, s4;
	s25 =	sadd.s32 $0x16D00, s0  }
0xc: {  	s5 =	sor.u32 s14, s5;
	s13 =	sshrl.u32 s4, $0x1;
	[dreg:$0x10] =	wrdreg s25  }
0xd: {  	s7 =	sshll.u32 s5, $0x5;
	s16 =	smul.u32 $0x500, s5;
	s8 =	sadd.s32 s10, s8  }
0xe: {  	s17 =	smul.u32 $0x2800, s5;
	s4 =	ssub.s32 s4, s13;
	p0 =	seq.s32 s5, $0x1F  }
0xf: {  	s5 =	simm.s32 $0xD280;
	s7 =	sadd.s32 s7, s0;
	s8 =	sadd.s32 s8, s0  }
0x10: {  	s12 =	sadd.s32 s16, s0;
	s18 =	sadd.s32 s26, s16;
	s10 =	sshrl.u32 s17, $0x3  }
0x11: {  	s11 =	sadd.s32 s9, s16;
	s17 =	sadd.s32 $0x3000, s7;
	[dreg:$0x8] =	wrdreg s18  }
0x12: {  	s7 =	simm.s32 $0x2;
	[dreg:$0x9] =	wrdreg s11;
	s19 =	sadd.s32 $0x140, s10  }
0x13: {  	s20 =	sadd.s32 $0x280, s10;
	s10 =	sadd.s32 $0x3C0, s10;
	s15 =	sadd.s32 s26, s19  }
0x14: {  	s11 =	sadd.s32 s9, s19;
	s21 =	sadd.s32 s26, s20;
	[dreg:$0xa] =	wrdreg s15  }
0x15: {  	s22 =	sadd.s32 s9, s20;
	s6 =	sadd.s32 s26, s10;
	[dreg:$0xb] =	wrdreg s11  }
0x16: {  	s24 =	sadd.s32 s9, s10;
	s19 =	sadd.s32 $0xCF00, s0;
	[dreg:$0xc] =	wrdreg s21  }
0x17: {  	s26 =	sshrl.u32 s23, $0x2;
	s23 =	smax.u32 s4, $0x1;
	[dreg:$0xd] =	wrdreg s22  }
0x18: {  	s0 =	simm.s32 $0x80;
	s4 =	simm.s32 $0x5000;
	[dreg:$0xe] =	wrdreg s6  }
0x19: {  	s9 =	simm.s32 $0x4;
	s10 =	simm.s32 $0x0;
	[dreg:$0xf] =	wrdreg s24  }
0x1a: {  	s20 =	sadd.s32 s26, s2;
	s21 =	sadd.s32 $0x22C00, s12;
	s22 =	sadd.s32 $0x18C00, s8  }
0x1b: {  	s6 =	simm.s32 $0x1;
	s8 =	simm.s32 $0x3;
	s24 =	sadd.s32 $0x800, s20  }
0x1c: {  	v0 =	vimm.f32 $0.0e+00;
	s25 =	sadd.s32 $0x1000, s20;
	s26 =	sadd.s32 $0x1800, s20;
	s28 =	sadd.s32 $0x2000, s20  }
.LBB2_1:
0x1d: {  	s11 =	rddreg [dreg:$0x4]  }
0x1e: {  	[tilespmem:s3], [sflag:$0x5] =	stream.linear.gather [hbm4b:s11+s3], $0x2800, $0x38;
	[tilespmem:$0x10280] =	vst v63  }
0x1f: {  	_ =	swait.ge [sflag:s29], $0x2800  }
0x20: {  	[sflag:s29] =	ssyncset.done $0x0  }
0x21: {  	s18 =	rddreg [dreg:$0x5];
	[sflag:s29] =	ssyncadd.s32 $0xFFFFD800  }
0x22: {  	[tilespmem:s30], [sflag:$0x5] =	stream.linear.gather [hbm4b:s18+s3], $0x2800, $0x38;
	[tilespmem:$0x10280] =	vst v63  }
0x23: {  	_ =	swait.ge [sflag:s29], $0x2800  }
0x24: {  	s12 =	simm.s32 @p0 $0x7800;
	[sflag:s29] =	ssyncset.done $0x0  }
0x25: {  	s11 =	simm.s32 @p0 $0x0;
	s13 =	rddreg [dreg:$0x10];
	[sflag:s29] =	ssyncadd.s32 $0xFFFFD800  }
0x26: {  	[tilespmem:s12], [sflag:$0x5] =	stream.linear.gather @p0 [hbm4b:s13+s11], $0xA00, $0x38;
	[tilespmem:$0x10280] =	vst v63  }
0x27: {  	s12 =	simm.s32 @p0 $0x5  }
0x28: {  	_ =	swait.ge @p0 [sflag:s12], $0xA00  }
0x29: {  	[sflag:s12] =	ssyncset.done @p0 $0x0  }
0x2a: {  	s13 =	simm.s32 @p0 $0xA100;
	[sflag:s12] =	ssyncadd.s32 @p0 $0xFFFFF600  }
0x2b: {  	[tilespmem:s13], [sflag:$0x5] =	stream.linear.gather @p0 [hbm4b:s19+s11], $0xA00, $0x38;
	[tilespmem:$0x10280] =	vst v63  }
0x2c: {  	_ =	swait.ge @p0 [sflag:s12], $0xA00  }
0x2d: {  	[sflag:s12] =	ssyncset.done @p0 $0x0  }
0x2e: {  	s13 =	simm.s32 @p0 $0x8200;
	s14 =	rddreg [dreg:$0x6];
	[sflag:s12] =	ssyncadd.s32 @p0 $0xFFFFF600  }
0x2f: {  	[tilespmem:s13], [sflag:$0x5] =	stream.linear.gather @p0 [hbm4b:s14+s11], $0x1F00, $0x38;
	[tilespmem:$0x10280] =	vst v63  }
0x30: {  	_ =	swait.ge @p0 [sflag:s12], $0x1F00  }
0x31: {  	[sflag:s12] =	ssyncset.done @p0 $0x0  }
0x32: {  	s13 =	simm.s32 @p0 $0xAB00;
	s14 =	rddreg [dreg:$0x7];
	[sflag:s12] =	ssyncadd.s32 @p0 $0xFFFFE100  }
0x33: {  	[tilespmem:s13], [sflag:$0x5] =	stream.linear.gather @p0 [hbm4b:s14+s11], $0x1F00, $0x38;
	[tilespmem:$0x10280] =	vst v63  }
0x34: {  	_ =	swait.ge @p0 [sflag:s12], $0x1F00  }
0x35: {  	s11 =	simm.s32 @!p0 $0x0;
	[sflag:s12] =	ssyncset.done @p0 $0x0  }
0x36: {  	s13 =	rddreg [dreg:$0x8];
	[sflag:s12] =	ssyncadd.s32 @p0 $0xFFFFE100;
	s12 =	simm.s32 @!p0 $0x7800  }
0x37: {  	[tilespmem:s12], [sflag:$0x5] =	stream.linear.gather @!p0 [hbm4b:s13+s11], $0xA00, $0x38;
	[tilespmem:$0x10280] =	vst v63  }
0x38: {  	s12 =	simm.s32 @!p0 $0x5  }
0x39: {  	_ =	swait.ge @!p0 [sflag:s12], $0xA00  }
0x3a: {  	[sflag:s12] =	ssyncset.done @!p0 $0x0  }
0x3b: {  	s13 =	simm.s32 @!p0 $0xA100;
	s14 =	rddreg [dreg:$0x9];
	[sflag:s12] =	ssyncadd.s32 @!p0 $0xFFFFF600  }
0x3c: {  	[tilespmem:s13], [sflag:$0x5] =	stream.linear.gather @!p0 [hbm4b:s14+s11], $0xA00, $0x38;
	[tilespmem:$0x10280] =	vst v63  }
0x3d: {  	_ =	swait.ge @!p0 [sflag:s12], $0xA00  }
0x3e: {  	[sflag:s12] =	ssyncset.done @!p0 $0x0  }
0x3f: {  	s13 =	simm.s32 @!p0 $0x8200;
	s14 =	rddreg [dreg:$0xa];
	[sflag:s12] =	ssyncadd.s32 @!p0 $0xFFFFF600  }
0x40: {  	[tilespmem:s13], [sflag:$0x5] =	stream.linear.gather @!p0 [hbm4b:s14+s11], $0xA00, $0x38;
	[tilespmem:$0x10280] =	vst v63  }
0x41: {  	_ =	swait.ge @!p0 [sflag:s12], $0xA00  }
0x42: {  	[sflag:s12] =	ssyncset.done @!p0 $0x0  }
0x43: {  	s13 =	simm.s32 @!p0 $0xAB00;
	s14 =	rddreg [dreg:$0xb];
	[sflag:s12] =	ssyncadd.s32 @!p0 $0xFFFFF600  }
0x44: {  	[tilespmem:s13], [sflag:$0x5] =	stream.linear.gather @!p0 [hbm4b:s14+s11], $0xA00, $0x38;
	[tilespmem:$0x10280] =	vst v63  }
0x45: {  	_ =	swait.ge @!p0 [sflag:s12], $0xA00  }
0x46: {  	[sflag:s12] =	ssyncset.done @!p0 $0x0  }
0x47: {  	s13 =	simm.s32 @!p0 $0x8C00;
	s14 =	rddreg [dreg:$0xc];
	[sflag:s12] =	ssyncadd.s32 @!p0 $0xFFFFF600  }
0x48: {  	[tilespmem:s13], [sflag:$0x5] =	stream.linear.gather @!p0 [hbm4b:s14+s11], $0xA00, $0x38;
	[tilespmem:$0x10280] =	vst v63  }
0x49: {  	_ =	swait.ge @!p0 [sflag:s12], $0xA00  }
0x4a: {  	[sflag:s12] =	ssyncset.done @!p0 $0x0  }
0x4b: {  	s13 =	simm.s32 @!p0 $0xB500;
	s14 =	rddreg [dreg:$0xd];
	[sflag:s12] =	ssyncadd.s32 @!p0 $0xFFFFF600  }
0x4c: {  	[tilespmem:s13], [sflag:$0x5] =	stream.linear.gather @!p0 [hbm4b:s14+s11], $0xA00, $0x38;
	[tilespmem:$0x10280] =	vst v63  }
0x4d: {  	_ =	swait.ge @!p0 [sflag:s12], $0xA00  }
0x4e: {  	[sflag:s12] =	ssyncset.done @!p0 $0x0  }
0x4f: {  	s13 =	simm.s32 @!p0 $0x9600;
	s14 =	rddreg [dreg:$0xe];
	[sflag:s12] =	ssyncadd.s32 @!p0 $0xFFFFF600  }
0x50: {  	[tilespmem:s13], [sflag:$0x5] =	stream.linear.gather @!p0 [hbm4b:s14+s11], $0xA00, $0x38;
	[tilespmem:$0x10280] =	vst v63  }
0x51: {  	_ =	swait.ge @!p0 [sflag:s12], $0xA00  }
0x52: {  	[sflag:s12] =	ssyncset.done @!p0 $0x0  }
0x53: {  	s13 =	simm.s32 @!p0 $0xBF00;
	s14 =	rddreg [dreg:$0xf];
	[sflag:s12] =	ssyncadd.s32 @!p0 $0xFFFFF600  }
0x54: {  	[tilespmem:s13], [sflag:$0x5] =	stream.linear.gather @!p0 [hbm4b:s14+s11], $0xA00, $0x38;
	[tilespmem:$0x10280] =	vst v63  }
0x55: {  	_ =	swait.ge @!p0 [sflag:s12], $0xA00  }
0x56: {  	[sflag:s12] =	ssyncset.done @!p0 $0x0  }
0x57: {  	s13 =	simm.s32 @!p0 $0xA000;
	[sflag:s12] =	ssyncadd.s32 @!p0 $0xFFFFF600  }
0x58: {  	[tilespmem:s13], [sflag:$0x5] =	stream.linear.gather @!p0 [hbm4b:s17+s11], $0x100, $0x38;
	[tilespmem:$0x10280] =	vst v63  }
0x59: {  	_ =	swait.ge @!p0 [sflag:s12], $0x100  }
0x5a: {  	[sflag:s12] =	ssyncset.done @!p0 $0x0  }
0x5b: {  	s13 =	simm.s32 @!p0 $0xC900;
	[sflag:s12] =	ssyncadd.s32 @!p0 $0xFFFFFF00  }
0x5c: {  	[tilespmem:s13], [sflag:$0x5] =	stream.linear.gather @!p0 [hbm4b:s17+s11], $0x100, $0x38;
	[tilespmem:$0x10280] =	vst v63  }
0x5d: {  	_ =	swait.ge @!p0 [sflag:s12], $0x100  }
0x5e: {  	[sflag:s12] =	ssyncset.done @!p0 $0x0  }
0x5f: {  	s11 =	simm.s32 $0x0;
	[sflag:s12] =	ssyncadd.s32 @!p0 $0xFFFFFF00  }
.LBB2_2:
0x60: {  	p1 =	sne.s32 s11, $0x9FC0  }
.Ltmp0:
0x61: {  	_ = 	snop;
	(pc) =	sbr.rel @p1 .LBB2_2-.Ltmp0, $3  }
0x62: {  	_ =	sdelay $0x1  }
0x63: {  	s12 =	sshra.s32 s11, $0x2  }
0x64: {  	s11 =	sadd.s32 $0x40, s11;
	[tilespmem:s12+$0x5000] =	vst v0  }
0x65: {  	s11 =	simm.s32 $0x40;
	s12 =	simm.s32 $0x0  }
.LBB2_4:
0x66: {  	p1 =	sne.s32 s11, $0x1FC0;
	[tilespmem:s12+$0xCA80] =	vst v0;
	s12 =	smov.u32 s11;
	s11 =	sadd.s32 $0x40, s11  }
.Ltmp1:
0x67: {  	(pc) =	sbr.rel @p1 .LBB2_4-.Ltmp1, $2  }
0x68: {  	_ =	sdelay $0x2  }
0x69: {  	s12 =	sshra.s32 s12, $0x2  }
0x6a: {  	[tilespmem:s12+$0xCA80] =	vst v0  }
0x6b: {  	[spmem:s20] =	stream.linear.scatter [tilespmem:s31], [sflag:$0x5], $0x800, $0x38;
	[tilespmem:$0x10280] =	vst v63  }
0x6c: {  	_ =	swait.ge [sflag:s29], $0x800  }
0x6d: {  	[sflag:s29] =	ssyncset.done $0x0  }
0x6e: {  	[sflag:s29] =	ssyncadd.s32 $0xFFFFF800  }
0x6f: {  	[spmem:s24] =	stream.linear.scatter [tilespmem:s31], [sflag:$0x5], $0x800, $0x38;
	[tilespmem:$0x10280] =	vst v63  }
0x70: {  	_ =	swait.ge [sflag:s29], $0x800  }
0x71: {  	[sflag:s29] =	ssyncset.done $0x0  }
0x72: {  	[sflag:s29] =	ssyncadd.s32 $0xFFFFF800  }
0x73: {  	[spmem:s25] =	stream.linear.scatter [tilespmem:s31], [sflag:$0x5], $0x800, $0x38;
	[tilespmem:$0x10280] =	vst v63  }
0x74: {  	_ =	swait.ge [sflag:s29], $0x800  }
0x75: {  	[sflag:s29] =	ssyncset.done $0x0  }
0x76: {  	[sflag:s29] =	ssyncadd.s32 $0xFFFFF800  }
0x77: {  	[spmem:s26] =	stream.linear.scatter [tilespmem:s31], [sflag:$0x5], $0x800, $0x38;
	[tilespmem:$0x10280] =	vst v63  }
0x78: {  	_ =	swait.ge [sflag:s29], $0x800  }
0x79: {  	[sflag:s29] =	ssyncset.done $0x0  }
0x7a: {  	[sflag:s29] =	ssyncadd.s32 $0xFFFFF800  }
0x7b: {  	[spmem:s28] =	stream.linear.scatter [tilespmem:s31], [sflag:$0x5], $0x800, $0x38;
	[tilespmem:$0x10280] =	vst v63  }
0x7c: {  	_ =	swait.ge [sflag:s29], $0x800  }
0x7d: {  	[sflag:s29] =	ssyncset.done $0x0  }
0x7e: {  	[sflag:s29] =	ssyncadd.s32 $0xFFFFF800  }
0x7f: {  	s11 =	simm.s32 $0x7800;
	[bflag:$0x0] =	sbarrier.arrive $0xFFFF  }
0x80: {  	[tilespmem:s31], [sflag:$0x1] =	stream.indirect.gather [hbm4b:s1+s0], $0x10, s11, s0, $0xb8;
	[tilespmem:$0x10280] =	vst v63  }
0x81: {  	s11 =	simm.s32 $0x0  }
.LBB2_6:
0x82: {  	s12 =	sshll.u32 s11, $0x8  }
0x83: {  	v1 =	vld [tilespmem:s12+$0x7800]  }
0x84: {  	v2 =	vld [tilespmem:s12+$0xA100];
	_ =	sdelay $0x6  }
0x85: {  	v1 =	vld.idx.msk [tilespmem:v1+s3+$0x0], $0xffff  }
0x86: {  	v3 =	vld.idx.msk [tilespmem:v2+s30+$0x0], $0xffff;
	_ =	sdelay $0x4  }
0x87: {  	v1 =	vadd.f32 v3, v1;
	_ =	sdelay $0x1  }
0x88: {  	v3 =	vmul.f32 $2.000000030e-01, v1;
	_ =	sdelay $0x1  }
0x89: {  	v1 =	vmax.f32 v1, v3  }
0x8a: {  	v1 =	vmul.f32 $1.442695020e+00, v1;
	_ =	sdelay $0x1  }
0x8b: {  	(erf) = vpow2.f32 v1;
	_ =	sdelay $0x8  }
0x8c: {  	vm0 =	vlt.s32 v2, $0x2710;
	v1 =	vpop (erf)  }
0x8d: {  	v1 =	vnsel vm0, $0x0, v1  }
0x8e: {  	[tilespmem:v2+s4+$0x0] =	vst.idx.add.f32.msk $0xffff, v1  }
0x8f: {  	[tilespmem:$0xCA00] =	vst v1  }
0x90: {  	v1 =	vld [tilespmem:s12+$0x7810]  }
0x91: {  	v2 =	vld [tilespmem:s12+$0xA110];
	_ =	sdelay $0x6  }
0x92: {  	v1 =	vld.idx.msk [tilespmem:v1+s3+$0x0], $0xffff  }
0x93: {  	v3 =	vld.idx.msk [tilespmem:v2+s30+$0x0], $0xffff;
	_ =	sdelay $0x4  }
0x94: {  	v1 =	vadd.f32 v3, v1;
	_ =	sdelay $0x1  }
0x95: {  	v3 =	vmul.f32 $2.000000030e-01, v1;
	_ =	sdelay $0x1  }
0x96: {  	v1 =	vmax.f32 v1, v3  }
0x97: {  	v1 =	vmul.f32 $1.442695020e+00, v1;
	_ =	sdelay $0x1  }
0x98: {  	(erf) = vpow2.f32 v1;
	_ =	sdelay $0x8  }
0x99: {  	vm9 =	vlt.s32 v2, $0x2710;
	v1 =	vpop (erf)  }
0x9a: {  	v1 =	vnsel vm9, $0x0, v1  }
0x9b: {  	[tilespmem:v2+s4+$0x0] =	vst.idx.add.f32.msk $0xffff, v1  }
0x9c: {  	[tilespmem:$0xCA10] =	vst v1  }
0x9d: {  	v1 =	vld [tilespmem:s12+$0x7820]  }
0x9e: {  	v2 =	vld [tilespmem:s12+$0xA120];
	_ =	sdelay $0x6  }
0x9f: {  	v1 =	vld.idx.msk [tilespmem:v1+s3+$0x0], $0xffff  }
0xa0: {  	v3 =	vld.idx.msk [tilespmem:v2+s30+$0x0], $0xffff;
	_ =	sdelay $0x4  }
0xa1: {  	v1 =	vadd.f32 v3, v1;
	_ =	sdelay $0x1  }
0xa2: {  	v3 =	vmul.f32 $2.000000030e-01, v1;
	_ =	sdelay $0x1  }
0xa3: {  	v1 =	vmax.f32 v1, v3  }
0xa4: {  	v1 =	vmul.f32 $1.442695020e+00, v1;
	_ =	sdelay $0x1  }
0xa5: {  	(erf) = vpow2.f32 v1;
	_ =	sdelay $0x8  }
0xa6: {  	vm10 =	vlt.s32 v2, $0x2710;
	v1 =	vpop (erf)  }
0xa7: {  	v1 =	vnsel vm10, $0x0, v1  }
0xa8: {  	[tilespmem:v2+s4+$0x0] =	vst.idx.add.f32.msk $0xffff, v1  }
0xa9: {  	[tilespmem:$0xCA20] =	vst v1  }
0xaa: {  	v1 =	vld [tilespmem:s12+$0x7830]  }
0xab: {  	v2 =	vld [tilespmem:s12+$0xA130];
	_ =	sdelay $0x6  }
0xac: {  	v1 =	vld.idx.msk [tilespmem:v1+s3+$0x0], $0xffff  }
0xad: {  	v3 =	vld.idx.msk [tilespmem:v2+s30+$0x0], $0xffff;
	_ =	sdelay $0x4  }
0xae: {  	v1 =	vadd.f32 v3, v1;
	_ =	sdelay $0x1  }
0xaf: {  	v3 =	vmul.f32 $2.000000030e-01, v1;
	_ =	sdelay $0x1  }
0xb0: {  	v1 =	vmax.f32 v1, v3  }
0xb1: {  	v1 =	vmul.f32 $1.442695020e+00, v1;
	_ =	sdelay $0x1  }
0xb2: {  	(erf) = vpow2.f32 v1;
	_ =	sdelay $0x8  }
0xb3: {  	vm11 =	vlt.s32 v2, $0x2710;
	v1 =	vpop (erf)  }
0xb4: {  	v1 =	vnsel vm11, $0x0, v1  }
0xb5: {  	[tilespmem:v2+s4+$0x0] =	vst.idx.add.f32.msk $0xffff, v1  }
0xb6: {  	[tilespmem:$0xCA30] =	vst v1  }
0xb7: {  	v1 =	vld [tilespmem:s12+$0x7840]  }
0xb8: {  	v2 =	vld [tilespmem:s12+$0xA140];
	_ =	sdelay $0x6  }
0xb9: {  	v1 =	vld.idx.msk [tilespmem:v1+s3+$0x0], $0xffff  }
0xba: {  	v3 =	vld.idx.msk [tilespmem:v2+s30+$0x0], $0xffff;
	_ =	sdelay $0x4  }
0xbb: {  	v1 =	vadd.f32 v3, v1;
	_ =	sdelay $0x1  }
0xbc: {  	v3 =	vmul.f32 $2.000000030e-01, v1;
	_ =	sdelay $0x1  }
0xbd: {  	v1 =	vmax.f32 v1, v3  }
0xbe: {  	v1 =	vmul.f32 $1.442695020e+00, v1;
	_ =	sdelay $0x1  }
0xbf: {  	(erf) = vpow2.f32 v1;
	_ =	sdelay $0x8  }
0xc0: {  	vm12 =	vlt.s32 v2, $0x2710;
	v1 =	vpop (erf)  }
0xc1: {  	v1 =	vnsel vm12, $0x0, v1  }
0xc2: {  	[tilespmem:v2+s4+$0x0] =	vst.idx.add.f32.msk $0xffff, v1  }
0xc3: {  	[tilespmem:$0xCA40] =	vst v1  }
0xc4: {  	v1 =	vld [tilespmem:s12+$0x7850]  }
0xc5: {  	v2 =	vld [tilespmem:s12+$0xA150];
	_ =	sdelay $0x6  }
0xc6: {  	v1 =	vld.idx.msk [tilespmem:v1+s3+$0x0], $0xffff  }
0xc7: {  	v3 =	vld.idx.msk [tilespmem:v2+s30+$0x0], $0xffff;
	_ =	sdelay $0x4  }
0xc8: {  	v1 =	vadd.f32 v3, v1;
	_ =	sdelay $0x1  }
0xc9: {  	v3 =	vmul.f32 $2.000000030e-01, v1;
	_ =	sdelay $0x1  }
0xca: {  	v1 =	vmax.f32 v1, v3  }
0xcb: {  	v1 =	vmul.f32 $1.442695020e+00, v1;
	_ =	sdelay $0x1  }
0xcc: {  	(erf) = vpow2.f32 v1;
	_ =	sdelay $0x8  }
0xcd: {  	vm13 =	vlt.s32 v2, $0x2710;
	v1 =	vpop (erf)  }
0xce: {  	v1 =	vnsel vm13, $0x0, v1  }
0xcf: {  	[tilespmem:v2+s4+$0x0] =	vst.idx.add.f32.msk $0xffff, v1  }
0xd0: {  	[tilespmem:$0xCA50] =	vst v1  }
0xd1: {  	v1 =	vld [tilespmem:s12+$0x7860]  }
0xd2: {  	v2 =	vld [tilespmem:s12+$0xA160];
	_ =	sdelay $0x6  }
0xd3: {  	v1 =	vld.idx.msk [tilespmem:v1+s3+$0x0], $0xffff  }
0xd4: {  	v3 =	vld.idx.msk [tilespmem:v2+s30+$0x0], $0xffff;
	_ =	sdelay $0x4  }
0xd5: {  	v1 =	vadd.f32 v3, v1;
	_ =	sdelay $0x1  }
0xd6: {  	v3 =	vmul.f32 $2.000000030e-01, v1;
	_ =	sdelay $0x1  }
0xd7: {  	v1 =	vmax.f32 v1, v3  }
0xd8: {  	v1 =	vmul.f32 $1.442695020e+00, v1;
	_ =	sdelay $0x1  }
0xd9: {  	(erf) = vpow2.f32 v1;
	_ =	sdelay $0x8  }
0xda: {  	vm14 =	vlt.s32 v2, $0x2710;
	v1 =	vpop (erf)  }
0xdb: {  	v1 =	vnsel vm14, $0x0, v1  }
0xdc: {  	[tilespmem:v2+s4+$0x0] =	vst.idx.add.f32.msk $0xffff, v1  }
0xdd: {  	[tilespmem:$0xCA60] =	vst v1  }
0xde: {  	v1 =	vld [tilespmem:s12+$0x7870]  }
0xdf: {  	v2 =	vld [tilespmem:s12+$0xA170];
	_ =	sdelay $0x6  }
0xe0: {  	v1 =	vld.idx.msk [tilespmem:v1+s3+$0x0], $0xffff  }
0xe1: {  	v3 =	vld.idx.msk [tilespmem:v2+s30+$0x0], $0xffff;
	_ =	sdelay $0x4  }
0xe2: {  	v1 =	vadd.f32 v3, v1;
	_ =	sdelay $0x1  }
0xe3: {  	v3 =	vmul.f32 $2.000000030e-01, v1;
	_ =	sdelay $0x1  }
0xe4: {  	v1 =	vmax.f32 v1, v3  }
0xe5: {  	v1 =	vmul.f32 $1.442695020e+00, v1;
	_ =	sdelay $0x1  }
0xe6: {  	(erf) = vpow2.f32 v1;
	_ =	sdelay $0x8  }
0xe7: {  	vm15 =	vlt.s32 v2, $0x2710;
	v1 =	vpop (erf)  }
0xe8: {  	v1 =	vnsel vm15, $0x0, v1  }
0xe9: {  	p1 =	seq.s32 s11, $0x0;
	[tilespmem:v2+s4+$0x0] =	vst.idx.add.f32.msk $0xffff, v1  }
0xea: {  	s13 =	simm.s32 @!p1 $0x4;
	[tilespmem:$0xCA70] =	vst v1  }
0xeb: {  	_ =	swait.ge @!p1 [sflag:s13], $0x800  }
0xec: {  	[sflag:s13] =	ssyncset.done @!p1 $0x0  }
0xed: {  	s18 =	sadd.s32 $0x7880, s12;
	[sflag:s13] =	ssyncadd.s32 @!p1 $0xFFFFF800  }
0xee: {  	[tilespmem:s5], [sflag:$0x2] =	stream.indirect.gather [hbm4b:s1+s0], $0x10, s18, s0, $0xb8;
	[tilespmem:$0x10280] =	vst v63  }
0xef: {  	_ =	swait.ge [sflag:s6], $0x800  }
0xf0: {  	[sflag:s6] =	ssyncset.done $0x0  }
0xf1: {  	s14 =	simm.s32 $0xCB00;
	s16 =	simm.s32 $0x40;
	[sflag:s6] =	ssyncadd.s32 $0xFFFFF800  }
0xf2: {  	s15 =	simm.s32 $0xCB00;
	s13 =	sor.u32 $0x80, s12;
	s18 =	simm.s32 $0x0;
	v1 =	vld [tilespmem:s14+$0xFFFFFFB0]  }
.LBB2_7:
0xf3: {  	p1 =	sne.s32 s16, $0x1C0;
	v2 =	vld [tilespmem:s18+$0xCA00]  }
0xf4: {  	v3 =	vld [tilespmem:s14+$0xFFFFFF90]  }
0xf5: {  	v4 =	vld [tilespmem:s14+$0xFFFFFF80]  }
0xf6: {  	v5 =	vld [tilespmem:s14+$0xFFFFFFA0]  }
0xf7: {  	v6 =	vld [tilespmem:s14+$0xFFFFFFF0]  }
0xf8: {  	v7 =	vbroadcast v2, $0x0;
	v8 =	vbroadcast v2, $0x1;
	v9 =	vld [tilespmem:s14+$0xFFFFFFD0]  }
0xf9: {  	v10 =	vbroadcast v2, $0x2;
	v11 =	vbroadcast v2, $0x3;
	v12 =	vld [tilespmem:s14+$0xFFFFFFC0]  }
0xfa: {  	v4 =	vmul.f32 v7, v4;
	v3 =	vmul.f32 v3, v8;
	v7 =	vld [tilespmem:s14+$0xFFFFFFE0]  }
0xfb: {  	v1 =	vmul.f32 v1, v11;
	v5 =	vmul.f32 v5, v10;
	v8 =	vld [tilespmem:s14+$0x30]  }
0xfc: {  	v10 =	vbroadcast v2, $0x5;
	[tilespmem:s14+$0xFFFFFF80] =	vst v4;
	v4 =	vbroadcast v2, $0x4;
	v11 =	vld [tilespmem:s14+$0x10]  }
0xfd: {  	v13 =	vbroadcast v2, $0x7;
	[tilespmem:s14+$0xFFFFFF90] =	vst v3;
	v3 =	vbroadcast v2, $0x6;
	v14 =	vld [tilespmem:s14+$0x0]  }
0xfe: {  	[tilespmem:s14+$0xFFFFFFA0] =	vst v5;
	v4 =	vmul.f32 v12, v4;
	v5 =	vmul.f32 v9, v10;
	v9 =	vld [tilespmem:s14+$0x20]  }
0xff: {  	[tilespmem:s14+$0xFFFFFFB0] =	vst v1;
	v1 =	vmul.f32 v7, v3;
	v3 =	vmul.f32 v6, v13;
	v6 =	vld [tilespmem:s14+$0x70]  }
0x100: {  	v7 =	vbroadcast v2, $0x9;
	[tilespmem:s14+$0xFFFFFFC0] =	vst v4;
	v4 =	vbroadcast v2, $0x8;
	v10 =	vld [tilespmem:s14+$0x50]  }
0x101: {  	v12 =	vbroadcast v2, $0xB;
	[tilespmem:s14+$0xFFFFFFD0] =	vst v5;
	v5 =	vbroadcast v2, $0xA;
	v13 =	vld [tilespmem:s14+$0x40]  }
0x102: {  	[tilespmem:s14+$0xFFFFFFE0] =	vst v1;
	v1 =	vmul.f32 v14, v4;
	v4 =	vmul.f32 v11, v7;
	v7 =	vld [tilespmem:s14+$0x60]  }
0x103: {  	[tilespmem:s14+$0xFFFFFFF0] =	vst v3;
	v3 =	vmul.f32 v9, v5;
	v5 =	vmul.f32 v8, v12  }
0x104: {  	v8 =	vbroadcast v2, $0xD;
	[tilespmem:s14+$0x0] =	vst v1;
	v1 =	vbroadcast v2, $0xC  }
0x105: {  	[tilespmem:s14+$0x10] =	vst v4;
	v4 =	vbroadcast v2, $0xE;
	v2 =	vbroadcast v2, $0xF  }
0x106: {  	[tilespmem:s14+$0x20] =	vst v3;
	v1 =	vmul.f32 v13, v1;
	v3 =	vmul.f32 v10, v8  }
.Ltmp2:
0x107: {  	[tilespmem:s14+$0x30] =	vst v5;
	v4 =	vmul.f32 v7, v4;
	v2 =	vmul.f32 v6, v2;
	(pc) =	sbr.rel @p1 .LBB2_7-.Ltmp2, $4  }
0x108: {  	[tilespmem:s14+$0x40] =	vst v1  }
0x109: {  	[tilespmem:s14+$0x50] =	vst v3  }
0x10a: {  	s14 =	sadd.s32 $0x100, s14;
	[tilespmem:s15+$0x60] =	vst v4  }
0x10b: {  	s18 =	sshra.s32 s16, $0x2;
	s16 =	sadd.s32 $0x40, s16;
	v1 =	vld [tilespmem:s14+$0xFFFFFFB0];
	[tilespmem:s15+$0x70] =	vst v2;
	s15 =	smov.u32 s14  }
0x10c: {  	v2 =	vld [tilespmem:s18+$0xCA00];
	_ =	sdelay $0x1  }
0x10d: {  	v3 =	vld [tilespmem:s14+$0xFFFFFF80]  }
0x10e: {  	v4 =	vld [tilespmem:s14+$0xFFFFFF90]  }
0x10f: {  	v5 =	vld [tilespmem:s14+$0xFFFFFFA0]  }
0x110: {  	v6 =	vbroadcast v2, $0x0  }
0x111: {  	v9 =	vld [tilespmem:s14+$0xFFFFFFD0];
	v7 =	vbroadcast v2, $0x1  }
0x112: {  	v8 =	vld [tilespmem:s14+$0xFFFFFFC0];
	v10 =	vbroadcast v2, $0x2;
	v3 =	vmul.f32 v6, v3  }
0x113: {  	v48 =	vld [tilespmem:s14+$0xFFFFFFE0];
	v47 =	vbroadcast v2, $0x3;
	v4 =	vmul.f32 v4, v7  }
0x114: {  	v51 =	vld [tilespmem:s14+$0x10];
	v49 =	vbroadcast v2, $0x5;
	v5 =	vmul.f32 v5, v10;
	[tilespmem:s14+$0xFFFFFF80] =	vst v3  }
0x115: {  	v11 =	vld [tilespmem:s14+$0xFFFFFFF0];
	v1 =	vmul.f32 v1, v47;
	v3 =	vbroadcast v2, $0x4;
	[tilespmem:s14+$0xFFFFFF90] =	vst v4  }
0x116: {  	v50 =	vld [tilespmem:s14+$0x0];
	v12 =	vbroadcast v2, $0x6;
	v6 =	vmul.f32 v9, v49;
	[tilespmem:s14+$0xFFFFFFA0] =	vst v5  }
0x117: {  	v56 =	vld [tilespmem:s14+$0x50];
	v54 =	vbroadcast v2, $0x9;
	[tilespmem:s14+$0xFFFFFFB0] =	vst v1;
	v3 =	vmul.f32 v8, v3  }
0x118: {  	v53 =	vld [tilespmem:s14+$0x20];
	v52 =	vbroadcast v2, $0x7;
	v7 =	vmul.f32 v48, v12;
	[tilespmem:s14+$0xFFFFFFD0] =	vst v6  }
0x119: {  	v59 =	vmul.f32 v51, v54;
	v1 =	vld [tilespmem:s14+$0x30];
	[tilespmem:s14+$0xFFFFFFC0] =	vst v3;
	v3 =	vbroadcast v2, $0x8  }
0x11a: {  	v55 =	vld [tilespmem:s14+$0x40];
	v62 =	vbroadcast v2, $0xD;
	v5 =	vmul.f32 v11, v52;
	[tilespmem:s14+$0xFFFFFFE0] =	vst v7  }
0x11b: {  	v60 =	vld [tilespmem:s14+$0x60];
	v57 =	vbroadcast v2, $0xA;
	[tilespmem:s14+$0x10] =	vst v59;
	v3 =	vmul.f32 v50, v3  }
0x11c: {  	v61 =	vld [tilespmem:s14+$0x70];
	v58 =	vbroadcast v2, $0xB;
	v4 =	vmul.f32 v56, v62;
	[tilespmem:s14+$0xFFFFFFF0] =	vst v5  }
0x11d: {  	v8 =	vmul.f32 v53, v57;
	[tilespmem:s14+$0x0] =	vst v3;
	v3 =	vbroadcast v2, $0xC  }
0x11e: {  	v63 =	vbroadcast v2, $0xE;
	[tilespmem:s14+$0x50] =	vst v4;
	v1 =	vmul.f32 v1, v58  }
0x11f: {  	[tilespmem:s14+$0x20] =	vst v8;
	v2 =	vbroadcast v2, $0xF;
	v3 =	vmul.f32 v55, v3  }
0x120: {  	[tilespmem:s14+$0x30] =	vst v1;
	v1 =	vmul.f32 v60, v63  }
0x121: {  	v2 =	vmul.f32 v61, v2;
	[tilespmem:s14+$0x40] =	vst v3;
	s14 =	sshll.u32 s11, $0xA  }
0x122: {  	[tilespmem:s15+$0x60] =	vst v1;
	s16 =	sshrl.u32 s14, $0x2  }
0x123: {  	[tilespmem:s15+$0x70] =	vst v2;
	s18 =	sadd.s32 $0xA100, s16  }
0x124: {  	[spmem:s2] =	stream.indirect.scatter.add.f32 [tilespmem:s31], [sflag:$0x3], $0x10, s18, s0, $0xb8;
	[tilespmem:$0x10280] =	vst v63  }
0x125: {  	v1 =	vld [tilespmem:s13+$0x7800]  }
0x126: {  	v2 =	vld [tilespmem:s13+$0xA100];
	_ =	sdelay $0x6  }
0x127: {  	v1 =	vld.idx.msk [tilespmem:v1+s3+$0x0], $0xffff  }
0x128: {  	v3 =	vld.idx.msk [tilespmem:v2+s30+$0x0], $0xffff;
	_ =	sdelay $0x4  }
0x129: {  	v1 =	vadd.f32 v3, v1;
	_ =	sdelay $0x1  }
0x12a: {  	v3 =	vmul.f32 $2.000000030e-01, v1;
	_ =	sdelay $0x1  }
0x12b: {  	v1 =	vmax.f32 v1, v3  }
0x12c: {  	v1 =	vmul.f32 $1.442695020e+00, v1;
	_ =	sdelay $0x1  }
0x12d: {  	(erf) = vpow2.f32 v1;
	_ =	sdelay $0x8  }
0x12e: {  	vm0 =	vlt.s32 v2, $0x2710;
	v1 =	vpop (erf)  }
0x12f: {  	v1 =	vnsel vm0, $0x0, v1  }
0x130: {  	[tilespmem:v2+s4+$0x0] =	vst.idx.add.f32.msk $0xffff, v1  }
0x131: {  	[tilespmem:$0xCA00] =	vst v1  }
0x132: {  	v1 =	vld [tilespmem:s12+$0x7890]  }
0x133: {  	v2 =	vld [tilespmem:s12+$0xA190];
	_ =	sdelay $0x6  }
0x134: {  	v1 =	vld.idx.msk [tilespmem:v1+s3+$0x0], $0xffff  }
0x135: {  	v3 =	vld.idx.msk [tilespmem:v2+s30+$0x0], $0xffff;
	_ =	sdelay $0x4  }
0x136: {  	v1 =	vadd.f32 v3, v1;
	_ =	sdelay $0x1  }
0x137: {  	v3 =	vmul.f32 $2.000000030e-01, v1;
	_ =	sdelay $0x1  }
0x138: {  	v1 =	vmax.f32 v1, v3  }
0x139: {  	v1 =	vmul.f32 $1.442695020e+00, v1;
	_ =	sdelay $0x1  }
0x13a: {  	(erf) = vpow2.f32 v1;
	_ =	sdelay $0x8  }
0x13b: {  	vm9 =	vlt.s32 v2, $0x2710;
	v1 =	vpop (erf)  }
0x13c: {  	v1 =	vnsel vm9, $0x0, v1  }
0x13d: {  	[tilespmem:v2+s4+$0x0] =	vst.idx.add.f32.msk $0xffff, v1  }
0x13e: {  	[tilespmem:$0xCA10] =	vst v1  }
0x13f: {  	v1 =	vld [tilespmem:s12+$0x78A0]  }
0x140: {  	v2 =	vld [tilespmem:s12+$0xA1A0];
	_ =	sdelay $0x6  }
0x141: {  	v1 =	vld.idx.msk [tilespmem:v1+s3+$0x0], $0xffff  }
0x142: {  	v3 =	vld.idx.msk [tilespmem:v2+s30+$0x0], $0xffff;
	_ =	sdelay $0x4  }
0x143: {  	v1 =	vadd.f32 v3, v1;
	_ =	sdelay $0x1  }
0x144: {  	v3 =	vmul.f32 $2.000000030e-01, v1;
	_ =	sdelay $0x1  }
0x145: {  	v1 =	vmax.f32 v1, v3  }
0x146: {  	v1 =	vmul.f32 $1.442695020e+00, v1;
	_ =	sdelay $0x1  }
0x147: {  	(erf) = vpow2.f32 v1;
	_ =	sdelay $0x8  }
0x148: {  	vm10 =	vlt.s32 v2, $0x2710;
	v1 =	vpop (erf)  }
0x149: {  	v1 =	vnsel vm10, $0x0, v1  }
0x14a: {  	[tilespmem:v2+s4+$0x0] =	vst.idx.add.f32.msk $0xffff, v1  }
0x14b: {  	[tilespmem:$0xCA20] =	vst v1  }
0x14c: {  	v1 =	vld [tilespmem:s12+$0x78B0]  }
0x14d: {  	v2 =	vld [tilespmem:s12+$0xA1B0];
	_ =	sdelay $0x6  }
0x14e: {  	v1 =	vld.idx.msk [tilespmem:v1+s3+$0x0], $0xffff  }
0x14f: {  	v3 =	vld.idx.msk [tilespmem:v2+s30+$0x0], $0xffff;
	_ =	sdelay $0x4  }
0x150: {  	v1 =	vadd.f32 v3, v1;
	_ =	sdelay $0x1  }
0x151: {  	v3 =	vmul.f32 $2.000000030e-01, v1;
	_ =	sdelay $0x1  }
0x152: {  	v1 =	vmax.f32 v1, v3  }
0x153: {  	v1 =	vmul.f32 $1.442695020e+00, v1;
	_ =	sdelay $0x1  }
0x154: {  	(erf) = vpow2.f32 v1;
	_ =	sdelay $0x8  }
0x155: {  	vm11 =	vlt.s32 v2, $0x2710;
	v1 =	vpop (erf)  }
0x156: {  	v1 =	vnsel vm11, $0x0, v1  }
0x157: {  	[tilespmem:v2+s4+$0x0] =	vst.idx.add.f32.msk $0xffff, v1  }
0x158: {  	[tilespmem:$0xCA30] =	vst v1  }
0x159: {  	v1 =	vld [tilespmem:s12+$0x78C0]  }
0x15a: {  	v2 =	vld [tilespmem:s12+$0xA1C0];
	_ =	sdelay $0x6  }
0x15b: {  	v1 =	vld.idx.msk [tilespmem:v1+s3+$0x0], $0xffff  }
0x15c: {  	v3 =	vld.idx.msk [tilespmem:v2+s30+$0x0], $0xffff;
	_ =	sdelay $0x4  }
0x15d: {  	v1 =	vadd.f32 v3, v1;
	_ =	sdelay $0x1  }
0x15e: {  	v3 =	vmul.f32 $2.000000030e-01, v1;
	_ =	sdelay $0x1  }
0x15f: {  	v1 =	vmax.f32 v1, v3  }
0x160: {  	v1 =	vmul.f32 $1.442695020e+00, v1;
	_ =	sdelay $0x1  }
0x161: {  	(erf) = vpow2.f32 v1;
	_ =	sdelay $0x8  }
0x162: {  	vm12 =	vlt.s32 v2, $0x2710;
	v1 =	vpop (erf)  }
0x163: {  	v1 =	vnsel vm12, $0x0, v1  }
0x164: {  	[tilespmem:v2+s4+$0x0] =	vst.idx.add.f32.msk $0xffff, v1  }
0x165: {  	[tilespmem:$0xCA40] =	vst v1  }
0x166: {  	v1 =	vld [tilespmem:s12+$0x78D0]  }
0x167: {  	v2 =	vld [tilespmem:s12+$0xA1D0];
	_ =	sdelay $0x6  }
0x168: {  	v1 =	vld.idx.msk [tilespmem:v1+s3+$0x0], $0xffff  }
0x169: {  	v3 =	vld.idx.msk [tilespmem:v2+s30+$0x0], $0xffff;
	_ =	sdelay $0x4  }
0x16a: {  	v1 =	vadd.f32 v3, v1;
	_ =	sdelay $0x1  }
0x16b: {  	v3 =	vmul.f32 $2.000000030e-01, v1;
	_ =	sdelay $0x1  }
0x16c: {  	v1 =	vmax.f32 v1, v3  }
0x16d: {  	v1 =	vmul.f32 $1.442695020e+00, v1;
	_ =	sdelay $0x1  }
0x16e: {  	(erf) = vpow2.f32 v1;
	_ =	sdelay $0x8  }
0x16f: {  	vm13 =	vlt.s32 v2, $0x2710;
	v1 =	vpop (erf)  }
0x170: {  	v1 =	vnsel vm13, $0x0, v1  }
0x171: {  	[tilespmem:v2+s4+$0x0] =	vst.idx.add.f32.msk $0xffff, v1  }
0x172: {  	[tilespmem:$0xCA50] =	vst v1  }
0x173: {  	v1 =	vld [tilespmem:s12+$0x78E0]  }
0x174: {  	v2 =	vld [tilespmem:s12+$0xA1E0];
	_ =	sdelay $0x6  }
0x175: {  	v1 =	vld.idx.msk [tilespmem:v1+s3+$0x0], $0xffff  }
0x176: {  	v3 =	vld.idx.msk [tilespmem:v2+s30+$0x0], $0xffff;
	_ =	sdelay $0x4  }
0x177: {  	v1 =	vadd.f32 v3, v1;
	_ =	sdelay $0x1  }
0x178: {  	v3 =	vmul.f32 $2.000000030e-01, v1;
	_ =	sdelay $0x1  }
0x179: {  	v1 =	vmax.f32 v1, v3  }
0x17a: {  	v1 =	vmul.f32 $1.442695020e+00, v1;
	_ =	sdelay $0x1  }
0x17b: {  	(erf) = vpow2.f32 v1;
	_ =	sdelay $0x8  }
0x17c: {  	vm14 =	vlt.s32 v2, $0x2710;
	v1 =	vpop (erf)  }
0x17d: {  	v1 =	vnsel vm14, $0x0, v1  }
0x17e: {  	[tilespmem:v2+s4+$0x0] =	vst.idx.add.f32.msk $0xffff, v1  }
0x17f: {  	[tilespmem:$0xCA60] =	vst v1  }
0x180: {  	v1 =	vld [tilespmem:s12+$0x78F0]  }
0x181: {  	v2 =	vld [tilespmem:s12+$0xA1F0];
	_ =	sdelay $0x6  }
0x182: {  	v1 =	vld.idx.msk [tilespmem:v1+s3+$0x0], $0xffff  }
0x183: {  	v3 =	vld.idx.msk [tilespmem:v2+s30+$0x0], $0xffff;
	_ =	sdelay $0x4  }
0x184: {  	v1 =	vadd.f32 v3, v1;
	_ =	sdelay $0x1  }
0x185: {  	v3 =	vmul.f32 $2.000000030e-01, v1;
	_ =	sdelay $0x1  }
0x186: {  	v1 =	vmax.f32 v1, v3  }
0x187: {  	v1 =	vmul.f32 $1.442695020e+00, v1;
	_ =	sdelay $0x1  }
0x188: {  	(erf) = vpow2.f32 v1;
	_ =	sdelay $0x8  }
0x189: {  	vm15 =	vlt.s32 v2, $0x2710;
	v1 =	vpop (erf)  }
0x18a: {  	v1 =	vnsel vm15, $0x0, v1  }
0x18b: {  	p1 =	seq.s32 s11, $0x28;
	[tilespmem:v2+s4+$0x0] =	vst.idx.add.f32.msk $0xffff, v1  }
0x18c: {  	s12 =	simm.s32 @!p1 $0x3;
	[tilespmem:$0xCA70] =	vst v1  }
0x18d: {  	_ =	swait.ge @!p1 [sflag:s12], $0x800  }
0x18e: {  	[sflag:s12] =	ssyncset.done @!p1 $0x0  }
0x18f: {  	[sflag:s12] =	ssyncadd.s32 @!p1 $0xFFFFF800;
	s12 =	sshrl.u32 @!p1 s14, $0x2  }
0x190: {  	s15 =	simm.s32 @!p1 $0xCA80;
	s14 =	simm.s32 @!p1 $0x80;
	s12 =	sadd.s32 @!p1 $0x7900, s12  }
0x191: {  	[tilespmem:s15], [sflag:$0x1] =	stream.indirect.gather @!p1 [hbm4b:s1+s14], $0x10, s12, s14, $0xb8;
	[tilespmem:$0x10280] =	vst v63  }
0x192: {  	_ =	swait.ge [sflag:s7], $0x800  }
0x193: {  	[sflag:s7] =	ssyncset.done $0x0  }
0x194: {  	s12 =	sadd.s32 $0xA100, s13;
	s13 =	simm.s32 $0xD300;
	[sflag:s7] =	ssyncadd.s32 $0xFFFFF800  }
0x195: {  	s16 =	simm.s32 $0x0;
	s15 =	simm.s32 $0x40;
	s14 =	simm.s32 $0xD300;
	v1 =	vld [tilespmem:s13+$0xFFFFFFB0]  }
.LBB2_9:
0x196: {  	p1 =	sne.s32 s15, $0x1C0;
	v2 =	vld [tilespmem:s16+$0xCA00]  }
0x197: {  	v3 =	vld [tilespmem:s13+$0xFFFFFF90]  }
0x198: {  	v4 =	vld [tilespmem:s13+$0xFFFFFF80]  }
0x199: {  	v5 =	vld [tilespmem:s13+$0xFFFFFFA0]  }
0x19a: {  	v6 =	vld [tilespmem:s13+$0xFFFFFFF0]  }
0x19b: {  	v7 =	vbroadcast v2, $0x0;
	v8 =	vbroadcast v2, $0x1;
	v9 =	vld [tilespmem:s13+$0xFFFFFFD0]  }
0x19c: {  	v10 =	vbroadcast v2, $0x2;
	v11 =	vbroadcast v2, $0x3;
	v12 =	vld [tilespmem:s13+$0xFFFFFFC0]  }
0x19d: {  	v4 =	vmul.f32 v7, v4;
	v3 =	vmul.f32 v3, v8;
	v7 =	vld [tilespmem:s13+$0xFFFFFFE0]  }
0x19e: {  	v1 =	vmul.f32 v1, v11;
	v5 =	vmul.f32 v5, v10;
	v8 =	vld [tilespmem:s13+$0x30]  }
0x19f: {  	v10 =	vbroadcast v2, $0x5;
	[tilespmem:s13+$0xFFFFFF80] =	vst v4;
	v4 =	vbroadcast v2, $0x4;
	v11 =	vld [tilespmem:s13+$0x10]  }
0x1a0: {  	v13 =	vbroadcast v2, $0x7;
	[tilespmem:s13+$0xFFFFFF90] =	vst v3;
	v3 =	vbroadcast v2, $0x6;
	v14 =	vld [tilespmem:s13+$0x0]  }
0x1a1: {  	[tilespmem:s13+$0xFFFFFFA0] =	vst v5;
	v4 =	vmul.f32 v12, v4;
	v5 =	vmul.f32 v9, v10;
	v9 =	vld [tilespmem:s13+$0x20]  }
0x1a2: {  	[tilespmem:s13+$0xFFFFFFB0] =	vst v1;
	v1 =	vmul.f32 v7, v3;
	v3 =	vmul.f32 v6, v13;
	v6 =	vld [tilespmem:s13+$0x70]  }
0x1a3: {  	v7 =	vbroadcast v2, $0x9;
	[tilespmem:s13+$0xFFFFFFC0] =	vst v4;
	v4 =	vbroadcast v2, $0x8;
	v10 =	vld [tilespmem:s13+$0x50]  }
0x1a4: {  	v12 =	vbroadcast v2, $0xB;
	[tilespmem:s13+$0xFFFFFFD0] =	vst v5;
	v5 =	vbroadcast v2, $0xA;
	v13 =	vld [tilespmem:s13+$0x40]  }
0x1a5: {  	[tilespmem:s13+$0xFFFFFFE0] =	vst v1;
	v1 =	vmul.f32 v14, v4;
	v4 =	vmul.f32 v11, v7;
	v7 =	vld [tilespmem:s13+$0x60]  }
0x1a6: {  	[tilespmem:s13+$0xFFFFFFF0] =	vst v3;
	v3 =	vmul.f32 v9, v5;
	v5 =	vmul.f32 v8, v12  }
0x1a7: {  	v8 =	vbroadcast v2, $0xD;
	[tilespmem:s13+$0x0] =	vst v1;
	v1 =	vbroadcast v2, $0xC  }
0x1a8: {  	[tilespmem:s13+$0x10] =	vst v4;
	v4 =	vbroadcast v2, $0xE;
	v2 =	vbroadcast v2, $0xF  }
0x1a9: {  	[tilespmem:s13+$0x20] =	vst v3;
	v1 =	vmul.f32 v13, v1;
	v3 =	vmul.f32 v10, v8  }
.Ltmp3:
0x1aa: {  	[tilespmem:s13+$0x30] =	vst v5;
	v4 =	vmul.f32 v7, v4;
	v2 =	vmul.f32 v6, v2;
	(pc) =	sbr.rel @p1 .LBB2_9-.Ltmp3, $4  }
0x1ab: {  	[tilespmem:s13+$0x40] =	vst v1  }
0x1ac: {  	[tilespmem:s13+$0x50] =	vst v3  }
0x1ad: {  	s13 =	sadd.s32 $0x100, s13;
	[tilespmem:s14+$0x60] =	vst v4  }
0x1ae: {  	s16 =	sshra.s32 s15, $0x2;
	s15 =	sadd.s32 $0x40, s15;
	v1 =	vld [tilespmem:s13+$0xFFFFFFB0];
	[tilespmem:s14+$0x70] =	vst v2;
	s14 =	smov.u32 s13  }
0x1af: {  	v2 =	vld [tilespmem:s16+$0xCA00];
	_ =	sdelay $0x1  }
0x1b0: {  	v3 =	vld [tilespmem:s13+$0xFFFFFF80]  }
0x1b1: {  	v4 =	vld [tilespmem:s13+$0xFFFFFF90]  }
0x1b2: {  	v5 =	vld [tilespmem:s13+$0xFFFFFFA0]  }
0x1b3: {  	v6 =	vbroadcast v2, $0x0  }
0x1b4: {  	v9 =	vld [tilespmem:s13+$0xFFFFFFD0];
	v7 =	vbroadcast v2, $0x1  }
0x1b5: {  	v8 =	vld [tilespmem:s13+$0xFFFFFFC0];
	v10 =	vbroadcast v2, $0x2;
	v3 =	vmul.f32 v6, v3  }
0x1b6: {  	v48 =	vld [tilespmem:s13+$0xFFFFFFE0];
	v47 =	vbroadcast v2, $0x3;
	v4 =	vmul.f32 v4, v7  }
0x1b7: {  	v51 =	vld [tilespmem:s13+$0x10];
	v49 =	vbroadcast v2, $0x5;
	v5 =	vmul.f32 v5, v10;
	[tilespmem:s13+$0xFFFFFF80] =	vst v3  }
0x1b8: {  	v11 =	vld [tilespmem:s13+$0xFFFFFFF0];
	v1 =	vmul.f32 v1, v47;
	v3 =	vbroadcast v2, $0x4;
	[tilespmem:s13+$0xFFFFFF90] =	vst v4  }
0x1b9: {  	v50 =	vld [tilespmem:s13+$0x0];
	v12 =	vbroadcast v2, $0x6;
	v6 =	vmul.f32 v9, v49;
	[tilespmem:s13+$0xFFFFFFA0] =	vst v5  }
0x1ba: {  	v56 =	vld [tilespmem:s13+$0x50];
	v54 =	vbroadcast v2, $0x9;
	[tilespmem:s13+$0xFFFFFFB0] =	vst v1;
	v3 =	vmul.f32 v8, v3  }
0x1bb: {  	v53 =	vld [tilespmem:s13+$0x20];
	v52 =	vbroadcast v2, $0x7;
	v7 =	vmul.f32 v48, v12;
	[tilespmem:s13+$0xFFFFFFD0] =	vst v6  }
0x1bc: {  	v59 =	vmul.f32 v51, v54;
	v1 =	vld [tilespmem:s13+$0x30];
	[tilespmem:s13+$0xFFFFFFC0] =	vst v3;
	v3 =	vbroadcast v2, $0x8  }
0x1bd: {  	v55 =	vld [tilespmem:s13+$0x40];
	v62 =	vbroadcast v2, $0xD;
	v5 =	vmul.f32 v11, v52;
	[tilespmem:s13+$0xFFFFFFE0] =	vst v7  }
0x1be: {  	v60 =	vld [tilespmem:s13+$0x60];
	v57 =	vbroadcast v2, $0xA;
	[tilespmem:s13+$0x10] =	vst v59;
	v3 =	vmul.f32 v50, v3  }
0x1bf: {  	v61 =	vld [tilespmem:s13+$0x70];
	v58 =	vbroadcast v2, $0xB;
	v4 =	vmul.f32 v56, v62;
	[tilespmem:s13+$0xFFFFFFF0] =	vst v5  }
0x1c0: {  	v8 =	vmul.f32 v53, v57;
	[tilespmem:s13+$0x0] =	vst v3;
	v3 =	vbroadcast v2, $0xC  }
0x1c1: {  	s11 =	sadd.s32 $0x1, s11;
	v63 =	vbroadcast v2, $0xE;
	[tilespmem:s13+$0x50] =	vst v4;
	v1 =	vmul.f32 v1, v58  }
0x1c2: {  	p1 =	sne.s32 s11, $0x29;
	[tilespmem:s13+$0x20] =	vst v8;
	v2 =	vbroadcast v2, $0xF;
	v3 =	vmul.f32 v55, v3  }
.Ltmp4:
0x1c3: {  	[tilespmem:s13+$0x30] =	vst v1;
	v1 =	vmul.f32 v60, v63;
	(pc) =	sbr.rel @p1 .LBB2_6-.Ltmp4, $4  }
0x1c4: {  	v2 =	vmul.f32 v61, v2;
	[tilespmem:s13+$0x40] =	vst v3  }
0x1c5: {  	[tilespmem:s14+$0x60] =	vst v1  }
0x1c6: {  	[tilespmem:s14+$0x70] =	vst v2  }
0x1c7: {  	[spmem:s2] =	stream.indirect.scatter.add.f32 [tilespmem:s5], [sflag:$0x4], $0x10, s12, s0, $0xb8;
	[tilespmem:$0x10280] =	vst v63  }
0x1c8: {  	_ =	swait.ge [sflag:s8], $0x800  }
0x1c9: {  	[sflag:s8] =	ssyncset.done $0x0  }
0x1ca: {  	[sflag:s8] =	ssyncadd.s32 $0xFFFFF800  }
0x1cb: {  	_ =	swait.ge [sflag:s9], $0x800  }
0x1cc: {  	[sflag:s9] =	ssyncset.done $0x0  }
0x1cd: {  	[sflag:s9] =	ssyncadd.s32 $0xFFFFF800  }
0x1ce: {  	s11 =	stileid.u32;
	[bflag:$0x0] =	sbarrier.arrive $0xFFFF  }
0x1cf: {  	[hbm4b:s21+s3] =	stream.linear.scatter [tilespmem:s4], [sflag:$0x5], $0x2800, $0x38;
	[tilespmem:$0x10280] =	vst v63  }
0x1d0: {  	s12 =	sshrl.u32 s20, $0x3;
	s10 =	sadd.s32 $0x1, s10;
	_ =	swait.ge [sflag:s29], $0x2800  }
0x1d1: {  	s11 =	sshll.u32 s11, $0x6;
	p1 =	sne.s32 s10, s23;
	[sflag:s29] =	ssyncset.done $0x0  }
.Ltmp5:
0x1d2: {  	s11 =	sor.u32 $0x1C05, s11;
	[sflag:s29] =	ssyncadd.s32 $0xFFFFD800;
	(pc) =	sbr.rel @p1 .LBB2_1-.Ltmp5, $4  }
0x1d3: {  	[hbm:s22], [sflag:s11] =	dma.local [spmem:s12], $0x500  }
0x1d4: {  	_ =	swait.ge [sflag:s29], $0x500  }
0x1d5: {  	[sflag:s29] =	ssyncset.done $0x0  }
0x1d6: {  	[sflag:s29] =	ssyncadd.s32 $0xFFFFFB00  }
0x1d7: {  	_ =	sfence.sel $0x180000  }
0x1d8: {  	[bflag:$0x0] =	sbarrier.arrive $0xFFFF  }
0x1d9: {  	_ =	strace $0x9000004A  }
0x1da: {  	s0 =	stileid.u32;
	[bflag:$0x2] =	sbarrier.arrive $0xFFFF  }
0x1db: {  	p0 =	sne.s32 s0, $0x0;
	s0 =	rddreg [dreg:$0x3]  }
0x1dc: {  	s0 =	sadd.s32 @!p0 $0x100000, s0  }
0x1dd: {  	[sflag:s0] =	ssyncadd.tile.s32 @!p0 $0x1;
	_ =	shalt  }
.Lfunc_end2:
_tile_overlayer_lowered:
.L_overlay_start_2:
0x1de: {  	(tag) =	ssettag $0x2  }
0x1df: {  	s0 =	rddreg [dreg:$0x0];
	s2 =	stileid.u32  }
0x1e0: {  	s1 =	rddreg [dreg:$0x1];
	p0 =	sne.s32 s2, $0x0  }
0x1e1: {  	s3 =	rddreg [dreg:$0x2];
	[bflag:$0x3] =	sbarrier.arrive $0xFFFF;
	s2 =	simm.s32 @!p0 $0x1C05  }
0x1e2: {  	[timem:s3], [sflag:s2] =	dma.local @!p0 [hbm:s0], s1  }
0x1e3: {  	s0 =	simm.s32 @!p0 $0x5  }
0x1e4: {  	_ =	swait.ge @!p0 [sflag:s0], s1  }
0x1e5: {  	s1 =	ssub.s32 @!p0 $0x0, s1;
	[sflag:s0] =	ssyncset.done @!p0 $0x0  }
0x1e6: {  	[sflag:s0] =	ssyncadd.s32 @!p0 s1  }
0x1e7: {  	[bflag:$0x3] =	sbarrier.arrive $0xFFFF  }
0x1e8: {  	_ =	shalt  }

// kernel: kernel.7.cloned.1.call-start
scs
__scs_entry_jumppad:
0x0: {  	(pc) =	sbr.rel $0x88, $3  }
0x1: {  	(tag) =	ssettag $0x0;
	lr =	simm.s32 $0x1  }
0x2: {  	[smem:$0x3F95] =	sst lr;
	_ =	strace $0xD0000000  }
0x3: {  	_ = 	snop  }
0x4: {  	_ = 	snop  }
0x5: {  	_ = 	snop  }
0x6: {  	_ = 	snop  }
0x7: {  	_ = 	snop  }
__scs_overlays_trampoline_lowered:
0x8: {  	[smem:$0x3FA4] =	sst s0  }
0x9: {  	[smem:$0x3FA5] =	sst s1  }
0xa: {  	[smem:$0x3FA6] =	sst s2  }
0xb: {  	[smem:$0x3FA7] =	sst s3  }
0xc: {  	[smem:$0x3FA8] =	sst s4  }
0xd: {  	[smem:$0x3FA9] =	sst s5  }
0xe: {  	[smem:$0x3FAA] =	sst s6  }
0xf: {  	[smem:$0x3FAB] =	sst s7  }
0x10: {  	[smem:$0x3FAC] =	sst s8  }
0x11: {  	[smem:$0x3FAD] =	sst s9;
	s0 =	simm.s32 @!p0 $0x0  }
0x12: {  	s1 =	sld [smem:$0x3F93];
	s0 =	simm.s32 @p0 $0x1  }
0x13: {  	[smem:$0x3FAE] =	sst s0;
	s0 =	simm.s32 @!p1 $0x0  }
0x14: {  	s2 =	sld [smem:$0x3F92];
	s0 =	simm.s32 @p1 $0x1  }
0x15: {  	[smem:$0x3FAF] =	sst s0;
	s0 =	simm.s32 @!p2 $0x0  }
0x16: {  	s3 =	sld [smem:$0x3FDB];
	s0 =	simm.s32 @p2 $0x1  }
0x17: {  	s4 =	simm.s32 $0x1BF5;
	[smem:$0x3FB1] =	sst s0  }
0x18: {  	s0 =	sld [smem:$0x3F94];
	_ =	swait.ge [sflag:s4], $0x0  }
0x19: {  	s7 =	sld [smem:$0x3F95]  }
0x1a: {  	s8 =	sadd.s32 $0xFFFFE003, lr  }
0x1b: {  	s9 =	sadd.s32 $0xFFFFFEF7, lr;
	s5 =	simm.s32 $0xFFFFFFFF;
	p2 =	slt.u32 s8, $0xFFFFF086  }
0x1c: {  	p1 =	slt.u32 s9, $0xF7A;
	s5 =	simm.s32 @!p2 $0x0  }
0x1d: {  	s5 =	simm.s32 @p1 $0x1;
	p0 =	seq.s32 s7, s2  }
0x1e: {  	s7 =	smul.u32 @!p0 $0xF7A, s2;
	p2 =	seq.s32 @!p0 s5, $0x0  }
0x1f: {  	s9 =	smul.u32 $0xF7A, s1;
	s8 =	simm.s32 @!p0 $0x1BF5;
	p2 =	por !p2, p0  }
0x20: {  	[sflag:s8] =	ssyncset.s32 @!p0 $0xFFFFF086;
	s6 =	sadd.s32 @!p0 s3, s7;
	s7 =	simm.s32 @!p0 $0x108  }
0x21: {  	s3 =	sadd.s32 s3, s9;
	s6 =	sadd.s32 @!p0 $0x88, s6;
	s7 =	simm.s32 @p2 $0x1082  }
0x22: {  	[simem:s7], [sflag:s8] =	dma.local @!p0 [hbm:s6], $0xF7A  }
0x23: {  	s9 =	sor.u32 $0xD0000000, s2;
	s6 =	simm.s32 $0x108;
	_ =	swait.ge @!p0 [sflag:s8], $0x0  }
0x24: {  	s3 =	sadd.s32 $0x88, s3;
	s6 =	simm.s32 @!p1 $0x1082;
	[sflag:s4] =	ssyncset.s32 $0xFFFFF086  }
0x25: {  	[simem:s6], [sflag:s4] =	dma.local [hbm:s3], $0xF7A  }
0x26: {  	[smem:$0x3F95] =	sst s1;
	(tag) =	ssettag s2;
	_ =	strace s9  }
0x27: {  	s1 =	sld [smem:$0x3FA5]  }
0x28: {  	s2 =	sld [smem:$0x3FA6]  }
0x29: {  	s4 =	sld [smem:$0x3FA8]  }
0x2a: {  	p0 =	seq.s32 s5, $0x0;
	s5 =	sld [smem:$0x3FA9]  }
0x2b: {  	s6 =	sld [smem:$0x3FAA]  }
0x2c: {  	s7 =	sld [smem:$0x3FAB]  }
0x2d: {  	s3 =	simm.s32 $0x108;
	s8 =	sld [smem:$0x3FAC]  }
0x2e: {  	s3 =	simm.s32 @!p0 $0x1082;
	s9 =	sld [smem:$0x3FAD]  }
0x2f: {  	lr =	sadd.s32 s0, s3;
	s0 =	sld [smem:$0x3FA4]  }
0x30: {  	s3 =	sld [smem:$0x3FA7]  }
0x31: {  	[smem:$0x3FB0] =	sst s10  }
0x32: {  	s10 =	sld [smem:$0x3FAE];
	_ =	sdelay $0x3  }
0x33: {  	p0 =	seq.s32 s10, $0x1;
	s10 =	sld [smem:$0x3FB0];
	_ =	sdelay $0x3  }
0x34: {  	[smem:$0x3FB0] =	sst s10  }
0x35: {  	s10 =	sld [smem:$0x3FAF];
	_ =	sdelay $0x3  }
0x36: {  	p1 =	seq.s32 s10, $0x1;
	s10 =	sld [smem:$0x3FB0];
	_ =	sdelay $0x3  }
0x37: {  	[smem:$0x3FB0] =	sst s10  }
0x38: {  	s10 =	sld [smem:$0x3FB1]  }
0x39: {  	_ = 	snop;
	(pc) =	sbr.ind lr, $3  }
0x3a: {  	_ = 	snop  }
0x3b: {  	_ = 	snop  }
0x3c: {  	p2 =	seq.s32 s10, $0x1;
	s10 =	sld [smem:$0x3FB0]  }
0x3d: {  	_ =	shalt  }
0x3e: {  	_ =	shalt  }
0x3f: {  	_ =	shalt  }
0x40: {  	_ =	shalt  }
0x41: {  	_ =	shalt  }
0x42: {  	_ =	shalt  }
0x43: {  	_ =	shalt  }
0x44: {  	_ =	shalt  }
0x45: {  	_ =	shalt  }
0x46: {  	_ =	shalt  }
0x47: {  	_ =	shalt  }
0x48: {  	_ =	shalt  }
0x49: {  	_ =	shalt  }
0x4a: {  	_ =	shalt  }
0x4b: {  	_ =	shalt  }
0x4c: {  	_ =	shalt  }
0x4d: {  	_ =	shalt  }
0x4e: {  	_ =	shalt  }
0x4f: {  	_ =	shalt  }
0x50: {  	_ =	shalt  }
0x51: {  	_ =	shalt  }
0x52: {  	_ =	shalt  }
0x53: {  	_ =	shalt  }
0x54: {  	_ =	shalt  }
0x55: {  	_ =	shalt  }
0x56: {  	_ =	shalt  }
0x57: {  	_ =	shalt  }
0x58: {  	_ =	shalt  }
0x59: {  	_ =	shalt  }
0x5a: {  	_ =	shalt  }
0x5b: {  	_ =	shalt  }
0x5c: {  	_ =	shalt  }
0x5d: {  	_ =	shalt  }
0x5e: {  	_ =	shalt  }
0x5f: {  	_ =	shalt  }
0x60: {  	_ =	shalt  }
0x61: {  	_ =	shalt  }
0x62: {  	_ =	shalt  }
0x63: {  	_ =	shalt  }
0x64: {  	_ =	shalt  }
0x65: {  	_ =	shalt  }
0x66: {  	_ =	shalt  }
0x67: {  	_ =	shalt  }
0x68: {  	_ =	shalt  }
0x69: {  	_ =	shalt  }
0x6a: {  	_ =	shalt  }
0x6b: {  	_ =	shalt  }
0x6c: {  	_ =	shalt  }
0x6d: {  	_ =	shalt  }
0x6e: {  	_ =	shalt  }
0x6f: {  	_ =	shalt  }
0x70: {  	_ =	shalt  }
0x71: {  	_ =	shalt  }
0x72: {  	_ =	shalt  }
0x73: {  	_ =	shalt  }
0x74: {  	_ =	shalt  }
0x75: {  	_ =	shalt  }
0x76: {  	_ =	shalt  }
0x77: {  	_ =	shalt  }
0x78: {  	_ =	shalt  }
0x79: {  	_ =	shalt  }
0x7a: {  	_ =	shalt  }
0x7b: {  	_ =	shalt  }
0x7c: {  	_ =	shalt  }
0x7d: {  	_ =	shalt  }
0x7e: {  	_ =	shalt  }
0x7f: {  	_ =	shalt  }
0x80: {  	_ =	shalt  }
0x81: {  	_ =	shalt  }
0x82: {  	_ =	shalt  }
0x83: {  	_ =	shalt  }
0x84: {  	_ =	shalt  }
0x85: {  	_ =	shalt  }
0x86: {  	_ =	shalt  }
0x87: {  	_ =	shalt  }
.Lfunc_end0:
.L_simem_size_0:
called_computation_lowered:
.L_overlay_start_0:
0x88: {  	s2 =	sld [smem:$0x3FD9]  }
0x89: {  	s3 =	sld [smem:$0x3FFE];
	_ =	sdelay $0x1  }
0x8a: {  	s1 =	srdreg.scid  }
0x8b: {  	s0 =	sand.u32 $0x1, s1  }
0x8c: {  	s17 =	sshll.u32 s0, $0xA;
	s2 =	sadd.s32 s3, s2  }
0x8d: {  	s2 =	sadd.s32 s2, s17  }
0x8e: {  	[smem:$0x3FBC] =	sst s2  }
0x8f: {  	_ = 	snop  }
0x90: {  	s2 =	sld [smem:$0x3FD0];
	(tm) =	ssettm $0x1  }
0x91: {  	s18 =	sld [smem:$0x3FFB];
	_ =	sdelay $0x3  }
0x92: {  	_ =	strace s18  }
0x93: {  	s3 =	sld [smem:$0x3FFC];
	_ =	sdelay $0x3  }
0x94: {  	_ =	strace s3  }
0x95: {  	s3 =	sld [smem:$0x3FFD];
	_ =	sdelay $0x3  }
0x96: {  	_ =	strace s3  }
0x97: {  	_ =	strace $0x8FFFFFFF  }
0x98: {  	s19 =	sld [smem:$0x3FDB];
	_ =	sdelay $0x1  }
0x99: {  	s4 =	simm.s32 $_scs_section_size  }
0x9a: {  	s5 =	simm.s32 $_size__tile_overlayer_lowered;
	s6 =	simm.s32 $_tile_overlayer_lowered  }
0x9b: {  	s22 =	simm.s32 $0x1BFF;
	s21 =	sshll.u32 s6, $0x1;
	s3 =	sadd.s32 s4, s19  }
0x9c: {  	s7 =	simm.s32 $0x0;
	s20 =	sshll.u32 s5, $0x1;
	s5 =	sadd.s32 s21, s3  }
0x9d: {  	[timem:s7], [sflag:s22] =	dma.local [hbm:s5], s20  }
0x9e: {  	_ =	swait.ge [sflag:s22], s20  }
0x9f: {  	s4 =	ssub.s32 $0x0, s20;
	[sflag:s22] =	ssyncset.done $0x0  }
0xa0: {  	[sflag:s22] =	ssyncadd.s32 s4;
	_ =	sdelay $0x1  }
0xa1: {  	s23 =	simm.s32 $0x1B8B  }
0xa2: {  	_ =	swait.ge [sflag:s23], $0x1  }
0xa3: {  	[sflag:s23] =	ssyncset.done $0x0  }
0xa4: {  	s25 =	simm.s32 $0x1B8E;
	s24 =	sld [smem:$0x3FFE];
	[sflag:s23] =	ssyncadd.s32 $0xFFFFFFFF  }
0xa5: {  	s26 =	simm.s32 $execute0_lowered;
	[smem:$0x3FD2] =	sst s25  }
0xa6: {  	s5 =	sshll.u32 s26, $0x1;
	_ =	strace $0x80000046;
	[dreg:$0x1] =	wrdreg $0xFFFFFFFF  }
0xa7: {  	s28 =	simm.s32 $_size_execute0_lowered;
	s3 =	sadd.s32 s3, s5;
	[dreg:$0x0] =	wrdreg $0x0  }
0xa8: {  	s5 =	sshll.u32 s28, $0x1;
	[dreg:$0x2] =	wrdreg s3  }
0xa9: {  	[dreg:$0x3] =	wrdreg s5  }
0xaa: {  	[dreg:$0x4] =	wrdreg $0xC0  }
0xab: {  	_ =	task [dreg:s7], $0x5FFFF  }
0xac: {  	[dreg:$0x1] =	wrdreg $0xFFFFFFFF  }
0xad: {  	[dreg:$0x0] =	wrdreg $0x60  }
0xae: {  	[dreg:$0x2] =	wrdreg s2  }
0xaf: {  	[dreg:$0x3] =	wrdreg s24  }
0xb0: {  	[dreg:$0x4] =	wrdreg $0xDA800  }
0xb1: {  	[dreg:$0x5] =	wrdreg $0x9  }
0xb2: {  	_ =	task.clear_ibuf [dreg:s7], $0x6FFFF;
	_ =	strace $0x90000046  }
0xb3: {  	s29 =	simm.s32 $0x9;
	_ =	strace $0x80000048  }
0xb4: {  	_ =	swait.ge [sflag:s29], $0x1  }
0xb5: {  	[sflag:s29] =	ssyncadd.s32 $0xFFFFFFFF  }
0xb6: {  	_ =	strace $0x90000048  }
0xb7: {  	_ =	sfence  }
0xb8: {  	s30 =	sld [smem:$0x0];
	_ =	sdelay $0x2  }
0xb9: {  	s31 =	sshll.u32 s1, $0xD;
	s1 =	sshrl.u32 s1, $0x2  }
0xba: {  	s3 =	sand.u32 $0x4000, s31;
	s1 =	sadd.s32 s1, s30  }
0xbb: {  	s0 =	sor.u32 s3, s0;
	s1 =	sshll.u32 s1, $0x11  }
0xbc: {  	s0 =	sor.u32 s1, s0  }
0xbd: {  	s0 =	sadd.s32 $0x8F2B, s0  }
0xbe: {  	[sflag:s0] =	ssyncadd.remote.s32 $0x1  }
0xbf: {  	_ =	sfence.sel $0xFFFF  }
0xc0: {  	[dreg:$0x0] =	wrdreg $0xFFFFFFFF;
	(pc) =	sbr.abs _section_cstart, $3  }
0xc1: {  	[dreg:$0x1] =	wrdreg $0xFFFFFFFF  }
0xc2: {  	_ =	task.clear_ibuf [dreg:s7], $0x2FFFF;
	_ =	strace $0x9FFFFFFF  }
0xc3: {  	(tm) =	ssettm $0x7FFFFFFF  }
tec
execute0_lowered:
.L_overlay_start_1:
0x0: {  	(tag) =	ssettag $0x1  }
0x1: {  	s1 =	rddreg [dreg:$0x0]  }
0x2: {  	s0 =	rddreg [dreg:$0x1]  }
0x3: {  	s2 =	rddreg [dreg:$0x2];
	s3 =	simm.s32 $0x0  }
0x4: {  	s4 =	srdreg.scid;
	s14 =	stileid.u32;
	s29 =	simm.s32 $0x5  }
0x5: {  	s30 =	simm.s32 $0x2800;
	s31 =	simm.s32 $0xCA80;
	[smem:$0x7FF] =	sst s3  }
0x6: {  	s4 =	sand.u32 $0x1, s4;
	s6 =	sadd.s32 $0x17000, s0;
	s25 =	sadd.s32 $0x17600, s0  }
0x7: {  	s26 =	sadd.s32 $0xD200, s0;
	s9 =	sadd.s32 $0x3400, s0;
	s10 =	smul.u32 $0x500, s14  }
0x8: {  	s11 =	sadd.s32 $0x18400, s0;
	_ =	strace $0x80000047;
	[dreg:$0x4] =	wrdreg s6  }
0x9: {  	s15 =	sadd.s32 $0x17C00, s0;
	s23 =	smul.u32 $0xA000, s14;
	[dreg:$0x5] =	wrdreg s25  }
0xa: {  	s5 =	sshll.u32 s4, $0x4;
	s8 =	smul.u32 $0x5000, s4;
	[dreg:$0x6] =	wrdreg s11  }
0xb: {  	[dreg:$0x7] =	wrdreg s15;
	s4 =	ssub.s32 $0x2, s4;
	s25 =	sadd.s32 $0x16D00, s0  }
0xc: {  	s5 =	sor.u32 s14, s5;
	s13 =	sshrl.u32 s4, $0x1;
	[dreg:$0x10] =	wrdreg s25  }
0xd: {  	s7 =	sshll.u32 s5, $0x5;
	s16 =	smul.u32 $0x500, s5;
	s8 =	sadd.s32 s10, s8  }
0xe: {  	s17 =	smul.u32 $0x2800, s5;
	s4 =	ssub.s32 s4, s13;
	p0 =	seq.s32 s5, $0x1F  }
0xf: {  	s5 =	simm.s32 $0xD280;
	s7 =	sadd.s32 s7, s0;
	s8 =	sadd.s32 s8, s0  }
0x10: {  	s12 =	sadd.s32 s16, s0;
	s18 =	sadd.s32 s26, s16;
	s10 =	sshrl.u32 s17, $0x3  }
0x11: {  	s11 =	sadd.s32 s9, s16;
	s17 =	sadd.s32 $0x3000, s7;
	[dreg:$0x8] =	wrdreg s18  }
0x12: {  	s7 =	simm.s32 $0x2;
	[dreg:$0x9] =	wrdreg s11;
	s19 =	sadd.s32 $0x140, s10  }
0x13: {  	s20 =	sadd.s32 $0x280, s10;
	s10 =	sadd.s32 $0x3C0, s10;
	s15 =	sadd.s32 s26, s19  }
0x14: {  	s11 =	sadd.s32 s9, s19;
	s21 =	sadd.s32 s26, s20;
	[dreg:$0xa] =	wrdreg s15  }
0x15: {  	s22 =	sadd.s32 s9, s20;
	s6 =	sadd.s32 s26, s10;
	[dreg:$0xb] =	wrdreg s11  }
0x16: {  	s24 =	sadd.s32 s9, s10;
	s19 =	sadd.s32 $0xCF00, s0;
	[dreg:$0xc] =	wrdreg s21  }
0x17: {  	s26 =	sshrl.u32 s23, $0x2;
	s23 =	smax.u32 s4, $0x1;
	[dreg:$0xd] =	wrdreg s22  }
0x18: {  	s0 =	simm.s32 $0x80;
	s4 =	simm.s32 $0x5000;
	[dreg:$0xe] =	wrdreg s6  }
0x19: {  	s9 =	simm.s32 $0x4;
	s10 =	simm.s32 $0x0;
	[dreg:$0xf] =	wrdreg s24  }
0x1a: {  	s20 =	sadd.s32 s26, s2;
	s21 =	sadd.s32 $0x22C00, s12;
	s22 =	sadd.s32 $0x18C00, s8  }
0x1b: {  	s6 =	simm.s32 $0x1;
	s8 =	simm.s32 $0x3;
	s24 =	sadd.s32 $0x800, s20  }
0x1c: {  	v0 =	vimm.f32 $0.0e+00;
	s25 =	sadd.s32 $0x1000, s20;
	s26 =	sadd.s32 $0x1800, s20;
	s28 =	sadd.s32 $0x2000, s20  }
.LBB2_1:
0x1d: {  	s11 =	rddreg [dreg:$0x4]  }
0x1e: {  	[tilespmem:s3], [sflag:$0x5] =	stream.linear.gather [hbm4b:s11+s3], $0x2800, $0x38;
	[tilespmem:$0x10280] =	vst v63  }
0x1f: {  	_ =	swait.ge [sflag:s29], $0x2800  }
0x20: {  	[sflag:s29] =	ssyncset.done $0x0  }
0x21: {  	s18 =	rddreg [dreg:$0x5];
	[sflag:s29] =	ssyncadd.s32 $0xFFFFD800  }
0x22: {  	[tilespmem:s30], [sflag:$0x5] =	stream.linear.gather [hbm4b:s18+s3], $0x2800, $0x38;
	[tilespmem:$0x10280] =	vst v63  }
0x23: {  	_ =	swait.ge [sflag:s29], $0x2800  }
0x24: {  	s12 =	simm.s32 @p0 $0x7800;
	[sflag:s29] =	ssyncset.done $0x0  }
0x25: {  	s11 =	simm.s32 @p0 $0x0;
	s13 =	rddreg [dreg:$0x10];
	[sflag:s29] =	ssyncadd.s32 $0xFFFFD800  }
0x26: {  	[tilespmem:s12], [sflag:$0x5] =	stream.linear.gather @p0 [hbm4b:s13+s11], $0xA00, $0x38;
	[tilespmem:$0x10280] =	vst v63  }
0x27: {  	s12 =	simm.s32 @p0 $0x5  }
0x28: {  	_ =	swait.ge @p0 [sflag:s12], $0xA00  }
0x29: {  	[sflag:s12] =	ssyncset.done @p0 $0x0  }
0x2a: {  	s13 =	simm.s32 @p0 $0xA100;
	[sflag:s12] =	ssyncadd.s32 @p0 $0xFFFFF600  }
0x2b: {  	[tilespmem:s13], [sflag:$0x5] =	stream.linear.gather @p0 [hbm4b:s19+s11], $0xA00, $0x38;
	[tilespmem:$0x10280] =	vst v63  }
0x2c: {  	_ =	swait.ge @p0 [sflag:s12], $0xA00  }
0x2d: {  	[sflag:s12] =	ssyncset.done @p0 $0x0  }
0x2e: {  	s13 =	simm.s32 @p0 $0x8200;
	s14 =	rddreg [dreg:$0x6];
	[sflag:s12] =	ssyncadd.s32 @p0 $0xFFFFF600  }
0x2f: {  	[tilespmem:s13], [sflag:$0x5] =	stream.linear.gather @p0 [hbm4b:s14+s11], $0x1F00, $0x38;
	[tilespmem:$0x10280] =	vst v63  }
0x30: {  	_ =	swait.ge @p0 [sflag:s12], $0x1F00  }
0x31: {  	[sflag:s12] =	ssyncset.done @p0 $0x0  }
0x32: {  	s13 =	simm.s32 @p0 $0xAB00;
	s14 =	rddreg [dreg:$0x7];
	[sflag:s12] =	ssyncadd.s32 @p0 $0xFFFFE100  }
0x33: {  	[tilespmem:s13], [sflag:$0x5] =	stream.linear.gather @p0 [hbm4b:s14+s11], $0x1F00, $0x38;
	[tilespmem:$0x10280] =	vst v63  }
0x34: {  	_ =	swait.ge @p0 [sflag:s12], $0x1F00  }
0x35: {  	s11 =	simm.s32 @!p0 $0x0;
	[sflag:s12] =	ssyncset.done @p0 $0x0  }
0x36: {  	s13 =	rddreg [dreg:$0x8];
	[sflag:s12] =	ssyncadd.s32 @p0 $0xFFFFE100;
	s12 =	simm.s32 @!p0 $0x7800  }
0x37: {  	[tilespmem:s12], [sflag:$0x5] =	stream.linear.gather @!p0 [hbm4b:s13+s11], $0xA00, $0x38;
	[tilespmem:$0x10280] =	vst v63  }
0x38: {  	s12 =	simm.s32 @!p0 $0x5  }
0x39: {  	_ =	swait.ge @!p0 [sflag:s12], $0xA00  }
0x3a: {  	[sflag:s12] =	ssyncset.done @!p0 $0x0  }
0x3b: {  	s13 =	simm.s32 @!p0 $0xA100;
	s14 =	rddreg [dreg:$0x9];
	[sflag:s12] =	ssyncadd.s32 @!p0 $0xFFFFF600  }
0x3c: {  	[tilespmem:s13], [sflag:$0x5] =	stream.linear.gather @!p0 [hbm4b:s14+s11], $0xA00, $0x38;
	[tilespmem:$0x10280] =	vst v63  }
0x3d: {  	_ =	swait.ge @!p0 [sflag:s12], $0xA00  }
0x3e: {  	[sflag:s12] =	ssyncset.done @!p0 $0x0  }
0x3f: {  	s13 =	simm.s32 @!p0 $0x8200;
	s14 =	rddreg [dreg:$0xa];
	[sflag:s12] =	ssyncadd.s32 @!p0 $0xFFFFF600  }
0x40: {  	[tilespmem:s13], [sflag:$0x5] =	stream.linear.gather @!p0 [hbm4b:s14+s11], $0xA00, $0x38;
	[tilespmem:$0x10280] =	vst v63  }
0x41: {  	_ =	swait.ge @!p0 [sflag:s12], $0xA00  }
0x42: {  	[sflag:s12] =	ssyncset.done @!p0 $0x0  }
0x43: {  	s13 =	simm.s32 @!p0 $0xAB00;
	s14 =	rddreg [dreg:$0xb];
	[sflag:s12] =	ssyncadd.s32 @!p0 $0xFFFFF600  }
0x44: {  	[tilespmem:s13], [sflag:$0x5] =	stream.linear.gather @!p0 [hbm4b:s14+s11], $0xA00, $0x38;
	[tilespmem:$0x10280] =	vst v63  }
0x45: {  	_ =	swait.ge @!p0 [sflag:s12], $0xA00  }
0x46: {  	[sflag:s12] =	ssyncset.done @!p0 $0x0  }
0x47: {  	s13 =	simm.s32 @!p0 $0x8C00;
	s14 =	rddreg [dreg:$0xc];
	[sflag:s12] =	ssyncadd.s32 @!p0 $0xFFFFF600  }
0x48: {  	[tilespmem:s13], [sflag:$0x5] =	stream.linear.gather @!p0 [hbm4b:s14+s11], $0xA00, $0x38;
	[tilespmem:$0x10280] =	vst v63  }
0x49: {  	_ =	swait.ge @!p0 [sflag:s12], $0xA00  }
0x4a: {  	[sflag:s12] =	ssyncset.done @!p0 $0x0  }
0x4b: {  	s13 =	simm.s32 @!p0 $0xB500;
	s14 =	rddreg [dreg:$0xd];
	[sflag:s12] =	ssyncadd.s32 @!p0 $0xFFFFF600  }
0x4c: {  	[tilespmem:s13], [sflag:$0x5] =	stream.linear.gather @!p0 [hbm4b:s14+s11], $0xA00, $0x38;
	[tilespmem:$0x10280] =	vst v63  }
0x4d: {  	_ =	swait.ge @!p0 [sflag:s12], $0xA00  }
0x4e: {  	[sflag:s12] =	ssyncset.done @!p0 $0x0  }
0x4f: {  	s13 =	simm.s32 @!p0 $0x9600;
	s14 =	rddreg [dreg:$0xe];
	[sflag:s12] =	ssyncadd.s32 @!p0 $0xFFFFF600  }
0x50: {  	[tilespmem:s13], [sflag:$0x5] =	stream.linear.gather @!p0 [hbm4b:s14+s11], $0xA00, $0x38;
	[tilespmem:$0x10280] =	vst v63  }
0x51: {  	_ =	swait.ge @!p0 [sflag:s12], $0xA00  }
0x52: {  	[sflag:s12] =	ssyncset.done @!p0 $0x0  }
0x53: {  	s13 =	simm.s32 @!p0 $0xBF00;
	s14 =	rddreg [dreg:$0xf];
	[sflag:s12] =	ssyncadd.s32 @!p0 $0xFFFFF600  }
0x54: {  	[tilespmem:s13], [sflag:$0x5] =	stream.linear.gather @!p0 [hbm4b:s14+s11], $0xA00, $0x38;
	[tilespmem:$0x10280] =	vst v63  }
0x55: {  	_ =	swait.ge @!p0 [sflag:s12], $0xA00  }
0x56: {  	[sflag:s12] =	ssyncset.done @!p0 $0x0  }
0x57: {  	s13 =	simm.s32 @!p0 $0xA000;
	[sflag:s12] =	ssyncadd.s32 @!p0 $0xFFFFF600  }
0x58: {  	[tilespmem:s13], [sflag:$0x5] =	stream.linear.gather @!p0 [hbm4b:s17+s11], $0x100, $0x38;
	[tilespmem:$0x10280] =	vst v63  }
0x59: {  	_ =	swait.ge @!p0 [sflag:s12], $0x100  }
0x5a: {  	[sflag:s12] =	ssyncset.done @!p0 $0x0  }
0x5b: {  	s13 =	simm.s32 @!p0 $0xC900;
	[sflag:s12] =	ssyncadd.s32 @!p0 $0xFFFFFF00  }
0x5c: {  	[tilespmem:s13], [sflag:$0x5] =	stream.linear.gather @!p0 [hbm4b:s17+s11], $0x100, $0x38;
	[tilespmem:$0x10280] =	vst v63  }
0x5d: {  	_ =	swait.ge @!p0 [sflag:s12], $0x100  }
0x5e: {  	[sflag:s12] =	ssyncset.done @!p0 $0x0  }
0x5f: {  	s11 =	simm.s32 $0x0;
	[sflag:s12] =	ssyncadd.s32 @!p0 $0xFFFFFF00  }
.LBB2_2:
0x60: {  	p1 =	sne.s32 s11, $0x9FC0  }
.Ltmp0:
0x61: {  	_ = 	snop;
	(pc) =	sbr.rel @p1 .LBB2_2-.Ltmp0, $3  }
0x62: {  	_ =	sdelay $0x1  }
0x63: {  	s12 =	sshra.s32 s11, $0x2  }
0x64: {  	s11 =	sadd.s32 $0x40, s11;
	[tilespmem:s12+$0x5000] =	vst v0  }
0x65: {  	s11 =	simm.s32 $0x40;
	s12 =	simm.s32 $0x0  }
.LBB2_4:
0x66: {  	p1 =	sne.s32 s11, $0x1FC0;
	[tilespmem:s12+$0xCA80] =	vst v0;
	s12 =	smov.u32 s11;
	s11 =	sadd.s32 $0x40, s11  }
.Ltmp1:
0x67: {  	(pc) =	sbr.rel @p1 .LBB2_4-.Ltmp1, $2  }
0x68: {  	_ =	sdelay $0x2  }
0x69: {  	s12 =	sshra.s32 s12, $0x2  }
0x6a: {  	[tilespmem:s12+$0xCA80] =	vst v0  }
0x6b: {  	[spmem:s20] =	stream.linear.scatter [tilespmem:s31], [sflag:$0x5], $0x800, $0x38;
	[tilespmem:$0x10280] =	vst v63  }
0x6c: {  	_ =	swait.ge [sflag:s29], $0x800  }
0x6d: {  	[sflag:s29] =	ssyncset.done $0x0  }
0x6e: {  	[sflag:s29] =	ssyncadd.s32 $0xFFFFF800  }
0x6f: {  	[spmem:s24] =	stream.linear.scatter [tilespmem:s31], [sflag:$0x5], $0x800, $0x38;
	[tilespmem:$0x10280] =	vst v63  }
0x70: {  	_ =	swait.ge [sflag:s29], $0x800  }
0x71: {  	[sflag:s29] =	ssyncset.done $0x0  }
0x72: {  	[sflag:s29] =	ssyncadd.s32 $0xFFFFF800  }
0x73: {  	[spmem:s25] =	stream.linear.scatter [tilespmem:s31], [sflag:$0x5], $0x800, $0x38;
	[tilespmem:$0x10280] =	vst v63  }
0x74: {  	_ =	swait.ge [sflag:s29], $0x800  }
0x75: {  	[sflag:s29] =	ssyncset.done $0x0  }
0x76: {  	[sflag:s29] =	ssyncadd.s32 $0xFFFFF800  }
0x77: {  	[spmem:s26] =	stream.linear.scatter [tilespmem:s31], [sflag:$0x5], $0x800, $0x38;
	[tilespmem:$0x10280] =	vst v63  }
0x78: {  	_ =	swait.ge [sflag:s29], $0x800  }
0x79: {  	[sflag:s29] =	ssyncset.done $0x0  }
0x7a: {  	[sflag:s29] =	ssyncadd.s32 $0xFFFFF800  }
0x7b: {  	[spmem:s28] =	stream.linear.scatter [tilespmem:s31], [sflag:$0x5], $0x800, $0x38;
	[tilespmem:$0x10280] =	vst v63  }
0x7c: {  	_ =	swait.ge [sflag:s29], $0x800  }
0x7d: {  	[sflag:s29] =	ssyncset.done $0x0  }
0x7e: {  	[sflag:s29] =	ssyncadd.s32 $0xFFFFF800  }
0x7f: {  	s11 =	simm.s32 $0x7800;
	[bflag:$0x0] =	sbarrier.arrive $0xFFFF  }
0x80: {  	[tilespmem:s31], [sflag:$0x1] =	stream.indirect.gather [hbm4b:s1+s0], $0x10, s11, s0, $0xb8;
	[tilespmem:$0x10280] =	vst v63  }
0x81: {  	s11 =	simm.s32 $0x0  }
.LBB2_6:
0x82: {  	s12 =	sshll.u32 s11, $0x8  }
0x83: {  	v1 =	vld [tilespmem:s12+$0x7800]  }
0x84: {  	v2 =	vld [tilespmem:s12+$0xA100];
	_ =	sdelay $0x6  }
0x85: {  	v1 =	vld.idx.msk [tilespmem:v1+s3+$0x0], $0xffff  }
0x86: {  	v3 =	vld.idx.msk [tilespmem:v2+s30+$0x0], $0xffff;
	_ =	sdelay $0x4  }
0x87: {  	v1 =	vadd.f32 v3, v1;
	_ =	sdelay $0x1  }
0x88: {  	v3 =	vmul.f32 $2.000000030e-01, v1;
	_ =	sdelay $0x1  }
0x89: {  	v1 =	vmax.f32 v1, v3  }
0x8a: {  	v1 =	vmul.f32 $1.442695020e+00, v1;
	_ =	sdelay $0x1  }
0x8b: {  	(erf) = vpow2.f32 v1;
	_ =	sdelay $0x8  }
0x8c: {  	vm0 =	vlt.s32 v2, $0x2710;
	v1 =	vpop (erf)  }
0x8d: {  	v1 =	vnsel vm0, $0x0, v1  }
0x8e: {  	[tilespmem:v2+s4+$0x0] =	vst.idx.add.f32.msk $0xffff, v1  }
0x8f: {  	[tilespmem:$0xCA00] =	vst v1  }
0x90: {  	v1 =	vld [tilespmem:s12+$0x7810]  }
0x91: {  	v2 =	vld [tilespmem:s12+$0xA110];
	_ =	sdelay $0x6  }
0x92: {  	v1 =	vld.idx.msk [tilespmem:v1+s3+$0x0], $0xffff  }
0x93: {  	v3 =	vld.idx.msk [tilespmem:v2+s30+$0x0], $0xffff;
	_ =	sdelay $0x4  }
0x94: {  	v1 =	vadd.f32 v3, v1;
	_ =	sdelay $0x1  }
0x95: {  	v3 =	vmul.f32 $2.000000030e-01, v1;
	_ =	sdelay $0x1  }
0x96: {  	v1 =	vmax.f32 v1, v3  }
0x97: {  	v1 =	vmul.f32 $1.442695020e+00, v1;
	_ =	sdelay $0x1  }
0x98: {  	(erf) = vpow2.f32 v1;
	_ =	sdelay $0x8  }
0x99: {  	vm9 =	vlt.s32 v2, $0x2710;
	v1 =	vpop (erf)  }
0x9a: {  	v1 =	vnsel vm9, $0x0, v1  }
0x9b: {  	[tilespmem:v2+s4+$0x0] =	vst.idx.add.f32.msk $0xffff, v1  }
0x9c: {  	[tilespmem:$0xCA10] =	vst v1  }
0x9d: {  	v1 =	vld [tilespmem:s12+$0x7820]  }
0x9e: {  	v2 =	vld [tilespmem:s12+$0xA120];
	_ =	sdelay $0x6  }
0x9f: {  	v1 =	vld.idx.msk [tilespmem:v1+s3+$0x0], $0xffff  }
0xa0: {  	v3 =	vld.idx.msk [tilespmem:v2+s30+$0x0], $0xffff;
	_ =	sdelay $0x4  }
0xa1: {  	v1 =	vadd.f32 v3, v1;
	_ =	sdelay $0x1  }
0xa2: {  	v3 =	vmul.f32 $2.000000030e-01, v1;
	_ =	sdelay $0x1  }
0xa3: {  	v1 =	vmax.f32 v1, v3  }
0xa4: {  	v1 =	vmul.f32 $1.442695020e+00, v1;
	_ =	sdelay $0x1  }
0xa5: {  	(erf) = vpow2.f32 v1;
	_ =	sdelay $0x8  }
0xa6: {  	vm10 =	vlt.s32 v2, $0x2710;
	v1 =	vpop (erf)  }
0xa7: {  	v1 =	vnsel vm10, $0x0, v1  }
0xa8: {  	[tilespmem:v2+s4+$0x0] =	vst.idx.add.f32.msk $0xffff, v1  }
0xa9: {  	[tilespmem:$0xCA20] =	vst v1  }
0xaa: {  	v1 =	vld [tilespmem:s12+$0x7830]  }
0xab: {  	v2 =	vld [tilespmem:s12+$0xA130];
	_ =	sdelay $0x6  }
0xac: {  	v1 =	vld.idx.msk [tilespmem:v1+s3+$0x0], $0xffff  }
0xad: {  	v3 =	vld.idx.msk [tilespmem:v2+s30+$0x0], $0xffff;
	_ =	sdelay $0x4  }
0xae: {  	v1 =	vadd.f32 v3, v1;
	_ =	sdelay $0x1  }
0xaf: {  	v3 =	vmul.f32 $2.000000030e-01, v1;
	_ =	sdelay $0x1  }
0xb0: {  	v1 =	vmax.f32 v1, v3  }
0xb1: {  	v1 =	vmul.f32 $1.442695020e+00, v1;
	_ =	sdelay $0x1  }
0xb2: {  	(erf) = vpow2.f32 v1;
	_ =	sdelay $0x8  }
0xb3: {  	vm11 =	vlt.s32 v2, $0x2710;
	v1 =	vpop (erf)  }
0xb4: {  	v1 =	vnsel vm11, $0x0, v1  }
0xb5: {  	[tilespmem:v2+s4+$0x0] =	vst.idx.add.f32.msk $0xffff, v1  }
0xb6: {  	[tilespmem:$0xCA30] =	vst v1  }
0xb7: {  	v1 =	vld [tilespmem:s12+$0x7840]  }
0xb8: {  	v2 =	vld [tilespmem:s12+$0xA140];
	_ =	sdelay $0x6  }
0xb9: {  	v1 =	vld.idx.msk [tilespmem:v1+s3+$0x0], $0xffff  }
0xba: {  	v3 =	vld.idx.msk [tilespmem:v2+s30+$0x0], $0xffff;
	_ =	sdelay $0x4  }
0xbb: {  	v1 =	vadd.f32 v3, v1;
	_ =	sdelay $0x1  }
0xbc: {  	v3 =	vmul.f32 $2.000000030e-01, v1;
	_ =	sdelay $0x1  }
0xbd: {  	v1 =	vmax.f32 v1, v3  }
0xbe: {  	v1 =	vmul.f32 $1.442695020e+00, v1;
	_ =	sdelay $0x1  }
0xbf: {  	(erf) = vpow2.f32 v1;
	_ =	sdelay $0x8  }
0xc0: {  	vm12 =	vlt.s32 v2, $0x2710;
	v1 =	vpop (erf)  }
0xc1: {  	v1 =	vnsel vm12, $0x0, v1  }
0xc2: {  	[tilespmem:v2+s4+$0x0] =	vst.idx.add.f32.msk $0xffff, v1  }
0xc3: {  	[tilespmem:$0xCA40] =	vst v1  }
0xc4: {  	v1 =	vld [tilespmem:s12+$0x7850]  }
0xc5: {  	v2 =	vld [tilespmem:s12+$0xA150];
	_ =	sdelay $0x6  }
0xc6: {  	v1 =	vld.idx.msk [tilespmem:v1+s3+$0x0], $0xffff  }
0xc7: {  	v3 =	vld.idx.msk [tilespmem:v2+s30+$0x0], $0xffff;
	_ =	sdelay $0x4  }
0xc8: {  	v1 =	vadd.f32 v3, v1;
	_ =	sdelay $0x1  }
0xc9: {  	v3 =	vmul.f32 $2.000000030e-01, v1;
	_ =	sdelay $0x1  }
0xca: {  	v1 =	vmax.f32 v1, v3  }
0xcb: {  	v1 =	vmul.f32 $1.442695020e+00, v1;
	_ =	sdelay $0x1  }
0xcc: {  	(erf) = vpow2.f32 v1;
	_ =	sdelay $0x8  }
0xcd: {  	vm13 =	vlt.s32 v2, $0x2710;
	v1 =	vpop (erf)  }
0xce: {  	v1 =	vnsel vm13, $0x0, v1  }
0xcf: {  	[tilespmem:v2+s4+$0x0] =	vst.idx.add.f32.msk $0xffff, v1  }
0xd0: {  	[tilespmem:$0xCA50] =	vst v1  }
0xd1: {  	v1 =	vld [tilespmem:s12+$0x7860]  }
0xd2: {  	v2 =	vld [tilespmem:s12+$0xA160];
	_ =	sdelay $0x6  }
0xd3: {  	v1 =	vld.idx.msk [tilespmem:v1+s3+$0x0], $0xffff  }
0xd4: {  	v3 =	vld.idx.msk [tilespmem:v2+s30+$0x0], $0xffff;
	_ =	sdelay $0x4  }
0xd5: {  	v1 =	vadd.f32 v3, v1;
	_ =	sdelay $0x1  }
0xd6: {  	v3 =	vmul.f32 $2.000000030e-01, v1;
	_ =	sdelay $0x1  }
0xd7: {  	v1 =	vmax.f32 v1, v3  }
0xd8: {  	v1 =	vmul.f32 $1.442695020e+00, v1;
	_ =	sdelay $0x1  }
0xd9: {  	(erf) = vpow2.f32 v1;
	_ =	sdelay $0x8  }
0xda: {  	vm14 =	vlt.s32 v2, $0x2710;
	v1 =	vpop (erf)  }
0xdb: {  	v1 =	vnsel vm14, $0x0, v1  }
0xdc: {  	[tilespmem:v2+s4+$0x0] =	vst.idx.add.f32.msk $0xffff, v1  }
0xdd: {  	[tilespmem:$0xCA60] =	vst v1  }
0xde: {  	v1 =	vld [tilespmem:s12+$0x7870]  }
0xdf: {  	v2 =	vld [tilespmem:s12+$0xA170];
	_ =	sdelay $0x6  }
0xe0: {  	v1 =	vld.idx.msk [tilespmem:v1+s3+$0x0], $0xffff  }
0xe1: {  	v3 =	vld.idx.msk [tilespmem:v2+s30+$0x0], $0xffff;
	_ =	sdelay $0x4  }
0xe2: {  	v1 =	vadd.f32 v3, v1;
	_ =	sdelay $0x1  }
0xe3: {  	v3 =	vmul.f32 $2.000000030e-01, v1;
	_ =	sdelay $0x1  }
0xe4: {  	v1 =	vmax.f32 v1, v3  }
0xe5: {  	v1 =	vmul.f32 $1.442695020e+00, v1;
	_ =	sdelay $0x1  }
0xe6: {  	(erf) = vpow2.f32 v1;
	_ =	sdelay $0x8  }
0xe7: {  	vm15 =	vlt.s32 v2, $0x2710;
	v1 =	vpop (erf)  }
0xe8: {  	v1 =	vnsel vm15, $0x0, v1  }
0xe9: {  	p1 =	seq.s32 s11, $0x0;
	[tilespmem:v2+s4+$0x0] =	vst.idx.add.f32.msk $0xffff, v1  }
0xea: {  	s13 =	simm.s32 @!p1 $0x4;
	[tilespmem:$0xCA70] =	vst v1  }
0xeb: {  	_ =	swait.ge @!p1 [sflag:s13], $0x800  }
0xec: {  	[sflag:s13] =	ssyncset.done @!p1 $0x0  }
0xed: {  	s18 =	sadd.s32 $0x7880, s12;
	[sflag:s13] =	ssyncadd.s32 @!p1 $0xFFFFF800  }
0xee: {  	[tilespmem:s5], [sflag:$0x2] =	stream.indirect.gather [hbm4b:s1+s0], $0x10, s18, s0, $0xb8;
	[tilespmem:$0x10280] =	vst v63  }
0xef: {  	_ =	swait.ge [sflag:s6], $0x800  }
0xf0: {  	[sflag:s6] =	ssyncset.done $0x0  }
0xf1: {  	s14 =	simm.s32 $0xCB00;
	s16 =	simm.s32 $0x40;
	[sflag:s6] =	ssyncadd.s32 $0xFFFFF800  }
0xf2: {  	s15 =	simm.s32 $0xCB00;
	s13 =	sor.u32 $0x80, s12;
	s18 =	simm.s32 $0x0;
	v1 =	vld [tilespmem:s14+$0xFFFFFFB0]  }
.LBB2_7:
0xf3: {  	p1 =	sne.s32 s16, $0x1C0;
	v2 =	vld [tilespmem:s18+$0xCA00]  }
0xf4: {  	v3 =	vld [tilespmem:s14+$0xFFFFFF90]  }
0xf5: {  	v4 =	vld [tilespmem:s14+$0xFFFFFF80]  }
0xf6: {  	v5 =	vld [tilespmem:s14+$0xFFFFFFA0]  }
0xf7: {  	v6 =	vld [tilespmem:s14+$0xFFFFFFF0]  }
0xf8: {  	v7 =	vbroadcast v2, $0x0;
	v8 =	vbroadcast v2, $0x1;
	v9 =	vld [tilespmem:s14+$0xFFFFFFD0]  }
0xf9: {  	v10 =	vbroadcast v2, $0x2;
	v11 =	vbroadcast v2, $0x3;
	v12 =	vld [tilespmem:s14+$0xFFFFFFC0]  }
0xfa: {  	v4 =	vmul.f32 v7, v4;
	v3 =	vmul.f32 v3, v8;
	v7 =	vld [tilespmem:s14+$0xFFFFFFE0]  }
0xfb: {  	v1 =	vmul.f32 v1, v11;
	v5 =	vmul.f32 v5, v10;
	v8 =	vld [tilespmem:s14+$0x30]  }
0xfc: {  	v10 =	vbroadcast v2, $0x5;
	[tilespmem:s14+$0xFFFFFF80] =	vst v4;
	v4 =	vbroadcast v2, $0x4;
	v11 =	vld [tilespmem:s14+$0x10]  }
0xfd: {  	v13 =	vbroadcast v2, $0x7;
	[tilespmem:s14+$0xFFFFFF90] =	vst v3;
	v3 =	vbroadcast v2, $0x6;
	v14 =	vld [tilespmem:s14+$0x0]  }
0xfe: {  	[tilespmem:s14+$0xFFFFFFA0] =	vst v5;
	v4 =	vmul.f32 v12, v4;
	v5 =	vmul.f32 v9, v10;
	v9 =	vld [tilespmem:s14+$0x20]  }
0xff: {  	[tilespmem:s14+$0xFFFFFFB0] =	vst v1;
	v1 =	vmul.f32 v7, v3;
	v3 =	vmul.f32 v6, v13;
	v6 =	vld [tilespmem:s14+$0x70]  }
0x100: {  	v7 =	vbroadcast v2, $0x9;
	[tilespmem:s14+$0xFFFFFFC0] =	vst v4;
	v4 =	vbroadcast v2, $0x8;
	v10 =	vld [tilespmem:s14+$0x50]  }
0x101: {  	v12 =	vbroadcast v2, $0xB;
	[tilespmem:s14+$0xFFFFFFD0] =	vst v5;
	v5 =	vbroadcast v2, $0xA;
	v13 =	vld [tilespmem:s14+$0x40]  }
0x102: {  	[tilespmem:s14+$0xFFFFFFE0] =	vst v1;
	v1 =	vmul.f32 v14, v4;
	v4 =	vmul.f32 v11, v7;
	v7 =	vld [tilespmem:s14+$0x60]  }
0x103: {  	[tilespmem:s14+$0xFFFFFFF0] =	vst v3;
	v3 =	vmul.f32 v9, v5;
	v5 =	vmul.f32 v8, v12  }
0x104: {  	v8 =	vbroadcast v2, $0xD;
	[tilespmem:s14+$0x0] =	vst v1;
	v1 =	vbroadcast v2, $0xC  }
0x105: {  	[tilespmem:s14+$0x10] =	vst v4;
	v4 =	vbroadcast v2, $0xE;
	v2 =	vbroadcast v2, $0xF  }
0x106: {  	[tilespmem:s14+$0x20] =	vst v3;
	v1 =	vmul.f32 v13, v1;
	v3 =	vmul.f32 v10, v8  }
.Ltmp2:
0x107: {  	[tilespmem:s14+$0x30] =	vst v5;
	v4 =	vmul.f32 v7, v4;
	v2 =	vmul.f32 v6, v2;
	(pc) =	sbr.rel @p1 .LBB2_7-.Ltmp2, $4  }
0x108: {  	[tilespmem:s14+$0x40] =	vst v1  }
0x109: {  	[tilespmem:s14+$0x50] =	vst v3  }
0x10a: {  	s14 =	sadd.s32 $0x100, s14;
	[tilespmem:s15+$0x60] =	vst v4  }
0x10b: {  	s18 =	sshra.s32 s16, $0x2;
	s16 =	sadd.s32 $0x40, s16;
	v1 =	vld [tilespmem:s14+$0xFFFFFFB0];
	[tilespmem:s15+$0x70] =	vst v2;
	s15 =	smov.u32 s14  }
0x10c: {  	v2 =	vld [tilespmem:s18+$0xCA00];
	_ =	sdelay $0x1  }
0x10d: {  	v3 =	vld [tilespmem:s14+$0xFFFFFF80]  }
0x10e: {  	v4 =	vld [tilespmem:s14+$0xFFFFFF90]  }
0x10f: {  	v5 =	vld [tilespmem:s14+$0xFFFFFFA0]  }
0x110: {  	v6 =	vbroadcast v2, $0x0  }
0x111: {  	v9 =	vld [tilespmem:s14+$0xFFFFFFD0];
	v7 =	vbroadcast v2, $0x1  }
0x112: {  	v8 =	vld [tilespmem:s14+$0xFFFFFFC0];
	v10 =	vbroadcast v2, $0x2;
	v3 =	vmul.f32 v6, v3  }
0x113: {  	v48 =	vld [tilespmem:s14+$0xFFFFFFE0];
	v47 =	vbroadcast v2, $0x3;
	v4 =	vmul.f32 v4, v7  }
0x114: {  	v51 =	vld [tilespmem:s14+$0x10];
	v49 =	vbroadcast v2, $0x5;
	v5 =	vmul.f32 v5, v10;
	[tilespmem:s14+$0xFFFFFF80] =	vst v3  }
0x115: {  	v11 =	vld [tilespmem:s14+$0xFFFFFFF0];
	v1 =	vmul.f32 v1, v47;
	v3 =	vbroadcast v2, $0x4;
	[tilespmem:s14+$0xFFFFFF90] =	vst v4  }
0x116: {  	v50 =	vld [tilespmem:s14+$0x0];
	v12 =	vbroadcast v2, $0x6;
	v6 =	vmul.f32 v9, v49;
	[tilespmem:s14+$0xFFFFFFA0] =	vst v5  }
0x117: {  	v56 =	vld [tilespmem:s14+$0x50];
	v54 =	vbroadcast v2, $0x9;
	[tilespmem:s14+$0xFFFFFFB0] =	vst v1;
	v3 =	vmul.f32 v8, v3  }
0x118: {  	v53 =	vld [tilespmem:s14+$0x20];
	v52 =	vbroadcast v2, $0x7;
	v7 =	vmul.f32 v48, v12;
	[tilespmem:s14+$0xFFFFFFD0] =	vst v6  }
0x119: {  	v59 =	vmul.f32 v51, v54;
	v1 =	vld [tilespmem:s14+$0x30];
	[tilespmem:s14+$0xFFFFFFC0] =	vst v3;
	v3 =	vbroadcast v2, $0x8  }
0x11a: {  	v55 =	vld [tilespmem:s14+$0x40];
	v62 =	vbroadcast v2, $0xD;
	v5 =	vmul.f32 v11, v52;
	[tilespmem:s14+$0xFFFFFFE0] =	vst v7  }
0x11b: {  	v60 =	vld [tilespmem:s14+$0x60];
	v57 =	vbroadcast v2, $0xA;
	[tilespmem:s14+$0x10] =	vst v59;
	v3 =	vmul.f32 v50, v3  }
0x11c: {  	v61 =	vld [tilespmem:s14+$0x70];
	v58 =	vbroadcast v2, $0xB;
	v4 =	vmul.f32 v56, v62;
	[tilespmem:s14+$0xFFFFFFF0] =	vst v5  }
0x11d: {  	v8 =	vmul.f32 v53, v57;
	[tilespmem:s14+$0x0] =	vst v3;
	v3 =	vbroadcast v2, $0xC  }
0x11e: {  	v63 =	vbroadcast v2, $0xE;
	[tilespmem:s14+$0x50] =	vst v4;
	v1 =	vmul.f32 v1, v58  }
0x11f: {  	[tilespmem:s14+$0x20] =	vst v8;
	v2 =	vbroadcast v2, $0xF;
	v3 =	vmul.f32 v55, v3  }
0x120: {  	[tilespmem:s14+$0x30] =	vst v1;
	v1 =	vmul.f32 v60, v63  }
0x121: {  	v2 =	vmul.f32 v61, v2;
	[tilespmem:s14+$0x40] =	vst v3;
	s14 =	sshll.u32 s11, $0xA  }
0x122: {  	[tilespmem:s15+$0x60] =	vst v1;
	s16 =	sshrl.u32 s14, $0x2  }
0x123: {  	[tilespmem:s15+$0x70] =	vst v2;
	s18 =	sadd.s32 $0xA100, s16  }
0x124: {  	[spmem:s2] =	stream.indirect.scatter.add.f32 [tilespmem:s31], [sflag:$0x3], $0x10, s18, s0, $0xb8;
	[tilespmem:$0x10280] =	vst v63  }
0x125: {  	v1 =	vld [tilespmem:s13+$0x7800]  }
0x126: {  	v2 =	vld [tilespmem:s13+$0xA100];
	_ =	sdelay $0x6  }
0x127: {  	v1 =	vld.idx.msk [tilespmem:v1+s3+$0x0], $0xffff  }
0x128: {  	v3 =	vld.idx.msk [tilespmem:v2+s30+$0x0], $0xffff;
	_ =	sdelay $0x4  }
0x129: {  	v1 =	vadd.f32 v3, v1;
	_ =	sdelay $0x1  }
0x12a: {  	v3 =	vmul.f32 $2.000000030e-01, v1;
	_ =	sdelay $0x1  }
0x12b: {  	v1 =	vmax.f32 v1, v3  }
0x12c: {  	v1 =	vmul.f32 $1.442695020e+00, v1;
	_ =	sdelay $0x1  }
0x12d: {  	(erf) = vpow2.f32 v1;
	_ =	sdelay $0x8  }
0x12e: {  	vm0 =	vlt.s32 v2, $0x2710;
	v1 =	vpop (erf)  }
0x12f: {  	v1 =	vnsel vm0, $0x0, v1  }
0x130: {  	[tilespmem:v2+s4+$0x0] =	vst.idx.add.f32.msk $0xffff, v1  }
0x131: {  	[tilespmem:$0xCA00] =	vst v1  }
0x132: {  	v1 =	vld [tilespmem:s12+$0x7890]  }
0x133: {  	v2 =	vld [tilespmem:s12+$0xA190];
	_ =	sdelay $0x6  }
0x134: {  	v1 =	vld.idx.msk [tilespmem:v1+s3+$0x0], $0xffff  }
0x135: {  	v3 =	vld.idx.msk [tilespmem:v2+s30+$0x0], $0xffff;
	_ =	sdelay $0x4  }
0x136: {  	v1 =	vadd.f32 v3, v1;
	_ =	sdelay $0x1  }
0x137: {  	v3 =	vmul.f32 $2.000000030e-01, v1;
	_ =	sdelay $0x1  }
0x138: {  	v1 =	vmax.f32 v1, v3  }
0x139: {  	v1 =	vmul.f32 $1.442695020e+00, v1;
	_ =	sdelay $0x1  }
0x13a: {  	(erf) = vpow2.f32 v1;
	_ =	sdelay $0x8  }
0x13b: {  	vm9 =	vlt.s32 v2, $0x2710;
	v1 =	vpop (erf)  }
0x13c: {  	v1 =	vnsel vm9, $0x0, v1  }
0x13d: {  	[tilespmem:v2+s4+$0x0] =	vst.idx.add.f32.msk $0xffff, v1  }
0x13e: {  	[tilespmem:$0xCA10] =	vst v1  }
0x13f: {  	v1 =	vld [tilespmem:s12+$0x78A0]  }
0x140: {  	v2 =	vld [tilespmem:s12+$0xA1A0];
	_ =	sdelay $0x6  }
0x141: {  	v1 =	vld.idx.msk [tilespmem:v1+s3+$0x0], $0xffff  }
0x142: {  	v3 =	vld.idx.msk [tilespmem:v2+s30+$0x0], $0xffff;
	_ =	sdelay $0x4  }
0x143: {  	v1 =	vadd.f32 v3, v1;
	_ =	sdelay $0x1  }
0x144: {  	v3 =	vmul.f32 $2.000000030e-01, v1;
	_ =	sdelay $0x1  }
0x145: {  	v1 =	vmax.f32 v1, v3  }
0x146: {  	v1 =	vmul.f32 $1.442695020e+00, v1;
	_ =	sdelay $0x1  }
0x147: {  	(erf) = vpow2.f32 v1;
	_ =	sdelay $0x8  }
0x148: {  	vm10 =	vlt.s32 v2, $0x2710;
	v1 =	vpop (erf)  }
0x149: {  	v1 =	vnsel vm10, $0x0, v1  }
0x14a: {  	[tilespmem:v2+s4+$0x0] =	vst.idx.add.f32.msk $0xffff, v1  }
0x14b: {  	[tilespmem:$0xCA20] =	vst v1  }
0x14c: {  	v1 =	vld [tilespmem:s12+$0x78B0]  }
0x14d: {  	v2 =	vld [tilespmem:s12+$0xA1B0];
	_ =	sdelay $0x6  }
0x14e: {  	v1 =	vld.idx.msk [tilespmem:v1+s3+$0x0], $0xffff  }
0x14f: {  	v3 =	vld.idx.msk [tilespmem:v2+s30+$0x0], $0xffff;
	_ =	sdelay $0x4  }
0x150: {  	v1 =	vadd.f32 v3, v1;
	_ =	sdelay $0x1  }
0x151: {  	v3 =	vmul.f32 $2.000000030e-01, v1;
	_ =	sdelay $0x1  }
0x152: {  	v1 =	vmax.f32 v1, v3  }
0x153: {  	v1 =	vmul.f32 $1.442695020e+00, v1;
	_ =	sdelay $0x1  }
0x154: {  	(erf) = vpow2.f32 v1;
	_ =	sdelay $0x8  }
0x155: {  	vm11 =	vlt.s32 v2, $0x2710;
	v1 =	vpop (erf)  }
0x156: {  	v1 =	vnsel vm11, $0x0, v1  }
0x157: {  	[tilespmem:v2+s4+$0x0] =	vst.idx.add.f32.msk $0xffff, v1  }
0x158: {  	[tilespmem:$0xCA30] =	vst v1  }
0x159: {  	v1 =	vld [tilespmem:s12+$0x78C0]  }
0x15a: {  	v2 =	vld [tilespmem:s12+$0xA1C0];
	_ =	sdelay $0x6  }
0x15b: {  	v1 =	vld.idx.msk [tilespmem:v1+s3+$0x0], $0xffff  }
0x15c: {  	v3 =	vld.idx.msk [tilespmem:v2+s30+$0x0], $0xffff;
	_ =	sdelay $0x4  }
0x15d: {  	v1 =	vadd.f32 v3, v1;
	_ =	sdelay $0x1  }
0x15e: {  	v3 =	vmul.f32 $2.000000030e-01, v1;
	_ =	sdelay $0x1  }
0x15f: {  	v1 =	vmax.f32 v1, v3  }
0x160: {  	v1 =	vmul.f32 $1.442695020e+00, v1;
	_ =	sdelay $0x1  }
0x161: {  	(erf) = vpow2.f32 v1;
	_ =	sdelay $0x8  }
0x162: {  	vm12 =	vlt.s32 v2, $0x2710;
	v1 =	vpop (erf)  }
0x163: {  	v1 =	vnsel vm12, $0x0, v1  }
0x164: {  	[tilespmem:v2+s4+$0x0] =	vst.idx.add.f32.msk $0xffff, v1  }
0x165: {  	[tilespmem:$0xCA40] =	vst v1  }
0x166: {  	v1 =	vld [tilespmem:s12+$0x78D0]  }
0x167: {  	v2 =	vld [tilespmem:s12+$0xA1D0];
	_ =	sdelay $0x6  }
0x168: {  	v1 =	vld.idx.msk [tilespmem:v1+s3+$0x0], $0xffff  }
0x169: {  	v3 =	vld.idx.msk [tilespmem:v2+s30+$0x0], $0xffff;
	_ =	sdelay $0x4  }
0x16a: {  	v1 =	vadd.f32 v3, v1;
	_ =	sdelay $0x1  }
0x16b: {  	v3 =	vmul.f32 $2.000000030e-01, v1;
	_ =	sdelay $0x1  }
0x16c: {  	v1 =	vmax.f32 v1, v3  }
0x16d: {  	v1 =	vmul.f32 $1.442695020e+00, v1;
	_ =	sdelay $0x1  }
0x16e: {  	(erf) = vpow2.f32 v1;
	_ =	sdelay $0x8  }
0x16f: {  	vm13 =	vlt.s32 v2, $0x2710;
	v1 =	vpop (erf)  }
0x170: {  	v1 =	vnsel vm13, $0x0, v1  }
0x171: {  	[tilespmem:v2+s4+$0x0] =	vst.idx.add.f32.msk $0xffff, v1  }
0x172: {  	[tilespmem:$0xCA50] =	vst v1  }
0x173: {  	v1 =	vld [tilespmem:s12+$0x78E0]  }
0x174: {  	v2 =	vld [tilespmem:s12+$0xA1E0];
	_ =	sdelay $0x6  }
0x175: {  	v1 =	vld.idx.msk [tilespmem:v1+s3+$0x0], $0xffff  }
0x176: {  	v3 =	vld.idx.msk [tilespmem:v2+s30+$0x0], $0xffff;
	_ =	sdelay $0x4  }
0x177: {  	v1 =	vadd.f32 v3, v1;
	_ =	sdelay $0x1  }
0x178: {  	v3 =	vmul.f32 $2.000000030e-01, v1;
	_ =	sdelay $0x1  }
0x179: {  	v1 =	vmax.f32 v1, v3  }
0x17a: {  	v1 =	vmul.f32 $1.442695020e+00, v1;
	_ =	sdelay $0x1  }
0x17b: {  	(erf) = vpow2.f32 v1;
	_ =	sdelay $0x8  }
0x17c: {  	vm14 =	vlt.s32 v2, $0x2710;
	v1 =	vpop (erf)  }
0x17d: {  	v1 =	vnsel vm14, $0x0, v1  }
0x17e: {  	[tilespmem:v2+s4+$0x0] =	vst.idx.add.f32.msk $0xffff, v1  }
0x17f: {  	[tilespmem:$0xCA60] =	vst v1  }
0x180: {  	v1 =	vld [tilespmem:s12+$0x78F0]  }
0x181: {  	v2 =	vld [tilespmem:s12+$0xA1F0];
	_ =	sdelay $0x6  }
0x182: {  	v1 =	vld.idx.msk [tilespmem:v1+s3+$0x0], $0xffff  }
0x183: {  	v3 =	vld.idx.msk [tilespmem:v2+s30+$0x0], $0xffff;
	_ =	sdelay $0x4  }
0x184: {  	v1 =	vadd.f32 v3, v1;
	_ =	sdelay $0x1  }
0x185: {  	v3 =	vmul.f32 $2.000000030e-01, v1;
	_ =	sdelay $0x1  }
0x186: {  	v1 =	vmax.f32 v1, v3  }
0x187: {  	v1 =	vmul.f32 $1.442695020e+00, v1;
	_ =	sdelay $0x1  }
0x188: {  	(erf) = vpow2.f32 v1;
	_ =	sdelay $0x8  }
0x189: {  	vm15 =	vlt.s32 v2, $0x2710;
	v1 =	vpop (erf)  }
0x18a: {  	v1 =	vnsel vm15, $0x0, v1  }
0x18b: {  	p1 =	seq.s32 s11, $0x28;
	[tilespmem:v2+s4+$0x0] =	vst.idx.add.f32.msk $0xffff, v1  }
0x18c: {  	s12 =	simm.s32 @!p1 $0x3;
	[tilespmem:$0xCA70] =	vst v1  }
0x18d: {  	_ =	swait.ge @!p1 [sflag:s12], $0x800  }
0x18e: {  	[sflag:s12] =	ssyncset.done @!p1 $0x0  }
0x18f: {  	[sflag:s12] =	ssyncadd.s32 @!p1 $0xFFFFF800;
	s12 =	sshrl.u32 @!p1 s14, $0x2  }
0x190: {  	s15 =	simm.s32 @!p1 $0xCA80;
	s14 =	simm.s32 @!p1 $0x80;
	s12 =	sadd.s32 @!p1 $0x7900, s12  }
0x191: {  	[tilespmem:s15], [sflag:$0x1] =	stream.indirect.gather @!p1 [hbm4b:s1+s14], $0x10, s12, s14, $0xb8;
	[tilespmem:$0x10280] =	vst v63  }
0x192: {  	_ =	swait.ge [sflag:s7], $0x800  }
0x193: {  	[sflag:s7] =	ssyncset.done $0x0  }
0x194: {  	s12 =	sadd.s32 $0xA100, s13;
	s13 =	simm.s32 $0xD300;
	[sflag:s7] =	ssyncadd.s32 $0xFFFFF800  }
0x195: {  	s16 =	simm.s32 $0x0;
	s15 =	simm.s32 $0x40;
	s14 =	simm.s32 $0xD300;
	v1 =	vld [tilespmem:s13+$0xFFFFFFB0]  }
.LBB2_9:
0x196: {  	p1 =	sne.s32 s15, $0x1C0;
	v2 =	vld [tilespmem:s16+$0xCA00]  }
0x197: {  	v3 =	vld [tilespmem:s13+$0xFFFFFF90]  }
0x198: {  	v4 =	vld [tilespmem:s13+$0xFFFFFF80]  }
0x199: {  	v5 =	vld [tilespmem:s13+$0xFFFFFFA0]  }
0x19a: {  	v6 =	vld [tilespmem:s13+$0xFFFFFFF0]  }
0x19b: {  	v7 =	vbroadcast v2, $0x0;
	v8 =	vbroadcast v2, $0x1;
	v9 =	vld [tilespmem:s13+$0xFFFFFFD0]  }
0x19c: {  	v10 =	vbroadcast v2, $0x2;
	v11 =	vbroadcast v2, $0x3;
	v12 =	vld [tilespmem:s13+$0xFFFFFFC0]  }
0x19d: {  	v4 =	vmul.f32 v7, v4;
	v3 =	vmul.f32 v3, v8;
	v7 =	vld [tilespmem:s13+$0xFFFFFFE0]  }
0x19e: {  	v1 =	vmul.f32 v1, v11;
	v5 =	vmul.f32 v5, v10;
	v8 =	vld [tilespmem:s13+$0x30]  }
0x19f: {  	v10 =	vbroadcast v2, $0x5;
	[tilespmem:s13+$0xFFFFFF80] =	vst v4;
	v4 =	vbroadcast v2, $0x4;
	v11 =	vld [tilespmem:s13+$0x10]  }
0x1a0: {  	v13 =	vbroadcast v2, $0x7;
	[tilespmem:s13+$0xFFFFFF90] =	vst v3;
	v3 =	vbroadcast v2, $0x6;
	v14 =	vld [tilespmem:s13+$0x0]  }
0x1a1: {  	[tilespmem:s13+$0xFFFFFFA0] =	vst v5;
	v4 =	vmul.f32 v12, v4;
	v5 =	vmul.f32 v9, v10;
	v9 =	vld [tilespmem:s13+$0x20]  }
0x1a2: {  	[tilespmem:s13+$0xFFFFFFB0] =	vst v1;
	v1 =	vmul.f32 v7, v3;
	v3 =	vmul.f32 v6, v13;
	v6 =	vld [tilespmem:s13+$0x70]  }
0x1a3: {  	v7 =	vbroadcast v2, $0x9;
	[tilespmem:s13+$0xFFFFFFC0] =	vst v4;
	v4 =	vbroadcast v2, $0x8;
	v10 =	vld [tilespmem:s13+$0x50]  }
0x1a4: {  	v12 =	vbroadcast v2, $0xB;
	[tilespmem:s13+$0xFFFFFFD0] =	vst v5;
	v5 =	vbroadcast v2, $0xA;
	v13 =	vld [tilespmem:s13+$0x40]  }
0x1a5: {  	[tilespmem:s13+$0xFFFFFFE0] =	vst v1;
	v1 =	vmul.f32 v14, v4;
	v4 =	vmul.f32 v11, v7;
	v7 =	vld [tilespmem:s13+$0x60]  }
0x1a6: {  	[tilespmem:s13+$0xFFFFFFF0] =	vst v3;
	v3 =	vmul.f32 v9, v5;
	v5 =	vmul.f32 v8, v12  }
0x1a7: {  	v8 =	vbroadcast v2, $0xD;
	[tilespmem:s13+$0x0] =	vst v1;
	v1 =	vbroadcast v2, $0xC  }
0x1a8: {  	[tilespmem:s13+$0x10] =	vst v4;
	v4 =	vbroadcast v2, $0xE;
	v2 =	vbroadcast v2, $0xF  }
0x1a9: {  	[tilespmem:s13+$0x20] =	vst v3;
	v1 =	vmul.f32 v13, v1;
	v3 =	vmul.f32 v10, v8  }
.Ltmp3:
0x1aa: {  	[tilespmem:s13+$0x30] =	vst v5;
	v4 =	vmul.f32 v7, v4;
	v2 =	vmul.f32 v6, v2;
	(pc) =	sbr.rel @p1 .LBB2_9-.Ltmp3, $4  }
0x1ab: {  	[tilespmem:s13+$0x40] =	vst v1  }
0x1ac: {  	[tilespmem:s13+$0x50] =	vst v3  }
0x1ad: {  	s13 =	sadd.s32 $0x100, s13;
	[tilespmem:s14+$0x60] =	vst v4  }
0x1ae: {  	s16 =	sshra.s32 s15, $0x2;
	s15 =	sadd.s32 $0x40, s15;
	v1 =	vld [tilespmem:s13+$0xFFFFFFB0];
	[tilespmem:s14+$0x70] =	vst v2;
	s14 =	smov.u32 s13  }
0x1af: {  	v2 =	vld [tilespmem:s16+$0xCA00];
	_ =	sdelay $0x1  }
0x1b0: {  	v3 =	vld [tilespmem:s13+$0xFFFFFF80]  }
0x1b1: {  	v4 =	vld [tilespmem:s13+$0xFFFFFF90]  }
0x1b2: {  	v5 =	vld [tilespmem:s13+$0xFFFFFFA0]  }
0x1b3: {  	v6 =	vbroadcast v2, $0x0  }
0x1b4: {  	v9 =	vld [tilespmem:s13+$0xFFFFFFD0];
	v7 =	vbroadcast v2, $0x1  }
0x1b5: {  	v8 =	vld [tilespmem:s13+$0xFFFFFFC0];
	v10 =	vbroadcast v2, $0x2;
	v3 =	vmul.f32 v6, v3  }
0x1b6: {  	v48 =	vld [tilespmem:s13+$0xFFFFFFE0];
	v47 =	vbroadcast v2, $0x3;
	v4 =	vmul.f32 v4, v7  }
0x1b7: {  	v51 =	vld [tilespmem:s13+$0x10];
	v49 =	vbroadcast v2, $0x5;
	v5 =	vmul.f32 v5, v10;
	[tilespmem:s13+$0xFFFFFF80] =	vst v3  }
0x1b8: {  	v11 =	vld [tilespmem:s13+$0xFFFFFFF0];
	v1 =	vmul.f32 v1, v47;
	v3 =	vbroadcast v2, $0x4;
	[tilespmem:s13+$0xFFFFFF90] =	vst v4  }
0x1b9: {  	v50 =	vld [tilespmem:s13+$0x0];
	v12 =	vbroadcast v2, $0x6;
	v6 =	vmul.f32 v9, v49;
	[tilespmem:s13+$0xFFFFFFA0] =	vst v5  }
0x1ba: {  	v56 =	vld [tilespmem:s13+$0x50];
	v54 =	vbroadcast v2, $0x9;
	[tilespmem:s13+$0xFFFFFFB0] =	vst v1;
	v3 =	vmul.f32 v8, v3  }
0x1bb: {  	v53 =	vld [tilespmem:s13+$0x20];
	v52 =	vbroadcast v2, $0x7;
	v7 =	vmul.f32 v48, v12;
	[tilespmem:s13+$0xFFFFFFD0] =	vst v6  }
0x1bc: {  	v59 =	vmul.f32 v51, v54;
	v1 =	vld [tilespmem:s13+$0x30];
	[tilespmem:s13+$0xFFFFFFC0] =	vst v3;
	v3 =	vbroadcast v2, $0x8  }
0x1bd: {  	v55 =	vld [tilespmem:s13+$0x40];
	v62 =	vbroadcast v2, $0xD;
	v5 =	vmul.f32 v11, v52;
	[tilespmem:s13+$0xFFFFFFE0] =	vst v7  }
0x1be: {  	v60 =	vld [tilespmem:s13+$0x60];
	v57 =	vbroadcast v2, $0xA;
	[tilespmem:s13+$0x10] =	vst v59;
	v3 =	vmul.f32 v50, v3  }
0x1bf: {  	v61 =	vld [tilespmem:s13+$0x70];
	v58 =	vbroadcast v2, $0xB;
	v4 =	vmul.f32 v56, v62;
	[tilespmem:s13+$0xFFFFFFF0] =	vst v5  }
0x1c0: {  	v8 =	vmul.f32 v53, v57;
	[tilespmem:s13+$0x0] =	vst v3;
	v3 =	vbroadcast v2, $0xC  }
0x1c1: {  	s11 =	sadd.s32 $0x1, s11;
	v63 =	vbroadcast v2, $0xE;
	[tilespmem:s13+$0x50] =	vst v4;
	v1 =	vmul.f32 v1, v58  }
0x1c2: {  	p1 =	sne.s32 s11, $0x29;
	[tilespmem:s13+$0x20] =	vst v8;
	v2 =	vbroadcast v2, $0xF;
	v3 =	vmul.f32 v55, v3  }
.Ltmp4:
0x1c3: {  	[tilespmem:s13+$0x30] =	vst v1;
	v1 =	vmul.f32 v60, v63;
	(pc) =	sbr.rel @p1 .LBB2_6-.Ltmp4, $4  }
0x1c4: {  	v2 =	vmul.f32 v61, v2;
	[tilespmem:s13+$0x40] =	vst v3  }
0x1c5: {  	[tilespmem:s14+$0x60] =	vst v1  }
0x1c6: {  	[tilespmem:s14+$0x70] =	vst v2  }
0x1c7: {  	[spmem:s2] =	stream.indirect.scatter.add.f32 [tilespmem:s5], [sflag:$0x4], $0x10, s12, s0, $0xb8;
	[tilespmem:$0x10280] =	vst v63  }
0x1c8: {  	_ =	swait.ge [sflag:s8], $0x800  }
0x1c9: {  	[sflag:s8] =	ssyncset.done $0x0  }
0x1ca: {  	[sflag:s8] =	ssyncadd.s32 $0xFFFFF800  }
0x1cb: {  	_ =	swait.ge [sflag:s9], $0x800  }
0x1cc: {  	[sflag:s9] =	ssyncset.done $0x0  }
0x1cd: {  	[sflag:s9] =	ssyncadd.s32 $0xFFFFF800  }
0x1ce: {  	s11 =	stileid.u32;
	[bflag:$0x0] =	sbarrier.arrive $0xFFFF  }
0x1cf: {  	[hbm4b:s21+s3] =	stream.linear.scatter [tilespmem:s4], [sflag:$0x5], $0x2800, $0x38;
	[tilespmem:$0x10280] =	vst v63  }
0x1d0: {  	s12 =	sshrl.u32 s20, $0x3;
	s10 =	sadd.s32 $0x1, s10;
	_ =	swait.ge [sflag:s29], $0x2800  }
0x1d1: {  	s11 =	sshll.u32 s11, $0x6;
	p1 =	sne.s32 s10, s23;
	[sflag:s29] =	ssyncset.done $0x0  }
.Ltmp5:
0x1d2: {  	s11 =	sor.u32 $0x1C05, s11;
	[sflag:s29] =	ssyncadd.s32 $0xFFFFD800;
	(pc) =	sbr.rel @p1 .LBB2_1-.Ltmp5, $4  }
0x1d3: {  	[hbm:s22], [sflag:s11] =	dma.local [spmem:s12], $0x500  }
0x1d4: {  	_ =	swait.ge [sflag:s29], $0x500  }
0x1d5: {  	[sflag:s29] =	ssyncset.done $0x0  }
0x1d6: {  	[sflag:s29] =	ssyncadd.s32 $0xFFFFFB00  }
0x1d7: {  	_ =	sfence.sel $0x180000  }
0x1d8: {  	[bflag:$0x0] =	sbarrier.arrive $0xFFFF  }
0x1d9: {  	_ =	strace $0x90000047  }
0x1da: {  	s0 =	stileid.u32;
	[bflag:$0x2] =	sbarrier.arrive $0xFFFF  }
0x1db: {  	p0 =	sne.s32 s0, $0x0;
	s0 =	rddreg [dreg:$0x3]  }
0x1dc: {  	s0 =	sadd.s32 @!p0 $0x100000, s0  }
0x1dd: {  	[sflag:s0] =	ssyncadd.tile.s32 @!p0 $0x1;
	_ =	shalt  }
.Lfunc_end2:
_tile_overlayer_lowered:
.L_overlay_start_2:
0x1de: {  	(tag) =	ssettag $0x2  }
0x1df: {  	s0 =	rddreg [dreg:$0x0];
	s2 =	stileid.u32  }
0x1e0: {  	s1 =	rddreg [dreg:$0x1];
	p0 =	sne.s32 s2, $0x0  }
0x1e1: {  	s3 =	rddreg [dreg:$0x2];
	[bflag:$0x3] =	sbarrier.arrive $0xFFFF;
	s2 =	simm.s32 @!p0 $0x1C05  }
0x1e2: {  	[timem:s3], [sflag:s2] =	dma.local @!p0 [hbm:s0], s1  }
0x1e3: {  	s0 =	simm.s32 @!p0 $0x5  }
0x1e4: {  	_ =	swait.ge @!p0 [sflag:s0], s1  }
0x1e5: {  	s1 =	ssub.s32 @!p0 $0x0, s1;
	[sflag:s0] =	ssyncset.done @!p0 $0x0  }
0x1e6: {  	[sflag:s0] =	ssyncadd.s32 @!p0 s1  }
0x1e7: {  	[bflag:$0x3] =	sbarrier.arrive $0xFFFF  }
0x1e8: {  	_ =	shalt  }

</sc_bundles>
